<compile_context>
chip_gen: v7x
topology: tpu7x:2x2x1
jax: 0.10.2.dev20260603
libtpu: 0.0.44.dev20260713+nightly
codegen_flags: <defaults>
</compile_context>

<pallas_src>
import functools

import jax
import jax.numpy as jnp
from jax import lax
from jax.experimental import pallas as pl
from jax.experimental.pallas import tpu as pltpu
from jax.experimental.pallas import tpu_sc as plsc

N = 10000
E = 320000
D1 = 128
DH = 64
D2 = 16
NC = 2
NS = 16
NW = NC * NS
EW = E // NW
K = 125
NCH = EW // K
EWS = E // NS
NPASS = 4
NCHS = EWS // (K * NPASS)
NACC = 10240
RPT = NACC // NS
KZ = 128
BM = 1000


def _sc_mesh():
    return plsc.VectorSubcoreMesh(core_axis_name="c", subcore_axis_name="s")


@functools.partial(
    pl.kernel,
    out_type=pltpu.HBM((NACC, D1), jnp.float32),
    mesh=_sc_mesh(),
    compiler_params=pltpu.CompilerParams(use_tc_tiling_on_sc=False),
    scratch_types=[
        pltpu.VMEM((2, NCHS, K), jnp.int32),
        pltpu.VMEM((2, NCHS, K), jnp.int32),
        pltpu.VMEM((8 * K, DH), jnp.float32),
        pltpu.VMEM_SHARED((NACC, DH), jnp.float32),
        pltpu.SemaphoreType.DMA,
        pltpu.SemaphoreType.DMA,
        pltpu.SemaphoreType.DMA,
    ],
)
def _agg128(table, src5, dst4, out, sidx, didx, rows, acc, semg, sems, semi):
    NBUF = 8
    c = lax.axis_index("c")
    s = lax.axis_index("s")
    r0 = s * RPT

    icps = [pltpu.async_copy(src5.at[c, s, 0], sidx.at[0], semi),
            pltpu.async_copy(dst4.at[s, 0], didx.at[0], semi)]

    def zrow(i, carry):
        for j in range(DH // 16):
            rows[i, pl.ds(j * 16, 16)] = jnp.zeros((16,), jnp.float32)
        return carry

    lax.fori_loop(0, KZ, zrow, 0)

    def zcp(t, carry):
        pltpu.sync_copy(rows.at[pl.ds(0, KZ)], acc.at[pl.ds(r0 + t * KZ, KZ)])
        return carry

    lax.fori_loop(0, RPT // KZ, zcp, 0)
    plsc.subcore_barrier()

    for p in range(NPASS):
        for cp in icps:
            cp.wait()
        if p + 1 < NPASS:
            nxt = (p + 1) % 2
            icps = [pltpu.async_copy(src5.at[c, s, p + 1], sidx.at[nxt], semi),
                    pltpu.async_copy(dst4.at[s, p + 1], didx.at[nxt], semi)]
        else:
            icps = []
        cur = p % 2

        def step(i, carry):
            j0 = i * NBUF
            gs = [pltpu.async_copy(table.at[sidx.at[cur, j0 + b]],
                                   rows.at[pl.ds(b * K, K)], semg)
                  for b in range(NBUF)]
            ss = []
            for b in range(NBUF):
                gs[b].wait()
                ss.append(pltpu.async_copy(rows.at[pl.ds(b * K, K)],
                                           acc.at[didx.at[cur, j0 + b]], sems,
                                           add=True))
            for sc in ss:
                sc.wait()
            return carry

        lax.fori_loop(0, NCHS // NBUF, step, 0)

    plsc.subcore_barrier()
    pltpu.sync_copy(acc.at[pl.ds(r0, RPT)],
                    out.at[pl.ds(r0, RPT), pl.ds(c * DH, DH)])


@functools.partial(
    pl.kernel,
    out_type=pltpu.HBM((NC, NACC, D2), jnp.float32),
    mesh=_sc_mesh(),
    compiler_params=pltpu.CompilerParams(use_tc_tiling_on_sc=False),
    scratch_types=[
        pltpu.VMEM((NCH, K), jnp.int32),
        pltpu.VMEM((NCH, K), jnp.int32),
        pltpu.VMEM((10 * K, D2), jnp.float32),
        pltpu.VMEM_SHARED((NACC, D2), jnp.float32),
        pltpu.SemaphoreType.DMA,
        pltpu.SemaphoreType.DMA,
    ],
)
def _agg16(table, src3, dst3, out, sidx, didx, rows, acc, semg, sems):
    NBUF = 10
    c = lax.axis_index("c")
    s = lax.axis_index("s")
    wid = s * NC + c
    r0 = s * RPT

    idx_cp = pltpu.async_copy(src3.at[wid], sidx, semg)
    idx_cp2 = pltpu.async_copy(dst3.at[wid], didx, sems)

    def zrow(i, carry):
        rows[i, pl.ds(0, 16)] = jnp.zeros((16,), jnp.float32)
        return carry

    lax.fori_loop(0, KZ, zrow, 0)

    def zcp(t, carry):
        pltpu.sync_copy(rows.at[pl.ds(0, KZ)], acc.at[pl.ds(r0 + t * KZ, KZ)])
        return carry

    lax.fori_loop(0, RPT // KZ, zcp, 0)
    idx_cp.wait()
    idx_cp2.wait()
    plsc.subcore_barrier()

    def step(i, carry):
        j0 = i * NBUF
        gs = [pltpu.async_copy(table.at[sidx.at[j0 + b]],
                               rows.at[pl.ds(b * K, K)], semg)
              for b in range(NBUF)]
        ss = []
        for b in range(NBUF):
            gs[b].wait()
            ss.append(pltpu.async_copy(rows.at[pl.ds(b * K, K)],
                                       acc.at[didx.at[j0 + b]], sems,
                                       add=True))
        for sc in ss:
            sc.wait()
        return carry

    lax.fori_loop(0, NCH // NBUF, step, 0)
    plsc.subcore_barrier()
    pltpu.sync_copy(acc.at[pl.ds(r0, RPT)], out.at[c, pl.ds(r0, RPT)])


NCHD = E // (NS * K)


@functools.partial(
    pl.kernel,
    out_type=pltpu.HBM((NACC,), jnp.float32),
    mesh=_sc_mesh(),
    compiler_params=pltpu.CompilerParams(use_tc_tiling_on_sc=False),
    scratch_types=[
        pltpu.VMEM((NCHD, K), jnp.int32),
        pltpu.VMEM((K,), jnp.float32),
        pltpu.VMEM((RPT,), jnp.float32),
        pltpu.VMEM_SHARED((NACC,), jnp.float32),
        pltpu.SemaphoreType.DMA,
        pltpu.SemaphoreType.DMA,
    ],
)
def _deg_kernel(dst2, ones_in, out, didx, ones, zbuf, acc, semg, sems):
    NBUF = 8
    c = lax.axis_index("c")
    s = lax.axis_index("s")
    r0 = s * RPT

    @pl.when(c == 0)
    def _():
        idx_cp = pltpu.async_copy(dst2.at[s], didx, semg)
        pltpu.sync_copy(ones_in, ones)

        def zfill(i, carry):
            zbuf[pl.ds(i * 16, 16)] = jnp.zeros((16,), jnp.float32)
            return carry

        lax.fori_loop(0, RPT // 16, zfill, 0)
        pltpu.sync_copy(zbuf, acc.at[pl.ds(r0, RPT)])
        idx_cp.wait()
        plsc.subcore_barrier()

        def step(i, carry):
            j0 = i * NBUF
            ss = [pltpu.async_copy(ones, acc.at[didx.at[j0 + b]], sems,
                                   add=True)
                  for b in range(NBUF)]
            for sc in ss:
                sc.wait()
            return carry

        lax.fori_loop(0, NCHD // NBUF, step, 0)
        plsc.subcore_barrier()
        pltpu.sync_copy(acc.at[pl.ds(r0, RPT)], out.at[pl.ds(r0, RPT)])


def _dinv_of(degb):
    deg = degb[...] + 1.0
    return lax.rsqrt(deg)


def _dense1_body(xb, w, degb, ob):
    dinv = _dinv_of(degb)
    ob[...] = jnp.dot(xb[...], w[...], preferred_element_type=jnp.float32) * dinv


def _dense2_body(s1, h1s, degb, b1, w2p, ob):
    dinv = _dinv_of(degb)
    out1 = dinv * (s1[...] + h1s[...])
    a1 = jnp.maximum(out1 + b1[...], 0.0)
    ob[...] = jnp.dot(a1, w2p[...], preferred_element_type=jnp.float32) * dinv


def _final_body(s2a, s2b, h2s, degb, b2, ob):
    dinv = _dinv_of(degb)
    out2 = dinv * (s2a[...] + s2b[...] + h2s[...])
    bv = b2[...]
    za = out2[:, 0:1] + bv[:, 0:1]
    zb = out2[:, 1:2] + bv[:, 1:2]
    m = jnp.maximum(za, zb)
    lse = m + jnp.log(jnp.exp(za - m) + jnp.exp(zb - m))
    ob[...] = jnp.concatenate([za - lse, zb - lse], axis=1)


def _row_spec(d):
    return pl.BlockSpec((BM, d), lambda *g: (g[-1], 0))


def _full_spec(shape):
    return pl.BlockSpec(shape, lambda *g: tuple(0 for _ in shape))


_dense1 = pl.pallas_call(
    _dense1_body,
    grid=(N // BM,),
    in_specs=[_row_spec(D1), _full_spec((D1, D1)), _row_spec(1)],
    out_specs=_row_spec(D1),
    out_shape=jax.ShapeDtypeStruct((N, D1), jnp.float32),
)

_dense2 = pl.pallas_call(
    _dense2_body,
    grid=(N // BM,),
    in_specs=[_row_spec(D1), _row_spec(D1), _row_spec(1),
              _full_spec((1, D1)), _full_spec((D1, D2))],
    out_specs=_row_spec(D2),
    out_shape=jax.ShapeDtypeStruct((N, D2), jnp.float32),
)

_final = pl.pallas_call(
    _final_body,
    grid=(N // BM,),
    in_specs=[_row_spec(D2), _row_spec(D2), _row_spec(D2), _row_spec(1),
              _full_spec((1, 2))],
    out_specs=_row_spec(2),
    out_shape=jax.ShapeDtypeStruct((N, 2), jnp.float32),
)


def kernel(x, edge_index, W1, b1, W2, b2):
    src = edge_index[0].astype(jnp.int32)
    dst = edge_index[1].astype(jnp.int32)
    src3 = src.reshape(NW, NCH, K)
    dst3 = dst.reshape(NW, NCH, K)
    src5 = jnp.stack([2 * src, 2 * src + 1]).reshape(NC, NS, NPASS, NCHS, K)
    dst4 = dst.reshape(NS, NPASS, NCHS, K)
    dst2 = dst.reshape(NS, NCHD, K)

    deg = _deg_kernel(dst2, jnp.ones((K,), jnp.float32))
    degt = deg.reshape(NACC, 1)

    h1s = _dense1(x, W1, degt)
    s1 = _agg128(h1s.reshape(2 * N, DH), src5, dst4)

    W2p = jnp.concatenate(
        [W2, jnp.zeros((D1, D2 - W2.shape[1]), jnp.float32)], axis=1)
    h2s = _dense2(s1, h1s, degt,
                  b1.reshape(1, D1), W2p)
    s2 = _agg16(h2s, src3, dst3)

    out = _final(s2[0], s2[1], h2s, degt, b2.reshape(1, 2))
    return out

# --- scband reference (transcript-rebuilt; emitter-appended) ---
"""Pipeline reference for scband-gnnmax-cut-90134183674022 (READ-ONLY COPY).

The authoritative reference and input builder live on the scoring server;
editing this copy changes nothing except your own understanding.
"""

import jax, jax.numpy as jnp
import numpy as np

N_NODES = 10000
N_EDGES = 320000
IN_DIM = 128
HIDDEN_DIM = 128
OUT_DIM = 2


def setup_inputs(seed: int = 0) -> dict:
    key = jax.random.key(seed)
    k1, k2, k3, k4, k5, k6 = jax.random.split(key, 6)
    x = jax.random.normal(k1, (N_NODES, IN_DIM), dtype=jnp.float32)
    edge_index = jax.random.randint(k2, (2, N_EDGES), 0, N_NODES, dtype=jnp.int64)
    # GCNConv lin weights (glorot-ish scaling) and zero biases, per PyG defaults
    W1 = jax.random.normal(k3, (IN_DIM, HIDDEN_DIM), dtype=jnp.float32) * (1.0 / np.sqrt(IN_DIM))
    b1 = jnp.zeros((HIDDEN_DIM,), dtype=jnp.float32)
    W2 = jax.random.normal(k4, (HIDDEN_DIM, OUT_DIM), dtype=jnp.float32) * (1.0 / np.sqrt(HIDDEN_DIM))
    b2 = jnp.zeros((OUT_DIM,), dtype=jnp.float32)
    return {"x": x, "edge_index": edge_index, "W1": W1, "b1": b1, "W2": W2, "b2": b2}


def gcn_conv(x, edge_index, W, b):
    # PyG GCNConv: x' = W x, then symmetric-normalized aggregation with self-loops, then + bias
    n = x.shape[0]
    h = x @ W
    loop = jnp.arange(n, dtype=edge_index.dtype)
    src = jnp.concatenate([edge_index[0], loop])
    dst = jnp.concatenate([edge_index[1], loop])
    deg = jnp.zeros((n,), dtype=h.dtype).at[dst].add(1.0)
    dinv = jnp.where(deg > 0, deg ** -0.5, 0.0)
    norm = dinv[src] * dinv[dst]
    msg = h[src] * norm[:, None]
    out = jnp.zeros((n, h.shape[1]), dtype=h.dtype).at[dst].add(msg)
    return out + b


def reference(x, edge_index, W1, b1, W2, b2):
    h = jax.nn.relu(gcn_conv(x, edge_index, W1, b1))
    h = gcn_conv(h, edge_index, W2, b2)
    return jax.nn.log_softmax(h, axis=1)

if __name__ == "__main__":
    import jax
    _d = setup_inputs()
    print(jax.jit(kernel)(*tuple(_d.values())))

</pallas_src>

<mosaic_0001>
#map = affine_map<(d0, d1) -> (0, 0, 0)>
#map1 = affine_map<(d0, d1) -> (0)>
module attributes {stable_mosaic.version = 14 : i64} {
  func.func @_deg_kernel(%arg0: i32, %arg1: i32, %arg2: memref<16x160x125xi32, #tpu.memory_space<hbm>>, %arg3: memref<125xf32, #tpu.memory_space<hbm>>, %arg4: memref<10240xf32, #tpu.memory_space<hbm>>, %arg5: memref<160x125xi32, #tpu.memory_space<vmem>>, %arg6: memref<125xf32, #tpu.memory_space<vmem>>, %arg7: memref<640xf32, #tpu.memory_space<vmem>>, %arg8: memref<10240xf32, #tpu.memory_space<vmem_shared>>, %arg9: memref<!tpu.dma_semaphore, #tpu.memory_space<semaphore_mem>>, %arg10: memref<!tpu.dma_semaphore, #tpu.memory_space<semaphore_mem>>) attributes {dimension_semantics = [#tpu.dimension_semantics<core_parallel>, #tpu.dimension_semantics<subcore_parallel>], iteration_bounds = array<i64: 2, 16>, scalar_prefetch = 0 : i64, scratch_operands = 6 : i64, tpu.core_type = #tpu.core_type<sc_vector_subcore>, window_params = [{transform_indices = #map}, {transform_indices = #map1}, {transform_indices = #map1}]} {
    %mul3A = arith.constant 640 : i32
    %mul3A_0 = arith.muli %arg1, %mul3A : i32
    %eq3A = arith.constant 0 : i32
    %eq3A_1 = arith.cmpi eq, %arg0, %eq3A : i32
    %convert_element_type3A = arith.extui %eq3A_1 : i1 to i32
    %cond3A = arith.constant 0 : i32
    %cond3A_2 = arith.cmpi ne, %convert_element_type3A, %cond3A : i32
    scf.if %cond3A_2 {
      %dma_start3A = arith.constant 0 : i32
      %dma_start3A_3 = arith.constant 0 : i32
      %dma_start3A_4 = tpu.memref_slice %arg2[%arg1, %dma_start3A, %dma_start3A_3] : memref<16x160x125xi32, #tpu.memory_space<hbm>> -> memref<1x160x125xi32, #tpu.memory_space<hbm>>
      %dma_start3A_5 = tpu.memref_squeeze %dma_start3A_4 : memref<1x160x125xi32, #tpu.memory_space<hbm>> -> memref<160x125xi32, #tpu.memory_space<hbm>>
      %dma_start3A_6 = arith.constant 0 : i32
      %dma_start3A_7 = arith.constant 0 : i32
      %dma_start3A_8 = tpu.memref_slice %arg2[%arg1, %dma_start3A_6, %dma_start3A_7] : memref<16x160x125xi32, #tpu.memory_space<hbm>> -> memref<1x160x125xi32, #tpu.memory_space<hbm>>
      %dma_start3A_9 = tpu.memref_squeeze %dma_start3A_8 : memref<1x160x125xi32, #tpu.memory_space<hbm>> -> memref<160x125xi32, #tpu.memory_space<hbm>>
      tpu.enqueue_dma source(%dma_start3A_9 : memref<160x125xi32, #tpu.memory_space<hbm>>) target(%arg5 : memref<160x125xi32, #tpu.memory_space<vmem>>) target_semaphore(%arg9 : memref<!tpu.dma_semaphore, #tpu.memory_space<semaphore_mem>>)
      "tpu.region"() ({
        %run_scoped3A = tpu.sem_alloc : memref<!tpu.dma_semaphore, #tpu.memory_space<semaphore_mem>>
        tpu.enqueue_dma source(%arg3 : memref<125xf32, #tpu.memory_space<hbm>>) target(%arg6 : memref<125xf32, #tpu.memory_space<vmem>>) target_semaphore(%run_scoped3A : memref<!tpu.dma_semaphore, #tpu.memory_space<semaphore_mem>>)
        tpu.wait_dma2 semaphore(%run_scoped3A : memref<!tpu.dma_semaphore, #tpu.memory_space<semaphore_mem>>) src(%arg3 : memref<125xf32, #tpu.memory_space<hbm>>) dst(%arg6 : memref<125xf32, #tpu.memory_space<vmem>>)
        tpu.yield
      }) : () -> ()
      %scan3A = arith.constant 0 : i32
      %scan3A_10 = arith.constant 0 : i32
      %scan3A_11 = arith.constant 40 : i32
      %scan3A_12 = arith.addi %scan3A_10, %scan3A_11 : i32
      %scan3A_13 = arith.constant 1 : i32
      scf.for %scan3A_29 = %scan3A_10 to %scan3A_12 step %scan3A_13  : i32 {
        %broadcast_in_dim3A = arith.constant 0.000000e+00 : f32
        %broadcast_in_dim3A_30 = vector.broadcast %broadcast_in_dim3A : f32 to vector<16xf32>
        %mul3A_31 = arith.constant 16 : i32
        %mul3A_32 = arith.muli %scan3A_29, %mul3A_31 : i32
        %swap3A = arith.index_cast %mul3A_32 : i32 to index
        %swap3A_33 = tpu.vector_load %arg7[%swap3A] {strides = array<i32>} : memref<640xf32, #tpu.memory_space<vmem>>, vector<16xf32>,
        %swap3A_34 = vector.shape_cast %swap3A_33 : vector<16xf32> to vector<16xf32>
        %swap3A_35 = vector.shape_cast %broadcast_in_dim3A_30 : vector<16xf32> to vector<16xf32>
        tpu.vector_store %arg7[%swap3A], %swap3A_35 {strides = array<i32>} : memref<640xf32, #tpu.memory_space<vmem>>, vector<16xf32>,
      }
      %scan3A_14 = arith.constant 40 : i32
      "tpu.region"() ({
        %run_scoped3A = tpu.sem_alloc : memref<!tpu.dma_semaphore, #tpu.memory_space<semaphore_mem>>
        %dma_start3A_29 = tpu.memref_slice %arg8[%mul3A_0] : memref<10240xf32, #tpu.memory_space<vmem_shared>> -> memref<640xf32, #tpu.memory_space<vmem_shared>>
        %dma_start3A_30 = tpu.memref_slice %arg8[%mul3A_0] : memref<10240xf32, #tpu.memory_space<vmem_shared>> -> memref<640xf32, #tpu.memory_space<vmem_shared>>
        tpu.enqueue_dma source(%arg7 : memref<640xf32, #tpu.memory_space<vmem>>) target(%dma_start3A_30 : memref<640xf32, #tpu.memory_space<vmem_shared>>) target_semaphore(%run_scoped3A : memref<!tpu.dma_semaphore, #tpu.memory_space<semaphore_mem>>)
        %dma_wait3A_31 = tpu.memref_slice %arg8[%mul3A_0] : memref<10240xf32, #tpu.memory_space<vmem_shared>> -> memref<640xf32, #tpu.memory_space<vmem_shared>>
        %dma_wait3A_32 = tpu.memref_slice %arg8[%mul3A_0] : memref<10240xf32, #tpu.memory_space<vmem_shared>> -> memref<640xf32, #tpu.memory_space<vmem_shared>>
        tpu.wait_dma2 semaphore(%run_scoped3A : memref<!tpu.dma_semaphore, #tpu.memory_space<semaphore_mem>>) src(%arg7 : memref<640xf32, #tpu.memory_space<vmem>>) dst(%dma_wait3A_32 : memref<640xf32, #tpu.memory_space<vmem_shared>>)
        tpu.yield
      }) : () -> ()
      %dma_wait3A = arith.constant 0 : i32
      %dma_wait3A_15 = arith.constant 0 : i32
      %dma_wait3A_16 = tpu.memref_slice %arg2[%arg1, %dma_wait3A, %dma_wait3A_15] : memref<16x160x125xi32, #tpu.memory_space<hbm>> -> memref<1x160x125xi32, #tpu.memory_space<hbm>>
      %dma_wait3A_17 = tpu.memref_squeeze %dma_wait3A_16 : memref<1x160x125xi32, #tpu.memory_space<hbm>> -> memref<160x125xi32, #tpu.memory_space<hbm>>
      %dma_wait3A_18 = arith.constant 0 : i32
      %dma_wait3A_19 = arith.constant 0 : i32
      %dma_wait3A_20 = tpu.memref_slice %arg2[%arg1, %dma_wait3A_18, %dma_wait3A_19] : memref<16x160x125xi32, #tpu.memory_space<hbm>> -> memref<1x160x125xi32, #tpu.memory_space<hbm>>
      %dma_wait3A_21 = tpu.memref_squeeze %dma_wait3A_20 : memref<1x160x125xi32, #tpu.memory_space<hbm>> -> memref<160x125xi32, #tpu.memory_space<hbm>>
      tpu.wait_dma2 semaphore(%arg9 : memref<!tpu.dma_semaphore, #tpu.memory_space<semaphore_mem>>) src(%dma_wait3A_21 : memref<160x125xi32, #tpu.memory_space<hbm>>) dst(%arg5 : memref<160x125xi32, #tpu.memory_space<vmem>>)
      %barrier3A = arith.constant 0 : index
      tpu.barrier barrier_id(%barrier3A)
      %scan3A_22 = arith.constant 0 : i32
      %scan3A_23 = arith.constant 0 : i32
      %scan3A_24 = arith.constant 20 : i32
      %scan3A_25 = arith.addi %scan3A_23, %scan3A_24 : i32
      %scan3A_26 = arith.constant 1 : i32
      scf.for %scan3A_29 = %scan3A_23 to %scan3A_25 step %scan3A_26  : i32 {
        %mul3A_30 = arith.constant 8 : i32
        %mul3A_31 = arith.muli %scan3A_29, %mul3A_30 : i32
        %add3A = arith.constant 0 : i32
        %add3A_32 = arith.addi %mul3A_31, %add3A : i32
        %dma_start3A_33 = arith.constant 0 : i32
        %dma_start3A_34 = tpu.memref_slice %arg5[%add3A_32, %dma_start3A_33] : memref<160x125xi32, #tpu.memory_space<vmem>> -> memref<1x125xi32, #tpu.memory_space<vmem>>
        %dma_start3A_35 = tpu.memref_squeeze %dma_start3A_34 : memref<1x125xi32, #tpu.memory_space<vmem>> -> memref<125xi32, #tpu.memory_space<vmem>>
        %dma_start3A_36 = arith.constant 0 : i32
        %dma_start3A_37 = tpu.memref_slice %arg8[%dma_start3A_36] : memref<10240xf32, #tpu.memory_space<vmem_shared>> -> memref<10240xf32, #tpu.memory_space<vmem_shared>>
        tpu.enqueue_indirect_dma source(%arg6 : memref<125xf32, #tpu.memory_space<vmem>>) target(%dma_start3A_37 : memref<10240xf32, #tpu.memory_space<vmem_shared>>) offsets(%dma_start3A_35 : memref<125xi32, #tpu.memory_space<vmem>>) semaphore(%arg10 : memref<!tpu.dma_semaphore, #tpu.memory_space<semaphore_mem>>) {add = true}
        %add3A_38 = arith.constant 1 : i32
        %add3A_39 = arith.addi %mul3A_31, %add3A_38 : i32
        %dma_start3A_40 = arith.constant 0 : i32
        %dma_start3A_41 = tpu.memref_slice %arg5[%add3A_39, %dma_start3A_40] : memref<160x125xi32, #tpu.memory_space<vmem>> -> memref<1x125xi32, #tpu.memory_space<vmem>>
        %dma_start3A_42 = tpu.memref_squeeze %dma_start3A_41 : memref<1x125xi32, #tpu.memory_space<vmem>> -> memref<125xi32, #tpu.memory_space<vmem>>
        %dma_start3A_43 = arith.constant 0 : i32
        %dma_start3A_44 = tpu.memref_slice %arg8[%dma_start3A_43] : memref<10240xf32, #tpu.memory_space<vmem_shared>> -> memref<10240xf32, #tpu.memory_space<vmem_shared>>
        tpu.enqueue_indirect_dma source(%arg6 : memref<125xf32, #tpu.memory_space<vmem>>) target(%dma_start3A_44 : memref<10240xf32, #tpu.memory_space<vmem_shared>>) offsets(%dma_start3A_42 : memref<125xi32, #tpu.memory_space<vmem>>) semaphore(%arg10 : memref<!tpu.dma_semaphore, #tpu.memory_space<semaphore_mem>>) {add = true}
        %add3A_45 = arith.constant 2 : i32
        %add3A_46 = arith.addi %mul3A_31, %add3A_45 : i32
        %dma_start3A_47 = arith.constant 0 : i32
        %dma_start3A_48 = tpu.memref_slice %arg5[%add3A_46, %dma_start3A_47] : memref<160x125xi32, #tpu.memory_space<vmem>> -> memref<1x125xi32, #tpu.memory_space<vmem>>
        %dma_start3A_49 = tpu.memref_squeeze %dma_start3A_48 : memref<1x125xi32, #tpu.memory_space<vmem>> -> memref<125xi32, #tpu.memory_space<vmem>>
        %dma_start3A_50 = arith.constant 0 : i32
        %dma_start3A_51 = tpu.memref_slice %arg8[%dma_start3A_50] : memref<10240xf32, #tpu.memory_space<vmem_shared>> -> memref<10240xf32, #tpu.memory_space<vmem_shared>>
        tpu.enqueue_indirect_dma source(%arg6 : memref<125xf32, #tpu.memory_space<vmem>>) target(%dma_start3A_51 : memref<10240xf32, #tpu.memory_space<vmem_shared>>) offsets(%dma_start3A_49 : memref<125xi32, #tpu.memory_space<vmem>>) semaphore(%arg10 : memref<!tpu.dma_semaphore, #tpu.memory_space<semaphore_mem>>) {add = true}
        %add3A_52 = arith.constant 3 : i32
        %add3A_53 = arith.addi %mul3A_31, %add3A_52 : i32
        %dma_start3A_54 = arith.constant 0 : i32
        %dma_start3A_55 = tpu.memref_slice %arg5[%add3A_53, %dma_start3A_54] : memref<160x125xi32, #tpu.memory_space<vmem>> -> memref<1x125xi32, #tpu.memory_space<vmem>>
        %dma_start3A_56 = tpu.memref_squeeze %dma_start3A_55 : memref<1x125xi32, #tpu.memory_space<vmem>> -> memref<125xi32, #tpu.memory_space<vmem>>
        %dma_start3A_57 = arith.constant 0 : i32
        %dma_start3A_58 = tpu.memref_slice %arg8[%dma_start3A_57] : memref<10240xf32, #tpu.memory_space<vmem_shared>> -> memref<10240xf32, #tpu.memory_space<vmem_shared>>
        tpu.enqueue_indirect_dma source(%arg6 : memref<125xf32, #tpu.memory_space<vmem>>) target(%dma_start3A_58 : memref<10240xf32, #tpu.memory_space<vmem_shared>>) offsets(%dma_start3A_56 : memref<125xi32, #tpu.memory_space<vmem>>) semaphore(%arg10 : memref<!tpu.dma_semaphore, #tpu.memory_space<semaphore_mem>>) {add = true}
        %add3A_59 = arith.constant 4 : i32
        %add3A_60 = arith.addi %mul3A_31, %add3A_59 : i32
        %dma_start3A_61 = arith.constant 0 : i32
        %dma_start3A_62 = tpu.memref_slice %arg5[%add3A_60, %dma_start3A_61] : memref<160x125xi32, #tpu.memory_space<vmem>> -> memref<1x125xi32, #tpu.memory_space<vmem>>
        %dma_start3A_63 = tpu.memref_squeeze %dma_start3A_62 : memref<1x125xi32, #tpu.memory_space<vmem>> -> memref<125xi32, #tpu.memory_space<vmem>>
        %dma_start3A_64 = arith.constant 0 : i32
        %dma_start3A_65 = tpu.memref_slice %arg8[%dma_start3A_64] : memref<10240xf32, #tpu.memory_space<vmem_shared>> -> memref<10240xf32, #tpu.memory_space<vmem_shared>>
        tpu.enqueue_indirect_dma source(%arg6 : memref<125xf32, #tpu.memory_space<vmem>>) target(%dma_start3A_65 : memref<10240xf32, #tpu.memory_space<vmem_shared>>) offsets(%dma_start3A_63 : memref<125xi32, #tpu.memory_space<vmem>>) semaphore(%arg10 : memref<!tpu.dma_semaphore, #tpu.memory_space<semaphore_mem>>) {add = true}
        %add3A_66 = arith.constant 5 : i32
        %add3A_67 = arith.addi %mul3A_31, %add3A_66 : i32
        %dma_start3A_68 = arith.constant 0 : i32
        %dma_start3A_69 = tpu.memref_slice %arg5[%add3A_67, %dma_start3A_68] : memref<160x125xi32, #tpu.memory_space<vmem>> -> memref<1x125xi32, #tpu.memory_space<vmem>>
        %dma_start3A_70 = tpu.memref_squeeze %dma_start3A_69 : memref<1x125xi32, #tpu.memory_space<vmem>> -> memref<125xi32, #tpu.memory_space<vmem>>
        %dma_start3A_71 = arith.constant 0 : i32
        %dma_start3A_72 = tpu.memref_slice %arg8[%dma_start3A_71] : memref<10240xf32, #tpu.memory_space<vmem_shared>> -> memref<10240xf32, #tpu.memory_space<vmem_shared>>
        tpu.enqueue_indirect_dma source(%arg6 : memref<125xf32, #tpu.memory_space<vmem>>) target(%dma_start3A_72 : memref<10240xf32, #tpu.memory_space<vmem_shared>>) offsets(%dma_start3A_70 : memref<125xi32, #tpu.memory_space<vmem>>) semaphore(%arg10 : memref<!tpu.dma_semaphore, #tpu.memory_space<semaphore_mem>>) {add = true}
        %add3A_73 = arith.constant 6 : i32
        %add3A_74 = arith.addi %mul3A_31, %add3A_73 : i32
        %dma_start3A_75 = arith.constant 0 : i32
        %dma_start3A_76 = tpu.memref_slice %arg5[%add3A_74, %dma_start3A_75] : memref<160x125xi32, #tpu.memory_space<vmem>> -> memref<1x125xi32, #tpu.memory_space<vmem>>
        %dma_start3A_77 = tpu.memref_squeeze %dma_start3A_76 : memref<1x125xi32, #tpu.memory_space<vmem>> -> memref<125xi32, #tpu.memory_space<vmem>>
        %dma_start3A_78 = arith.constant 0 : i32
        %dma_start3A_79 = tpu.memref_slice %arg8[%dma_start3A_78] : memref<10240xf32, #tpu.memory_space<vmem_shared>> -> memref<10240xf32, #tpu.memory_space<vmem_shared>>
        tpu.enqueue_indirect_dma source(%arg6 : memref<125xf32, #tpu.memory_space<vmem>>) target(%dma_start3A_79 : memref<10240xf32, #tpu.memory_space<vmem_shared>>) offsets(%dma_start3A_77 : memref<125xi32, #tpu.memory_space<vmem>>) semaphore(%arg10 : memref<!tpu.dma_semaphore, #tpu.memory_space<semaphore_mem>>) {add = true}
        %add3A_80 = arith.constant 7 : i32
        %add3A_81 = arith.addi %mul3A_31, %add3A_80 : i32
        %dma_start3A_82 = arith.constant 0 : i32
        %dma_start3A_83 = tpu.memref_slice %arg5[%add3A_81, %dma_start3A_82] : memref<160x125xi32, #tpu.memory_space<vmem>> -> memref<1x125xi32, #tpu.memory_space<vmem>>
        %dma_start3A_84 = tpu.memref_squeeze %dma_start3A_83 : memref<1x125xi32, #tpu.memory_space<vmem>> -> memref<125xi32, #tpu.memory_space<vmem>>
        %dma_start3A_85 = arith.constant 0 : i32
        %dma_start3A_86 = tpu.memref_slice %arg8[%dma_start3A_85] : memref<10240xf32, #tpu.memory_space<vmem_shared>> -> memref<10240xf32, #tpu.memory_space<vmem_shared>>
        tpu.enqueue_indirect_dma source(%arg6 : memref<125xf32, #tpu.memory_space<vmem>>) target(%dma_start3A_86 : memref<10240xf32, #tpu.memory_space<vmem_shared>>) offsets(%dma_start3A_84 : memref<125xi32, #tpu.memory_space<vmem>>) semaphore(%arg10 : memref<!tpu.dma_semaphore, #tpu.memory_space<semaphore_mem>>) {add = true}
        %dma_wait3A_87 = arith.constant 0 : i32
        %dma_wait3A_88 = tpu.memref_slice %arg5[%add3A_32, %dma_wait3A_87] : memref<160x125xi32, #tpu.memory_space<vmem>> -> memref<1x125xi32, #tpu.memory_space<vmem>>
        %dma_wait3A_89 = tpu.memref_squeeze %dma_wait3A_88 : memref<1x125xi32, #tpu.memory_space<vmem>> -> memref<125xi32, #tpu.memory_space<vmem>>
        %dma_wait3A_90 = arith.constant 0 : i32
        %dma_wait3A_91 = tpu.memref_slice %arg8[%dma_wait3A_90] : memref<10240xf32, #tpu.memory_space<vmem_shared>> -> memref<10240xf32, #tpu.memory_space<vmem_shared>>
        tpu.wait_indirect_dma semaphore(%arg10 : memref<!tpu.dma_semaphore, #tpu.memory_space<semaphore_mem>>) src(%arg6 : memref<125xf32, #tpu.memory_space<vmem>>) dst(%dma_wait3A_91 : memref<10240xf32, #tpu.memory_space<vmem_shared>>)
        %dma_wait3A_92 = arith.constant 0 : i32
        %dma_wait3A_93 = tpu.memref_slice %arg5[%add3A_39, %dma_wait3A_92] : memref<160x125xi32, #tpu.memory_space<vmem>> -> memref<1x125xi32, #tpu.memory_space<vmem>>
        %dma_wait3A_94 = tpu.memref_squeeze %dma_wait3A_93 : memref<1x125xi32, #tpu.memory_space<vmem>> -> memref<125xi32, #tpu.memory_space<vmem>>
        %dma_wait3A_95 = arith.constant 0 : i32
        %dma_wait3A_96 = tpu.memref_slice %arg8[%dma_wait3A_95] : memref<10240xf32, #tpu.memory_space<vmem_shared>> -> memref<10240xf32, #tpu.memory_space<vmem_shared>>
        tpu.wait_indirect_dma semaphore(%arg10 : memref<!tpu.dma_semaphore, #tpu.memory_space<semaphore_mem>>) src(%arg6 : memref<125xf32, #tpu.memory_space<vmem>>) dst(%dma_wait3A_96 : memref<10240xf32, #tpu.memory_space<vmem_shared>>)
        %dma_wait3A_97 = arith.constant 0 : i32
        %dma_wait3A_98 = tpu.memref_slice %arg5[%add3A_46, %dma_wait3A_97] : memref<160x125xi32, #tpu.memory_space<vmem>> -> memref<1x125xi32, #tpu.memory_space<vmem>>
        %dma_wait3A_99 = tpu.memref_squeeze %dma_wait3A_98 : memref<1x125xi32, #tpu.memory_space<vmem>> -> memref<125xi32, #tpu.memory_space<vmem>>
        %dma_wait3A_100 = arith.constant 0 : i32
        %dma_wait3A_101 = tpu.memref_slice %arg8[%dma_wait3A_100] : memref<10240xf32, #tpu.memory_space<vmem_shared>> -> memref<10240xf32, #tpu.memory_space<vmem_shared>>
        tpu.wait_indirect_dma semaphore(%arg10 : memref<!tpu.dma_semaphore, #tpu.memory_space<semaphore_mem>>) src(%arg6 : memref<125xf32, #tpu.memory_space<vmem>>) dst(%dma_wait3A_101 : memref<10240xf32, #tpu.memory_space<vmem_shared>>)
        %dma_wait3A_102 = arith.constant 0 : i32
        %dma_wait3A_103 = tpu.memref_slice %arg5[%add3A_53, %dma_wait3A_102] : memref<160x125xi32, #tpu.memory_space<vmem>> -> memref<1x125xi32, #tpu.memory_space<vmem>>
        %dma_wait3A_104 = tpu.memref_squeeze %dma_wait3A_103 : memref<1x125xi32, #tpu.memory_space<vmem>> -> memref<125xi32, #tpu.memory_space<vmem>>
        %dma_wait3A_105 = arith.constant 0 : i32
        %dma_wait3A_106 = tpu.memref_slice %arg8[%dma_wait3A_105] : memref<10240xf32, #tpu.memory_space<vmem_shared>> -> memref<10240xf32, #tpu.memory_space<vmem_shared>>
        tpu.wait_indirect_dma semaphore(%arg10 : memref<!tpu.dma_semaphore, #tpu.memory_space<semaphore_mem>>) src(%arg6 : memref<125xf32, #tpu.memory_space<vmem>>) dst(%dma_wait3A_106 : memref<10240xf32, #tpu.memory_space<vmem_shared>>)
        %dma_wait3A_107 = arith.constant 0 : i32
        %dma_wait3A_108 = tpu.memref_slice %arg5[%add3A_60, %dma_wait3A_107] : memref<160x125xi32, #tpu.memory_space<vmem>> -> memref<1x125xi32, #tpu.memory_space<vmem>>
        %dma_wait3A_109 = tpu.memref_squeeze %dma_wait3A_108 : memref<1x125xi32, #tpu.memory_space<vmem>> -> memref<125xi32, #tpu.memory_space<vmem>>
        %dma_wait3A_110 = arith.constant 0 : i32
        %dma_wait3A_111 = tpu.memref_slice %arg8[%dma_wait3A_110] : memref<10240xf32, #tpu.memory_space<vmem_shared>> -> memref<10240xf32, #tpu.memory_space<vmem_shared>>
        tpu.wait_indirect_dma semaphore(%arg10 : memref<!tpu.dma_semaphore, #tpu.memory_space<semaphore_mem>>) src(%arg6 : memref<125xf32, #tpu.memory_space<vmem>>) dst(%dma_wait3A_111 : memref<10240xf32, #tpu.memory_space<vmem_shared>>)
        %dma_wait3A_112 = arith.constant 0 : i32
        %dma_wait3A_113 = tpu.memref_slice %arg5[%add3A_67, %dma_wait3A_112] : memref<160x125xi32, #tpu.memory_space<vmem>> -> memref<1x125xi32, #tpu.memory_space<vmem>>
        %dma_wait3A_114 = tpu.memref_squeeze %dma_wait3A_113 : memref<1x125xi32, #tpu.memory_space<vmem>> -> memref<125xi32, #tpu.memory_space<vmem>>
        %dma_wait3A_115 = arith.constant 0 : i32
        %dma_wait3A_116 = tpu.memref_slice %arg8[%dma_wait3A_115] : memref<10240xf32, #tpu.memory_space<vmem_shared>> -> memref<10240xf32, #tpu.memory_space<vmem_shared>>
        tpu.wait_indirect_dma semaphore(%arg10 : memref<!tpu.dma_semaphore, #tpu.memory_space<semaphore_mem>>) src(%arg6 : memref<125xf32, #tpu.memory_space<vmem>>) dst(%dma_wait3A_116 : memref<10240xf32, #tpu.memory_space<vmem_shared>>)
        %dma_wait3A_117 = arith.constant 0 : i32
        %dma_wait3A_118 = tpu.memref_slice %arg5[%add3A_74, %dma_wait3A_117] : memref<160x125xi32, #tpu.memory_space<vmem>> -> memref<1x125xi32, #tpu.memory_space<vmem>>
        %dma_wait3A_119 = tpu.memref_squeeze %dma_wait3A_118 : memref<1x125xi32, #tpu.memory_space<vmem>> -> memref<125xi32, #tpu.memory_space<vmem>>
        %dma_wait3A_120 = arith.constant 0 : i32
        %dma_wait3A_121 = tpu.memref_slice %arg8[%dma_wait3A_120] : memref<10240xf32, #tpu.memory_space<vmem_shared>> -> memref<10240xf32, #tpu.memory_space<vmem_shared>>
        tpu.wait_indirect_dma semaphore(%arg10 : memref<!tpu.dma_semaphore, #tpu.memory_space<semaphore_mem>>) src(%arg6 : memref<125xf32, #tpu.memory_space<vmem>>) dst(%dma_wait3A_121 : memref<10240xf32, #tpu.memory_space<vmem_shared>>)
        %dma_wait3A_122 = arith.constant 0 : i32
        %dma_wait3A_123 = tpu.memref_slice %arg5[%add3A_81, %dma_wait3A_122] : memref<160x125xi32, #tpu.memory_space<vmem>> -> memref<1x125xi32, #tpu.memory_space<vmem>>
        %dma_wait3A_124 = tpu.memref_squeeze %dma_wait3A_123 : memref<1x125xi32, #tpu.memory_space<vmem>> -> memref<125xi32, #tpu.memory_space<vmem>>
        %dma_wait3A_125 = arith.constant 0 : i32
        %dma_wait3A_126 = tpu.memref_slice %arg8[%dma_wait3A_125] : memref<10240xf32, #tpu.memory_space<vmem_shared>> -> memref<10240xf32, #tpu.memory_space<vmem_shared>>
        tpu.wait_indirect_dma semaphore(%arg10 : memref<!tpu.dma_semaphore, #tpu.memory_space<semaphore_mem>>) src(%arg6 : memref<125xf32, #tpu.memory_space<vmem>>) dst(%dma_wait3A_126 : memref<10240xf32, #tpu.memory_space<vmem_shared>>)
      }
      %scan3A_27 = arith.constant 20 : i32
      %barrier3A_28 = arith.constant 0 : index
      tpu.barrier barrier_id(%barrier3A_28)
      "tpu.region"() ({
        %run_scoped3A = tpu.sem_alloc : memref<!tpu.dma_semaphore, #tpu.memory_space<semaphore_mem>>
        %dma_start3A_29 = tpu.memref_slice %arg4[%mul3A_0] : memref<10240xf32, #tpu.memory_space<hbm>> -> memref<640xf32, #tpu.memory_space<hbm>>
        %dma_start3A_30 = tpu.memref_slice %arg8[%mul3A_0] : memref<10240xf32, #tpu.memory_space<vmem_shared>> -> memref<640xf32, #tpu.memory_space<vmem_shared>>
        tpu.enqueue_dma source(%dma_start3A_30 : memref<640xf32, #tpu.memory_space<vmem_shared>>) target(%dma_start3A_29 : memref<640xf32, #tpu.memory_space<hbm>>) target_semaphore(%run_scoped3A : memref<!tpu.dma_semaphore, #tpu.memory_space<semaphore_mem>>)
        %dma_wait3A_31 = tpu.memref_slice %arg4[%mul3A_0] : memref<10240xf32, #tpu.memory_space<hbm>> -> memref<640xf32, #tpu.memory_space<hbm>>
        %dma_wait3A_32 = tpu.memref_slice %arg8[%mul3A_0] : memref<10240xf32, #tpu.memory_space<vmem_shared>> -> memref<640xf32, #tpu.memory_space<vmem_shared>>
        tpu.wait_dma2 semaphore(%run_scoped3A : memref<!tpu.dma_semaphore, #tpu.memory_space<semaphore_mem>>) src(%dma_wait3A_32 : memref<640xf32, #tpu.memory_space<vmem_shared>>) dst(%dma_wait3A_31 : memref<640xf32, #tpu.memory_space<hbm>>)
        tpu.yield
      }) : () -> ()
    } else {
    }
    return
  }
}

#map = affine_map<(d0, d1) -> (0, 0)>
#map1 = affine_map<(d0, d1) -> (0, 0, 0, 0, 0)>
#map2 = affine_map<(d0, d1) -> (0, 0, 0, 0)>
module attributes {stable_mosaic.version = 14 : i64} {
  func.func @_agg128(%arg0: i32, %arg1: i32, %arg2: memref<20000x64xf32, #tpu.memory_space<hbm>>, %arg3: memref<2x16x4x40x125xi32, #tpu.memory_space<hbm>>, %arg4: memref<16x4x40x125xi32, #tpu.memory_space<hbm>>, %arg5: memref<10240x128xf32, #tpu.memory_space<hbm>>, %arg6: memref<2x40x125xi32, #tpu.memory_space<vmem>>, %arg7: memref<2x40x125xi32, #tpu.memory_space<vmem>>, %arg8: memref<1000x64xf32, #tpu.memory_space<vmem>>, %arg9: memref<10240x64xf32, #tpu.memory_space<vmem_shared>>, %arg10: memref<!tpu.dma_semaphore, #tpu.memory_space<semaphore_mem>>, %arg11: memref<!tpu.dma_semaphore, #tpu.memory_space<semaphore_mem>>, %arg12: memref<!tpu.dma_semaphore, #tpu.memory_space<semaphore_mem>>) attributes {dimension_semantics = [#tpu.dimension_semantics<core_parallel>, #tpu.dimension_semantics<subcore_parallel>], iteration_bounds = array<i64: 2, 16>, scalar_prefetch = 0 : i64, scratch_operands = 7 : i64, tpu.core_type = #tpu.core_type<sc_vector_subcore>, window_params = [{transform_indices = #map}, {transform_indices = #map1}, {transform_indices = #map2}, {transform_indices = #map}]} {
    %mul3A = arith.constant 640 : i32
    %mul3A_0 = arith.muli %arg1, %mul3A : i32
    %dma_start3A = arith.constant 0 : i32
    %dma_start3A_1 = arith.constant 0 : i32
    %dma_start3A_2 = arith.constant 0 : i32
    %dma_start3A_3 = arith.constant 0 : i32
    %dma_start3A_4 = tpu.memref_slice %arg6[%dma_start3A_1, %dma_start3A_2, %dma_start3A_3] : memref<2x40x125xi32, #tpu.memory_space<vmem>> -> memref<1x40x125xi32, #tpu.memory_space<vmem>>
    %dma_start3A_5 = tpu.memref_squeeze %dma_start3A_4 : memref<1x40x125xi32, #tpu.memory_space<vmem>> -> memref<40x125xi32, #tpu.memory_space<vmem>>
    %dma_start3A_6 = arith.constant 0 : i32
    %dma_start3A_7 = arith.constant 0 : i32
    %dma_start3A_8 = tpu.memref_slice %arg3[%arg0, %arg1, %dma_start3A, %dma_start3A_6, %dma_start3A_7] : memref<2x16x4x40x125xi32, #tpu.memory_space<hbm>> -> memref<1x1x1x40x125xi32, #tpu.memory_space<hbm>>
    %dma_start3A_9 = tpu.memref_squeeze %dma_start3A_8 : memref<1x1x1x40x125xi32, #tpu.memory_space<hbm>> -> memref<40x125xi32, #tpu.memory_space<hbm>>
    %dma_start3A_10 = arith.constant 0 : i32
    %dma_start3A_11 = arith.constant 0 : i32
    %dma_start3A_12 = tpu.memref_slice %arg6[%dma_start3A_1, %dma_start3A_10, %dma_start3A_11] : memref<2x40x125xi32, #tpu.memory_space<vmem>> -> memref<1x40x125xi32, #tpu.memory_space<vmem>>
    %dma_start3A_13 = tpu.memref_squeeze %dma_start3A_12 : memref<1x40x125xi32, #tpu.memory_space<vmem>> -> memref<40x125xi32, #tpu.memory_space<vmem>>
    %dma_start3A_14 = arith.constant 0 : i32
    %dma_start3A_15 = arith.constant 0 : i32
    %dma_start3A_16 = tpu.memref_slice %arg3[%arg0, %arg1, %dma_start3A, %dma_start3A_14, %dma_start3A_15] : memref<2x16x4x40x125xi32, #tpu.memory_space<hbm>> -> memref<1x1x1x40x125xi32, #tpu.memory_space<hbm>>
    %dma_start3A_17 = tpu.memref_squeeze %dma_start3A_16 : memref<1x1x1x40x125xi32, #tpu.memory_space<hbm>> -> memref<40x125xi32, #tpu.memory_space<hbm>>
    tpu.enqueue_dma source(%dma_start3A_17 : memref<40x125xi32, #tpu.memory_space<hbm>>) target(%dma_start3A_13 : memref<40x125xi32, #tpu.memory_space<vmem>>) target_semaphore(%arg12 : memref<!tpu.dma_semaphore, #tpu.memory_space<semaphore_mem>>)
    %dma_start3A_18 = arith.constant 0 : i32
    %dma_start3A_19 = arith.constant 0 : i32
    %dma_start3A_20 = arith.constant 0 : i32
    %dma_start3A_21 = arith.constant 0 : i32
    %dma_start3A_22 = tpu.memref_slice %arg7[%dma_start3A_19, %dma_start3A_20, %dma_start3A_21] : memref<2x40x125xi32, #tpu.memory_space<vmem>> -> memref<1x40x125xi32, #tpu.memory_space<vmem>>
    %dma_start3A_23 = tpu.memref_squeeze %dma_start3A_22 : memref<1x40x125xi32, #tpu.memory_space<vmem>> -> memref<40x125xi32, #tpu.memory_space<vmem>>
    %dma_start3A_24 = arith.constant 0 : i32
    %dma_start3A_25 = arith.constant 0 : i32
    %dma_start3A_26 = tpu.memref_slice %arg4[%arg1, %dma_start3A_18, %dma_start3A_24, %dma_start3A_25] : memref<16x4x40x125xi32, #tpu.memory_space<hbm>> -> memref<1x1x40x125xi32, #tpu.memory_space<hbm>>
    %dma_start3A_27 = tpu.memref_squeeze %dma_start3A_26 : memref<1x1x40x125xi32, #tpu.memory_space<hbm>> -> memref<40x125xi32, #tpu.memory_space<hbm>>
    %dma_start3A_28 = arith.constant 0 : i32
    %dma_start3A_29 = arith.constant 0 : i32
    %dma_start3A_30 = tpu.memref_slice %arg7[%dma_start3A_19, %dma_start3A_28, %dma_start3A_29] : memref<2x40x125xi32, #tpu.memory_space<vmem>> -> memref<1x40x125xi32, #tpu.memory_space<vmem>>
    %dma_start3A_31 = tpu.memref_squeeze %dma_start3A_30 : memref<1x40x125xi32, #tpu.memory_space<vmem>> -> memref<40x125xi32, #tpu.memory_space<vmem>>
    %dma_start3A_32 = arith.constant 0 : i32
    %dma_start3A_33 = arith.constant 0 : i32
    %dma_start3A_34 = tpu.memref_slice %arg4[%arg1, %dma_start3A_18, %dma_start3A_32, %dma_start3A_33] : memref<16x4x40x125xi32, #tpu.memory_space<hbm>> -> memref<1x1x40x125xi32, #tpu.memory_space<hbm>>
    %dma_start3A_35 = tpu.memref_squeeze %dma_start3A_34 : memref<1x1x40x125xi32, #tpu.memory_space<hbm>> -> memref<40x125xi32, #tpu.memory_space<hbm>>
    tpu.enqueue_dma source(%dma_start3A_35 : memref<40x125xi32, #tpu.memory_space<hbm>>) target(%dma_start3A_31 : memref<40x125xi32, #tpu.memory_space<vmem>>) target_semaphore(%arg12 : memref<!tpu.dma_semaphore, #tpu.memory_space<semaphore_mem>>)
    %scan3A = arith.constant 0 : i32
    %scan3A_36 = arith.constant 0 : i32
    %scan3A_37 = arith.constant 128 : i32
    %scan3A_38 = arith.addi %scan3A_36, %scan3A_37 : i32
    %scan3A_39 = arith.constant 1 : i32
    scf.for %scan3A_325 = %scan3A_36 to %scan3A_38 step %scan3A_39  : i32 {
      %broadcast_in_dim3A = arith.constant 0.000000e+00 : f32
      %broadcast_in_dim3A_326 = vector.broadcast %broadcast_in_dim3A : f32 to vector<16xf32>
      %swap3A = arith.index_cast %scan3A_325 : i32 to index
      %swap3A_327 = arith.constant 0 : index
      %swap3A_328 = tpu.vector_load %arg8[%swap3A, %swap3A_327] {strides = array<i32>} : memref<1000x64xf32, #tpu.memory_space<vmem>>, vector<1x16xf32>,
      %swap3A_329 = vector.shape_cast %swap3A_328 : vector<1x16xf32> to vector<16xf32>
      %swap3A_330 = vector.shape_cast %broadcast_in_dim3A_326 : vector<16xf32> to vector<1x16xf32>
      tpu.vector_store %arg8[%swap3A, %swap3A_327], %swap3A_330 {strides = array<i32>} : memref<1000x64xf32, #tpu.memory_space<vmem>>, vector<1x16xf32>,
      %broadcast_in_dim3A_331 = arith.constant 0.000000e+00 : f32
      %broadcast_in_dim3A_332 = vector.broadcast %broadcast_in_dim3A_331 : f32 to vector<16xf32>
      %swap3A_333 = arith.index_cast %scan3A_325 : i32 to index
      %swap3A_334 = arith.constant 16 : index
      %swap3A_335 = tpu.vector_load %arg8[%swap3A_333, %swap3A_334] {strides = array<i32>} : memref<1000x64xf32, #tpu.memory_space<vmem>>, vector<1x16xf32>,
      %swap3A_336 = vector.shape_cast %swap3A_335 : vector<1x16xf32> to vector<16xf32>
      %swap3A_337 = vector.shape_cast %broadcast_in_dim3A_332 : vector<16xf32> to vector<1x16xf32>
      tpu.vector_store %arg8[%swap3A_333, %swap3A_334], %swap3A_337 {strides = array<i32>} : memref<1000x64xf32, #tpu.memory_space<vmem>>, vector<1x16xf32>,
      %broadcast_in_dim3A_338 = arith.constant 0.000000e+00 : f32
      %broadcast_in_dim3A_339 = vector.broadcast %broadcast_in_dim3A_338 : f32 to vector<16xf32>
      %swap3A_340 = arith.index_cast %scan3A_325 : i32 to index
      %swap3A_341 = arith.constant 32 : index
      %swap3A_342 = tpu.vector_load %arg8[%swap3A_340, %swap3A_341] {strides = array<i32>} : memref<1000x64xf32, #tpu.memory_space<vmem>>, vector<1x16xf32>,
      %swap3A_343 = vector.shape_cast %swap3A_342 : vector<1x16xf32> to vector<16xf32>
      %swap3A_344 = vector.shape_cast %broadcast_in_dim3A_339 : vector<16xf32> to vector<1x16xf32>
      tpu.vector_store %arg8[%swap3A_340, %swap3A_341], %swap3A_344 {strides = array<i32>} : memref<1000x64xf32, #tpu.memory_space<vmem>>, vector<1x16xf32>,
      %broadcast_in_dim3A_345 = arith.constant 0.000000e+00 : f32
      %broadcast_in_dim3A_346 = vector.broadcast %broadcast_in_dim3A_345 : f32 to vector<16xf32>
      %swap3A_347 = arith.index_cast %scan3A_325 : i32 to index
      %swap3A_348 = arith.constant 48 : index
      %swap3A_349 = tpu.vector_load %arg8[%swap3A_347, %swap3A_348] {strides = array<i32>} : memref<1000x64xf32, #tpu.memory_space<vmem>>, vector<1x16xf32>,
      %swap3A_350 = vector.shape_cast %swap3A_349 : vector<1x16xf32> to vector<16xf32>
      %swap3A_351 = vector.shape_cast %broadcast_in_dim3A_346 : vector<16xf32> to vector<1x16xf32>
      tpu.vector_store %arg8[%swap3A_347, %swap3A_348], %swap3A_351 {strides = array<i32>} : memref<1000x64xf32, #tpu.memory_space<vmem>>, vector<1x16xf32>,
    }
    %scan3A_40 = arith.constant 128 : i32
    %scan3A_41 = arith.constant 0 : i32
    %scan3A_42 = arith.constant 0 : i32
    %scan3A_43 = arith.constant 5 : i32
    %scan3A_44 = arith.addi %scan3A_42, %scan3A_43 : i32
    %scan3A_45 = arith.constant 1 : i32
    scf.for %scan3A_325 = %scan3A_42 to %scan3A_44 step %scan3A_45  : i32 {
      %mul3A_326 = arith.constant 128 : i32
      %mul3A_327 = arith.muli %scan3A_325, %mul3A_326 : i32
      %add3A = arith.addi %mul3A_0, %mul3A_327 : i32
      "tpu.region"() ({
        %run_scoped3A = tpu.sem_alloc : memref<!tpu.dma_semaphore, #tpu.memory_space<semaphore_mem>>
        %dma_start3A_328 = arith.constant 0 : i32
        %dma_start3A_329 = arith.constant 0 : i32
        %dma_start3A_330 = tpu.memref_slice %arg8[%dma_start3A_328, %dma_start3A_329] : memref<1000x64xf32, #tpu.memory_space<vmem>> -> memref<128x64xf32, #tpu.memory_space<vmem>>
        %dma_start3A_331 = arith.constant 0 : i32
        %dma_start3A_332 = tpu.memref_slice %arg9[%add3A, %dma_start3A_331] : memref<10240x64xf32, #tpu.memory_space<vmem_shared>> -> memref<128x64xf32, #tpu.memory_space<vmem_shared>>
        %dma_start3A_333 = arith.constant 0 : i32
        %dma_start3A_334 = tpu.memref_slice %arg9[%add3A, %dma_start3A_333] : memref<10240x64xf32, #tpu.memory_space<vmem_shared>> -> memref<128x64xf32, #tpu.memory_space<vmem_shared>>
        %dma_start3A_335 = arith.constant 0 : i32
        %dma_start3A_336 = arith.constant 0 : i32
        %dma_start3A_337 = tpu.memref_slice %arg8[%dma_start3A_335, %dma_start3A_336] : memref<1000x64xf32, #tpu.memory_space<vmem>> -> memref<128x64xf32, #tpu.memory_space<vmem>>
        tpu.enqueue_dma source(%dma_start3A_337 : memref<128x64xf32, #tpu.memory_space<vmem>>) target(%dma_start3A_334 : memref<128x64xf32, #tpu.memory_space<vmem_shared>>) target_semaphore(%run_scoped3A : memref<!tpu.dma_semaphore, #tpu.memory_space<semaphore_mem>>)
        %dma_wait3A_338 = arith.constant 0 : i32
        %dma_wait3A_339 = arith.constant 0 : i32
        %dma_wait3A_340 = tpu.memref_slice %arg8[%dma_wait3A_338, %dma_wait3A_339] : memref<1000x64xf32, #tpu.memory_space<vmem>> -> memref<128x64xf32, #tpu.memory_space<vmem>>
        %dma_wait3A_341 = arith.constant 0 : i32
        %dma_wait3A_342 = tpu.memref_slice %arg9[%add3A, %dma_wait3A_341] : memref<10240x64xf32, #tpu.memory_space<vmem_shared>> -> memref<128x64xf32, #tpu.memory_space<vmem_shared>>
        %dma_wait3A_343 = arith.constant 0 : i32
        %dma_wait3A_344 = tpu.memref_slice %arg9[%add3A, %dma_wait3A_343] : memref<10240x64xf32, #tpu.memory_space<vmem_shared>> -> memref<128x64xf32, #tpu.memory_space<vmem_shared>>
        %dma_wait3A_345 = arith.constant 0 : i32
        %dma_wait3A_346 = arith.constant 0 : i32
        %dma_wait3A_347 = tpu.memref_slice %arg8[%dma_wait3A_345, %dma_wait3A_346] : memref<1000x64xf32, #tpu.memory_space<vmem>> -> memref<128x64xf32, #tpu.memory_space<vmem>>
        tpu.wait_dma2 semaphore(%run_scoped3A : memref<!tpu.dma_semaphore, #tpu.memory_space<semaphore_mem>>) src(%dma_wait3A_347 : memref<128x64xf32, #tpu.memory_space<vmem>>) dst(%dma_wait3A_344 : memref<128x64xf32, #tpu.memory_space<vmem_shared>>)
        tpu.yield
      }) : () -> ()
    }
    %scan3A_46 = arith.constant 5 : i32
    %barrier3A = arith.constant 0 : index
    tpu.barrier barrier_id(%barrier3A)
    %dma_wait3A = arith.constant 0 : i32
    %dma_wait3A_47 = arith.constant 0 : i32
    %dma_wait3A_48 = arith.constant 0 : i32
    %dma_wait3A_49 = arith.constant 0 : i32
    %dma_wait3A_50 = tpu.memref_slice %arg6[%dma_wait3A_47, %dma_wait3A_48, %dma_wait3A_49] : memref<2x40x125xi32, #tpu.memory_space<vmem>> -> memref<1x40x125xi32, #tpu.memory_space<vmem>>
    %dma_wait3A_51 = tpu.memref_squeeze %dma_wait3A_50 : memref<1x40x125xi32, #tpu.memory_space<vmem>> -> memref<40x125xi32, #tpu.memory_space<vmem>>
    %dma_wait3A_52 = arith.constant 0 : i32
    %dma_wait3A_53 = arith.constant 0 : i32
    %dma_wait3A_54 = tpu.memref_slice %arg3[%arg0, %arg1, %dma_wait3A, %dma_wait3A_52, %dma_wait3A_53] : memref<2x16x4x40x125xi32, #tpu.memory_space<hbm>> -> memref<1x1x1x40x125xi32, #tpu.memory_space<hbm>>
    %dma_wait3A_55 = tpu.memref_squeeze %dma_wait3A_54 : memref<1x1x1x40x125xi32, #tpu.memory_space<hbm>> -> memref<40x125xi32, #tpu.memory_space<hbm>>
    %dma_wait3A_56 = arith.constant 0 : i32
    %dma_wait3A_57 = arith.constant 0 : i32
    %dma_wait3A_58 = tpu.memref_slice %arg6[%dma_wait3A_47, %dma_wait3A_56, %dma_wait3A_57] : memref<2x40x125xi32, #tpu.memory_space<vmem>> -> memref<1x40x125xi32, #tpu.memory_space<vmem>>
    %dma_wait3A_59 = tpu.memref_squeeze %dma_wait3A_58 : memref<1x40x125xi32, #tpu.memory_space<vmem>> -> memref<40x125xi32, #tpu.memory_space<vmem>>
    %dma_wait3A_60 = arith.constant 0 : i32
    %dma_wait3A_61 = arith.constant 0 : i32
    %dma_wait3A_62 = tpu.memref_slice %arg3[%arg0, %arg1, %dma_wait3A, %dma_wait3A_60, %dma_wait3A_61] : memref<2x16x4x40x125xi32, #tpu.memory_space<hbm>> -> memref<1x1x1x40x125xi32, #tpu.memory_space<hbm>>
    %dma_wait3A_63 = tpu.memref_squeeze %dma_wait3A_62 : memref<1x1x1x40x125xi32, #tpu.memory_space<hbm>> -> memref<40x125xi32, #tpu.memory_space<hbm>>
    tpu.wait_dma2 semaphore(%arg12 : memref<!tpu.dma_semaphore, #tpu.memory_space<semaphore_mem>>) src(%dma_wait3A_63 : memref<40x125xi32, #tpu.memory_space<hbm>>) dst(%dma_wait3A_59 : memref<40x125xi32, #tpu.memory_space<vmem>>)
    %dma_wait3A_64 = arith.constant 0 : i32
    %dma_wait3A_65 = arith.constant 0 : i32
    %dma_wait3A_66 = arith.constant 0 : i32
    %dma_wait3A_67 = arith.constant 0 : i32
    %dma_wait3A_68 = tpu.memref_slice %arg7[%dma_wait3A_65, %dma_wait3A_66, %dma_wait3A_67] : memref<2x40x125xi32, #tpu.memory_space<vmem>> -> memref<1x40x125xi32, #tpu.memory_space<vmem>>
    %dma_wait3A_69 = tpu.memref_squeeze %dma_wait3A_68 : memref<1x40x125xi32, #tpu.memory_space<vmem>> -> memref<40x125xi32, #tpu.memory_space<vmem>>
    %dma_wait3A_70 = arith.constant 0 : i32
    %dma_wait3A_71 = arith.constant 0 : i32
    %dma_wait3A_72 = tpu.memref_slice %arg4[%arg1, %dma_wait3A_64, %dma_wait3A_70, %dma_wait3A_71] : memref<16x4x40x125xi32, #tpu.memory_space<hbm>> -> memref<1x1x40x125xi32, #tpu.memory_space<hbm>>
    %dma_wait3A_73 = tpu.memref_squeeze %dma_wait3A_72 : memref<1x1x40x125xi32, #tpu.memory_space<hbm>> -> memref<40x125xi32, #tpu.memory_space<hbm>>
    %dma_wait3A_74 = arith.constant 0 : i32
    %dma_wait3A_75 = arith.constant 0 : i32
    %dma_wait3A_76 = tpu.memref_slice %arg7[%dma_wait3A_65, %dma_wait3A_74, %dma_wait3A_75] : memref<2x40x125xi32, #tpu.memory_space<vmem>> -> memref<1x40x125xi32, #tpu.memory_space<vmem>>
    %dma_wait3A_77 = tpu.memref_squeeze %dma_wait3A_76 : memref<1x40x125xi32, #tpu.memory_space<vmem>> -> memref<40x125xi32, #tpu.memory_space<vmem>>
    %dma_wait3A_78 = arith.constant 0 : i32
    %dma_wait3A_79 = arith.constant 0 : i32
    %dma_wait3A_80 = tpu.memref_slice %arg4[%arg1, %dma_wait3A_64, %dma_wait3A_78, %dma_wait3A_79] : memref<16x4x40x125xi32, #tpu.memory_space<hbm>> -> memref<1x1x40x125xi32, #tpu.memory_space<hbm>>
    %dma_wait3A_81 = tpu.memref_squeeze %dma_wait3A_80 : memref<1x1x40x125xi32, #tpu.memory_space<hbm>> -> memref<40x125xi32, #tpu.memory_space<hbm>>
    tpu.wait_dma2 semaphore(%arg12 : memref<!tpu.dma_semaphore, #tpu.memory_space<semaphore_mem>>) src(%dma_wait3A_81 : memref<40x125xi32, #tpu.memory_space<hbm>>) dst(%dma_wait3A_77 : memref<40x125xi32, #tpu.memory_space<vmem>>)
    %dma_start3A_82 = arith.constant 1 : i32
    %dma_start3A_83 = arith.constant 1 : i32
    %dma_start3A_84 = arith.constant 0 : i32
    %dma_start3A_85 = arith.constant 0 : i32
    %dma_start3A_86 = tpu.memref_slice %arg6[%dma_start3A_83, %dma_start3A_84, %dma_start3A_85] : memref<2x40x125xi32, #tpu.memory_space<vmem>> -> memref<1x40x125xi32, #tpu.memory_space<vmem>>
    %dma_start3A_87 = tpu.memref_squeeze %dma_start3A_86 : memref<1x40x125xi32, #tpu.memory_space<vmem>> -> memref<40x125xi32, #tpu.memory_space<vmem>>
    %dma_start3A_88 = arith.constant 0 : i32
    %dma_start3A_89 = arith.constant 0 : i32
    %dma_start3A_90 = tpu.memref_slice %arg3[%arg0, %arg1, %dma_start3A_82, %dma_start3A_88, %dma_start3A_89] : memref<2x16x4x40x125xi32, #tpu.memory_space<hbm>> -> memref<1x1x1x40x125xi32, #tpu.memory_space<hbm>>
    %dma_start3A_91 = tpu.memref_squeeze %dma_start3A_90 : memref<1x1x1x40x125xi32, #tpu.memory_space<hbm>> -> memref<40x125xi32, #tpu.memory_space<hbm>>
    %dma_start3A_92 = arith.constant 0 : i32
    %dma_start3A_93 = arith.constant 0 : i32
    %dma_start3A_94 = tpu.memref_slice %arg6[%dma_start3A_83, %dma_start3A_92, %dma_start3A_93] : memref<2x40x125xi32, #tpu.memory_space<vmem>> -> memref<1x40x125xi32, #tpu.memory_space<vmem>>
    %dma_start3A_95 = tpu.memref_squeeze %dma_start3A_94 : memref<1x40x125xi32, #tpu.memory_space<vmem>> -> memref<40x125xi32, #tpu.memory_space<vmem>>
    %dma_start3A_96 = arith.constant 0 : i32
    %dma_start3A_97 = arith.constant 0 : i32
    %dma_start3A_98 = tpu.memref_slice %arg3[%arg0, %arg1, %dma_start3A_82, %dma_start3A_96, %dma_start3A_97] : memref<2x16x4x40x125xi32, #tpu.memory_space<hbm>> -> memref<1x1x1x40x125xi32, #tpu.memory_space<hbm>>
    %dma_start3A_99 = tpu.memref_squeeze %dma_start3A_98 : memref<1x1x1x40x125xi32, #tpu.memory_space<hbm>> -> memref<40x125xi32, #tpu.memory_space<hbm>>
    tpu.enqueue_dma source(%dma_start3A_99 : memref<40x125xi32, #tpu.memory_space<hbm>>) target(%dma_start3A_95 : memref<40x125xi32, #tpu.memory_space<vmem>>) target_semaphore(%arg12 : memref<!tpu.dma_semaphore, #tpu.memory_space<semaphore_mem>>)
    %dma_start3A_100 = arith.constant 1 : i32
    %dma_start3A_101 = arith.constant 1 : i32
    %dma_start3A_102 = arith.constant 0 : i32
    %dma_start3A_103 = arith.constant 0 : i32
    %dma_start3A_104 = tpu.memref_slice %arg7[%dma_start3A_101, %dma_start3A_102, %dma_start3A_103] : memref<2x40x125xi32, #tpu.memory_space<vmem>> -> memref<1x40x125xi32, #tpu.memory_space<vmem>>
    %dma_start3A_105 = tpu.memref_squeeze %dma_start3A_104 : memref<1x40x125xi32, #tpu.memory_space<vmem>> -> memref<40x125xi32, #tpu.memory_space<vmem>>
    %dma_start3A_106 = arith.constant 0 : i32
    %dma_start3A_107 = arith.constant 0 : i32
    %dma_start3A_108 = tpu.memref_slice %arg4[%arg1, %dma_start3A_100, %dma_start3A_106, %dma_start3A_107] : memref<16x4x40x125xi32, #tpu.memory_space<hbm>> -> memref<1x1x40x125xi32, #tpu.memory_space<hbm>>
    %dma_start3A_109 = tpu.memref_squeeze %dma_start3A_108 : memref<1x1x40x125xi32, #tpu.memory_space<hbm>> -> memref<40x125xi32, #tpu.memory_space<hbm>>
    %dma_start3A_110 = arith.constant 0 : i32
    %dma_start3A_111 = arith.constant 0 : i32
    %dma_start3A_112 = tpu.memref_slice %arg7[%dma_start3A_101, %dma_start3A_110, %dma_start3A_111] : memref<2x40x125xi32, #tpu.memory_space<vmem>> -> memref<1x40x125xi32, #tpu.memory_space<vmem>>
    %dma_start3A_113 = tpu.memref_squeeze %dma_start3A_112 : memref<1x40x125xi32, #tpu.memory_space<vmem>> -> memref<40x125xi32, #tpu.memory_space<vmem>>
    %dma_start3A_114 = arith.constant 0 : i32
    %dma_start3A_115 = arith.constant 0 : i32
    %dma_start3A_116 = tpu.memref_slice %arg4[%arg1, %dma_start3A_100, %dma_start3A_114, %dma_start3A_115] : memref<16x4x40x125xi32, #tpu.memory_space<hbm>> -> memref<1x1x40x125xi32, #tpu.memory_space<hbm>>
    %dma_start3A_117 = tpu.memref_squeeze %dma_start3A_116 : memref<1x1x40x125xi32, #tpu.memory_space<hbm>> -> memref<40x125xi32, #tpu.memory_space<hbm>>
    tpu.enqueue_dma source(%dma_start3A_117 : memref<40x125xi32, #tpu.memory_space<hbm>>) target(%dma_start3A_113 : memref<40x125xi32, #tpu.memory_space<vmem>>) target_semaphore(%arg12 : memref<!tpu.dma_semaphore, #tpu.memory_space<semaphore_mem>>)
    %scan3A_118 = arith.constant 0 : i32
    %scan3A_119 = arith.constant 0 : i32
    %scan3A_120 = arith.constant 5 : i32
    %scan3A_121 = arith.addi %scan3A_119, %scan3A_120 : i32
    %scan3A_122 = arith.constant 1 : i32
    scf.for %scan3A_325 = %scan3A_119 to %scan3A_121 step %scan3A_122  : i32 {
      %mul3A_326 = arith.constant 8 : i32
      %mul3A_327 = arith.muli %scan3A_325, %mul3A_326 : i32
      %add3A = arith.constant 0 : i32
      %add3A_328 = arith.addi %mul3A_327, %add3A : i32
      %dma_start3A_329 = arith.constant 0 : i32
      %dma_start3A_330 = arith.constant 0 : i32
      %dma_start3A_331 = arith.constant 0 : i32
      %dma_start3A_332 = tpu.memref_slice %arg8[%dma_start3A_330, %dma_start3A_331] : memref<1000x64xf32, #tpu.memory_space<vmem>> -> memref<125x64xf32, #tpu.memory_space<vmem>>
      %dma_start3A_333 = arith.constant 0 : i32
      %dma_start3A_334 = tpu.memref_slice %arg6[%dma_start3A_329, %add3A_328, %dma_start3A_333] : memref<2x40x125xi32, #tpu.memory_space<vmem>> -> memref<1x1x125xi32, #tpu.memory_space<vmem>>
      %dma_start3A_335 = tpu.memref_squeeze %dma_start3A_334 : memref<1x1x125xi32, #tpu.memory_space<vmem>> -> memref<125xi32, #tpu.memory_space<vmem>>
      %dma_start3A_336 = arith.constant 0 : i32
      %dma_start3A_337 = arith.constant 0 : i32
      %dma_start3A_338 = tpu.memref_slice %arg2[%dma_start3A_336, %dma_start3A_337] : memref<20000x64xf32, #tpu.memory_space<hbm>> -> memref<20000x64xf32, #tpu.memory_space<hbm>>
      tpu.enqueue_indirect_dma source(%dma_start3A_338 : memref<20000x64xf32, #tpu.memory_space<hbm>>) target(%dma_start3A_332 : memref<125x64xf32, #tpu.memory_space<vmem>>) offsets(%dma_start3A_335 : memref<125xi32, #tpu.memory_space<vmem>>) semaphore(%arg10 : memref<!tpu.dma_semaphore, #tpu.memory_space<semaphore_mem>>)
      %add3A_339 = arith.constant 1 : i32
      %add3A_340 = arith.addi %mul3A_327, %add3A_339 : i32
      %dma_start3A_341 = arith.constant 0 : i32
      %dma_start3A_342 = arith.constant 125 : i32
      %dma_start3A_343 = arith.constant 0 : i32
      %dma_start3A_344 = tpu.memref_slice %arg8[%dma_start3A_342, %dma_start3A_343] : memref<1000x64xf32, #tpu.memory_space<vmem>> -> memref<125x64xf32, #tpu.memory_space<vmem>>
      %dma_start3A_345 = arith.constant 0 : i32
      %dma_start3A_346 = tpu.memref_slice %arg6[%dma_start3A_341, %add3A_340, %dma_start3A_345] : memref<2x40x125xi32, #tpu.memory_space<vmem>> -> memref<1x1x125xi32, #tpu.memory_space<vmem>>
      %dma_start3A_347 = tpu.memref_squeeze %dma_start3A_346 : memref<1x1x125xi32, #tpu.memory_space<vmem>> -> memref<125xi32, #tpu.memory_space<vmem>>
      %dma_start3A_348 = arith.constant 0 : i32
      %dma_start3A_349 = arith.constant 0 : i32
      %dma_start3A_350 = tpu.memref_slice %arg2[%dma_start3A_348, %dma_start3A_349] : memref<20000x64xf32, #tpu.memory_space<hbm>> -> memref<20000x64xf32, #tpu.memory_space<hbm>>
      tpu.enqueue_indirect_dma source(%dma_start3A_350 : memref<20000x64xf32, #tpu.memory_space<hbm>>) target(%dma_start3A_344 : memref<125x64xf32, #tpu.memory_space<vmem>>) offsets(%dma_start3A_347 : memref<125xi32, #tpu.memory_space<vmem>>) semaphore(%arg10 : memref<!tpu.dma_semaphore, #tpu.memory_space<semaphore_mem>>)
      %add3A_351 = arith.constant 2 : i32
      %add3A_352 = arith.addi %mul3A_327, %add3A_351 : i32
      %dma_start3A_353 = arith.constant 0 : i32
      %dma_start3A_354 = arith.constant 250 : i32
      %dma_start3A_355 = arith.constant 0 : i32
      %dma_start3A_356 = tpu.memref_slice %arg8[%dma_start3A_354, %dma_start3A_355] : memref<1000x64xf32, #tpu.memory_space<vmem>> -> memref<125x64xf32, #tpu.memory_space<vmem>>
      %dma_start3A_357 = arith.constant 0 : i32
      %dma_start3A_358 = tpu.memref_slice %arg6[%dma_start3A_353, %add3A_352, %dma_start3A_357] : memref<2x40x125xi32, #tpu.memory_space<vmem>> -> memref<1x1x125xi32, #tpu.memory_space<vmem>>
      %dma_start3A_359 = tpu.memref_squeeze %dma_start3A_358 : memref<1x1x125xi32, #tpu.memory_space<vmem>> -> memref<125xi32, #tpu.memory_space<vmem>>
      %dma_start3A_360 = arith.constant 0 : i32
      %dma_start3A_361 = arith.constant 0 : i32
      %dma_start3A_362 = tpu.memref_slice %arg2[%dma_start3A_360, %dma_start3A_361] : memref<20000x64xf32, #tpu.memory_space<hbm>> -> memref<20000x64xf32, #tpu.memory_space<hbm>>
      tpu.enqueue_indirect_dma source(%dma_start3A_362 : memref<20000x64xf32, #tpu.memory_space<hbm>>) target(%dma_start3A_356 : memref<125x64xf32, #tpu.memory_space<vmem>>) offsets(%dma_start3A_359 : memref<125xi32, #tpu.memory_space<vmem>>) semaphore(%arg10 : memref<!tpu.dma_semaphore, #tpu.memory_space<semaphore_mem>>)
      %add3A_363 = arith.constant 3 : i32
      %add3A_364 = arith.addi %mul3A_327, %add3A_363 : i32
      %dma_start3A_365 = arith.constant 0 : i32
      %dma_start3A_366 = arith.constant 375 : i32
      %dma_start3A_367 = arith.constant 0 : i32
      %dma_start3A_368 = tpu.memref_slice %arg8[%dma_start3A_366, %dma_start3A_367] : memref<1000x64xf32, #tpu.memory_space<vmem>> -> memref<125x64xf32, #tpu.memory_space<vmem>>
      %dma_start3A_369 = arith.constant 0 : i32
      %dma_start3A_370 = tpu.memref_slice %arg6[%dma_start3A_365, %add3A_364, %dma_start3A_369] : memref<2x40x125xi32, #tpu.memory_space<vmem>> -> memref<1x1x125xi32, #tpu.memory_space<vmem>>
      %dma_start3A_371 = tpu.memref_squeeze %dma_start3A_370 : memref<1x1x125xi32, #tpu.memory_space<vmem>> -> memref<125xi32, #tpu.memory_space<vmem>>
      %dma_start3A_372 = arith.constant 0 : i32
      %dma_start3A_373 = arith.constant 0 : i32
      %dma_start3A_374 = tpu.memref_slice %arg2[%dma_start3A_372, %dma_start3A_373] : memref<20000x64xf32, #tpu.memory_space<hbm>> -> memref<20000x64xf32, #tpu.memory_space<hbm>>
      tpu.enqueue_indirect_dma source(%dma_start3A_374 : memref<20000x64xf32, #tpu.memory_space<hbm>>) target(%dma_start3A_368 : memref<125x64xf32, #tpu.memory_space<vmem>>) offsets(%dma_start3A_371 : memref<125xi32, #tpu.memory_space<vmem>>) semaphore(%arg10 : memref<!tpu.dma_semaphore, #tpu.memory_space<semaphore_mem>>)
      %add3A_375 = arith.constant 4 : i32
      %add3A_376 = arith.addi %mul3A_327, %add3A_375 : i32
      %dma_start3A_377 = arith.constant 0 : i32
      %dma_start3A_378 = arith.constant 500 : i32
      %dma_start3A_379 = arith.constant 0 : i32
      %dma_start3A_380 = tpu.memref_slice %arg8[%dma_start3A_378, %dma_start3A_379] : memref<1000x64xf32, #tpu.memory_space<vmem>> -> memref<125x64xf32, #tpu.memory_space<vmem>>
      %dma_start3A_381 = arith.constant 0 : i32
      %dma_start3A_382 = tpu.memref_slice %arg6[%dma_start3A_377, %add3A_376, %dma_start3A_381] : memref<2x40x125xi32, #tpu.memory_space<vmem>> -> memref<1x1x125xi32, #tpu.memory_space<vmem>>
      %dma_start3A_383 = tpu.memref_squeeze %dma_start3A_382 : memref<1x1x125xi32, #tpu.memory_space<vmem>> -> memref<125xi32, #tpu.memory_space<vmem>>
      %dma_start3A_384 = arith.constant 0 : i32
      %dma_start3A_385 = arith.constant 0 : i32
      %dma_start3A_386 = tpu.memref_slice %arg2[%dma_start3A_384, %dma_start3A_385] : memref<20000x64xf32, #tpu.memory_space<hbm>> -> memref<20000x64xf32, #tpu.memory_space<hbm>>
      tpu.enqueue_indirect_dma source(%dma_start3A_386 : memref<20000x64xf32, #tpu.memory_space<hbm>>) target(%dma_start3A_380 : memref<125x64xf32, #tpu.memory_space<vmem>>) offsets(%dma_start3A_383 : memref<125xi32, #tpu.memory_space<vmem>>) semaphore(%arg10 : memref<!tpu.dma_semaphore, #tpu.memory_space<semaphore_mem>>)
      %add3A_387 = arith.constant 5 : i32
      %add3A_388 = arith.addi %mul3A_327, %add3A_387 : i32
      %dma_start3A_389 = arith.constant 0 : i32
      %dma_start3A_390 = arith.constant 625 : i32
      %dma_start3A_391 = arith.constant 0 : i32
      %dma_start3A_392 = tpu.memref_slice %arg8[%dma_start3A_390, %dma_start3A_391] : memref<1000x64xf32, #tpu.memory_space<vmem>> -> memref<125x64xf32, #tpu.memory_space<vmem>>
      %dma_start3A_393 = arith.constant 0 : i32
      %dma_start3A_394 = tpu.memref_slice %arg6[%dma_start3A_389, %add3A_388, %dma_start3A_393] : memref<2x40x125xi32, #tpu.memory_space<vmem>> -> memref<1x1x125xi32, #tpu.memory_space<vmem>>
      %dma_start3A_395 = tpu.memref_squeeze %dma_start3A_394 : memref<1x1x125xi32, #tpu.memory_space<vmem>> -> memref<125xi32, #tpu.memory_space<vmem>>
      %dma_start3A_396 = arith.constant 0 : i32
      %dma_start3A_397 = arith.constant 0 : i32
      %dma_start3A_398 = tpu.memref_slice %arg2[%dma_start3A_396, %dma_start3A_397] : memref<20000x64xf32, #tpu.memory_space<hbm>> -> memref<20000x64xf32, #tpu.memory_space<hbm>>
      tpu.enqueue_indirect_dma source(%dma_start3A_398 : memref<20000x64xf32, #tpu.memory_space<hbm>>) target(%dma_start3A_392 : memref<125x64xf32, #tpu.memory_space<vmem>>) offsets(%dma_start3A_395 : memref<125xi32, #tpu.memory_space<vmem>>) semaphore(%arg10 : memref<!tpu.dma_semaphore, #tpu.memory_space<semaphore_mem>>)
      %add3A_399 = arith.constant 6 : i32
      %add3A_400 = arith.addi %mul3A_327, %add3A_399 : i32
      %dma_start3A_401 = arith.constant 0 : i32
      %dma_start3A_402 = arith.constant 750 : i32
      %dma_start3A_403 = arith.constant 0 : i32
      %dma_start3A_404 = tpu.memref_slice %arg8[%dma_start3A_402, %dma_start3A_403] : memref<1000x64xf32, #tpu.memory_space<vmem>> -> memref<125x64xf32, #tpu.memory_space<vmem>>
      %dma_start3A_405 = arith.constant 0 : i32
      %dma_start3A_406 = tpu.memref_slice %arg6[%dma_start3A_401, %add3A_400, %dma_start3A_405] : memref<2x40x125xi32, #tpu.memory_space<vmem>> -> memref<1x1x125xi32, #tpu.memory_space<vmem>>
      %dma_start3A_407 = tpu.memref_squeeze %dma_start3A_406 : memref<1x1x125xi32, #tpu.memory_space<vmem>> -> memref<125xi32, #tpu.memory_space<vmem>>
      %dma_start3A_408 = arith.constant 0 : i32
      %dma_start3A_409 = arith.constant 0 : i32
      %dma_start3A_410 = tpu.memref_slice %arg2[%dma_start3A_408, %dma_start3A_409] : memref<20000x64xf32, #tpu.memory_space<hbm>> -> memref<20000x64xf32, #tpu.memory_space<hbm>>
      tpu.enqueue_indirect_dma source(%dma_start3A_410 : memref<20000x64xf32, #tpu.memory_space<hbm>>) target(%dma_start3A_404 : memref<125x64xf32, #tpu.memory_space<vmem>>) offsets(%dma_start3A_407 : memref<125xi32, #tpu.memory_space<vmem>>) semaphore(%arg10 : memref<!tpu.dma_semaphore, #tpu.memory_space<semaphore_mem>>)
      %add3A_411 = arith.constant 7 : i32
      %add3A_412 = arith.addi %mul3A_327, %add3A_411 : i32
      %dma_start3A_413 = arith.constant 0 : i32
      %dma_start3A_414 = arith.constant 875 : i32
      %dma_start3A_415 = arith.constant 0 : i32
      %dma_start3A_416 = tpu.memref_slice %arg8[%dma_start3A_414, %dma_start3A_415] : memref<1000x64xf32, #tpu.memory_space<vmem>> -> memref<125x64xf32, #tpu.memory_space<vmem>>
      %dma_start3A_417 = arith.constant 0 : i32
      %dma_start3A_418 = tpu.memref_slice %arg6[%dma_start3A_413, %add3A_412, %dma_start3A_417] : memref<2x40x125xi32, #tpu.memory_space<vmem>> -> memref<1x1x125xi32, #tpu.memory_space<vmem>>
      %dma_start3A_419 = tpu.memref_squeeze %dma_start3A_418 : memref<1x1x125xi32, #tpu.memory_space<vmem>> -> memref<125xi32, #tpu.memory_space<vmem>>
      %dma_start3A_420 = arith.constant 0 : i32
      %dma_start3A_421 = arith.constant 0 : i32
      %dma_start3A_422 = tpu.memref_slice %arg2[%dma_start3A_420, %dma_start3A_421] : memref<20000x64xf32, #tpu.memory_space<hbm>> -> memref<20000x64xf32, #tpu.memory_space<hbm>>
      tpu.enqueue_indirect_dma source(%dma_start3A_422 : memref<20000x64xf32, #tpu.memory_space<hbm>>) target(%dma_start3A_416 : memref<125x64xf32, #tpu.memory_space<vmem>>) offsets(%dma_start3A_419 : memref<125xi32, #tpu.memory_space<vmem>>) semaphore(%arg10 : memref<!tpu.dma_semaphore, #tpu.memory_space<semaphore_mem>>)
      %dma_wait3A_423 = arith.constant 0 : i32
      %dma_wait3A_424 = arith.constant 0 : i32
      %dma_wait3A_425 = arith.constant 0 : i32
      %dma_wait3A_426 = tpu.memref_slice %arg8[%dma_wait3A_424, %dma_wait3A_425] : memref<1000x64xf32, #tpu.memory_space<vmem>> -> memref<125x64xf32, #tpu.memory_space<vmem>>
      %dma_wait3A_427 = arith.constant 0 : i32
      %dma_wait3A_428 = tpu.memref_slice %arg6[%dma_wait3A_423, %add3A_328, %dma_wait3A_427] : memref<2x40x125xi32, #tpu.memory_space<vmem>> -> memref<1x1x125xi32, #tpu.memory_space<vmem>>
      %dma_wait3A_429 = tpu.memref_squeeze %dma_wait3A_428 : memref<1x1x125xi32, #tpu.memory_space<vmem>> -> memref<125xi32, #tpu.memory_space<vmem>>
      %dma_wait3A_430 = arith.constant 0 : i32
      %dma_wait3A_431 = arith.constant 0 : i32
      %dma_wait3A_432 = tpu.memref_slice %arg2[%dma_wait3A_430, %dma_wait3A_431] : memref<20000x64xf32, #tpu.memory_space<hbm>> -> memref<20000x64xf32, #tpu.memory_space<hbm>>
      tpu.wait_indirect_dma semaphore(%arg10 : memref<!tpu.dma_semaphore, #tpu.memory_space<semaphore_mem>>) src(%dma_wait3A_432 : memref<20000x64xf32, #tpu.memory_space<hbm>>) dst(%dma_wait3A_426 : memref<125x64xf32, #tpu.memory_space<vmem>>)
      %add3A_433 = arith.constant 0 : i32
      %add3A_434 = arith.addi %mul3A_327, %add3A_433 : i32
      %dma_start3A_435 = arith.constant 0 : i32
      %dma_start3A_436 = arith.constant 0 : i32
      %dma_start3A_437 = arith.constant 0 : i32
      %dma_start3A_438 = tpu.memref_slice %arg8[%dma_start3A_436, %dma_start3A_437] : memref<1000x64xf32, #tpu.memory_space<vmem>> -> memref<125x64xf32, #tpu.memory_space<vmem>>
      %dma_start3A_439 = arith.constant 0 : i32
      %dma_start3A_440 = tpu.memref_slice %arg7[%dma_start3A_435, %add3A_434, %dma_start3A_439] : memref<2x40x125xi32, #tpu.memory_space<vmem>> -> memref<1x1x125xi32, #tpu.memory_space<vmem>>
      %dma_start3A_441 = tpu.memref_squeeze %dma_start3A_440 : memref<1x1x125xi32, #tpu.memory_space<vmem>> -> memref<125xi32, #tpu.memory_space<vmem>>
      %dma_start3A_442 = arith.constant 0 : i32
      %dma_start3A_443 = arith.constant 0 : i32
      %dma_start3A_444 = tpu.memref_slice %arg9[%dma_start3A_442, %dma_start3A_443] : memref<10240x64xf32, #tpu.memory_space<vmem_shared>> -> memref<10240x64xf32, #tpu.memory_space<vmem_shared>>
      tpu.enqueue_indirect_dma source(%dma_start3A_438 : memref<125x64xf32, #tpu.memory_space<vmem>>) target(%dma_start3A_444 : memref<10240x64xf32, #tpu.memory_space<vmem_shared>>) offsets(%dma_start3A_441 : memref<125xi32, #tpu.memory_space<vmem>>) semaphore(%arg11 : memref<!tpu.dma_semaphore, #tpu.memory_space<semaphore_mem>>) {add = true}
      %dma_wait3A_445 = arith.constant 0 : i32
      %dma_wait3A_446 = arith.constant 125 : i32
      %dma_wait3A_447 = arith.constant 0 : i32
      %dma_wait3A_448 = tpu.memref_slice %arg8[%dma_wait3A_446, %dma_wait3A_447] : memref<1000x64xf32, #tpu.memory_space<vmem>> -> memref<125x64xf32, #tpu.memory_space<vmem>>
      %dma_wait3A_449 = arith.constant 0 : i32
      %dma_wait3A_450 = tpu.memref_slice %arg6[%dma_wait3A_445, %add3A_340, %dma_wait3A_449] : memref<2x40x125xi32, #tpu.memory_space<vmem>> -> memref<1x1x125xi32, #tpu.memory_space<vmem>>
      %dma_wait3A_451 = tpu.memref_squeeze %dma_wait3A_450 : memref<1x1x125xi32, #tpu.memory_space<vmem>> -> memref<125xi32, #tpu.memory_space<vmem>>
      %dma_wait3A_452 = arith.constant 0 : i32
      %dma_wait3A_453 = arith.constant 0 : i32
      %dma_wait3A_454 = tpu.memref_slice %arg2[%dma_wait3A_452, %dma_wait3A_453] : memref<20000x64xf32, #tpu.memory_space<hbm>> -> memref<20000x64xf32, #tpu.memory_space<hbm>>
      tpu.wait_indirect_dma semaphore(%arg10 : memref<!tpu.dma_semaphore, #tpu.memory_space<semaphore_mem>>) src(%dma_wait3A_454 : memref<20000x64xf32, #tpu.memory_space<hbm>>) dst(%dma_wait3A_448 : memref<125x64xf32, #tpu.memory_space<vmem>>)
      %add3A_455 = arith.constant 1 : i32
      %add3A_456 = arith.addi %mul3A_327, %add3A_455 : i32
      %dma_start3A_457 = arith.constant 0 : i32
      %dma_start3A_458 = arith.constant 125 : i32
      %dma_start3A_459 = arith.constant 0 : i32
      %dma_start3A_460 = tpu.memref_slice %arg8[%dma_start3A_458, %dma_start3A_459] : memref<1000x64xf32, #tpu.memory_space<vmem>> -> memref<125x64xf32, #tpu.memory_space<vmem>>
      %dma_start3A_461 = arith.constant 0 : i32
      %dma_start3A_462 = tpu.memref_slice %arg7[%dma_start3A_457, %add3A_456, %dma_start3A_461] : memref<2x40x125xi32, #tpu.memory_space<vmem>> -> memref<1x1x125xi32, #tpu.memory_space<vmem>>
      %dma_start3A_463 = tpu.memref_squeeze %dma_start3A_462 : memref<1x1x125xi32, #tpu.memory_space<vmem>> -> memref<125xi32, #tpu.memory_space<vmem>>
      %dma_start3A_464 = arith.constant 0 : i32
      %dma_start3A_465 = arith.constant 0 : i32
      %dma_start3A_466 = tpu.memref_slice %arg9[%dma_start3A_464, %dma_start3A_465] : memref<10240x64xf32, #tpu.memory_space<vmem_shared>> -> memref<10240x64xf32, #tpu.memory_space<vmem_shared>>
      tpu.enqueue_indirect_dma source(%dma_start3A_460 : memref<125x64xf32, #tpu.memory_space<vmem>>) target(%dma_start3A_466 : memref<10240x64xf32, #tpu.memory_space<vmem_shared>>) offsets(%dma_start3A_463 : memref<125xi32, #tpu.memory_space<vmem>>) semaphore(%arg11 : memref<!tpu.dma_semaphore, #tpu.memory_space<semaphore_mem>>) {add = true}
      %dma_wait3A_467 = arith.constant 0 : i32
      %dma_wait3A_468 = arith.constant 250 : i32
      %dma_wait3A_469 = arith.constant 0 : i32
      %dma_wait3A_470 = tpu.memref_slice %arg8[%dma_wait3A_468, %dma_wait3A_469] : memref<1000x64xf32, #tpu.memory_space<vmem>> -> memref<125x64xf32, #tpu.memory_space<vmem>>
      %dma_wait3A_471 = arith.constant 0 : i32
      %dma_wait3A_472 = tpu.memref_slice %arg6[%dma_wait3A_467, %add3A_352, %dma_wait3A_471] : memref<2x40x125xi32, #tpu.memory_space<vmem>> -> memref<1x1x125xi32, #tpu.memory_space<vmem>>
      %dma_wait3A_473 = tpu.memref_squeeze %dma_wait3A_472 : memref<1x1x125xi32, #tpu.memory_space<vmem>> -> memref<125xi32, #tpu.memory_space<vmem>>
      %dma_wait3A_474 = arith.constant 0 : i32
      %dma_wait3A_475 = arith.constant 0 : i32
      %dma_wait3A_476 = tpu.memref_slice %arg2[%dma_wait3A_474, %dma_wait3A_475] : memref<20000x64xf32, #tpu.memory_space<hbm>> -> memref<20000x64xf32, #tpu.memory_space<hbm>>
      tpu.wait_indirect_dma semaphore(%arg10 : memref<!tpu.dma_semaphore, #tpu.memory_space<semaphore_mem>>) src(%dma_wait3A_476 : memref<20000x64xf32, #tpu.memory_space<hbm>>) dst(%dma_wait3A_470 : memref<125x64xf32, #tpu.memory_space<vmem>>)
      %add3A_477 = arith.constant 2 : i32
      %add3A_478 = arith.addi %mul3A_327, %add3A_477 : i32
      %dma_start3A_479 = arith.constant 0 : i32
      %dma_start3A_480 = arith.constant 250 : i32
      %dma_start3A_481 = arith.constant 0 : i32
      %dma_start3A_482 = tpu.memref_slice %arg8[%dma_start3A_480, %dma_start3A_481] : memref<1000x64xf32, #tpu.memory_space<vmem>> -> memref<125x64xf32, #tpu.memory_space<vmem>>
      %dma_start3A_483 = arith.constant 0 : i32
      %dma_start3A_484 = tpu.memref_slice %arg7[%dma_start3A_479, %add3A_478, %dma_start3A_483] : memref<2x40x125xi32, #tpu.memory_space<vmem>> -> memref<1x1x125xi32, #tpu.memory_space<vmem>>
      %dma_start3A_485 = tpu.memref_squeeze %dma_start3A_484 : memref<1x1x125xi32, #tpu.memory_space<vmem>> -> memref<125xi32, #tpu.memory_space<vmem>>
      %dma_start3A_486 = arith.constant 0 : i32
      %dma_start3A_487 = arith.constant 0 : i32
      %dma_start3A_488 = tpu.memref_slice %arg9[%dma_start3A_486, %dma_start3A_487] : memref<10240x64xf32, #tpu.memory_space<vmem_shared>> -> memref<10240x64xf32, #tpu.memory_space<vmem_shared>>
      tpu.enqueue_indirect_dma source(%dma_start3A_482 : memref<125x64xf32, #tpu.memory_space<vmem>>) target(%dma_start3A_488 : memref<10240x64xf32, #tpu.memory_space<vmem_shared>>) offsets(%dma_start3A_485 : memref<125xi32, #tpu.memory_space<vmem>>) semaphore(%arg11 : memref<!tpu.dma_semaphore, #tpu.memory_space<semaphore_mem>>) {add = true}
      %dma_wait3A_489 = arith.constant 0 : i32
      %dma_wait3A_490 = arith.constant 375 : i32
      %dma_wait3A_491 = arith.constant 0 : i32
      %dma_wait3A_492 = tpu.memref_slice %arg8[%dma_wait3A_490, %dma_wait3A_491] : memref<1000x64xf32, #tpu.memory_space<vmem>> -> memref<125x64xf32, #tpu.memory_space<vmem>>
      %dma_wait3A_493 = arith.constant 0 : i32
      %dma_wait3A_494 = tpu.memref_slice %arg6[%dma_wait3A_489, %add3A_364, %dma_wait3A_493] : memref<2x40x125xi32, #tpu.memory_space<vmem>> -> memref<1x1x125xi32, #tpu.memory_space<vmem>>
      %dma_wait3A_495 = tpu.memref_squeeze %dma_wait3A_494 : memref<1x1x125xi32, #tpu.memory_space<vmem>> -> memref<125xi32, #tpu.memory_space<vmem>>
      %dma_wait3A_496 = arith.constant 0 : i32
      %dma_wait3A_497 = arith.constant 0 : i32
      %dma_wait3A_498 = tpu.memref_slice %arg2[%dma_wait3A_496, %dma_wait3A_497] : memref<20000x64xf32, #tpu.memory_space<hbm>> -> memref<20000x64xf32, #tpu.memory_space<hbm>>
      tpu.wait_indirect_dma semaphore(%arg10 : memref<!tpu.dma_semaphore, #tpu.memory_space<semaphore_mem>>) src(%dma_wait3A_498 : memref<20000x64xf32, #tpu.memory_space<hbm>>) dst(%dma_wait3A_492 : memref<125x64xf32, #tpu.memory_space<vmem>>)
      %add3A_499 = arith.constant 3 : i32
      %add3A_500 = arith.addi %mul3A_327, %add3A_499 : i32
      %dma_start3A_501 = arith.constant 0 : i32
      %dma_start3A_502 = arith.constant 375 : i32
      %dma_start3A_503 = arith.constant 0 : i32
      %dma_start3A_504 = tpu.memref_slice %arg8[%dma_start3A_502, %dma_start3A_503] : memref<1000x64xf32, #tpu.memory_space<vmem>> -> memref<125x64xf32, #tpu.memory_space<vmem>>
      %dma_start3A_505 = arith.constant 0 : i32
      %dma_start3A_506 = tpu.memref_slice %arg7[%dma_start3A_501, %add3A_500, %dma_start3A_505] : memref<2x40x125xi32, #tpu.memory_space<vmem>> -> memref<1x1x125xi32, #tpu.memory_space<vmem>>
      %dma_start3A_507 = tpu.memref_squeeze %dma_start3A_506 : memref<1x1x125xi32, #tpu.memory_space<vmem>> -> memref<125xi32, #tpu.memory_space<vmem>>
      %dma_start3A_508 = arith.constant 0 : i32
      %dma_start3A_509 = arith.constant 0 : i32
      %dma_start3A_510 = tpu.memref_slice %arg9[%dma_start3A_508, %dma_start3A_509] : memref<10240x64xf32, #tpu.memory_space<vmem_shared>> -> memref<10240x64xf32, #tpu.memory_space<vmem_shared>>
      tpu.enqueue_indirect_dma source(%dma_start3A_504 : memref<125x64xf32, #tpu.memory_space<vmem>>) target(%dma_start3A_510 : memref<10240x64xf32, #tpu.memory_space<vmem_shared>>) offsets(%dma_start3A_507 : memref<125xi32, #tpu.memory_space<vmem>>) semaphore(%arg11 : memref<!tpu.dma_semaphore, #tpu.memory_space<semaphore_mem>>) {add = true}
      %dma_wait3A_511 = arith.constant 0 : i32
      %dma_wait3A_512 = arith.constant 500 : i32
      %dma_wait3A_513 = arith.constant 0 : i32
      %dma_wait3A_514 = tpu.memref_slice %arg8[%dma_wait3A_512, %dma_wait3A_513] : memref<1000x64xf32, #tpu.memory_space<vmem>> -> memref<125x64xf32, #tpu.memory_space<vmem>>
      %dma_wait3A_515 = arith.constant 0 : i32
      %dma_wait3A_516 = tpu.memref_slice %arg6[%dma_wait3A_511, %add3A_376, %dma_wait3A_515] : memref<2x40x125xi32, #tpu.memory_space<vmem>> -> memref<1x1x125xi32, #tpu.memory_space<vmem>>
      %dma_wait3A_517 = tpu.memref_squeeze %dma_wait3A_516 : memref<1x1x125xi32, #tpu.memory_space<vmem>> -> memref<125xi32, #tpu.memory_space<vmem>>
      %dma_wait3A_518 = arith.constant 0 : i32
      %dma_wait3A_519 = arith.constant 0 : i32
      %dma_wait3A_520 = tpu.memref_slice %arg2[%dma_wait3A_518, %dma_wait3A_519] : memref<20000x64xf32, #tpu.memory_space<hbm>> -> memref<20000x64xf32, #tpu.memory_space<hbm>>
      tpu.wait_indirect_dma semaphore(%arg10 : memref<!tpu.dma_semaphore, #tpu.memory_space<semaphore_mem>>) src(%dma_wait3A_520 : memref<20000x64xf32, #tpu.memory_space<hbm>>) dst(%dma_wait3A_514 : memref<125x64xf32, #tpu.memory_space<vmem>>)
      %add3A_521 = arith.constant 4 : i32
      %add3A_522 = arith.addi %mul3A_327, %add3A_521 : i32
      %dma_start3A_523 = arith.constant 0 : i32
      %dma_start3A_524 = arith.constant 500 : i32
      %dma_start3A_525 = arith.constant 0 : i32
      %dma_start3A_526 = tpu.memref_slice %arg8[%dma_start3A_524, %dma_start3A_525] : memref<1000x64xf32, #tpu.memory_space<vmem>> -> memref<125x64xf32, #tpu.memory_space<vmem>>
      %dma_start3A_527 = arith.constant 0 : i32
      %dma_start3A_528 = tpu.memref_slice %arg7[%dma_start3A_523, %add3A_522, %dma_start3A_527] : memref<2x40x125xi32, #tpu.memory_space<vmem>> -> memref<1x1x125xi32, #tpu.memory_space<vmem>>
      %dma_start3A_529 = tpu.memref_squeeze %dma_start3A_528 : memref<1x1x125xi32, #tpu.memory_space<vmem>> -> memref<125xi32, #tpu.memory_space<vmem>>
      %dma_start3A_530 = arith.constant 0 : i32
      %dma_start3A_531 = arith.constant 0 : i32
      %dma_start3A_532 = tpu.memref_slice %arg9[%dma_start3A_530, %dma_start3A_531] : memref<10240x64xf32, #tpu.memory_space<vmem_shared>> -> memref<10240x64xf32, #tpu.memory_space<vmem_shared>>
      tpu.enqueue_indirect_dma source(%dma_start3A_526 : memref<125x64xf32, #tpu.memory_space<vmem>>) target(%dma_start3A_532 : memref<10240x64xf32, #tpu.memory_space<vmem_shared>>) offsets(%dma_start3A_529 : memref<125xi32, #tpu.memory_space<vmem>>) semaphore(%arg11 : memref<!tpu.dma_semaphore, #tpu.memory_space<semaphore_mem>>) {add = true}
      %dma_wait3A_533 = arith.constant 0 : i32
      %dma_wait3A_534 = arith.constant 625 : i32
      %dma_wait3A_535 = arith.constant 0 : i32
      %dma_wait3A_536 = tpu.memref_slice %arg8[%dma_wait3A_534, %dma_wait3A_535] : memref<1000x64xf32, #tpu.memory_space<vmem>> -> memref<125x64xf32, #tpu.memory_space<vmem>>
      %dma_wait3A_537 = arith.constant 0 : i32
      %dma_wait3A_538 = tpu.memref_slice %arg6[%dma_wait3A_533, %add3A_388, %dma_wait3A_537] : memref<2x40x125xi32, #tpu.memory_space<vmem>> -> memref<1x1x125xi32, #tpu.memory_space<vmem>>
      %dma_wait3A_539 = tpu.memref_squeeze %dma_wait3A_538 : memref<1x1x125xi32, #tpu.memory_space<vmem>> -> memref<125xi32, #tpu.memory_space<vmem>>
      %dma_wait3A_540 = arith.constant 0 : i32
      %dma_wait3A_541 = arith.constant 0 : i32
      %dma_wait3A_542 = tpu.memref_slice %arg2[%dma_wait3A_540, %dma_wait3A_541] : memref<20000x64xf32, #tpu.memory_space<hbm>> -> memref<20000x64xf32, #tpu.memory_space<hbm>>
      tpu.wait_indirect_dma semaphore(%arg10 : memref<!tpu.dma_semaphore, #tpu.memory_space<semaphore_mem>>) src(%dma_wait3A_542 : memref<20000x64xf32, #tpu.memory_space<hbm>>) dst(%dma_wait3A_536 : memref<125x64xf32, #tpu.memory_space<vmem>>)
      %add3A_543 = arith.constant 5 : i32
      %add3A_544 = arith.addi %mul3A_327, %add3A_543 : i32
      %dma_start3A_545 = arith.constant 0 : i32
      %dma_start3A_546 = arith.constant 625 : i32
      %dma_start3A_547 = arith.constant 0 : i32
      %dma_start3A_548 = tpu.memref_slice %arg8[%dma_start3A_546, %dma_start3A_547] : memref<1000x64xf32, #tpu.memory_space<vmem>> -> memref<125x64xf32, #tpu.memory_space<vmem>>
      %dma_start3A_549 = arith.constant 0 : i32
      %dma_start3A_550 = tpu.memref_slice %arg7[%dma_start3A_545, %add3A_544, %dma_start3A_549] : memref<2x40x125xi32, #tpu.memory_space<vmem>> -> memref<1x1x125xi32, #tpu.memory_space<vmem>>
      %dma_start3A_551 = tpu.memref_squeeze %dma_start3A_550 : memref<1x1x125xi32, #tpu.memory_space<vmem>> -> memref<125xi32, #tpu.memory_space<vmem>>
      %dma_start3A_552 = arith.constant 0 : i32
      %dma_start3A_553 = arith.constant 0 : i32
      %dma_start3A_554 = tpu.memref_slice %arg9[%dma_start3A_552, %dma_start3A_553] : memref<10240x64xf32, #tpu.memory_space<vmem_shared>> -> memref<10240x64xf32, #tpu.memory_space<vmem_shared>>
      tpu.enqueue_indirect_dma source(%dma_start3A_548 : memref<125x64xf32, #tpu.memory_space<vmem>>) target(%dma_start3A_554 : memref<10240x64xf32, #tpu.memory_space<vmem_shared>>) offsets(%dma_start3A_551 : memref<125xi32, #tpu.memory_space<vmem>>) semaphore(%arg11 : memref<!tpu.dma_semaphore, #tpu.memory_space<semaphore_mem>>) {add = true}
      %dma_wait3A_555 = arith.constant 0 : i32
      %dma_wait3A_556 = arith.constant 750 : i32
      %dma_wait3A_557 = arith.constant 0 : i32
      %dma_wait3A_558 = tpu.memref_slice %arg8[%dma_wait3A_556, %dma_wait3A_557] : memref<1000x64xf32, #tpu.memory_space<vmem>> -> memref<125x64xf32, #tpu.memory_space<vmem>>
      %dma_wait3A_559 = arith.constant 0 : i32
      %dma_wait3A_560 = tpu.memref_slice %arg6[%dma_wait3A_555, %add3A_400, %dma_wait3A_559] : memref<2x40x125xi32, #tpu.memory_space<vmem>> -> memref<1x1x125xi32, #tpu.memory_space<vmem>>
      %dma_wait3A_561 = tpu.memref_squeeze %dma_wait3A_560 : memref<1x1x125xi32, #tpu.memory_space<vmem>> -> memref<125xi32, #tpu.memory_space<vmem>>
      %dma_wait3A_562 = arith.constant 0 : i32
      %dma_wait3A_563 = arith.constant 0 : i32
      %dma_wait3A_564 = tpu.memref_slice %arg2[%dma_wait3A_562, %dma_wait3A_563] : memref<20000x64xf32, #tpu.memory_space<hbm>> -> memref<20000x64xf32, #tpu.memory_space<hbm>>
      tpu.wait_indirect_dma semaphore(%arg10 : memref<!tpu.dma_semaphore, #tpu.memory_space<semaphore_mem>>) src(%dma_wait3A_564 : memref<20000x64xf32, #tpu.memory_space<hbm>>) dst(%dma_wait3A_558 : memref<125x64xf32, #tpu.memory_space<vmem>>)
      %add3A_565 = arith.constant 6 : i32
      %add3A_566 = arith.addi %mul3A_327, %add3A_565 : i32
      %dma_start3A_567 = arith.constant 0 : i32
      %dma_start3A_568 = arith.constant 750 : i32
      %dma_start3A_569 = arith.constant 0 : i32
      %dma_start3A_570 = tpu.memref_slice %arg8[%dma_start3A_568, %dma_start3A_569] : memref<1000x64xf32, #tpu.memory_space<vmem>> -> memref<125x64xf32, #tpu.memory_space<vmem>>
      %dma_start3A_571 = arith.constant 0 : i32
      %dma_start3A_572 = tpu.memref_slice %arg7[%dma_start3A_567, %add3A_566, %dma_start3A_571] : memref<2x40x125xi32, #tpu.memory_space<vmem>> -> memref<1x1x125xi32, #tpu.memory_space<vmem>>
      %dma_start3A_573 = tpu.memref_squeeze %dma_start3A_572 : memref<1x1x125xi32, #tpu.memory_space<vmem>> -> memref<125xi32, #tpu.memory_space<vmem>>
      %dma_start3A_574 = arith.constant 0 : i32
      %dma_start3A_575 = arith.constant 0 : i32
      %dma_start3A_576 = tpu.memref_slice %arg9[%dma_start3A_574, %dma_start3A_575] : memref<10240x64xf32, #tpu.memory_space<vmem_shared>> -> memref<10240x64xf32, #tpu.memory_space<vmem_shared>>
      tpu.enqueue_indirect_dma source(%dma_start3A_570 : memref<125x64xf32, #tpu.memory_space<vmem>>) target(%dma_start3A_576 : memref<10240x64xf32, #tpu.memory_space<vmem_shared>>) offsets(%dma_start3A_573 : memref<125xi32, #tpu.memory_space<vmem>>) semaphore(%arg11 : memref<!tpu.dma_semaphore, #tpu.memory_space<semaphore_mem>>) {add = true}
      %dma_wait3A_577 = arith.constant 0 : i32
      %dma_wait3A_578 = arith.constant 875 : i32
      %dma_wait3A_579 = arith.constant 0 : i32
      %dma_wait3A_580 = tpu.memref_slice %arg8[%dma_wait3A_578, %dma_wait3A_579] : memref<1000x64xf32, #tpu.memory_space<vmem>> -> memref<125x64xf32, #tpu.memory_space<vmem>>
      %dma_wait3A_581 = arith.constant 0 : i32
      %dma_wait3A_582 = tpu.memref_slice %arg6[%dma_wait3A_577, %add3A_412, %dma_wait3A_581] : memref<2x40x125xi32, #tpu.memory_space<vmem>> -> memref<1x1x125xi32, #tpu.memory_space<vmem>>
      %dma_wait3A_583 = tpu.memref_squeeze %dma_wait3A_582 : memref<1x1x125xi32, #tpu.memory_space<vmem>> -> memref<125xi32, #tpu.memory_space<vmem>>
      %dma_wait3A_584 = arith.constant 0 : i32
      %dma_wait3A_585 = arith.constant 0 : i32
      %dma_wait3A_586 = tpu.memref_slice %arg2[%dma_wait3A_584, %dma_wait3A_585] : memref<20000x64xf32, #tpu.memory_space<hbm>> -> memref<20000x64xf32, #tpu.memory_space<hbm>>
      tpu.wait_indirect_dma semaphore(%arg10 : memref<!tpu.dma_semaphore, #tpu.memory_space<semaphore_mem>>) src(%dma_wait3A_586 : memref<20000x64xf32, #tpu.memory_space<hbm>>) dst(%dma_wait3A_580 : memref<125x64xf32, #tpu.memory_space<vmem>>)
      %add3A_587 = arith.constant 7 : i32
      %add3A_588 = arith.addi %mul3A_327, %add3A_587 : i32
      %dma_start3A_589 = arith.constant 0 : i32
      %dma_start3A_590 = arith.constant 875 : i32
      %dma_start3A_591 = arith.constant 0 : i32
      %dma_start3A_592 = tpu.memref_slice %arg8[%dma_start3A_590, %dma_start3A_591] : memref<1000x64xf32, #tpu.memory_space<vmem>> -> memref<125x64xf32, #tpu.memory_space<vmem>>
      %dma_start3A_593 = arith.constant 0 : i32
      %dma_start3A_594 = tpu.memref_slice %arg7[%dma_start3A_589, %add3A_588, %dma_start3A_593] : memref<2x40x125xi32, #tpu.memory_space<vmem>> -> memref<1x1x125xi32, #tpu.memory_space<vmem>>
      %dma_start3A_595 = tpu.memref_squeeze %dma_start3A_594 : memref<1x1x125xi32, #tpu.memory_space<vmem>> -> memref<125xi32, #tpu.memory_space<vmem>>
      %dma_start3A_596 = arith.constant 0 : i32
      %dma_start3A_597 = arith.constant 0 : i32
      %dma_start3A_598 = tpu.memref_slice %arg9[%dma_start3A_596, %dma_start3A_597] : memref<10240x64xf32, #tpu.memory_space<vmem_shared>> -> memref<10240x64xf32, #tpu.memory_space<vmem_shared>>
      tpu.enqueue_indirect_dma source(%dma_start3A_592 : memref<125x64xf32, #tpu.memory_space<vmem>>) target(%dma_start3A_598 : memref<10240x64xf32, #tpu.memory_space<vmem_shared>>) offsets(%dma_start3A_595 : memref<125xi32, #tpu.memory_space<vmem>>) semaphore(%arg11 : memref<!tpu.dma_semaphore, #tpu.memory_space<semaphore_mem>>) {add = true}
      %dma_wait3A_599 = arith.constant 0 : i32
      %dma_wait3A_600 = arith.constant 0 : i32
      %dma_wait3A_601 = arith.constant 0 : i32
      %dma_wait3A_602 = tpu.memref_slice %arg8[%dma_wait3A_600, %dma_wait3A_601] : memref<1000x64xf32, #tpu.memory_space<vmem>> -> memref<125x64xf32, #tpu.memory_space<vmem>>
      %dma_wait3A_603 = arith.constant 0 : i32
      %dma_wait3A_604 = tpu.memref_slice %arg7[%dma_wait3A_599, %add3A_434, %dma_wait3A_603] : memref<2x40x125xi32, #tpu.memory_space<vmem>> -> memref<1x1x125xi32, #tpu.memory_space<vmem>>
      %dma_wait3A_605 = tpu.memref_squeeze %dma_wait3A_604 : memref<1x1x125xi32, #tpu.memory_space<vmem>> -> memref<125xi32, #tpu.memory_space<vmem>>
      %dma_wait3A_606 = arith.constant 0 : i32
      %dma_wait3A_607 = arith.constant 0 : i32
      %dma_wait3A_608 = tpu.memref_slice %arg9[%dma_wait3A_606, %dma_wait3A_607] : memref<10240x64xf32, #tpu.memory_space<vmem_shared>> -> memref<10240x64xf32, #tpu.memory_space<vmem_shared>>
      tpu.wait_indirect_dma semaphore(%arg11 : memref<!tpu.dma_semaphore, #tpu.memory_space<semaphore_mem>>) src(%dma_wait3A_602 : memref<125x64xf32, #tpu.memory_space<vmem>>) dst(%dma_wait3A_608 : memref<10240x64xf32, #tpu.memory_space<vmem_shared>>)
      %dma_wait3A_609 = arith.constant 0 : i32
      %dma_wait3A_610 = arith.constant 125 : i32
      %dma_wait3A_611 = arith.constant 0 : i32
      %dma_wait3A_612 = tpu.memref_slice %arg8[%dma_wait3A_610, %dma_wait3A_611] : memref<1000x64xf32, #tpu.memory_space<vmem>> -> memref<125x64xf32, #tpu.memory_space<vmem>>
      %dma_wait3A_613 = arith.constant 0 : i32
      %dma_wait3A_614 = tpu.memref_slice %arg7[%dma_wait3A_609, %add3A_456, %dma_wait3A_613] : memref<2x40x125xi32, #tpu.memory_space<vmem>> -> memref<1x1x125xi32, #tpu.memory_space<vmem>>
      %dma_wait3A_615 = tpu.memref_squeeze %dma_wait3A_614 : memref<1x1x125xi32, #tpu.memory_space<vmem>> -> memref<125xi32, #tpu.memory_space<vmem>>
      %dma_wait3A_616 = arith.constant 0 : i32
      %dma_wait3A_617 = arith.constant 0 : i32
      %dma_wait3A_618 = tpu.memref_slice %arg9[%dma_wait3A_616, %dma_wait3A_617] : memref<10240x64xf32, #tpu.memory_space<vmem_shared>> -> memref<10240x64xf32, #tpu.memory_space<vmem_shared>>
      tpu.wait_indirect_dma semaphore(%arg11 : memref<!tpu.dma_semaphore, #tpu.memory_space<semaphore_mem>>) src(%dma_wait3A_612 : memref<125x64xf32, #tpu.memory_space<vmem>>) dst(%dma_wait3A_618 : memref<10240x64xf32, #tpu.memory_space<vmem_shared>>)
      %dma_wait3A_619 = arith.constant 0 : i32
      %dma_wait3A_620 = arith.constant 250 : i32
      %dma_wait3A_621 = arith.constant 0 : i32
      %dma_wait3A_622 = tpu.memref_slice %arg8[%dma_wait3A_620, %dma_wait3A_621] : memref<1000x64xf32, #tpu.memory_space<vmem>> -> memref<125x64xf32, #tpu.memory_space<vmem>>
      %dma_wait3A_623 = arith.constant 0 : i32
      %dma_wait3A_624 = tpu.memref_slice %arg7[%dma_wait3A_619, %add3A_478, %dma_wait3A_623] : memref<2x40x125xi32, #tpu.memory_space<vmem>> -> memref<1x1x125xi32, #tpu.memory_space<vmem>>
      %dma_wait3A_625 = tpu.memref_squeeze %dma_wait3A_624 : memref<1x1x125xi32, #tpu.memory_space<vmem>> -> memref<125xi32, #tpu.memory_space<vmem>>
      %dma_wait3A_626 = arith.constant 0 : i32
      %dma_wait3A_627 = arith.constant 0 : i32
      %dma_wait3A_628 = tpu.memref_slice %arg9[%dma_wait3A_626, %dma_wait3A_627] : memref<10240x64xf32, #tpu.memory_space<vmem_shared>> -> memref<10240x64xf32, #tpu.memory_space<vmem_shared>>
      tpu.wait_indirect_dma semaphore(%arg11 : memref<!tpu.dma_semaphore, #tpu.memory_space<semaphore_mem>>) src(%dma_wait3A_622 : memref<125x64xf32, #tpu.memory_space<vmem>>) dst(%dma_wait3A_628 : memref<10240x64xf32, #tpu.memory_space<vmem_shared>>)
      %dma_wait3A_629 = arith.constant 0 : i32
      %dma_wait3A_630 = arith.constant 375 : i32
      %dma_wait3A_631 = arith.constant 0 : i32
      %dma_wait3A_632 = tpu.memref_slice %arg8[%dma_wait3A_630, %dma_wait3A_631] : memref<1000x64xf32, #tpu.memory_space<vmem>> -> memref<125x64xf32, #tpu.memory_space<vmem>>
      %dma_wait3A_633 = arith.constant 0 : i32
      %dma_wait3A_634 = tpu.memref_slice %arg7[%dma_wait3A_629, %add3A_500, %dma_wait3A_633] : memref<2x40x125xi32, #tpu.memory_space<vmem>> -> memref<1x1x125xi32, #tpu.memory_space<vmem>>
      %dma_wait3A_635 = tpu.memref_squeeze %dma_wait3A_634 : memref<1x1x125xi32, #tpu.memory_space<vmem>> -> memref<125xi32, #tpu.memory_space<vmem>>
      %dma_wait3A_636 = arith.constant 0 : i32
      %dma_wait3A_637 = arith.constant 0 : i32
      %dma_wait3A_638 = tpu.memref_slice %arg9[%dma_wait3A_636, %dma_wait3A_637] : memref<10240x64xf32, #tpu.memory_space<vmem_shared>> -> memref<10240x64xf32, #tpu.memory_space<vmem_shared>>
      tpu.wait_indirect_dma semaphore(%arg11 : memref<!tpu.dma_semaphore, #tpu.memory_space<semaphore_mem>>) src(%dma_wait3A_632 : memref<125x64xf32, #tpu.memory_space<vmem>>) dst(%dma_wait3A_638 : memref<10240x64xf32, #tpu.memory_space<vmem_shared>>)
      %dma_wait3A_639 = arith.constant 0 : i32
      %dma_wait3A_640 = arith.constant 500 : i32
      %dma_wait3A_641 = arith.constant 0 : i32
      %dma_wait3A_642 = tpu.memref_slice %arg8[%dma_wait3A_640, %dma_wait3A_641] : memref<1000x64xf32, #tpu.memory_space<vmem>> -> memref<125x64xf32, #tpu.memory_space<vmem>>
      %dma_wait3A_643 = arith.constant 0 : i32
      %dma_wait3A_644 = tpu.memref_slice %arg7[%dma_wait3A_639, %add3A_522, %dma_wait3A_643] : memref<2x40x125xi32, #tpu.memory_space<vmem>> -> memref<1x1x125xi32, #tpu.memory_space<vmem>>
      %dma_wait3A_645 = tpu.memref_squeeze %dma_wait3A_644 : memref<1x1x125xi32, #tpu.memory_space<vmem>> -> memref<125xi32, #tpu.memory_space<vmem>>
      %dma_wait3A_646 = arith.constant 0 : i32
      %dma_wait3A_647 = arith.constant 0 : i32
      %dma_wait3A_648 = tpu.memref_slice %arg9[%dma_wait3A_646, %dma_wait3A_647] : memref<10240x64xf32, #tpu.memory_space<vmem_shared>> -> memref<10240x64xf32, #tpu.memory_space<vmem_shared>>
      tpu.wait_indirect_dma semaphore(%arg11 : memref<!tpu.dma_semaphore, #tpu.memory_space<semaphore_mem>>) src(%dma_wait3A_642 : memref<125x64xf32, #tpu.memory_space<vmem>>) dst(%dma_wait3A_648 : memref<10240x64xf32, #tpu.memory_space<vmem_shared>>)
      %dma_wait3A_649 = arith.constant 0 : i32
      %dma_wait3A_650 = arith.constant 625 : i32
      %dma_wait3A_651 = arith.constant 0 : i32
      %dma_wait3A_652 = tpu.memref_slice %arg8[%dma_wait3A_650, %dma_wait3A_651] : memref<1000x64xf32, #tpu.memory_space<vmem>> -> memref<125x64xf32, #tpu.memory_space<vmem>>
      %dma_wait3A_653 = arith.constant 0 : i32
      %dma_wait3A_654 = tpu.memref_slice %arg7[%dma_wait3A_649, %add3A_544, %dma_wait3A_653] : memref<2x40x125xi32, #tpu.memory_space<vmem>> -> memref<1x1x125xi32, #tpu.memory_space<vmem>>
      %dma_wait3A_655 = tpu.memref_squeeze %dma_wait3A_654 : memref<1x1x125xi32, #tpu.memory_space<vmem>> -> memref<125xi32, #tpu.memory_space<vmem>>
      %dma_wait3A_656 = arith.constant 0 : i32
      %dma_wait3A_657 = arith.constant 0 : i32
      %dma_wait3A_658 = tpu.memref_slice %arg9[%dma_wait3A_656, %dma_wait3A_657] : memref<10240x64xf32, #tpu.memory_space<vmem_shared>> -> memref<10240x64xf32, #tpu.memory_space<vmem_shared>>
      tpu.wait_indirect_dma semaphore(%arg11 : memref<!tpu.dma_semaphore, #tpu.memory_space<semaphore_mem>>) src(%dma_wait3A_652 : memref<125x64xf32, #tpu.memory_space<vmem>>) dst(%dma_wait3A_658 : memref<10240x64xf32, #tpu.memory_space<vmem_shared>>)
      %dma_wait3A_659 = arith.constant 0 : i32
      %dma_wait3A_660 = arith.constant 750 : i32
      %dma_wait3A_661 = arith.constant 0 : i32
      %dma_wait3A_662 = tpu.memref_slice %arg8[%dma_wait3A_660, %dma_wait3A_661] : memref<1000x64xf32, #tpu.memory_space<vmem>> -> memref<125x64xf32, #tpu.memory_space<vmem>>
      %dma_wait3A_663 = arith.constant 0 : i32
      %dma_wait3A_664 = tpu.memref_slice %arg7[%dma_wait3A_659, %add3A_566, %dma_wait3A_663] : memref<2x40x125xi32, #tpu.memory_space<vmem>> -> memref<1x1x125xi32, #tpu.memory_space<vmem>>
      %dma_wait3A_665 = tpu.memref_squeeze %dma_wait3A_664 : memref<1x1x125xi32, #tpu.memory_space<vmem>> -> memref<125xi32, #tpu.memory_space<vmem>>
      %dma_wait3A_666 = arith.constant 0 : i32
      %dma_wait3A_667 = arith.constant 0 : i32
      %dma_wait3A_668 = tpu.memref_slice %arg9[%dma_wait3A_666, %dma_wait3A_667] : memref<10240x64xf32, #tpu.memory_space<vmem_shared>> -> memref<10240x64xf32, #tpu.memory_space<vmem_shared>>
      tpu.wait_indirect_dma semaphore(%arg11 : memref<!tpu.dma_semaphore, #tpu.memory_space<semaphore_mem>>) src(%dma_wait3A_662 : memref<125x64xf32, #tpu.memory_space<vmem>>) dst(%dma_wait3A_668 : memref<10240x64xf32, #tpu.memory_space<vmem_shared>>)
      %dma_wait3A_669 = arith.constant 0 : i32
      %dma_wait3A_670 = arith.constant 875 : i32
      %dma_wait3A_671 = arith.constant 0 : i32
      %dma_wait3A_672 = tpu.memref_slice %arg8[%dma_wait3A_670, %dma_wait3A_671] : memref<1000x64xf32, #tpu.memory_space<vmem>> -> memref<125x64xf32, #tpu.memory_space<vmem>>
      %dma_wait3A_673 = arith.constant 0 : i32
      %dma_wait3A_674 = tpu.memref_slice %arg7[%dma_wait3A_669, %add3A_588, %dma_wait3A_673] : memref<2x40x125xi32, #tpu.memory_space<vmem>> -> memref<1x1x125xi32, #tpu.memory_space<vmem>>
      %dma_wait3A_675 = tpu.memref_squeeze %dma_wait3A_674 : memref<1x1x125xi32, #tpu.memory_space<vmem>> -> memref<125xi32, #tpu.memory_space<vmem>>
      %dma_wait3A_676 = arith.constant 0 : i32
      %dma_wait3A_677 = arith.constant 0 : i32
      %dma_wait3A_678 = tpu.memref_slice %arg9[%dma_wait3A_676, %dma_wait3A_677] : memref<10240x64xf32, #tpu.memory_space<vmem_shared>> -> memref<10240x64xf32, #tpu.memory_space<vmem_shared>>
      tpu.wait_indirect_dma semaphore(%arg11 : memref<!tpu.dma_semaphore, #tpu.memory_space<semaphore_mem>>) src(%dma_wait3A_672 : memref<125x64xf32, #tpu.memory_space<vmem>>) dst(%dma_wait3A_678 : memref<10240x64xf32, #tpu.memory_space<vmem_shared>>)
    }
    %scan3A_123 = arith.constant 5 : i32
    %dma_wait3A_124 = arith.constant 1 : i32
    %dma_wait3A_125 = arith.constant 1 : i32
    %dma_wait3A_126 = arith.constant 0 : i32
    %dma_wait3A_127 = arith.constant 0 : i32
    %dma_wait3A_128 = tpu.memref_slice %arg6[%dma_wait3A_125, %dma_wait3A_126, %dma_wait3A_127] : memref<2x40x125xi32, #tpu.memory_space<vmem>> -> memref<1x40x125xi32, #tpu.memory_space<vmem>>
    %dma_wait3A_129 = tpu.memref_squeeze %dma_wait3A_128 : memref<1x40x125xi32, #tpu.memory_space<vmem>> -> memref<40x125xi32, #tpu.memory_space<vmem>>
    %dma_wait3A_130 = arith.constant 0 : i32
    %dma_wait3A_131 = arith.constant 0 : i32
    %dma_wait3A_132 = tpu.memref_slice %arg3[%arg0, %arg1, %dma_wait3A_124, %dma_wait3A_130, %dma_wait3A_131] : memref<2x16x4x40x125xi32, #tpu.memory_space<hbm>> -> memref<1x1x1x40x125xi32, #tpu.memory_space<hbm>>
    %dma_wait3A_133 = tpu.memref_squeeze %dma_wait3A_132 : memref<1x1x1x40x125xi32, #tpu.memory_space<hbm>> -> memref<40x125xi32, #tpu.memory_space<hbm>>
    %dma_wait3A_134 = arith.constant 0 : i32
    %dma_wait3A_135 = arith.constant 0 : i32
    %dma_wait3A_136 = tpu.memref_slice %arg6[%dma_wait3A_125, %dma_wait3A_134, %dma_wait3A_135] : memref<2x40x125xi32, #tpu.memory_space<vmem>> -> memref<1x40x125xi32, #tpu.memory_space<vmem>>
    %dma_wait3A_137 = tpu.memref_squeeze %dma_wait3A_136 : memref<1x40x125xi32, #tpu.memory_space<vmem>> -> memref<40x125xi32, #tpu.memory_space<vmem>>
    %dma_wait3A_138 = arith.constant 0 : i32
    %dma_wait3A_139 = arith.constant 0 : i32
    %dma_wait3A_140 = tpu.memref_slice %arg3[%arg0, %arg1, %dma_wait3A_124, %dma_wait3A_138, %dma_wait3A_139] : memref<2x16x4x40x125xi32, #tpu.memory_space<hbm>> -> memref<1x1x1x40x125xi32, #tpu.memory_space<hbm>>
    %dma_wait3A_141 = tpu.memref_squeeze %dma_wait3A_140 : memref<1x1x1x40x125xi32, #tpu.memory_space<hbm>> -> memref<40x125xi32, #tpu.memory_space<hbm>>
    tpu.wait_dma2 semaphore(%arg12 : memref<!tpu.dma_semaphore, #tpu.memory_space<semaphore_mem>>) src(%dma_wait3A_141 : memref<40x125xi32, #tpu.memory_space<hbm>>) dst(%dma_wait3A_137 : memref<40x125xi32, #tpu.memory_space<vmem>>)
    %dma_wait3A_142 = arith.constant 1 : i32
    %dma_wait3A_143 = arith.constant 1 : i32
    %dma_wait3A_144 = arith.constant 0 : i32
    %dma_wait3A_145 = arith.constant 0 : i32
    %dma_wait3A_146 = tpu.memref_slice %arg7[%dma_wait3A_143, %dma_wait3A_144, %dma_wait3A_145] : memref<2x40x125xi32, #tpu.memory_space<vmem>> -> memref<1x40x125xi32, #tpu.memory_space<vmem>>
    %dma_wait3A_147 = tpu.memref_squeeze %dma_wait3A_146 : memref<1x40x125xi32, #tpu.memory_space<vmem>> -> memref<40x125xi32, #tpu.memory_space<vmem>>
    %dma_wait3A_148 = arith.constant 0 : i32
    %dma_wait3A_149 = arith.constant 0 : i32
    %dma_wait3A_150 = tpu.memref_slice %arg4[%arg1, %dma_wait3A_142, %dma_wait3A_148, %dma_wait3A_149] : memref<16x4x40x125xi32, #tpu.memory_space<hbm>> -> memref<1x1x40x125xi32, #tpu.memory_space<hbm>>
    %dma_wait3A_151 = tpu.memref_squeeze %dma_wait3A_150 : memref<1x1x40x125xi32, #tpu.memory_space<hbm>> -> memref<40x125xi32, #tpu.memory_space<hbm>>
    %dma_wait3A_152 = arith.constant 0 : i32
    %dma_wait3A_153 = arith.constant 0 : i32
    %dma_wait3A_154 = tpu.memref_slice %arg7[%dma_wait3A_143, %dma_wait3A_152, %dma_wait3A_153] : memref<2x40x125xi32, #tpu.memory_space<vmem>> -> memref<1x40x125xi32, #tpu.memory_space<vmem>>
    %dma_wait3A_155 = tpu.memref_squeeze %dma_wait3A_154 : memref<1x40x125xi32, #tpu.memory_space<vmem>> -> memref<40x125xi32, #tpu.memory_space<vmem>>
    %dma_wait3A_156 = arith.constant 0 : i32
    %dma_wait3A_157 = arith.constant 0 : i32
    %dma_wait3A_158 = tpu.memref_slice %arg4[%arg1, %dma_wait3A_142, %dma_wait3A_156, %dma_wait3A_157] : memref<16x4x40x125xi32, #tpu.memory_space<hbm>> -> memref<1x1x40x125xi32, #tpu.memory_space<hbm>>
    %dma_wait3A_159 = tpu.memref_squeeze %dma_wait3A_158 : memref<1x1x40x125xi32, #tpu.memory_space<hbm>> -> memref<40x125xi32, #tpu.memory_space<hbm>>
    tpu.wait_dma2 semaphore(%arg12 : memref<!tpu.dma_semaphore, #tpu.memory_space<semaphore_mem>>) src(%dma_wait3A_159 : memref<40x125xi32, #tpu.memory_space<hbm>>) dst(%dma_wait3A_155 : memref<40x125xi32, #tpu.memory_space<vmem>>)
    %dma_start3A_160 = arith.constant 2 : i32
    %dma_start3A_161 = arith.constant 0 : i32
    %dma_start3A_162 = arith.constant 0 : i32
    %dma_start3A_163 = arith.constant 0 : i32
    %dma_start3A_164 = tpu.memref_slice %arg6[%dma_start3A_161, %dma_start3A_162, %dma_start3A_163] : memref<2x40x125xi32, #tpu.memory_space<vmem>> -> memref<1x40x125xi32, #tpu.memory_space<vmem>>
    %dma_start3A_165 = tpu.memref_squeeze %dma_start3A_164 : memref<1x40x125xi32, #tpu.memory_space<vmem>> -> memref<40x125xi32, #tpu.memory_space<vmem>>
    %dma_start3A_166 = arith.constant 0 : i32
    %dma_start3A_167 = arith.constant 0 : i32
    %dma_start3A_168 = tpu.memref_slice %arg3[%arg0, %arg1, %dma_start3A_160, %dma_start3A_166, %dma_start3A_167] : memref<2x16x4x40x125xi32, #tpu.memory_space<hbm>> -> memref<1x1x1x40x125xi32, #tpu.memory_space<hbm>>
    %dma_start3A_169 = tpu.memref_squeeze %dma_start3A_168 : memref<1x1x1x40x125xi32, #tpu.memory_space<hbm>> -> memref<40x125xi32, #tpu.memory_space<hbm>>
    %dma_start3A_170 = arith.constant 0 : i32
    %dma_start3A_171 = arith.constant 0 : i32
    %dma_start3A_172 = tpu.memref_slice %arg6[%dma_start3A_161, %dma_start3A_170, %dma_start3A_171] : memref<2x40x125xi32, #tpu.memory_space<vmem>> -> memref<1x40x125xi32, #tpu.memory_space<vmem>>
    %dma_start3A_173 = tpu.memref_squeeze %dma_start3A_172 : memref<1x40x125xi32, #tpu.memory_space<vmem>> -> memref<40x125xi32, #tpu.memory_space<vmem>>
    %dma_start3A_174 = arith.constant 0 : i32
    %dma_start3A_175 = arith.constant 0 : i32
    %dma_start3A_176 = tpu.memref_slice %arg3[%arg0, %arg1, %dma_start3A_160, %dma_start3A_174, %dma_start3A_175] : memref<2x16x4x40x125xi32, #tpu.memory_space<hbm>> -> memref<1x1x1x40x125xi32, #tpu.memory_space<hbm>>
    %dma_start3A_177 = tpu.memref_squeeze %dma_start3A_176 : memref<1x1x1x40x125xi32, #tpu.memory_space<hbm>> -> memref<40x125xi32, #tpu.memory_space<hbm>>
    tpu.enqueue_dma source(%dma_start3A_177 : memref<40x125xi32, #tpu.memory_space<hbm>>) target(%dma_start3A_173 : memref<40x125xi32, #tpu.memory_space<vmem>>) target_semaphore(%arg12 : memref<!tpu.dma_semaphore, #tpu.memory_space<semaphore_mem>>)
    %dma_start3A_178 = arith.constant 2 : i32
    %dma_start3A_179 = arith.constant 0 : i32
    %dma_start3A_180 = arith.constant 0 : i32
    %dma_start3A_181 = arith.constant 0 : i32
    %dma_start3A_182 = tpu.memref_slice %arg7[%dma_start3A_179, %dma_start3A_180, %dma_start3A_181] : memref<2x40x125xi32, #tpu.memory_space<vmem>> -> memref<1x40x125xi32, #tpu.memory_space<vmem>>
    %dma_start3A_183 = tpu.memref_squeeze %dma_start3A_182 : memref<1x40x125xi32, #tpu.memory_space<vmem>> -> memref<40x125xi32, #tpu.memory_space<vmem>>
    %dma_start3A_184 = arith.constant 0 : i32
    %dma_start3A_185 = arith.constant 0 : i32
    %dma_start3A_186 = tpu.memref_slice %arg4[%arg1, %dma_start3A_178, %dma_start3A_184, %dma_start3A_185] : memref<16x4x40x125xi32, #tpu.memory_space<hbm>> -> memref<1x1x40x125xi32, #tpu.memory_space<hbm>>
    %dma_start3A_187 = tpu.memref_squeeze %dma_start3A_186 : memref<1x1x40x125xi32, #tpu.memory_space<hbm>> -> memref<40x125xi32, #tpu.memory_space<hbm>>
    %dma_start3A_188 = arith.constant 0 : i32
    %dma_start3A_189 = arith.constant 0 : i32
    %dma_start3A_190 = tpu.memref_slice %arg7[%dma_start3A_179, %dma_start3A_188, %dma_start3A_189] : memref<2x40x125xi32, #tpu.memory_space<vmem>> -> memref<1x40x125xi32, #tpu.memory_space<vmem>>
    %dma_start3A_191 = tpu.memref_squeeze %dma_start3A_190 : memref<1x40x125xi32, #tpu.memory_space<vmem>> -> memref<40x125xi32, #tpu.memory_space<vmem>>
    %dma_start3A_192 = arith.constant 0 : i32
    %dma_start3A_193 = arith.constant 0 : i32
    %dma_start3A_194 = tpu.memref_slice %arg4[%arg1, %dma_start3A_178, %dma_start3A_192, %dma_start3A_193] : memref<16x4x40x125xi32, #tpu.memory_space<hbm>> -> memref<1x1x40x125xi32, #tpu.memory_space<hbm>>
    %dma_start3A_195 = tpu.memref_squeeze %dma_start3A_194 : memref<1x1x40x125xi32, #tpu.memory_space<hbm>> -> memref<40x125xi32, #tpu.memory_space<hbm>>
    tpu.enqueue_dma source(%dma_start3A_195 : memref<40x125xi32, #tpu.memory_space<hbm>>) target(%dma_start3A_191 : memref<40x125xi32, #tpu.memory_space<vmem>>) target_semaphore(%arg12 : memref<!tpu.dma_semaphore, #tpu.memory_space<semaphore_mem>>)
    %scan3A_196 = arith.constant 0 : i32
    %scan3A_197 = arith.constant 0 : i32
    %scan3A_198 = arith.constant 5 : i32
    %scan3A_199 = arith.addi %scan3A_197, %scan3A_198 : i32
    %scan3A_200 = arith.constant 1 : i32
    scf.for %scan3A_325 = %scan3A_197 to %scan3A_199 step %scan3A_200  : i32 {
      %mul3A_326 = arith.constant 8 : i32
      %mul3A_327 = arith.muli %scan3A_325, %mul3A_326 : i32
      %add3A = arith.constant 0 : i32
      %add3A_328 = arith.addi %mul3A_327, %add3A : i32
      %dma_start3A_329 = arith.constant 1 : i32
      %dma_start3A_330 = arith.constant 0 : i32
      %dma_start3A_331 = arith.constant 0 : i32
      %dma_start3A_332 = tpu.memref_slice %arg8[%dma_start3A_330, %dma_start3A_331] : memref<1000x64xf32, #tpu.memory_space<vmem>> -> memref<125x64xf32, #tpu.memory_space<vmem>>
      %dma_start3A_333 = arith.constant 0 : i32
      %dma_start3A_334 = tpu.memref_slice %arg6[%dma_start3A_329, %add3A_328, %dma_start3A_333] : memref<2x40x125xi32, #tpu.memory_space<vmem>> -> memref<1x1x125xi32, #tpu.memory_space<vmem>>
      %dma_start3A_335 = tpu.memref_squeeze %dma_start3A_334 : memref<1x1x125xi32, #tpu.memory_space<vmem>> -> memref<125xi32, #tpu.memory_space<vmem>>
      %dma_start3A_336 = arith.constant 0 : i32
      %dma_start3A_337 = arith.constant 0 : i32
      %dma_start3A_338 = tpu.memref_slice %arg2[%dma_start3A_336, %dma_start3A_337] : memref<20000x64xf32, #tpu.memory_space<hbm>> -> memref<20000x64xf32, #tpu.memory_space<hbm>>
      tpu.enqueue_indirect_dma source(%dma_start3A_338 : memref<20000x64xf32, #tpu.memory_space<hbm>>) target(%dma_start3A_332 : memref<125x64xf32, #tpu.memory_space<vmem>>) offsets(%dma_start3A_335 : memref<125xi32, #tpu.memory_space<vmem>>) semaphore(%arg10 : memref<!tpu.dma_semaphore, #tpu.memory_space<semaphore_mem>>)
      %add3A_339 = arith.constant 1 : i32
      %add3A_340 = arith.addi %mul3A_327, %add3A_339 : i32
      %dma_start3A_341 = arith.constant 1 : i32
      %dma_start3A_342 = arith.constant 125 : i32
      %dma_start3A_343 = arith.constant 0 : i32
      %dma_start3A_344 = tpu.memref_slice %arg8[%dma_start3A_342, %dma_start3A_343] : memref<1000x64xf32, #tpu.memory_space<vmem>> -> memref<125x64xf32, #tpu.memory_space<vmem>>
      %dma_start3A_345 = arith.constant 0 : i32
      %dma_start3A_346 = tpu.memref_slice %arg6[%dma_start3A_341, %add3A_340, %dma_start3A_345] : memref<2x40x125xi32, #tpu.memory_space<vmem>> -> memref<1x1x125xi32, #tpu.memory_space<vmem>>
      %dma_start3A_347 = tpu.memref_squeeze %dma_start3A_346 : memref<1x1x125xi32, #tpu.memory_space<vmem>> -> memref<125xi32, #tpu.memory_space<vmem>>
      %dma_start3A_348 = arith.constant 0 : i32
      %dma_start3A_349 = arith.constant 0 : i32
      %dma_start3A_350 = tpu.memref_slice %arg2[%dma_start3A_348, %dma_start3A_349] : memref<20000x64xf32, #tpu.memory_space<hbm>> -> memref<20000x64xf32, #tpu.memory_space<hbm>>
      tpu.enqueue_indirect_dma source(%dma_start3A_350 : memref<20000x64xf32, #tpu.memory_space<hbm>>) target(%dma_start3A_344 : memref<125x64xf32, #tpu.memory_space<vmem>>) offsets(%dma_start3A_347 : memref<125xi32, #tpu.memory_space<vmem>>) semaphore(%arg10 : memref<!tpu.dma_semaphore, #tpu.memory_space<semaphore_mem>>)
      %add3A_351 = arith.constant 2 : i32
      %add3A_352 = arith.addi %mul3A_327, %add3A_351 : i32
      %dma_start3A_353 = arith.constant 1 : i32
      %dma_start3A_354 = arith.constant 250 : i32
      %dma_start3A_355 = arith.constant 0 : i32
      %dma_start3A_356 = tpu.memref_slice %arg8[%dma_start3A_354, %dma_start3A_355] : memref<1000x64xf32, #tpu.memory_space<vmem>> -> memref<125x64xf32, #tpu.memory_space<vmem>>
      %dma_start3A_357 = arith.constant 0 : i32
      %dma_start3A_358 = tpu.memref_slice %arg6[%dma_start3A_353, %add3A_352, %dma_start3A_357] : memref<2x40x125xi32, #tpu.memory_space<vmem>> -> memref<1x1x125xi32, #tpu.memory_space<vmem>>
      %dma_start3A_359 = tpu.memref_squeeze %dma_start3A_358 : memref<1x1x125xi32, #tpu.memory_space<vmem>> -> memref<125xi32, #tpu.memory_space<vmem>>
      %dma_start3A_360 = arith.constant 0 : i32
      %dma_start3A_361 = arith.constant 0 : i32
      %dma_start3A_362 = tpu.memref_slice %arg2[%dma_start3A_360, %dma_start3A_361] : memref<20000x64xf32, #tpu.memory_space<hbm>> -> memref<20000x64xf32, #tpu.memory_space<hbm>>
      tpu.enqueue_indirect_dma source(%dma_start3A_362 : memref<20000x64xf32, #tpu.memory_space<hbm>>) target(%dma_start3A_356 : memref<125x64xf32, #tpu.memory_space<vmem>>) offsets(%dma_start3A_359 : memref<125xi32, #tpu.memory_space<vmem>>) semaphore(%arg10 : memref<!tpu.dma_semaphore, #tpu.memory_space<semaphore_mem>>)
      %add3A_363 = arith.constant 3 : i32
      %add3A_364 = arith.addi %mul3A_327, %add3A_363 : i32
      %dma_start3A_365 = arith.constant 1 : i32
      %dma_start3A_366 = arith.constant 375 : i32
      %dma_start3A_367 = arith.constant 0 : i32
      %dma_start3A_368 = tpu.memref_slice %arg8[%dma_start3A_366, %dma_start3A_367] : memref<1000x64xf32, #tpu.memory_space<vmem>> -> memref<125x64xf32, #tpu.memory_space<vmem>>
      %dma_start3A_369 = arith.constant 0 : i32
      %dma_start3A_370 = tpu.memref_slice %arg6[%dma_start3A_365, %add3A_364, %dma_start3A_369] : memref<2x40x125xi32, #tpu.memory_space<vmem>> -> memref<1x1x125xi32, #tpu.memory_space<vmem>>
      %dma_start3A_371 = tpu.memref_squeeze %dma_start3A_370 : memref<1x1x125xi32, #tpu.memory_space<vmem>> -> memref<125xi32, #tpu.memory_space<vmem>>
      %dma_start3A_372 = arith.constant 0 : i32
      %dma_start3A_373 = arith.constant 0 : i32
      %dma_start3A_374 = tpu.memref_slice %arg2[%dma_start3A_372, %dma_start3A_373] : memref<20000x64xf32, #tpu.memory_space<hbm>> -> memref<20000x64xf32, #tpu.memory_space<hbm>>
      tpu.enqueue_indirect_dma source(%dma_start3A_374 : memref<20000x64xf32, #tpu.memory_space<hbm>>) target(%dma_start3A_368 : memref<125x64xf32, #tpu.memory_space<vmem>>) offsets(%dma_start3A_371 : memref<125xi32, #tpu.memory_space<vmem>>) semaphore(%arg10 : memref<!tpu.dma_semaphore, #tpu.memory_space<semaphore_mem>>)
      %add3A_375 = arith.constant 4 : i32
      %add3A_376 = arith.addi %mul3A_327, %add3A_375 : i32
      %dma_start3A_377 = arith.constant 1 : i32
      %dma_start3A_378 = arith.constant 500 : i32
      %dma_start3A_379 = arith.constant 0 : i32
      %dma_start3A_380 = tpu.memref_slice %arg8[%dma_start3A_378, %dma_start3A_379] : memref<1000x64xf32, #tpu.memory_space<vmem>> -> memref<125x64xf32, #tpu.memory_space<vmem>>
      %dma_start3A_381 = arith.constant 0 : i32
      %dma_start3A_382 = tpu.memref_slice %arg6[%dma_start3A_377, %add3A_376, %dma_start3A_381] : memref<2x40x125xi32, #tpu.memory_space<vmem>> -> memref<1x1x125xi32, #tpu.memory_space<vmem>>
      %dma_start3A_383 = tpu.memref_squeeze %dma_start3A_382 : memref<1x1x125xi32, #tpu.memory_space<vmem>> -> memref<125xi32, #tpu.memory_space<vmem>>
      %dma_start3A_384 = arith.constant 0 : i32
      %dma_start3A_385 = arith.constant 0 : i32
      %dma_start3A_386 = tpu.memref_slice %arg2[%dma_start3A_384, %dma_start3A_385] : memref<20000x64xf32, #tpu.memory_space<hbm>> -> memref<20000x64xf32, #tpu.memory_space<hbm>>
      tpu.enqueue_indirect_dma source(%dma_start3A_386 : memref<20000x64xf32, #tpu.memory_space<hbm>>) target(%dma_start3A_380 : memref<125x64xf32, #tpu.memory_space<vmem>>) offsets(%dma_start3A_383 : memref<125xi32, #tpu.memory_space<vmem>>) semaphore(%arg10 : memref<!tpu.dma_semaphore, #tpu.memory_space<semaphore_mem>>)
      %add3A_387 = arith.constant 5 : i32
      %add3A_388 = arith.addi %mul3A_327, %add3A_387 : i32
      %dma_start3A_389 = arith.constant 1 : i32
      %dma_start3A_390 = arith.constant 625 : i32
      %dma_start3A_391 = arith.constant 0 : i32
      %dma_start3A_392 = tpu.memref_slice %arg8[%dma_start3A_390, %dma_start3A_391] : memref<1000x64xf32, #tpu.memory_space<vmem>> -> memref<125x64xf32, #tpu.memory_space<vmem>>
      %dma_start3A_393 = arith.constant 0 : i32
      %dma_start3A_394 = tpu.memref_slice %arg6[%dma_start3A_389, %add3A_388, %dma_start3A_393] : memref<2x40x125xi32, #tpu.memory_space<vmem>> -> memref<1x1x125xi32, #tpu.memory_space<vmem>>
      %dma_start3A_395 = tpu.memref_squeeze %dma_start3A_394 : memref<1x1x125xi32, #tpu.memory_space<vmem>> -> memref<125xi32, #tpu.memory_space<vmem>>
      %dma_start3A_396 = arith.constant 0 : i32
      %dma_start3A_397 = arith.constant 0 : i32
      %dma_start3A_398 = tpu.memref_slice %arg2[%dma_start3A_396, %dma_start3A_397] : memref<20000x64xf32, #tpu.memory_space<hbm>> -> memref<20000x64xf32, #tpu.memory_space<hbm>>
      tpu.enqueue_indirect_dma source(%dma_start3A_398 : memref<20000x64xf32, #tpu.memory_space<hbm>>) target(%dma_start3A_392 : memref<125x64xf32, #tpu.memory_space<vmem>>) offsets(%dma_start3A_395 : memref<125xi32, #tpu.memory_space<vmem>>) semaphore(%arg10 : memref<!tpu.dma_semaphore, #tpu.memory_space<semaphore_mem>>)
      %add3A_399 = arith.constant 6 : i32
      %add3A_400 = arith.addi %mul3A_327, %add3A_399 : i32
      %dma_start3A_401 = arith.constant 1 : i32
      %dma_start3A_402 = arith.constant 750 : i32
      %dma_start3A_403 = arith.constant 0 : i32
      %dma_start3A_404 = tpu.memref_slice %arg8[%dma_start3A_402, %dma_start3A_403] : memref<1000x64xf32, #tpu.memory_space<vmem>> -> memref<125x64xf32, #tpu.memory_space<vmem>>
      %dma_start3A_405 = arith.constant 0 : i32
      %dma_start3A_406 = tpu.memref_slice %arg6[%dma_start3A_401, %add3A_400, %dma_start3A_405] : memref<2x40x125xi32, #tpu.memory_space<vmem>> -> memref<1x1x125xi32, #tpu.memory_space<vmem>>
      %dma_start3A_407 = tpu.memref_squeeze %dma_start3A_406 : memref<1x1x125xi32, #tpu.memory_space<vmem>> -> memref<125xi32, #tpu.memory_space<vmem>>
      %dma_start3A_408 = arith.constant 0 : i32
      %dma_start3A_409 = arith.constant 0 : i32
      %dma_start3A_410 = tpu.memref_slice %arg2[%dma_start3A_408, %dma_start3A_409] : memref<20000x64xf32, #tpu.memory_space<hbm>> -> memref<20000x64xf32, #tpu.memory_space<hbm>>
      tpu.enqueue_indirect_dma source(%dma_start3A_410 : memref<20000x64xf32, #tpu.memory_space<hbm>>) target(%dma_start3A_404 : memref<125x64xf32, #tpu.memory_space<vmem>>) offsets(%dma_start3A_407 : memref<125xi32, #tpu.memory_space<vmem>>) semaphore(%arg10 : memref<!tpu.dma_semaphore, #tpu.memory_space<semaphore_mem>>)
      %add3A_411 = arith.constant 7 : i32
      %add3A_412 = arith.addi %mul3A_327, %add3A_411 : i32
      %dma_start3A_413 = arith.constant 1 : i32
      %dma_start3A_414 = arith.constant 875 : i32
      %dma_start3A_415 = arith.constant 0 : i32
      %dma_start3A_416 = tpu.memref_slice %arg8[%dma_start3A_414, %dma_start3A_415] : memref<1000x64xf32, #tpu.memory_space<vmem>> -> memref<125x64xf32, #tpu.memory_space<vmem>>
      %dma_start3A_417 = arith.constant 0 : i32
      %dma_start3A_418 = tpu.memref_slice %arg6[%dma_start3A_413, %add3A_412, %dma_start3A_417] : memref<2x40x125xi32, #tpu.memory_space<vmem>> -> memref<1x1x125xi32, #tpu.memory_space<vmem>>
      %dma_start3A_419 = tpu.memref_squeeze %dma_start3A_418 : memref<1x1x125xi32, #tpu.memory_space<vmem>> -> memref<125xi32, #tpu.memory_space<vmem>>
      %dma_start3A_420 = arith.constant 0 : i32
      %dma_start3A_421 = arith.constant 0 : i32
      %dma_start3A_422 = tpu.memref_slice %arg2[%dma_start3A_420, %dma_start3A_421] : memref<20000x64xf32, #tpu.memory_space<hbm>> -> memref<20000x64xf32, #tpu.memory_space<hbm>>
      tpu.enqueue_indirect_dma source(%dma_start3A_422 : memref<20000x64xf32, #tpu.memory_space<hbm>>) target(%dma_start3A_416 : memref<125x64xf32, #tpu.memory_space<vmem>>) offsets(%dma_start3A_419 : memref<125xi32, #tpu.memory_space<vmem>>) semaphore(%arg10 : memref<!tpu.dma_semaphore, #tpu.memory_space<semaphore_mem>>)
      %dma_wait3A_423 = arith.constant 1 : i32
      %dma_wait3A_424 = arith.constant 0 : i32
      %dma_wait3A_425 = arith.constant 0 : i32
      %dma_wait3A_426 = tpu.memref_slice %arg8[%dma_wait3A_424, %dma_wait3A_425] : memref<1000x64xf32, #tpu.memory_space<vmem>> -> memref<125x64xf32, #tpu.memory_space<vmem>>
      %dma_wait3A_427 = arith.constant 0 : i32
      %dma_wait3A_428 = tpu.memref_slice %arg6[%dma_wait3A_423, %add3A_328, %dma_wait3A_427] : memref<2x40x125xi32, #tpu.memory_space<vmem>> -> memref<1x1x125xi32, #tpu.memory_space<vmem>>
      %dma_wait3A_429 = tpu.memref_squeeze %dma_wait3A_428 : memref<1x1x125xi32, #tpu.memory_space<vmem>> -> memref<125xi32, #tpu.memory_space<vmem>>
      %dma_wait3A_430 = arith.constant 0 : i32
      %dma_wait3A_431 = arith.constant 0 : i32
      %dma_wait3A_432 = tpu.memref_slice %arg2[%dma_wait3A_430, %dma_wait3A_431] : memref<20000x64xf32, #tpu.memory_space<hbm>> -> memref<20000x64xf32, #tpu.memory_space<hbm>>
      tpu.wait_indirect_dma semaphore(%arg10 : memref<!tpu.dma_semaphore, #tpu.memory_space<semaphore_mem>>) src(%dma_wait3A_432 : memref<20000x64xf32, #tpu.memory_space<hbm>>) dst(%dma_wait3A_426 : memref<125x64xf32, #tpu.memory_space<vmem>>)
      %add3A_433 = arith.constant 0 : i32
      %add3A_434 = arith.addi %mul3A_327, %add3A_433 : i32
      %dma_start3A_435 = arith.constant 1 : i32
      %dma_start3A_436 = arith.constant 0 : i32
      %dma_start3A_437 = arith.constant 0 : i32
      %dma_start3A_438 = tpu.memref_slice %arg8[%dma_start3A_436, %dma_start3A_437] : memref<1000x64xf32, #tpu.memory_space<vmem>> -> memref<125x64xf32, #tpu.memory_space<vmem>>
      %dma_start3A_439 = arith.constant 0 : i32
      %dma_start3A_440 = tpu.memref_slice %arg7[%dma_start3A_435, %add3A_434, %dma_start3A_439] : memref<2x40x125xi32, #tpu.memory_space<vmem>> -> memref<1x1x125xi32, #tpu.memory_space<vmem>>
      %dma_start3A_441 = tpu.memref_squeeze %dma_start3A_440 : memref<1x1x125xi32, #tpu.memory_space<vmem>> -> memref<125xi32, #tpu.memory_space<vmem>>
      %dma_start3A_442 = arith.constant 0 : i32
      %dma_start3A_443 = arith.constant 0 : i32
      %dma_start3A_444 = tpu.memref_slice %arg9[%dma_start3A_442, %dma_start3A_443] : memref<10240x64xf32, #tpu.memory_space<vmem_shared>> -> memref<10240x64xf32, #tpu.memory_space<vmem_shared>>
      tpu.enqueue_indirect_dma source(%dma_start3A_438 : memref<125x64xf32, #tpu.memory_space<vmem>>) target(%dma_start3A_444 : memref<10240x64xf32, #tpu.memory_space<vmem_shared>>) offsets(%dma_start3A_441 : memref<125xi32, #tpu.memory_space<vmem>>) semaphore(%arg11 : memref<!tpu.dma_semaphore, #tpu.memory_space<semaphore_mem>>) {add = true}
      %dma_wait3A_445 = arith.constant 1 : i32
      %dma_wait3A_446 = arith.constant 125 : i32
      %dma_wait3A_447 = arith.constant 0 : i32
      %dma_wait3A_448 = tpu.memref_slice %arg8[%dma_wait3A_446, %dma_wait3A_447] : memref<1000x64xf32, #tpu.memory_space<vmem>> -> memref<125x64xf32, #tpu.memory_space<vmem>>
      %dma_wait3A_449 = arith.constant 0 : i32
      %dma_wait3A_450 = tpu.memref_slice %arg6[%dma_wait3A_445, %add3A_340, %dma_wait3A_449] : memref<2x40x125xi32, #tpu.memory_space<vmem>> -> memref<1x1x125xi32, #tpu.memory_space<vmem>>
      %dma_wait3A_451 = tpu.memref_squeeze %dma_wait3A_450 : memref<1x1x125xi32, #tpu.memory_space<vmem>> -> memref<125xi32, #tpu.memory_space<vmem>>
      %dma_wait3A_452 = arith.constant 0 : i32
      %dma_wait3A_453 = arith.constant 0 : i32
      %dma_wait3A_454 = tpu.memref_slice %arg2[%dma_wait3A_452, %dma_wait3A_453] : memref<20000x64xf32, #tpu.memory_space<hbm>> -> memref<20000x64xf32, #tpu.memory_space<hbm>>
      tpu.wait_indirect_dma semaphore(%arg10 : memref<!tpu.dma_semaphore, #tpu.memory_space<semaphore_mem>>) src(%dma_wait3A_454 : memref<20000x64xf32, #tpu.memory_space<hbm>>) dst(%dma_wait3A_448 : memref<125x64xf32, #tpu.memory_space<vmem>>)
      %add3A_455 = arith.constant 1 : i32
      %add3A_456 = arith.addi %mul3A_327, %add3A_455 : i32
      %dma_start3A_457 = arith.constant 1 : i32
      %dma_start3A_458 = arith.constant 125 : i32
      %dma_start3A_459 = arith.constant 0 : i32
      %dma_start3A_460 = tpu.memref_slice %arg8[%dma_start3A_458, %dma_start3A_459] : memref<1000x64xf32, #tpu.memory_space<vmem>> -> memref<125x64xf32, #tpu.memory_space<vmem>>
      %dma_start3A_461 = arith.constant 0 : i32
      %dma_start3A_462 = tpu.memref_slice %arg7[%dma_start3A_457, %add3A_456, %dma_start3A_461] : memref<2x40x125xi32, #tpu.memory_space<vmem>> -> memref<1x1x125xi32, #tpu.memory_space<vmem>>
      %dma_start3A_463 = tpu.memref_squeeze %dma_start3A_462 : memref<1x1x125xi32, #tpu.memory_space<vmem>> -> memref<125xi32, #tpu.memory_space<vmem>>
      %dma_start3A_464 = arith.constant 0 : i32
      %dma_start3A_465 = arith.constant 0 : i32
      %dma_start3A_466 = tpu.memref_slice %arg9[%dma_start3A_464, %dma_start3A_465] : memref<10240x64xf32, #tpu.memory_space<vmem_shared>> -> memref<10240x64xf32, #tpu.memory_space<vmem_shared>>
      tpu.enqueue_indirect_dma source(%dma_start3A_460 : memref<125x64xf32, #tpu.memory_space<vmem>>) target(%dma_start3A_466 : memref<10240x64xf32, #tpu.memory_space<vmem_shared>>) offsets(%dma_start3A_463 : memref<125xi32, #tpu.memory_space<vmem>>) semaphore(%arg11 : memref<!tpu.dma_semaphore, #tpu.memory_space<semaphore_mem>>) {add = true}
      %dma_wait3A_467 = arith.constant 1 : i32
      %dma_wait3A_468 = arith.constant 250 : i32
      %dma_wait3A_469 = arith.constant 0 : i32
      %dma_wait3A_470 = tpu.memref_slice %arg8[%dma_wait3A_468, %dma_wait3A_469] : memref<1000x64xf32, #tpu.memory_space<vmem>> -> memref<125x64xf32, #tpu.memory_space<vmem>>
      %dma_wait3A_471 = arith.constant 0 : i32
      %dma_wait3A_472 = tpu.memref_slice %arg6[%dma_wait3A_467, %add3A_352, %dma_wait3A_471] : memref<2x40x125xi32, #tpu.memory_space<vmem>> -> memref<1x1x125xi32, #tpu.memory_space<vmem>>
      %dma_wait3A_473 = tpu.memref_squeeze %dma_wait3A_472 : memref<1x1x125xi32, #tpu.memory_space<vmem>> -> memref<125xi32, #tpu.memory_space<vmem>>
      %dma_wait3A_474 = arith.constant 0 : i32
      %dma_wait3A_475 = arith.constant 0 : i32
      %dma_wait3A_476 = tpu.memref_slice %arg2[%dma_wait3A_474, %dma_wait3A_475] : memref<20000x64xf32, #tpu.memory_space<hbm>> -> memref<20000x64xf32, #tpu.memory_space<hbm>>
      tpu.wait_indirect_dma semaphore(%arg10 : memref<!tpu.dma_semaphore, #tpu.memory_space<semaphore_mem>>) src(%dma_wait3A_476 : memref<20000x64xf32, #tpu.memory_space<hbm>>) dst(%dma_wait3A_470 : memref<125x64xf32, #tpu.memory_space<vmem>>)
      %add3A_477 = arith.constant 2 : i32
      %add3A_478 = arith.addi %mul3A_327, %add3A_477 : i32
      %dma_start3A_479 = arith.constant 1 : i32
      %dma_start3A_480 = arith.constant 250 : i32
      %dma_start3A_481 = arith.constant 0 : i32
      %dma_start3A_482 = tpu.memref_slice %arg8[%dma_start3A_480, %dma_start3A_481] : memref<1000x64xf32, #tpu.memory_space<vmem>> -> memref<125x64xf32, #tpu.memory_space<vmem>>
      %dma_start3A_483 = arith.constant 0 : i32
      %dma_start3A_484 = tpu.memref_slice %arg7[%dma_start3A_479, %add3A_478, %dma_start3A_483] : memref<2x40x125xi32, #tpu.memory_space<vmem>> -> memref<1x1x125xi32, #tpu.memory_space<vmem>>
      %dma_start3A_485 = tpu.memref_squeeze %dma_start3A_484 : memref<1x1x125xi32, #tpu.memory_space<vmem>> -> memref<125xi32, #tpu.memory_space<vmem>>
      %dma_start3A_486 = arith.constant 0 : i32
      %dma_start3A_487 = arith.constant 0 : i32
      %dma_start3A_488 = tpu.memref_slice %arg9[%dma_start3A_486, %dma_start3A_487] : memref<10240x64xf32, #tpu.memory_space<vmem_shared>> -> memref<10240x64xf32, #tpu.memory_space<vmem_shared>>
      tpu.enqueue_indirect_dma source(%dma_start3A_482 : memref<125x64xf32, #tpu.memory_space<vmem>>) target(%dma_start3A_488 : memref<10240x64xf32, #tpu.memory_space<vmem_shared>>) offsets(%dma_start3A_485 : memref<125xi32, #tpu.memory_space<vmem>>) semaphore(%arg11 : memref<!tpu.dma_semaphore, #tpu.memory_space<semaphore_mem>>) {add = true}
      %dma_wait3A_489 = arith.constant 1 : i32
      %dma_wait3A_490 = arith.constant 375 : i32
      %dma_wait3A_491 = arith.constant 0 : i32
      %dma_wait3A_492 = tpu.memref_slice %arg8[%dma_wait3A_490, %dma_wait3A_491] : memref<1000x64xf32, #tpu.memory_space<vmem>> -> memref<125x64xf32, #tpu.memory_space<vmem>>
      %dma_wait3A_493 = arith.constant 0 : i32
      %dma_wait3A_494 = tpu.memref_slice %arg6[%dma_wait3A_489, %add3A_364, %dma_wait3A_493] : memref<2x40x125xi32, #tpu.memory_space<vmem>> -> memref<1x1x125xi32, #tpu.memory_space<vmem>>
      %dma_wait3A_495 = tpu.memref_squeeze %dma_wait3A_494 : memref<1x1x125xi32, #tpu.memory_space<vmem>> -> memref<125xi32, #tpu.memory_space<vmem>>
      %dma_wait3A_496 = arith.constant 0 : i32
      %dma_wait3A_497 = arith.constant 0 : i32
      %dma_wait3A_498 = tpu.memref_slice %arg2[%dma_wait3A_496, %dma_wait3A_497] : memref<20000x64xf32, #tpu.memory_space<hbm>> -> memref<20000x64xf32, #tpu.memory_space<hbm>>
      tpu.wait_indirect_dma semaphore(%arg10 : memref<!tpu.dma_semaphore, #tpu.memory_space<semaphore_mem>>) src(%dma_wait3A_498 : memref<20000x64xf32, #tpu.memory_space<hbm>>) dst(%dma_wait3A_492 : memref<125x64xf32, #tpu.memory_space<vmem>>)
      %add3A_499 = arith.constant 3 : i32
      %add3A_500 = arith.addi %mul3A_327, %add3A_499 : i32
      %dma_start3A_501 = arith.constant 1 : i32
      %dma_start3A_502 = arith.constant 375 : i32
      %dma_start3A_503 = arith.constant 0 : i32
      %dma_start3A_504 = tpu.memref_slice %arg8[%dma_start3A_502, %dma_start3A_503] : memref<1000x64xf32, #tpu.memory_space<vmem>> -> memref<125x64xf32, #tpu.memory_space<vmem>>
      %dma_start3A_505 = arith.constant 0 : i32
      %dma_start3A_506 = tpu.memref_slice %arg7[%dma_start3A_501, %add3A_500, %dma_start3A_505] : memref<2x40x125xi32, #tpu.memory_space<vmem>> -> memref<1x1x125xi32, #tpu.memory_space<vmem>>
      %dma_start3A_507 = tpu.memref_squeeze %dma_start3A_506 : memref<1x1x125xi32, #tpu.memory_space<vmem>> -> memref<125xi32, #tpu.memory_space<vmem>>
      %dma_start3A_508 = arith.constant 0 : i32
      %dma_start3A_509 = arith.constant 0 : i32
      %dma_start3A_510 = tpu.memref_slice %arg9[%dma_start3A_508, %dma_start3A_509] : memref<10240x64xf32, #tpu.memory_space<vmem_shared>> -> memref<10240x64xf32, #tpu.memory_space<vmem_shared>>
      tpu.enqueue_indirect_dma source(%dma_start3A_504 : memref<125x64xf32, #tpu.memory_space<vmem>>) target(%dma_start3A_510 : memref<10240x64xf32, #tpu.memory_space<vmem_shared>>) offsets(%dma_start3A_507 : memref<125xi32, #tpu.memory_space<vmem>>) semaphore(%arg11 : memref<!tpu.dma_semaphore, #tpu.memory_space<semaphore_mem>>) {add = true}
      %dma_wait3A_511 = arith.constant 1 : i32
      %dma_wait3A_512 = arith.constant 500 : i32
      %dma_wait3A_513 = arith.constant 0 : i32
      %dma_wait3A_514 = tpu.memref_slice %arg8[%dma_wait3A_512, %dma_wait3A_513] : memref<1000x64xf32, #tpu.memory_space<vmem>> -> memref<125x64xf32, #tpu.memory_space<vmem>>
      %dma_wait3A_515 = arith.constant 0 : i32
      %dma_wait3A_516 = tpu.memref_slice %arg6[%dma_wait3A_511, %add3A_376, %dma_wait3A_515] : memref<2x40x125xi32, #tpu.memory_space<vmem>> -> memref<1x1x125xi32, #tpu.memory_space<vmem>>
      %dma_wait3A_517 = tpu.memref_squeeze %dma_wait3A_516 : memref<1x1x125xi32, #tpu.memory_space<vmem>> -> memref<125xi32, #tpu.memory_space<vmem>>
      %dma_wait3A_518 = arith.constant 0 : i32
      %dma_wait3A_519 = arith.constant 0 : i32
      %dma_wait3A_520 = tpu.memref_slice %arg2[%dma_wait3A_518, %dma_wait3A_519] : memref<20000x64xf32, #tpu.memory_space<hbm>> -> memref<20000x64xf32, #tpu.memory_space<hbm>>
      tpu.wait_indirect_dma semaphore(%arg10 : memref<!tpu.dma_semaphore, #tpu.memory_space<semaphore_mem>>) src(%dma_wait3A_520 : memref<20000x64xf32, #tpu.memory_space<hbm>>) dst(%dma_wait3A_514 : memref<125x64xf32, #tpu.memory_space<vmem>>)
      %add3A_521 = arith.constant 4 : i32
      %add3A_522 = arith.addi %mul3A_327, %add3A_521 : i32
      %dma_start3A_523 = arith.constant 1 : i32
      %dma_start3A_524 = arith.constant 500 : i32
      %dma_start3A_525 = arith.constant 0 : i32
      %dma_start3A_526 = tpu.memref_slice %arg8[%dma_start3A_524, %dma_start3A_525] : memref<1000x64xf32, #tpu.memory_space<vmem>> -> memref<125x64xf32, #tpu.memory_space<vmem>>
      %dma_start3A_527 = arith.constant 0 : i32
      %dma_start3A_528 = tpu.memref_slice %arg7[%dma_start3A_523, %add3A_522, %dma_start3A_527] : memref<2x40x125xi32, #tpu.memory_space<vmem>> -> memref<1x1x125xi32, #tpu.memory_space<vmem>>
      %dma_start3A_529 = tpu.memref_squeeze %dma_start3A_528 : memref<1x1x125xi32, #tpu.memory_space<vmem>> -> memref<125xi32, #tpu.memory_space<vmem>>
      %dma_start3A_530 = arith.constant 0 : i32
      %dma_start3A_531 = arith.constant 0 : i32
      %dma_start3A_532 = tpu.memref_slice %arg9[%dma_start3A_530, %dma_start3A_531] : memref<10240x64xf32, #tpu.memory_space<vmem_shared>> -> memref<10240x64xf32, #tpu.memory_space<vmem_shared>>
      tpu.enqueue_indirect_dma source(%dma_start3A_526 : memref<125x64xf32, #tpu.memory_space<vmem>>) target(%dma_start3A_532 : memref<10240x64xf32, #tpu.memory_space<vmem_shared>>) offsets(%dma_start3A_529 : memref<125xi32, #tpu.memory_space<vmem>>) semaphore(%arg11 : memref<!tpu.dma_semaphore, #tpu.memory_space<semaphore_mem>>) {add = true}
      %dma_wait3A_533 = arith.constant 1 : i32
      %dma_wait3A_534 = arith.constant 625 : i32
      %dma_wait3A_535 = arith.constant 0 : i32
      %dma_wait3A_536 = tpu.memref_slice %arg8[%dma_wait3A_534, %dma_wait3A_535] : memref<1000x64xf32, #tpu.memory_space<vmem>> -> memref<125x64xf32, #tpu.memory_space<vmem>>
      %dma_wait3A_537 = arith.constant 0 : i32
      %dma_wait3A_538 = tpu.memref_slice %arg6[%dma_wait3A_533, %add3A_388, %dma_wait3A_537] : memref<2x40x125xi32, #tpu.memory_space<vmem>> -> memref<1x1x125xi32, #tpu.memory_space<vmem>>
      %dma_wait3A_539 = tpu.memref_squeeze %dma_wait3A_538 : memref<1x1x125xi32, #tpu.memory_space<vmem>> -> memref<125xi32, #tpu.memory_space<vmem>>
      %dma_wait3A_540 = arith.constant 0 : i32
      %dma_wait3A_541 = arith.constant 0 : i32
      %dma_wait3A_542 = tpu.memref_slice %arg2[%dma_wait3A_540, %dma_wait3A_541] : memref<20000x64xf32, #tpu.memory_space<hbm>> -> memref<20000x64xf32, #tpu.memory_space<hbm>>
      tpu.wait_indirect_dma semaphore(%arg10 : memref<!tpu.dma_semaphore, #tpu.memory_space<semaphore_mem>>) src(%dma_wait3A_542 : memref<20000x64xf32, #tpu.memory_space<hbm>>) dst(%dma_wait3A_536 : memref<125x64xf32, #tpu.memory_space<vmem>>)
      %add3A_543 = arith.constant 5 : i32
      %add3A_544 = arith.addi %mul3A_327, %add3A_543 : i32
      %dma_start3A_545 = arith.constant 1 : i32
      %dma_start3A_546 = arith.constant 625 : i32
      %dma_start3A_547 = arith.constant 0 : i32
      %dma_start3A_548 = tpu.memref_slice %arg8[%dma_start3A_546, %dma_start3A_547] : memref<1000x64xf32, #tpu.memory_space<vmem>> -> memref<125x64xf32, #tpu.memory_space<vmem>>
      %dma_start3A_549 = arith.constant 0 : i32
      %dma_start3A_550 = tpu.memref_slice %arg7[%dma_start3A_545, %add3A_544, %dma_start3A_549] : memref<2x40x125xi32, #tpu.memory_space<vmem>> -> memref<1x1x125xi32, #tpu.memory_space<vmem>>
      %dma_start3A_551 = tpu.memref_squeeze %dma_start3A_550 : memref<1x1x125xi32, #tpu.memory_space<vmem>> -> memref<125xi32, #tpu.memory_space<vmem>>
      %dma_start3A_552 = arith.constant 0 : i32
      %dma_start3A_553 = arith.constant 0 : i32
      %dma_start3A_554 = tpu.memref_slice %arg9[%dma_start3A_552, %dma_start3A_553] : memref<10240x64xf32, #tpu.memory_space<vmem_shared>> -> memref<10240x64xf32, #tpu.memory_space<vmem_shared>>
      tpu.enqueue_indirect_dma source(%dma_start3A_548 : memref<125x64xf32, #tpu.memory_space<vmem>>) target(%dma_start3A_554 : memref<10240x64xf32, #tpu.memory_space<vmem_shared>>) offsets(%dma_start3A_551 : memref<125xi32, #tpu.memory_space<vmem>>) semaphore(%arg11 : memref<!tpu.dma_semaphore, #tpu.memory_space<semaphore_mem>>) {add = true}
      %dma_wait3A_555 = arith.constant 1 : i32
      %dma_wait3A_556 = arith.constant 750 : i32
      %dma_wait3A_557 = arith.constant 0 : i32
      %dma_wait3A_558 = tpu.memref_slice %arg8[%dma_wait3A_556, %dma_wait3A_557] : memref<1000x64xf32, #tpu.memory_space<vmem>> -> memref<125x64xf32, #tpu.memory_space<vmem>>
      %dma_wait3A_559 = arith.constant 0 : i32
      %dma_wait3A_560 = tpu.memref_slice %arg6[%dma_wait3A_555, %add3A_400, %dma_wait3A_559] : memref<2x40x125xi32, #tpu.memory_space<vmem>> -> memref<1x1x125xi32, #tpu.memory_space<vmem>>
      %dma_wait3A_561 = tpu.memref_squeeze %dma_wait3A_560 : memref<1x1x125xi32, #tpu.memory_space<vmem>> -> memref<125xi32, #tpu.memory_space<vmem>>
      %dma_wait3A_562 = arith.constant 0 : i32
      %dma_wait3A_563 = arith.constant 0 : i32
      %dma_wait3A_564 = tpu.memref_slice %arg2[%dma_wait3A_562, %dma_wait3A_563] : memref<20000x64xf32, #tpu.memory_space<hbm>> -> memref<20000x64xf32, #tpu.memory_space<hbm>>
      tpu.wait_indirect_dma semaphore(%arg10 : memref<!tpu.dma_semaphore, #tpu.memory_space<semaphore_mem>>) src(%dma_wait3A_564 : memref<20000x64xf32, #tpu.memory_space<hbm>>) dst(%dma_wait3A_558 : memref<125x64xf32, #tpu.memory_space<vmem>>)
      %add3A_565 = arith.constant 6 : i32
      %add3A_566 = arith.addi %mul3A_327, %add3A_565 : i32
      %dma_start3A_567 = arith.constant 1 : i32
      %dma_start3A_568 = arith.constant 750 : i32
      %dma_start3A_569 = arith.constant 0 : i32
      %dma_start3A_570 = tpu.memref_slice %arg8[%dma_start3A_568, %dma_start3A_569] : memref<1000x64xf32, #tpu.memory_space<vmem>> -> memref<125x64xf32, #tpu.memory_space<vmem>>
      %dma_start3A_571 = arith.constant 0 : i32
      %dma_start3A_572 = tpu.memref_slice %arg7[%dma_start3A_567, %add3A_566, %dma_start3A_571] : memref<2x40x125xi32, #tpu.memory_space<vmem>> -> memref<1x1x125xi32, #tpu.memory_space<vmem>>
      %dma_start3A_573 = tpu.memref_squeeze %dma_start3A_572 : memref<1x1x125xi32, #tpu.memory_space<vmem>> -> memref<125xi32, #tpu.memory_space<vmem>>
      %dma_start3A_574 = arith.constant 0 : i32
      %dma_start3A_575 = arith.constant 0 : i32
      %dma_start3A_576 = tpu.memref_slice %arg9[%dma_start3A_574, %dma_start3A_575] : memref<10240x64xf32, #tpu.memory_space<vmem_shared>> -> memref<10240x64xf32, #tpu.memory_space<vmem_shared>>
      tpu.enqueue_indirect_dma source(%dma_start3A_570 : memref<125x64xf32, #tpu.memory_space<vmem>>) target(%dma_start3A_576 : memref<10240x64xf32, #tpu.memory_space<vmem_shared>>) offsets(%dma_start3A_573 : memref<125xi32, #tpu.memory_space<vmem>>) semaphore(%arg11 : memref<!tpu.dma_semaphore, #tpu.memory_space<semaphore_mem>>) {add = true}
      %dma_wait3A_577 = arith.constant 1 : i32
      %dma_wait3A_578 = arith.constant 875 : i32
      %dma_wait3A_579 = arith.constant 0 : i32
      %dma_wait3A_580 = tpu.memref_slice %arg8[%dma_wait3A_578, %dma_wait3A_579] : memref<1000x64xf32, #tpu.memory_space<vmem>> -> memref<125x64xf32, #tpu.memory_space<vmem>>
      %dma_wait3A_581 = arith.constant 0 : i32
      %dma_wait3A_582 = tpu.memref_slice %arg6[%dma_wait3A_577, %add3A_412, %dma_wait3A_581] : memref<2x40x125xi32, #tpu.memory_space<vmem>> -> memref<1x1x125xi32, #tpu.memory_space<vmem>>
      %dma_wait3A_583 = tpu.memref_squeeze %dma_wait3A_582 : memref<1x1x125xi32, #tpu.memory_space<vmem>> -> memref<125xi32, #tpu.memory_space<vmem>>
      %dma_wait3A_584 = arith.constant 0 : i32
      %dma_wait3A_585 = arith.constant 0 : i32
      %dma_wait3A_586 = tpu.memref_slice %arg2[%dma_wait3A_584, %dma_wait3A_585] : memref<20000x64xf32, #tpu.memory_space<hbm>> -> memref<20000x64xf32, #tpu.memory_space<hbm>>
      tpu.wait_indirect_dma semaphore(%arg10 : memref<!tpu.dma_semaphore, #tpu.memory_space<semaphore_mem>>) src(%dma_wait3A_586 : memref<20000x64xf32, #tpu.memory_space<hbm>>) dst(%dma_wait3A_580 : memref<125x64xf32, #tpu.memory_space<vmem>>)
      %add3A_587 = arith.constant 7 : i32
      %add3A_588 = arith.addi %mul3A_327, %add3A_587 : i32
      %dma_start3A_589 = arith.constant 1 : i32
      %dma_start3A_590 = arith.constant 875 : i32
      %dma_start3A_591 = arith.constant 0 : i32
      %dma_start3A_592 = tpu.memref_slice %arg8[%dma_start3A_590, %dma_start3A_591] : memref<1000x64xf32, #tpu.memory_space<vmem>> -> memref<125x64xf32, #tpu.memory_space<vmem>>
      %dma_start3A_593 = arith.constant 0 : i32
      %dma_start3A_594 = tpu.memref_slice %arg7[%dma_start3A_589, %add3A_588, %dma_start3A_593] : memref<2x40x125xi32, #tpu.memory_space<vmem>> -> memref<1x1x125xi32, #tpu.memory_space<vmem>>
      %dma_start3A_595 = tpu.memref_squeeze %dma_start3A_594 : memref<1x1x125xi32, #tpu.memory_space<vmem>> -> memref<125xi32, #tpu.memory_space<vmem>>
      %dma_start3A_596 = arith.constant 0 : i32
      %dma_start3A_597 = arith.constant 0 : i32
      %dma_start3A_598 = tpu.memref_slice %arg9[%dma_start3A_596, %dma_start3A_597] : memref<10240x64xf32, #tpu.memory_space<vmem_shared>> -> memref<10240x64xf32, #tpu.memory_space<vmem_shared>>
      tpu.enqueue_indirect_dma source(%dma_start3A_592 : memref<125x64xf32, #tpu.memory_space<vmem>>) target(%dma_start3A_598 : memref<10240x64xf32, #tpu.memory_space<vmem_shared>>) offsets(%dma_start3A_595 : memref<125xi32, #tpu.memory_space<vmem>>) semaphore(%arg11 : memref<!tpu.dma_semaphore, #tpu.memory_space<semaphore_mem>>) {add = true}
      %dma_wait3A_599 = arith.constant 1 : i32
      %dma_wait3A_600 = arith.constant 0 : i32
      %dma_wait3A_601 = arith.constant 0 : i32
      %dma_wait3A_602 = tpu.memref_slice %arg8[%dma_wait3A_600, %dma_wait3A_601] : memref<1000x64xf32, #tpu.memory_space<vmem>> -> memref<125x64xf32, #tpu.memory_space<vmem>>
      %dma_wait3A_603 = arith.constant 0 : i32
      %dma_wait3A_604 = tpu.memref_slice %arg7[%dma_wait3A_599, %add3A_434, %dma_wait3A_603] : memref<2x40x125xi32, #tpu.memory_space<vmem>> -> memref<1x1x125xi32, #tpu.memory_space<vmem>>
      %dma_wait3A_605 = tpu.memref_squeeze %dma_wait3A_604 : memref<1x1x125xi32, #tpu.memory_space<vmem>> -> memref<125xi32, #tpu.memory_space<vmem>>
      %dma_wait3A_606 = arith.constant 0 : i32
      %dma_wait3A_607 = arith.constant 0 : i32
      %dma_wait3A_608 = tpu.memref_slice %arg9[%dma_wait3A_606, %dma_wait3A_607] : memref<10240x64xf32, #tpu.memory_space<vmem_shared>> -> memref<10240x64xf32, #tpu.memory_space<vmem_shared>>
      tpu.wait_indirect_dma semaphore(%arg11 : memref<!tpu.dma_semaphore, #tpu.memory_space<semaphore_mem>>) src(%dma_wait3A_602 : memref<125x64xf32, #tpu.memory_space<vmem>>) dst(%dma_wait3A_608 : memref<10240x64xf32, #tpu.memory_space<vmem_shared>>)
      %dma_wait3A_609 = arith.constant 1 : i32
      %dma_wait3A_610 = arith.constant 125 : i32
      %dma_wait3A_611 = arith.constant 0 : i32
      %dma_wait3A_612 = tpu.memref_slice %arg8[%dma_wait3A_610, %dma_wait3A_611] : memref<1000x64xf32, #tpu.memory_space<vmem>> -> memref<125x64xf32, #tpu.memory_space<vmem>>
      %dma_wait3A_613 = arith.constant 0 : i32
      %dma_wait3A_614 = tpu.memref_slice %arg7[%dma_wait3A_609, %add3A_456, %dma_wait3A_613] : memref<2x40x125xi32, #tpu.memory_space<vmem>> -> memref<1x1x125xi32, #tpu.memory_space<vmem>>
      %dma_wait3A_615 = tpu.memref_squeeze %dma_wait3A_614 : memref<1x1x125xi32, #tpu.memory_space<vmem>> -> memref<125xi32, #tpu.memory_space<vmem>>
      %dma_wait3A_616 = arith.constant 0 : i32
      %dma_wait3A_617 = arith.constant 0 : i32
      %dma_wait3A_618 = tpu.memref_slice %arg9[%dma_wait3A_616, %dma_wait3A_617] : memref<10240x64xf32, #tpu.memory_space<vmem_shared>> -> memref<10240x64xf32, #tpu.memory_space<vmem_shared>>
      tpu.wait_indirect_dma semaphore(%arg11 : memref<!tpu.dma_semaphore, #tpu.memory_space<semaphore_mem>>) src(%dma_wait3A_612 : memref<125x64xf32, #tpu.memory_space<vmem>>) dst(%dma_wait3A_618 : memref<10240x64xf32, #tpu.memory_space<vmem_shared>>)
      %dma_wait3A_619 = arith.constant 1 : i32
      %dma_wait3A_620 = arith.constant 250 : i32
      %dma_wait3A_621 = arith.constant 0 : i32
      %dma_wait3A_622 = tpu.memref_slice %arg8[%dma_wait3A_620, %dma_wait3A_621] : memref<1000x64xf32, #tpu.memory_space<vmem>> -> memref<125x64xf32, #tpu.memory_space<vmem>>
      %dma_wait3A_623 = arith.constant 0 : i32
      %dma_wait3A_624 = tpu.memref_slice %arg7[%dma_wait3A_619, %add3A_478, %dma_wait3A_623] : memref<2x40x125xi32, #tpu.memory_space<vmem>> -> memref<1x1x125xi32, #tpu.memory_space<vmem>>
      %dma_wait3A_625 = tpu.memref_squeeze %dma_wait3A_624 : memref<1x1x125xi32, #tpu.memory_space<vmem>> -> memref<125xi32, #tpu.memory_space<vmem>>
      %dma_wait3A_626 = arith.constant 0 : i32
      %dma_wait3A_627 = arith.constant 0 : i32
      %dma_wait3A_628 = tpu.memref_slice %arg9[%dma_wait3A_626, %dma_wait3A_627] : memref<10240x64xf32, #tpu.memory_space<vmem_shared>> -> memref<10240x64xf32, #tpu.memory_space<vmem_shared>>
      tpu.wait_indirect_dma semaphore(%arg11 : memref<!tpu.dma_semaphore, #tpu.memory_space<semaphore_mem>>) src(%dma_wait3A_622 : memref<125x64xf32, #tpu.memory_space<vmem>>) dst(%dma_wait3A_628 : memref<10240x64xf32, #tpu.memory_space<vmem_shared>>)
      %dma_wait3A_629 = arith.constant 1 : i32
      %dma_wait3A_630 = arith.constant 375 : i32
      %dma_wait3A_631 = arith.constant 0 : i32
      %dma_wait3A_632 = tpu.memref_slice %arg8[%dma_wait3A_630, %dma_wait3A_631] : memref<1000x64xf32, #tpu.memory_space<vmem>> -> memref<125x64xf32, #tpu.memory_space<vmem>>
      %dma_wait3A_633 = arith.constant 0 : i32
      %dma_wait3A_634 = tpu.memref_slice %arg7[%dma_wait3A_629, %add3A_500, %dma_wait3A_633] : memref<2x40x125xi32, #tpu.memory_space<vmem>> -> memref<1x1x125xi32, #tpu.memory_space<vmem>>
      %dma_wait3A_635 = tpu.memref_squeeze %dma_wait3A_634 : memref<1x1x125xi32, #tpu.memory_space<vmem>> -> memref<125xi32, #tpu.memory_space<vmem>>
      %dma_wait3A_636 = arith.constant 0 : i32
      %dma_wait3A_637 = arith.constant 0 : i32
      %dma_wait3A_638 = tpu.memref_slice %arg9[%dma_wait3A_636, %dma_wait3A_637] : memref<10240x64xf32, #tpu.memory_space<vmem_shared>> -> memref<10240x64xf32, #tpu.memory_space<vmem_shared>>
      tpu.wait_indirect_dma semaphore(%arg11 : memref<!tpu.dma_semaphore, #tpu.memory_space<semaphore_mem>>) src(%dma_wait3A_632 : memref<125x64xf32, #tpu.memory_space<vmem>>) dst(%dma_wait3A_638 : memref<10240x64xf32, #tpu.memory_space<vmem_shared>>)
      %dma_wait3A_639 = arith.constant 1 : i32
      %dma_wait3A_640 = arith.constant 500 : i32
      %dma_wait3A_641 = arith.constant 0 : i32
      %dma_wait3A_642 = tpu.memref_slice %arg8[%dma_wait3A_640, %dma_wait3A_641] : memref<1000x64xf32, #tpu.memory_space<vmem>> -> memref<125x64xf32, #tpu.memory_space<vmem>>
      %dma_wait3A_643 = arith.constant 0 : i32
      %dma_wait3A_644 = tpu.memref_slice %arg7[%dma_wait3A_639, %add3A_522, %dma_wait3A_643] : memref<2x40x125xi32, #tpu.memory_space<vmem>> -> memref<1x1x125xi32, #tpu.memory_space<vmem>>
      %dma_wait3A_645 = tpu.memref_squeeze %dma_wait3A_644 : memref<1x1x125xi32, #tpu.memory_space<vmem>> -> memref<125xi32, #tpu.memory_space<vmem>>
      %dma_wait3A_646 = arith.constant 0 : i32
      %dma_wait3A_647 = arith.constant 0 : i32
      %dma_wait3A_648 = tpu.memref_slice %arg9[%dma_wait3A_646, %dma_wait3A_647] : memref<10240x64xf32, #tpu.memory_space<vmem_shared>> -> memref<10240x64xf32, #tpu.memory_space<vmem_shared>>
      tpu.wait_indirect_dma semaphore(%arg11 : memref<!tpu.dma_semaphore, #tpu.memory_space<semaphore_mem>>) src(%dma_wait3A_642 : memref<125x64xf32, #tpu.memory_space<vmem>>) dst(%dma_wait3A_648 : memref<10240x64xf32, #tpu.memory_space<vmem_shared>>)
      %dma_wait3A_649 = arith.constant 1 : i32
      %dma_wait3A_650 = arith.constant 625 : i32
      %dma_wait3A_651 = arith.constant 0 : i32
      %dma_wait3A_652 = tpu.memref_slice %arg8[%dma_wait3A_650, %dma_wait3A_651] : memref<1000x64xf32, #tpu.memory_space<vmem>> -> memref<125x64xf32, #tpu.memory_space<vmem>>
      %dma_wait3A_653 = arith.constant 0 : i32
      %dma_wait3A_654 = tpu.memref_slice %arg7[%dma_wait3A_649, %add3A_544, %dma_wait3A_653] : memref<2x40x125xi32, #tpu.memory_space<vmem>> -> memref<1x1x125xi32, #tpu.memory_space<vmem>>
      %dma_wait3A_655 = tpu.memref_squeeze %dma_wait3A_654 : memref<1x1x125xi32, #tpu.memory_space<vmem>> -> memref<125xi32, #tpu.memory_space<vmem>>
      %dma_wait3A_656 = arith.constant 0 : i32
      %dma_wait3A_657 = arith.constant 0 : i32
      %dma_wait3A_658 = tpu.memref_slice %arg9[%dma_wait3A_656, %dma_wait3A_657] : memref<10240x64xf32, #tpu.memory_space<vmem_shared>> -> memref<10240x64xf32, #tpu.memory_space<vmem_shared>>
      tpu.wait_indirect_dma semaphore(%arg11 : memref<!tpu.dma_semaphore, #tpu.memory_space<semaphore_mem>>) src(%dma_wait3A_652 : memref<125x64xf32, #tpu.memory_space<vmem>>) dst(%dma_wait3A_658 : memref<10240x64xf32, #tpu.memory_space<vmem_shared>>)
      %dma_wait3A_659 = arith.constant 1 : i32
      %dma_wait3A_660 = arith.constant 750 : i32
      %dma_wait3A_661 = arith.constant 0 : i32
      %dma_wait3A_662 = tpu.memref_slice %arg8[%dma_wait3A_660, %dma_wait3A_661] : memref<1000x64xf32, #tpu.memory_space<vmem>> -> memref<125x64xf32, #tpu.memory_space<vmem>>
      %dma_wait3A_663 = arith.constant 0 : i32
      %dma_wait3A_664 = tpu.memref_slice %arg7[%dma_wait3A_659, %add3A_566, %dma_wait3A_663] : memref<2x40x125xi32, #tpu.memory_space<vmem>> -> memref<1x1x125xi32, #tpu.memory_space<vmem>>
      %dma_wait3A_665 = tpu.memref_squeeze %dma_wait3A_664 : memref<1x1x125xi32, #tpu.memory_space<vmem>> -> memref<125xi32, #tpu.memory_space<vmem>>
      %dma_wait3A_666 = arith.constant 0 : i32
      %dma_wait3A_667 = arith.constant 0 : i32
      %dma_wait3A_668 = tpu.memref_slice %arg9[%dma_wait3A_666, %dma_wait3A_667] : memref<10240x64xf32, #tpu.memory_space<vmem_shared>> -> memref<10240x64xf32, #tpu.memory_space<vmem_shared>>
      tpu.wait_indirect_dma semaphore(%arg11 : memref<!tpu.dma_semaphore, #tpu.memory_space<semaphore_mem>>) src(%dma_wait3A_662 : memref<125x64xf32, #tpu.memory_space<vmem>>) dst(%dma_wait3A_668 : memref<10240x64xf32, #tpu.memory_space<vmem_shared>>)
      %dma_wait3A_669 = arith.constant 1 : i32
      %dma_wait3A_670 = arith.constant 875 : i32
      %dma_wait3A_671 = arith.constant 0 : i32
      %dma_wait3A_672 = tpu.memref_slice %arg8[%dma_wait3A_670, %dma_wait3A_671] : memref<1000x64xf32, #tpu.memory_space<vmem>> -> memref<125x64xf32, #tpu.memory_space<vmem>>
      %dma_wait3A_673 = arith.constant 0 : i32
      %dma_wait3A_674 = tpu.memref_slice %arg7[%dma_wait3A_669, %add3A_588, %dma_wait3A_673] : memref<2x40x125xi32, #tpu.memory_space<vmem>> -> memref<1x1x125xi32, #tpu.memory_space<vmem>>
      %dma_wait3A_675 = tpu.memref_squeeze %dma_wait3A_674 : memref<1x1x125xi32, #tpu.memory_space<vmem>> -> memref<125xi32, #tpu.memory_space<vmem>>
      %dma_wait3A_676 = arith.constant 0 : i32
      %dma_wait3A_677 = arith.constant 0 : i32
      %dma_wait3A_678 = tpu.memref_slice %arg9[%dma_wait3A_676, %dma_wait3A_677] : memref<10240x64xf32, #tpu.memory_space<vmem_shared>> -> memref<10240x64xf32, #tpu.memory_space<vmem_shared>>
      tpu.wait_indirect_dma semaphore(%arg11 : memref<!tpu.dma_semaphore, #tpu.memory_space<semaphore_mem>>) src(%dma_wait3A_672 : memref<125x64xf32, #tpu.memory_space<vmem>>) dst(%dma_wait3A_678 : memref<10240x64xf32, #tpu.memory_space<vmem_shared>>)
    }
    %scan3A_201 = arith.constant 5 : i32
    %dma_wait3A_202 = arith.constant 2 : i32
    %dma_wait3A_203 = arith.constant 0 : i32
    %dma_wait3A_204 = arith.constant 0 : i32
    %dma_wait3A_205 = arith.constant 0 : i32
    %dma_wait3A_206 = tpu.memref_slice %arg6[%dma_wait3A_203, %dma_wait3A_204, %dma_wait3A_205] : memref<2x40x125xi32, #tpu.memory_space<vmem>> -> memref<1x40x125xi32, #tpu.memory_space<vmem>>
    %dma_wait3A_207 = tpu.memref_squeeze %dma_wait3A_206 : memref<1x40x125xi32, #tpu.memory_space<vmem>> -> memref<40x125xi32, #tpu.memory_space<vmem>>
    %dma_wait3A_208 = arith.constant 0 : i32
    %dma_wait3A_209 = arith.constant 0 : i32
    %dma_wait3A_210 = tpu.memref_slice %arg3[%arg0, %arg1, %dma_wait3A_202, %dma_wait3A_208, %dma_wait3A_209] : memref<2x16x4x40x125xi32, #tpu.memory_space<hbm>> -> memref<1x1x1x40x125xi32, #tpu.memory_space<hbm>>
    %dma_wait3A_211 = tpu.memref_squeeze %dma_wait3A_210 : memref<1x1x1x40x125xi32, #tpu.memory_space<hbm>> -> memref<40x125xi32, #tpu.memory_space<hbm>>
    %dma_wait3A_212 = arith.constant 0 : i32
    %dma_wait3A_213 = arith.constant 0 : i32
    %dma_wait3A_214 = tpu.memref_slice %arg6[%dma_wait3A_203, %dma_wait3A_212, %dma_wait3A_213] : memref<2x40x125xi32, #tpu.memory_space<vmem>> -> memref<1x40x125xi32, #tpu.memory_space<vmem>>
    %dma_wait3A_215 = tpu.memref_squeeze %dma_wait3A_214 : memref<1x40x125xi32, #tpu.memory_space<vmem>> -> memref<40x125xi32, #tpu.memory_space<vmem>>
    %dma_wait3A_216 = arith.constant 0 : i32
    %dma_wait3A_217 = arith.constant 0 : i32
    %dma_wait3A_218 = tpu.memref_slice %arg3[%arg0, %arg1, %dma_wait3A_202, %dma_wait3A_216, %dma_wait3A_217] : memref<2x16x4x40x125xi32, #tpu.memory_space<hbm>> -> memref<1x1x1x40x125xi32, #tpu.memory_space<hbm>>
    %dma_wait3A_219 = tpu.memref_squeeze %dma_wait3A_218 : memref<1x1x1x40x125xi32, #tpu.memory_space<hbm>> -> memref<40x125xi32, #tpu.memory_space<hbm>>
    tpu.wait_dma2 semaphore(%arg12 : memref<!tpu.dma_semaphore, #tpu.memory_space<semaphore_mem>>) src(%dma_wait3A_219 : memref<40x125xi32, #tpu.memory_space<hbm>>) dst(%dma_wait3A_215 : memref<40x125xi32, #tpu.memory_space<vmem>>)
    %dma_wait3A_220 = arith.constant 2 : i32
    %dma_wait3A_221 = arith.constant 0 : i32
    %dma_wait3A_222 = arith.constant 0 : i32
    %dma_wait3A_223 = arith.constant 0 : i32
    %dma_wait3A_224 = tpu.memref_slice %arg7[%dma_wait3A_221, %dma_wait3A_222, %dma_wait3A_223] : memref<2x40x125xi32, #tpu.memory_space<vmem>> -> memref<1x40x125xi32, #tpu.memory_space<vmem>>
    %dma_wait3A_225 = tpu.memref_squeeze %dma_wait3A_224 : memref<1x40x125xi32, #tpu.memory_space<vmem>> -> memref<40x125xi32, #tpu.memory_space<vmem>>
    %dma_wait3A_226 = arith.constant 0 : i32
    %dma_wait3A_227 = arith.constant 0 : i32
    %dma_wait3A_228 = tpu.memref_slice %arg4[%arg1, %dma_wait3A_220, %dma_wait3A_226, %dma_wait3A_227] : memref<16x4x40x125xi32, #tpu.memory_space<hbm>> -> memref<1x1x40x125xi32, #tpu.memory_space<hbm>>
    %dma_wait3A_229 = tpu.memref_squeeze %dma_wait3A_228 : memref<1x1x40x125xi32, #tpu.memory_space<hbm>> -> memref<40x125xi32, #tpu.memory_space<hbm>>
    %dma_wait3A_230 = arith.constant 0 : i32
    %dma_wait3A_231 = arith.constant 0 : i32
    %dma_wait3A_232 = tpu.memref_slice %arg7[%dma_wait3A_221, %dma_wait3A_230, %dma_wait3A_231] : memref<2x40x125xi32, #tpu.memory_space<vmem>> -> memref<1x40x125xi32, #tpu.memory_space<vmem>>
    %dma_wait3A_233 = tpu.memref_squeeze %dma_wait3A_232 : memref<1x40x125xi32, #tpu.memory_space<vmem>> -> memref<40x125xi32, #tpu.memory_space<vmem>>
    %dma_wait3A_234 = arith.constant 0 : i32
    %dma_wait3A_235 = arith.constant 0 : i32
    %dma_wait3A_236 = tpu.memref_slice %arg4[%arg1, %dma_wait3A_220, %dma_wait3A_234, %dma_wait3A_235] : memref<16x4x40x125xi32, #tpu.memory_space<hbm>> -> memref<1x1x40x125xi32, #tpu.memory_space<hbm>>
    %dma_wait3A_237 = tpu.memref_squeeze %dma_wait3A_236 : memref<1x1x40x125xi32, #tpu.memory_space<hbm>> -> memref<40x125xi32, #tpu.memory_space<hbm>>
    tpu.wait_dma2 semaphore(%arg12 : memref<!tpu.dma_semaphore, #tpu.memory_space<semaphore_mem>>) src(%dma_wait3A_237 : memref<40x125xi32, #tpu.memory_space<hbm>>) dst(%dma_wait3A_233 : memref<40x125xi32, #tpu.memory_space<vmem>>)
    %dma_start3A_238 = arith.constant 3 : i32
    %dma_start3A_239 = arith.constant 1 : i32
    %dma_start3A_240 = arith.constant 0 : i32
    %dma_start3A_241 = arith.constant 0 : i32
    %dma_start3A_242 = tpu.memref_slice %arg6[%dma_start3A_239, %dma_start3A_240, %dma_start3A_241] : memref<2x40x125xi32, #tpu.memory_space<vmem>> -> memref<1x40x125xi32, #tpu.memory_space<vmem>>
    %dma_start3A_243 = tpu.memref_squeeze %dma_start3A_242 : memref<1x40x125xi32, #tpu.memory_space<vmem>> -> memref<40x125xi32, #tpu.memory_space<vmem>>
    %dma_start3A_244 = arith.constant 0 : i32
    %dma_start3A_245 = arith.constant 0 : i32
    %dma_start3A_246 = tpu.memref_slice %arg3[%arg0, %arg1, %dma_start3A_238, %dma_start3A_244, %dma_start3A_245] : memref<2x16x4x40x125xi32, #tpu.memory_space<hbm>> -> memref<1x1x1x40x125xi32, #tpu.memory_space<hbm>>
    %dma_start3A_247 = tpu.memref_squeeze %dma_start3A_246 : memref<1x1x1x40x125xi32, #tpu.memory_space<hbm>> -> memref<40x125xi32, #tpu.memory_space<hbm>>
    %dma_start3A_248 = arith.constant 0 : i32
    %dma_start3A_249 = arith.constant 0 : i32
    %dma_start3A_250 = tpu.memref_slice %arg6[%dma_start3A_239, %dma_start3A_248, %dma_start3A_249] : memref<2x40x125xi32, #tpu.memory_space<vmem>> -> memref<1x40x125xi32, #tpu.memory_space<vmem>>
    %dma_start3A_251 = tpu.memref_squeeze %dma_start3A_250 : memref<1x40x125xi32, #tpu.memory_space<vmem>> -> memref<40x125xi32, #tpu.memory_space<vmem>>
    %dma_start3A_252 = arith.constant 0 : i32
    %dma_start3A_253 = arith.constant 0 : i32
    %dma_start3A_254 = tpu.memref_slice %arg3[%arg0, %arg1, %dma_start3A_238, %dma_start3A_252, %dma_start3A_253] : memref<2x16x4x40x125xi32, #tpu.memory_space<hbm>> -> memref<1x1x1x40x125xi32, #tpu.memory_space<hbm>>
    %dma_start3A_255 = tpu.memref_squeeze %dma_start3A_254 : memref<1x1x1x40x125xi32, #tpu.memory_space<hbm>> -> memref<40x125xi32, #tpu.memory_space<hbm>>
    tpu.enqueue_dma source(%dma_start3A_255 : memref<40x125xi32, #tpu.memory_space<hbm>>) target(%dma_start3A_251 : memref<40x125xi32, #tpu.memory_space<vmem>>) target_semaphore(%arg12 : memref<!tpu.dma_semaphore, #tpu.memory_space<semaphore_mem>>)
    %dma_start3A_256 = arith.constant 3 : i32
    %dma_start3A_257 = arith.constant 1 : i32
    %dma_start3A_258 = arith.constant 0 : i32
    %dma_start3A_259 = arith.constant 0 : i32
    %dma_start3A_260 = tpu.memref_slice %arg7[%dma_start3A_257, %dma_start3A_258, %dma_start3A_259] : memref<2x40x125xi32, #tpu.memory_space<vmem>> -> memref<1x40x125xi32, #tpu.memory_space<vmem>>
    %dma_start3A_261 = tpu.memref_squeeze %dma_start3A_260 : memref<1x40x125xi32, #tpu.memory_space<vmem>> -> memref<40x125xi32, #tpu.memory_space<vmem>>
    %dma_start3A_262 = arith.constant 0 : i32
    %dma_start3A_263 = arith.constant 0 : i32
    %dma_start3A_264 = tpu.memref_slice %arg4[%arg1, %dma_start3A_256, %dma_start3A_262, %dma_start3A_263] : memref<16x4x40x125xi32, #tpu.memory_space<hbm>> -> memref<1x1x40x125xi32, #tpu.memory_space<hbm>>
    %dma_start3A_265 = tpu.memref_squeeze %dma_start3A_264 : memref<1x1x40x125xi32, #tpu.memory_space<hbm>> -> memref<40x125xi32, #tpu.memory_space<hbm>>
    %dma_start3A_266 = arith.constant 0 : i32
    %dma_start3A_267 = arith.constant 0 : i32
    %dma_start3A_268 = tpu.memref_slice %arg7[%dma_start3A_257, %dma_start3A_266, %dma_start3A_267] : memref<2x40x125xi32, #tpu.memory_space<vmem>> -> memref<1x40x125xi32, #tpu.memory_space<vmem>>
    %dma_start3A_269 = tpu.memref_squeeze %dma_start3A_268 : memref<1x40x125xi32, #tpu.memory_space<vmem>> -> memref<40x125xi32, #tpu.memory_space<vmem>>
    %dma_start3A_270 = arith.constant 0 : i32
    %dma_start3A_271 = arith.constant 0 : i32
    %dma_start3A_272 = tpu.memref_slice %arg4[%arg1, %dma_start3A_256, %dma_start3A_270, %dma_start3A_271] : memref<16x4x40x125xi32, #tpu.memory_space<hbm>> -> memref<1x1x40x125xi32, #tpu.memory_space<hbm>>
    %dma_start3A_273 = tpu.memref_squeeze %dma_start3A_272 : memref<1x1x40x125xi32, #tpu.memory_space<hbm>> -> memref<40x125xi32, #tpu.memory_space<hbm>>
    tpu.enqueue_dma source(%dma_start3A_273 : memref<40x125xi32, #tpu.memory_space<hbm>>) target(%dma_start3A_269 : memref<40x125xi32, #tpu.memory_space<vmem>>) target_semaphore(%arg12 : memref<!tpu.dma_semaphore, #tpu.memory_space<semaphore_mem>>)
    %scan3A_274 = arith.constant 0 : i32
    %scan3A_275 = arith.constant 0 : i32
    %scan3A_276 = arith.constant 5 : i32
    %scan3A_277 = arith.addi %scan3A_275, %scan3A_276 : i32
    %scan3A_278 = arith.constant 1 : i32
    scf.for %scan3A_325 = %scan3A_275 to %scan3A_277 step %scan3A_278  : i32 {
      %mul3A_326 = arith.constant 8 : i32
      %mul3A_327 = arith.muli %scan3A_325, %mul3A_326 : i32
      %add3A = arith.constant 0 : i32
      %add3A_328 = arith.addi %mul3A_327, %add3A : i32
      %dma_start3A_329 = arith.constant 0 : i32
      %dma_start3A_330 = arith.constant 0 : i32
      %dma_start3A_331 = arith.constant 0 : i32
      %dma_start3A_332 = tpu.memref_slice %arg8[%dma_start3A_330, %dma_start3A_331] : memref<1000x64xf32, #tpu.memory_space<vmem>> -> memref<125x64xf32, #tpu.memory_space<vmem>>
      %dma_start3A_333 = arith.constant 0 : i32
      %dma_start3A_334 = tpu.memref_slice %arg6[%dma_start3A_329, %add3A_328, %dma_start3A_333] : memref<2x40x125xi32, #tpu.memory_space<vmem>> -> memref<1x1x125xi32, #tpu.memory_space<vmem>>
      %dma_start3A_335 = tpu.memref_squeeze %dma_start3A_334 : memref<1x1x125xi32, #tpu.memory_space<vmem>> -> memref<125xi32, #tpu.memory_space<vmem>>
      %dma_start3A_336 = arith.constant 0 : i32
      %dma_start3A_337 = arith.constant 0 : i32
      %dma_start3A_338 = tpu.memref_slice %arg2[%dma_start3A_336, %dma_start3A_337] : memref<20000x64xf32, #tpu.memory_space<hbm>> -> memref<20000x64xf32, #tpu.memory_space<hbm>>
      tpu.enqueue_indirect_dma source(%dma_start3A_338 : memref<20000x64xf32, #tpu.memory_space<hbm>>) target(%dma_start3A_332 : memref<125x64xf32, #tpu.memory_space<vmem>>) offsets(%dma_start3A_335 : memref<125xi32, #tpu.memory_space<vmem>>) semaphore(%arg10 : memref<!tpu.dma_semaphore, #tpu.memory_space<semaphore_mem>>)
      %add3A_339 = arith.constant 1 : i32
      %add3A_340 = arith.addi %mul3A_327, %add3A_339 : i32
      %dma_start3A_341 = arith.constant 0 : i32
      %dma_start3A_342 = arith.constant 125 : i32
      %dma_start3A_343 = arith.constant 0 : i32
      %dma_start3A_344 = tpu.memref_slice %arg8[%dma_start3A_342, %dma_start3A_343] : memref<1000x64xf32, #tpu.memory_space<vmem>> -> memref<125x64xf32, #tpu.memory_space<vmem>>
      %dma_start3A_345 = arith.constant 0 : i32
      %dma_start3A_346 = tpu.memref_slice %arg6[%dma_start3A_341, %add3A_340, %dma_start3A_345] : memref<2x40x125xi32, #tpu.memory_space<vmem>> -> memref<1x1x125xi32, #tpu.memory_space<vmem>>
      %dma_start3A_347 = tpu.memref_squeeze %dma_start3A_346 : memref<1x1x125xi32, #tpu.memory_space<vmem>> -> memref<125xi32, #tpu.memory_space<vmem>>
      %dma_start3A_348 = arith.constant 0 : i32
      %dma_start3A_349 = arith.constant 0 : i32
      %dma_start3A_350 = tpu.memref_slice %arg2[%dma_start3A_348, %dma_start3A_349] : memref<20000x64xf32, #tpu.memory_space<hbm>> -> memref<20000x64xf32, #tpu.memory_space<hbm>>
      tpu.enqueue_indirect_dma source(%dma_start3A_350 : memref<20000x64xf32, #tpu.memory_space<hbm>>) target(%dma_start3A_344 : memref<125x64xf32, #tpu.memory_space<vmem>>) offsets(%dma_start3A_347 : memref<125xi32, #tpu.memory_space<vmem>>) semaphore(%arg10 : memref<!tpu.dma_semaphore, #tpu.memory_space<semaphore_mem>>)
      %add3A_351 = arith.constant 2 : i32
      %add3A_352 = arith.addi %mul3A_327, %add3A_351 : i32
      %dma_start3A_353 = arith.constant 0 : i32
      %dma_start3A_354 = arith.constant 250 : i32
      %dma_start3A_355 = arith.constant 0 : i32
      %dma_start3A_356 = tpu.memref_slice %arg8[%dma_start3A_354, %dma_start3A_355] : memref<1000x64xf32, #tpu.memory_space<vmem>> -> memref<125x64xf32, #tpu.memory_space<vmem>>
      %dma_start3A_357 = arith.constant 0 : i32
      %dma_start3A_358 = tpu.memref_slice %arg6[%dma_start3A_353, %add3A_352, %dma_start3A_357] : memref<2x40x125xi32, #tpu.memory_space<vmem>> -> memref<1x1x125xi32, #tpu.memory_space<vmem>>
      %dma_start3A_359 = tpu.memref_squeeze %dma_start3A_358 : memref<1x1x125xi32, #tpu.memory_space<vmem>> -> memref<125xi32, #tpu.memory_space<vmem>>
      %dma_start3A_360 = arith.constant 0 : i32
      %dma_start3A_361 = arith.constant 0 : i32
      %dma_start3A_362 = tpu.memref_slice %arg2[%dma_start3A_360, %dma_start3A_361] : memref<20000x64xf32, #tpu.memory_space<hbm>> -> memref<20000x64xf32, #tpu.memory_space<hbm>>
      tpu.enqueue_indirect_dma source(%dma_start3A_362 : memref<20000x64xf32, #tpu.memory_space<hbm>>) target(%dma_start3A_356 : memref<125x64xf32, #tpu.memory_space<vmem>>) offsets(%dma_start3A_359 : memref<125xi32, #tpu.memory_space<vmem>>) semaphore(%arg10 : memref<!tpu.dma_semaphore, #tpu.memory_space<semaphore_mem>>)
      %add3A_363 = arith.constant 3 : i32
      %add3A_364 = arith.addi %mul3A_327, %add3A_363 : i32
      %dma_start3A_365 = arith.constant 0 : i32
      %dma_start3A_366 = arith.constant 375 : i32
      %dma_start3A_367 = arith.constant 0 : i32
      %dma_start3A_368 = tpu.memref_slice %arg8[%dma_start3A_366, %dma_start3A_367] : memref<1000x64xf32, #tpu.memory_space<vmem>> -> memref<125x64xf32, #tpu.memory_space<vmem>>
      %dma_start3A_369 = arith.constant 0 : i32
      %dma_start3A_370 = tpu.memref_slice %arg6[%dma_start3A_365, %add3A_364, %dma_start3A_369] : memref<2x40x125xi32, #tpu.memory_space<vmem>> -> memref<1x1x125xi32, #tpu.memory_space<vmem>>
      %dma_start3A_371 = tpu.memref_squeeze %dma_start3A_370 : memref<1x1x125xi32, #tpu.memory_space<vmem>> -> memref<125xi32, #tpu.memory_space<vmem>>
      %dma_start3A_372 = arith.constant 0 : i32
      %dma_start3A_373 = arith.constant 0 : i32
      %dma_start3A_374 = tpu.memref_slice %arg2[%dma_start3A_372, %dma_start3A_373] : memref<20000x64xf32, #tpu.memory_space<hbm>> -> memref<20000x64xf32, #tpu.memory_space<hbm>>
      tpu.enqueue_indirect_dma source(%dma_start3A_374 : memref<20000x64xf32, #tpu.memory_space<hbm>>) target(%dma_start3A_368 : memref<125x64xf32, #tpu.memory_space<vmem>>) offsets(%dma_start3A_371 : memref<125xi32, #tpu.memory_space<vmem>>) semaphore(%arg10 : memref<!tpu.dma_semaphore, #tpu.memory_space<semaphore_mem>>)
      %add3A_375 = arith.constant 4 : i32
      %add3A_376 = arith.addi %mul3A_327, %add3A_375 : i32
      %dma_start3A_377 = arith.constant 0 : i32
      %dma_start3A_378 = arith.constant 500 : i32
      %dma_start3A_379 = arith.constant 0 : i32
      %dma_start3A_380 = tpu.memref_slice %arg8[%dma_start3A_378, %dma_start3A_379] : memref<1000x64xf32, #tpu.memory_space<vmem>> -> memref<125x64xf32, #tpu.memory_space<vmem>>
      %dma_start3A_381 = arith.constant 0 : i32
      %dma_start3A_382 = tpu.memref_slice %arg6[%dma_start3A_377, %add3A_376, %dma_start3A_381] : memref<2x40x125xi32, #tpu.memory_space<vmem>> -> memref<1x1x125xi32, #tpu.memory_space<vmem>>
      %dma_start3A_383 = tpu.memref_squeeze %dma_start3A_382 : memref<1x1x125xi32, #tpu.memory_space<vmem>> -> memref<125xi32, #tpu.memory_space<vmem>>
      %dma_start3A_384 = arith.constant 0 : i32
      %dma_start3A_385 = arith.constant 0 : i32
      %dma_start3A_386 = tpu.memref_slice %arg2[%dma_start3A_384, %dma_start3A_385] : memref<20000x64xf32, #tpu.memory_space<hbm>> -> memref<20000x64xf32, #tpu.memory_space<hbm>>
      tpu.enqueue_indirect_dma source(%dma_start3A_386 : memref<20000x64xf32, #tpu.memory_space<hbm>>) target(%dma_start3A_380 : memref<125x64xf32, #tpu.memory_space<vmem>>) offsets(%dma_start3A_383 : memref<125xi32, #tpu.memory_space<vmem>>) semaphore(%arg10 : memref<!tpu.dma_semaphore, #tpu.memory_space<semaphore_mem>>)
      %add3A_387 = arith.constant 5 : i32
      %add3A_388 = arith.addi %mul3A_327, %add3A_387 : i32
      %dma_start3A_389 = arith.constant 0 : i32
      %dma_start3A_390 = arith.constant 625 : i32
      %dma_start3A_391 = arith.constant 0 : i32
      %dma_start3A_392 = tpu.memref_slice %arg8[%dma_start3A_390, %dma_start3A_391] : memref<1000x64xf32, #tpu.memory_space<vmem>> -> memref<125x64xf32, #tpu.memory_space<vmem>>
      %dma_start3A_393 = arith.constant 0 : i32
      %dma_start3A_394 = tpu.memref_slice %arg6[%dma_start3A_389, %add3A_388, %dma_start3A_393] : memref<2x40x125xi32, #tpu.memory_space<vmem>> -> memref<1x1x125xi32, #tpu.memory_space<vmem>>
      %dma_start3A_395 = tpu.memref_squeeze %dma_start3A_394 : memref<1x1x125xi32, #tpu.memory_space<vmem>> -> memref<125xi32, #tpu.memory_space<vmem>>
      %dma_start3A_396 = arith.constant 0 : i32
      %dma_start3A_397 = arith.constant 0 : i32
      %dma_start3A_398 = tpu.memref_slice %arg2[%dma_start3A_396, %dma_start3A_397] : memref<20000x64xf32, #tpu.memory_space<hbm>> -> memref<20000x64xf32, #tpu.memory_space<hbm>>
      tpu.enqueue_indirect_dma source(%dma_start3A_398 : memref<20000x64xf32, #tpu.memory_space<hbm>>) target(%dma_start3A_392 : memref<125x64xf32, #tpu.memory_space<vmem>>) offsets(%dma_start3A_395 : memref<125xi32, #tpu.memory_space<vmem>>) semaphore(%arg10 : memref<!tpu.dma_semaphore, #tpu.memory_space<semaphore_mem>>)
      %add3A_399 = arith.constant 6 : i32
      %add3A_400 = arith.addi %mul3A_327, %add3A_399 : i32
      %dma_start3A_401 = arith.constant 0 : i32
      %dma_start3A_402 = arith.constant 750 : i32
      %dma_start3A_403 = arith.constant 0 : i32
      %dma_start3A_404 = tpu.memref_slice %arg8[%dma_start3A_402, %dma_start3A_403] : memref<1000x64xf32, #tpu.memory_space<vmem>> -> memref<125x64xf32, #tpu.memory_space<vmem>>
      %dma_start3A_405 = arith.constant 0 : i32
      %dma_start3A_406 = tpu.memref_slice %arg6[%dma_start3A_401, %add3A_400, %dma_start3A_405] : memref<2x40x125xi32, #tpu.memory_space<vmem>> -> memref<1x1x125xi32, #tpu.memory_space<vmem>>
      %dma_start3A_407 = tpu.memref_squeeze %dma_start3A_406 : memref<1x1x125xi32, #tpu.memory_space<vmem>> -> memref<125xi32, #tpu.memory_space<vmem>>
      %dma_start3A_408 = arith.constant 0 : i32
      %dma_start3A_409 = arith.constant 0 : i32
      %dma_start3A_410 = tpu.memref_slice %arg2[%dma_start3A_408, %dma_start3A_409] : memref<20000x64xf32, #tpu.memory_space<hbm>> -> memref<20000x64xf32, #tpu.memory_space<hbm>>
      tpu.enqueue_indirect_dma source(%dma_start3A_410 : memref<20000x64xf32, #tpu.memory_space<hbm>>) target(%dma_start3A_404 : memref<125x64xf32, #tpu.memory_space<vmem>>) offsets(%dma_start3A_407 : memref<125xi32, #tpu.memory_space<vmem>>) semaphore(%arg10 : memref<!tpu.dma_semaphore, #tpu.memory_space<semaphore_mem>>)
      %add3A_411 = arith.constant 7 : i32
      %add3A_412 = arith.addi %mul3A_327, %add3A_411 : i32
      %dma_start3A_413 = arith.constant 0 : i32
      %dma_start3A_414 = arith.constant 875 : i32
      %dma_start3A_415 = arith.constant 0 : i32
      %dma_start3A_416 = tpu.memref_slice %arg8[%dma_start3A_414, %dma_start3A_415] : memref<1000x64xf32, #tpu.memory_space<vmem>> -> memref<125x64xf32, #tpu.memory_space<vmem>>
      %dma_start3A_417 = arith.constant 0 : i32
      %dma_start3A_418 = tpu.memref_slice %arg6[%dma_start3A_413, %add3A_412, %dma_start3A_417] : memref<2x40x125xi32, #tpu.memory_space<vmem>> -> memref<1x1x125xi32, #tpu.memory_space<vmem>>
      %dma_start3A_419 = tpu.memref_squeeze %dma_start3A_418 : memref<1x1x125xi32, #tpu.memory_space<vmem>> -> memref<125xi32, #tpu.memory_space<vmem>>
      %dma_start3A_420 = arith.constant 0 : i32
      %dma_start3A_421 = arith.constant 0 : i32
      %dma_start3A_422 = tpu.memref_slice %arg2[%dma_start3A_420, %dma_start3A_421] : memref<20000x64xf32, #tpu.memory_space<hbm>> -> memref<20000x64xf32, #tpu.memory_space<hbm>>
      tpu.enqueue_indirect_dma source(%dma_start3A_422 : memref<20000x64xf32, #tpu.memory_space<hbm>>) target(%dma_start3A_416 : memref<125x64xf32, #tpu.memory_space<vmem>>) offsets(%dma_start3A_419 : memref<125xi32, #tpu.memory_space<vmem>>) semaphore(%arg10 : memref<!tpu.dma_semaphore, #tpu.memory_space<semaphore_mem>>)
      %dma_wait3A_423 = arith.constant 0 : i32
      %dma_wait3A_424 = arith.constant 0 : i32
      %dma_wait3A_425 = arith.constant 0 : i32
      %dma_wait3A_426 = tpu.memref_slice %arg8[%dma_wait3A_424, %dma_wait3A_425] : memref<1000x64xf32, #tpu.memory_space<vmem>> -> memref<125x64xf32, #tpu.memory_space<vmem>>
      %dma_wait3A_427 = arith.constant 0 : i32
      %dma_wait3A_428 = tpu.memref_slice %arg6[%dma_wait3A_423, %add3A_328, %dma_wait3A_427] : memref<2x40x125xi32, #tpu.memory_space<vmem>> -> memref<1x1x125xi32, #tpu.memory_space<vmem>>
      %dma_wait3A_429 = tpu.memref_squeeze %dma_wait3A_428 : memref<1x1x125xi32, #tpu.memory_space<vmem>> -> memref<125xi32, #tpu.memory_space<vmem>>
      %dma_wait3A_430 = arith.constant 0 : i32
      %dma_wait3A_431 = arith.constant 0 : i32
      %dma_wait3A_432 = tpu.memref_slice %arg2[%dma_wait3A_430, %dma_wait3A_431] : memref<20000x64xf32, #tpu.memory_space<hbm>> -> memref<20000x64xf32, #tpu.memory_space<hbm>>
      tpu.wait_indirect_dma semaphore(%arg10 : memref<!tpu.dma_semaphore, #tpu.memory_space<semaphore_mem>>) src(%dma_wait3A_432 : memref<20000x64xf32, #tpu.memory_space<hbm>>) dst(%dma_wait3A_426 : memref<125x64xf32, #tpu.memory_space<vmem>>)
      %add3A_433 = arith.constant 0 : i32
      %add3A_434 = arith.addi %mul3A_327, %add3A_433 : i32
      %dma_start3A_435 = arith.constant 0 : i32
      %dma_start3A_436 = arith.constant 0 : i32
      %dma_start3A_437 = arith.constant 0 : i32
      %dma_start3A_438 = tpu.memref_slice %arg8[%dma_start3A_436, %dma_start3A_437] : memref<1000x64xf32, #tpu.memory_space<vmem>> -> memref<125x64xf32, #tpu.memory_space<vmem>>
      %dma_start3A_439 = arith.constant 0 : i32
      %dma_start3A_440 = tpu.memref_slice %arg7[%dma_start3A_435, %add3A_434, %dma_start3A_439] : memref<2x40x125xi32, #tpu.memory_space<vmem>> -> memref<1x1x125xi32, #tpu.memory_space<vmem>>
      %dma_start3A_441 = tpu.memref_squeeze %dma_start3A_440 : memref<1x1x125xi32, #tpu.memory_space<vmem>> -> memref<125xi32, #tpu.memory_space<vmem>>
      %dma_start3A_442 = arith.constant 0 : i32
      %dma_start3A_443 = arith.constant 0 : i32
      %dma_start3A_444 = tpu.memref_slice %arg9[%dma_start3A_442, %dma_start3A_443] : memref<10240x64xf32, #tpu.memory_space<vmem_shared>> -> memref<10240x64xf32, #tpu.memory_space<vmem_shared>>
      tpu.enqueue_indirect_dma source(%dma_start3A_438 : memref<125x64xf32, #tpu.memory_space<vmem>>) target(%dma_start3A_444 : memref<10240x64xf32, #tpu.memory_space<vmem_shared>>) offsets(%dma_start3A_441 : memref<125xi32, #tpu.memory_space<vmem>>) semaphore(%arg11 : memref<!tpu.dma_semaphore, #tpu.memory_space<semaphore_mem>>) {add = true}
      %dma_wait3A_445 = arith.constant 0 : i32
      %dma_wait3A_446 = arith.constant 125 : i32
      %dma_wait3A_447 = arith.constant 0 : i32
      %dma_wait3A_448 = tpu.memref_slice %arg8[%dma_wait3A_446, %dma_wait3A_447] : memref<1000x64xf32, #tpu.memory_space<vmem>> -> memref<125x64xf32, #tpu.memory_space<vmem>>
      %dma_wait3A_449 = arith.constant 0 : i32
      %dma_wait3A_450 = tpu.memref_slice %arg6[%dma_wait3A_445, %add3A_340, %dma_wait3A_449] : memref<2x40x125xi32, #tpu.memory_space<vmem>> -> memref<1x1x125xi32, #tpu.memory_space<vmem>>
      %dma_wait3A_451 = tpu.memref_squeeze %dma_wait3A_450 : memref<1x1x125xi32, #tpu.memory_space<vmem>> -> memref<125xi32, #tpu.memory_space<vmem>>
      %dma_wait3A_452 = arith.constant 0 : i32
      %dma_wait3A_453 = arith.constant 0 : i32
      %dma_wait3A_454 = tpu.memref_slice %arg2[%dma_wait3A_452, %dma_wait3A_453] : memref<20000x64xf32, #tpu.memory_space<hbm>> -> memref<20000x64xf32, #tpu.memory_space<hbm>>
      tpu.wait_indirect_dma semaphore(%arg10 : memref<!tpu.dma_semaphore, #tpu.memory_space<semaphore_mem>>) src(%dma_wait3A_454 : memref<20000x64xf32, #tpu.memory_space<hbm>>) dst(%dma_wait3A_448 : memref<125x64xf32, #tpu.memory_space<vmem>>)
      %add3A_455 = arith.constant 1 : i32
      %add3A_456 = arith.addi %mul3A_327, %add3A_455 : i32
      %dma_start3A_457 = arith.constant 0 : i32
      %dma_start3A_458 = arith.constant 125 : i32
      %dma_start3A_459 = arith.constant 0 : i32
      %dma_start3A_460 = tpu.memref_slice %arg8[%dma_start3A_458, %dma_start3A_459] : memref<1000x64xf32, #tpu.memory_space<vmem>> -> memref<125x64xf32, #tpu.memory_space<vmem>>
      %dma_start3A_461 = arith.constant 0 : i32
      %dma_start3A_462 = tpu.memref_slice %arg7[%dma_start3A_457, %add3A_456, %dma_start3A_461] : memref<2x40x125xi32, #tpu.memory_space<vmem>> -> memref<1x1x125xi32, #tpu.memory_space<vmem>>
      %dma_start3A_463 = tpu.memref_squeeze %dma_start3A_462 : memref<1x1x125xi32, #tpu.memory_space<vmem>> -> memref<125xi32, #tpu.memory_space<vmem>>
      %dma_start3A_464 = arith.constant 0 : i32
      %dma_start3A_465 = arith.constant 0 : i32
      %dma_start3A_466 = tpu.memref_slice %arg9[%dma_start3A_464, %dma_start3A_465] : memref<10240x64xf32, #tpu.memory_space<vmem_shared>> -> memref<10240x64xf32, #tpu.memory_space<vmem_shared>>
      tpu.enqueue_indirect_dma source(%dma_start3A_460 : memref<125x64xf32, #tpu.memory_space<vmem>>) target(%dma_start3A_466 : memref<10240x64xf32, #tpu.memory_space<vmem_shared>>) offsets(%dma_start3A_463 : memref<125xi32, #tpu.memory_space<vmem>>) semaphore(%arg11 : memref<!tpu.dma_semaphore, #tpu.memory_space<semaphore_mem>>) {add = true}
      %dma_wait3A_467 = arith.constant 0 : i32
      %dma_wait3A_468 = arith.constant 250 : i32
      %dma_wait3A_469 = arith.constant 0 : i32
      %dma_wait3A_470 = tpu.memref_slice %arg8[%dma_wait3A_468, %dma_wait3A_469] : memref<1000x64xf32, #tpu.memory_space<vmem>> -> memref<125x64xf32, #tpu.memory_space<vmem>>
      %dma_wait3A_471 = arith.constant 0 : i32
      %dma_wait3A_472 = tpu.memref_slice %arg6[%dma_wait3A_467, %add3A_352, %dma_wait3A_471] : memref<2x40x125xi32, #tpu.memory_space<vmem>> -> memref<1x1x125xi32, #tpu.memory_space<vmem>>
      %dma_wait3A_473 = tpu.memref_squeeze %dma_wait3A_472 : memref<1x1x125xi32, #tpu.memory_space<vmem>> -> memref<125xi32, #tpu.memory_space<vmem>>
      %dma_wait3A_474 = arith.constant 0 : i32
      %dma_wait3A_475 = arith.constant 0 : i32
      %dma_wait3A_476 = tpu.memref_slice %arg2[%dma_wait3A_474, %dma_wait3A_475] : memref<20000x64xf32, #tpu.memory_space<hbm>> -> memref<20000x64xf32, #tpu.memory_space<hbm>>
      tpu.wait_indirect_dma semaphore(%arg10 : memref<!tpu.dma_semaphore, #tpu.memory_space<semaphore_mem>>) src(%dma_wait3A_476 : memref<20000x64xf32, #tpu.memory_space<hbm>>) dst(%dma_wait3A_470 : memref<125x64xf32, #tpu.memory_space<vmem>>)
      %add3A_477 = arith.constant 2 : i32
      %add3A_478 = arith.addi %mul3A_327, %add3A_477 : i32
      %dma_start3A_479 = arith.constant 0 : i32
      %dma_start3A_480 = arith.constant 250 : i32
      %dma_start3A_481 = arith.constant 0 : i32
      %dma_start3A_482 = tpu.memref_slice %arg8[%dma_start3A_480, %dma_start3A_481] : memref<1000x64xf32, #tpu.memory_space<vmem>> -> memref<125x64xf32, #tpu.memory_space<vmem>>
      %dma_start3A_483 = arith.constant 0 : i32
      %dma_start3A_484 = tpu.memref_slice %arg7[%dma_start3A_479, %add3A_478, %dma_start3A_483] : memref<2x40x125xi32, #tpu.memory_space<vmem>> -> memref<1x1x125xi32, #tpu.memory_space<vmem>>
      %dma_start3A_485 = tpu.memref_squeeze %dma_start3A_484 : memref<1x1x125xi32, #tpu.memory_space<vmem>> -> memref<125xi32, #tpu.memory_space<vmem>>
      %dma_start3A_486 = arith.constant 0 : i32
      %dma_start3A_487 = arith.constant 0 : i32
      %dma_start3A_488 = tpu.memref_slice %arg9[%dma_start3A_486, %dma_start3A_487] : memref<10240x64xf32, #tpu.memory_space<vmem_shared>> -> memref<10240x64xf32, #tpu.memory_space<vmem_shared>>
      tpu.enqueue_indirect_dma source(%dma_start3A_482 : memref<125x64xf32, #tpu.memory_space<vmem>>) target(%dma_start3A_488 : memref<10240x64xf32, #tpu.memory_space<vmem_shared>>) offsets(%dma_start3A_485 : memref<125xi32, #tpu.memory_space<vmem>>) semaphore(%arg11 : memref<!tpu.dma_semaphore, #tpu.memory_space<semaphore_mem>>) {add = true}
      %dma_wait3A_489 = arith.constant 0 : i32
      %dma_wait3A_490 = arith.constant 375 : i32
      %dma_wait3A_491 = arith.constant 0 : i32
      %dma_wait3A_492 = tpu.memref_slice %arg8[%dma_wait3A_490, %dma_wait3A_491] : memref<1000x64xf32, #tpu.memory_space<vmem>> -> memref<125x64xf32, #tpu.memory_space<vmem>>
      %dma_wait3A_493 = arith.constant 0 : i32
      %dma_wait3A_494 = tpu.memref_slice %arg6[%dma_wait3A_489, %add3A_364, %dma_wait3A_493] : memref<2x40x125xi32, #tpu.memory_space<vmem>> -> memref<1x1x125xi32, #tpu.memory_space<vmem>>
      %dma_wait3A_495 = tpu.memref_squeeze %dma_wait3A_494 : memref<1x1x125xi32, #tpu.memory_space<vmem>> -> memref<125xi32, #tpu.memory_space<vmem>>
      %dma_wait3A_496 = arith.constant 0 : i32
      %dma_wait3A_497 = arith.constant 0 : i32
      %dma_wait3A_498 = tpu.memref_slice %arg2[%dma_wait3A_496, %dma_wait3A_497] : memref<20000x64xf32, #tpu.memory_space<hbm>> -> memref<20000x64xf32, #tpu.memory_space<hbm>>
      tpu.wait_indirect_dma semaphore(%arg10 : memref<!tpu.dma_semaphore, #tpu.memory_space<semaphore_mem>>) src(%dma_wait3A_498 : memref<20000x64xf32, #tpu.memory_space<hbm>>) dst(%dma_wait3A_492 : memref<125x64xf32, #tpu.memory_space<vmem>>)
      %add3A_499 = arith.constant 3 : i32
      %add3A_500 = arith.addi %mul3A_327, %add3A_499 : i32
      %dma_start3A_501 = arith.constant 0 : i32
      %dma_start3A_502 = arith.constant 375 : i32
      %dma_start3A_503 = arith.constant 0 : i32
      %dma_start3A_504 = tpu.memref_slice %arg8[%dma_start3A_502, %dma_start3A_503] : memref<1000x64xf32, #tpu.memory_space<vmem>> -> memref<125x64xf32, #tpu.memory_space<vmem>>
      %dma_start3A_505 = arith.constant 0 : i32
      %dma_start3A_506 = tpu.memref_slice %arg7[%dma_start3A_501, %add3A_500, %dma_start3A_505] : memref<2x40x125xi32, #tpu.memory_space<vmem>> -> memref<1x1x125xi32, #tpu.memory_space<vmem>>
      %dma_start3A_507 = tpu.memref_squeeze %dma_start3A_506 : memref<1x1x125xi32, #tpu.memory_space<vmem>> -> memref<125xi32, #tpu.memory_space<vmem>>
      %dma_start3A_508 = arith.constant 0 : i32
      %dma_start3A_509 = arith.constant 0 : i32
      %dma_start3A_510 = tpu.memref_slice %arg9[%dma_start3A_508, %dma_start3A_509] : memref<10240x64xf32, #tpu.memory_space<vmem_shared>> -> memref<10240x64xf32, #tpu.memory_space<vmem_shared>>
      tpu.enqueue_indirect_dma source(%dma_start3A_504 : memref<125x64xf32, #tpu.memory_space<vmem>>) target(%dma_start3A_510 : memref<10240x64xf32, #tpu.memory_space<vmem_shared>>) offsets(%dma_start3A_507 : memref<125xi32, #tpu.memory_space<vmem>>) semaphore(%arg11 : memref<!tpu.dma_semaphore, #tpu.memory_space<semaphore_mem>>) {add = true}
      %dma_wait3A_511 = arith.constant 0 : i32
      %dma_wait3A_512 = arith.constant 500 : i32
      %dma_wait3A_513 = arith.constant 0 : i32
      %dma_wait3A_514 = tpu.memref_slice %arg8[%dma_wait3A_512, %dma_wait3A_513] : memref<1000x64xf32, #tpu.memory_space<vmem>> -> memref<125x64xf32, #tpu.memory_space<vmem>>
      %dma_wait3A_515 = arith.constant 0 : i32
      %dma_wait3A_516 = tpu.memref_slice %arg6[%dma_wait3A_511, %add3A_376, %dma_wait3A_515] : memref<2x40x125xi32, #tpu.memory_space<vmem>> -> memref<1x1x125xi32, #tpu.memory_space<vmem>>
      %dma_wait3A_517 = tpu.memref_squeeze %dma_wait3A_516 : memref<1x1x125xi32, #tpu.memory_space<vmem>> -> memref<125xi32, #tpu.memory_space<vmem>>
      %dma_wait3A_518 = arith.constant 0 : i32
      %dma_wait3A_519 = arith.constant 0 : i32
      %dma_wait3A_520 = tpu.memref_slice %arg2[%dma_wait3A_518, %dma_wait3A_519] : memref<20000x64xf32, #tpu.memory_space<hbm>> -> memref<20000x64xf32, #tpu.memory_space<hbm>>
      tpu.wait_indirect_dma semaphore(%arg10 : memref<!tpu.dma_semaphore, #tpu.memory_space<semaphore_mem>>) src(%dma_wait3A_520 : memref<20000x64xf32, #tpu.memory_space<hbm>>) dst(%dma_wait3A_514 : memref<125x64xf32, #tpu.memory_space<vmem>>)
      %add3A_521 = arith.constant 4 : i32
      %add3A_522 = arith.addi %mul3A_327, %add3A_521 : i32
      %dma_start3A_523 = arith.constant 0 : i32
      %dma_start3A_524 = arith.constant 500 : i32
      %dma_start3A_525 = arith.constant 0 : i32
      %dma_start3A_526 = tpu.memref_slice %arg8[%dma_start3A_524, %dma_start3A_525] : memref<1000x64xf32, #tpu.memory_space<vmem>> -> memref<125x64xf32, #tpu.memory_space<vmem>>
      %dma_start3A_527 = arith.constant 0 : i32
      %dma_start3A_528 = tpu.memref_slice %arg7[%dma_start3A_523, %add3A_522, %dma_start3A_527] : memref<2x40x125xi32, #tpu.memory_space<vmem>> -> memref<1x1x125xi32, #tpu.memory_space<vmem>>
      %dma_start3A_529 = tpu.memref_squeeze %dma_start3A_528 : memref<1x1x125xi32, #tpu.memory_space<vmem>> -> memref<125xi32, #tpu.memory_space<vmem>>
      %dma_start3A_530 = arith.constant 0 : i32
      %dma_start3A_531 = arith.constant 0 : i32
      %dma_start3A_532 = tpu.memref_slice %arg9[%dma_start3A_530, %dma_start3A_531] : memref<10240x64xf32, #tpu.memory_space<vmem_shared>> -> memref<10240x64xf32, #tpu.memory_space<vmem_shared>>
      tpu.enqueue_indirect_dma source(%dma_start3A_526 : memref<125x64xf32, #tpu.memory_space<vmem>>) target(%dma_start3A_532 : memref<10240x64xf32, #tpu.memory_space<vmem_shared>>) offsets(%dma_start3A_529 : memref<125xi32, #tpu.memory_space<vmem>>) semaphore(%arg11 : memref<!tpu.dma_semaphore, #tpu.memory_space<semaphore_mem>>) {add = true}
      %dma_wait3A_533 = arith.constant 0 : i32
      %dma_wait3A_534 = arith.constant 625 : i32
      %dma_wait3A_535 = arith.constant 0 : i32
      %dma_wait3A_536 = tpu.memref_slice %arg8[%dma_wait3A_534, %dma_wait3A_535] : memref<1000x64xf32, #tpu.memory_space<vmem>> -> memref<125x64xf32, #tpu.memory_space<vmem>>
      %dma_wait3A_537 = arith.constant 0 : i32
      %dma_wait3A_538 = tpu.memref_slice %arg6[%dma_wait3A_533, %add3A_388, %dma_wait3A_537] : memref<2x40x125xi32, #tpu.memory_space<vmem>> -> memref<1x1x125xi32, #tpu.memory_space<vmem>>
      %dma_wait3A_539 = tpu.memref_squeeze %dma_wait3A_538 : memref<1x1x125xi32, #tpu.memory_space<vmem>> -> memref<125xi32, #tpu.memory_space<vmem>>
      %dma_wait3A_540 = arith.constant 0 : i32
      %dma_wait3A_541 = arith.constant 0 : i32
      %dma_wait3A_542 = tpu.memref_slice %arg2[%dma_wait3A_540, %dma_wait3A_541] : memref<20000x64xf32, #tpu.memory_space<hbm>> -> memref<20000x64xf32, #tpu.memory_space<hbm>>
      tpu.wait_indirect_dma semaphore(%arg10 : memref<!tpu.dma_semaphore, #tpu.memory_space<semaphore_mem>>) src(%dma_wait3A_542 : memref<20000x64xf32, #tpu.memory_space<hbm>>) dst(%dma_wait3A_536 : memref<125x64xf32, #tpu.memory_space<vmem>>)
      %add3A_543 = arith.constant 5 : i32
      %add3A_544 = arith.addi %mul3A_327, %add3A_543 : i32
      %dma_start3A_545 = arith.constant 0 : i32
      %dma_start3A_546 = arith.constant 625 : i32
      %dma_start3A_547 = arith.constant 0 : i32
      %dma_start3A_548 = tpu.memref_slice %arg8[%dma_start3A_546, %dma_start3A_547] : memref<1000x64xf32, #tpu.memory_space<vmem>> -> memref<125x64xf32, #tpu.memory_space<vmem>>
      %dma_start3A_549 = arith.constant 0 : i32
      %dma_start3A_550 = tpu.memref_slice %arg7[%dma_start3A_545, %add3A_544, %dma_start3A_549] : memref<2x40x125xi32, #tpu.memory_space<vmem>> -> memref<1x1x125xi32, #tpu.memory_space<vmem>>
      %dma_start3A_551 = tpu.memref_squeeze %dma_start3A_550 : memref<1x1x125xi32, #tpu.memory_space<vmem>> -> memref<125xi32, #tpu.memory_space<vmem>>
      %dma_start3A_552 = arith.constant 0 : i32
      %dma_start3A_553 = arith.constant 0 : i32
      %dma_start3A_554 = tpu.memref_slice %arg9[%dma_start3A_552, %dma_start3A_553] : memref<10240x64xf32, #tpu.memory_space<vmem_shared>> -> memref<10240x64xf32, #tpu.memory_space<vmem_shared>>
      tpu.enqueue_indirect_dma source(%dma_start3A_548 : memref<125x64xf32, #tpu.memory_space<vmem>>) target(%dma_start3A_554 : memref<10240x64xf32, #tpu.memory_space<vmem_shared>>) offsets(%dma_start3A_551 : memref<125xi32, #tpu.memory_space<vmem>>) semaphore(%arg11 : memref<!tpu.dma_semaphore, #tpu.memory_space<semaphore_mem>>) {add = true}
      %dma_wait3A_555 = arith.constant 0 : i32
      %dma_wait3A_556 = arith.constant 750 : i32
      %dma_wait3A_557 = arith.constant 0 : i32
      %dma_wait3A_558 = tpu.memref_slice %arg8[%dma_wait3A_556, %dma_wait3A_557] : memref<1000x64xf32, #tpu.memory_space<vmem>> -> memref<125x64xf32, #tpu.memory_space<vmem>>
      %dma_wait3A_559 = arith.constant 0 : i32
      %dma_wait3A_560 = tpu.memref_slice %arg6[%dma_wait3A_555, %add3A_400, %dma_wait3A_559] : memref<2x40x125xi32, #tpu.memory_space<vmem>> -> memref<1x1x125xi32, #tpu.memory_space<vmem>>
      %dma_wait3A_561 = tpu.memref_squeeze %dma_wait3A_560 : memref<1x1x125xi32, #tpu.memory_space<vmem>> -> memref<125xi32, #tpu.memory_space<vmem>>
      %dma_wait3A_562 = arith.constant 0 : i32
      %dma_wait3A_563 = arith.constant 0 : i32
      %dma_wait3A_564 = tpu.memref_slice %arg2[%dma_wait3A_562, %dma_wait3A_563] : memref<20000x64xf32, #tpu.memory_space<hbm>> -> memref<20000x64xf32, #tpu.memory_space<hbm>>
      tpu.wait_indirect_dma semaphore(%arg10 : memref<!tpu.dma_semaphore, #tpu.memory_space<semaphore_mem>>) src(%dma_wait3A_564 : memref<20000x64xf32, #tpu.memory_space<hbm>>) dst(%dma_wait3A_558 : memref<125x64xf32, #tpu.memory_space<vmem>>)
      %add3A_565 = arith.constant 6 : i32
      %add3A_566 = arith.addi %mul3A_327, %add3A_565 : i32
      %dma_start3A_567 = arith.constant 0 : i32
      %dma_start3A_568 = arith.constant 750 : i32
      %dma_start3A_569 = arith.constant 0 : i32
      %dma_start3A_570 = tpu.memref_slice %arg8[%dma_start3A_568, %dma_start3A_569] : memref<1000x64xf32, #tpu.memory_space<vmem>> -> memref<125x64xf32, #tpu.memory_space<vmem>>
      %dma_start3A_571 = arith.constant 0 : i32
      %dma_start3A_572 = tpu.memref_slice %arg7[%dma_start3A_567, %add3A_566, %dma_start3A_571] : memref<2x40x125xi32, #tpu.memory_space<vmem>> -> memref<1x1x125xi32, #tpu.memory_space<vmem>>
      %dma_start3A_573 = tpu.memref_squeeze %dma_start3A_572 : memref<1x1x125xi32, #tpu.memory_space<vmem>> -> memref<125xi32, #tpu.memory_space<vmem>>
      %dma_start3A_574 = arith.constant 0 : i32
      %dma_start3A_575 = arith.constant 0 : i32
      %dma_start3A_576 = tpu.memref_slice %arg9[%dma_start3A_574, %dma_start3A_575] : memref<10240x64xf32, #tpu.memory_space<vmem_shared>> -> memref<10240x64xf32, #tpu.memory_space<vmem_shared>>
      tpu.enqueue_indirect_dma source(%dma_start3A_570 : memref<125x64xf32, #tpu.memory_space<vmem>>) target(%dma_start3A_576 : memref<10240x64xf32, #tpu.memory_space<vmem_shared>>) offsets(%dma_start3A_573 : memref<125xi32, #tpu.memory_space<vmem>>) semaphore(%arg11 : memref<!tpu.dma_semaphore, #tpu.memory_space<semaphore_mem>>) {add = true}
      %dma_wait3A_577 = arith.constant 0 : i32
      %dma_wait3A_578 = arith.constant 875 : i32
      %dma_wait3A_579 = arith.constant 0 : i32
      %dma_wait3A_580 = tpu.memref_slice %arg8[%dma_wait3A_578, %dma_wait3A_579] : memref<1000x64xf32, #tpu.memory_space<vmem>> -> memref<125x64xf32, #tpu.memory_space<vmem>>
      %dma_wait3A_581 = arith.constant 0 : i32
      %dma_wait3A_582 = tpu.memref_slice %arg6[%dma_wait3A_577, %add3A_412, %dma_wait3A_581] : memref<2x40x125xi32, #tpu.memory_space<vmem>> -> memref<1x1x125xi32, #tpu.memory_space<vmem>>
      %dma_wait3A_583 = tpu.memref_squeeze %dma_wait3A_582 : memref<1x1x125xi32, #tpu.memory_space<vmem>> -> memref<125xi32, #tpu.memory_space<vmem>>
      %dma_wait3A_584 = arith.constant 0 : i32
      %dma_wait3A_585 = arith.constant 0 : i32
      %dma_wait3A_586 = tpu.memref_slice %arg2[%dma_wait3A_584, %dma_wait3A_585] : memref<20000x64xf32, #tpu.memory_space<hbm>> -> memref<20000x64xf32, #tpu.memory_space<hbm>>
      tpu.wait_indirect_dma semaphore(%arg10 : memref<!tpu.dma_semaphore, #tpu.memory_space<semaphore_mem>>) src(%dma_wait3A_586 : memref<20000x64xf32, #tpu.memory_space<hbm>>) dst(%dma_wait3A_580 : memref<125x64xf32, #tpu.memory_space<vmem>>)
      %add3A_587 = arith.constant 7 : i32
      %add3A_588 = arith.addi %mul3A_327, %add3A_587 : i32
      %dma_start3A_589 = arith.constant 0 : i32
      %dma_start3A_590 = arith.constant 875 : i32
      %dma_start3A_591 = arith.constant 0 : i32
      %dma_start3A_592 = tpu.memref_slice %arg8[%dma_start3A_590, %dma_start3A_591] : memref<1000x64xf32, #tpu.memory_space<vmem>> -> memref<125x64xf32, #tpu.memory_space<vmem>>
      %dma_start3A_593 = arith.constant 0 : i32
      %dma_start3A_594 = tpu.memref_slice %arg7[%dma_start3A_589, %add3A_588, %dma_start3A_593] : memref<2x40x125xi32, #tpu.memory_space<vmem>> -> memref<1x1x125xi32, #tpu.memory_space<vmem>>
      %dma_start3A_595 = tpu.memref_squeeze %dma_start3A_594 : memref<1x1x125xi32, #tpu.memory_space<vmem>> -> memref<125xi32, #tpu.memory_space<vmem>>
      %dma_start3A_596 = arith.constant 0 : i32
      %dma_start3A_597 = arith.constant 0 : i32
      %dma_start3A_598 = tpu.memref_slice %arg9[%dma_start3A_596, %dma_start3A_597] : memref<10240x64xf32, #tpu.memory_space<vmem_shared>> -> memref<10240x64xf32, #tpu.memory_space<vmem_shared>>
      tpu.enqueue_indirect_dma source(%dma_start3A_592 : memref<125x64xf32, #tpu.memory_space<vmem>>) target(%dma_start3A_598 : memref<10240x64xf32, #tpu.memory_space<vmem_shared>>) offsets(%dma_start3A_595 : memref<125xi32, #tpu.memory_space<vmem>>) semaphore(%arg11 : memref<!tpu.dma_semaphore, #tpu.memory_space<semaphore_mem>>) {add = true}
      %dma_wait3A_599 = arith.constant 0 : i32
      %dma_wait3A_600 = arith.constant 0 : i32
      %dma_wait3A_601 = arith.constant 0 : i32
      %dma_wait3A_602 = tpu.memref_slice %arg8[%dma_wait3A_600, %dma_wait3A_601] : memref<1000x64xf32, #tpu.memory_space<vmem>> -> memref<125x64xf32, #tpu.memory_space<vmem>>
      %dma_wait3A_603 = arith.constant 0 : i32
      %dma_wait3A_604 = tpu.memref_slice %arg7[%dma_wait3A_599, %add3A_434, %dma_wait3A_603] : memref<2x40x125xi32, #tpu.memory_space<vmem>> -> memref<1x1x125xi32, #tpu.memory_space<vmem>>
      %dma_wait3A_605 = tpu.memref_squeeze %dma_wait3A_604 : memref<1x1x125xi32, #tpu.memory_space<vmem>> -> memref<125xi32, #tpu.memory_space<vmem>>
      %dma_wait3A_606 = arith.constant 0 : i32
      %dma_wait3A_607 = arith.constant 0 : i32
      %dma_wait3A_608 = tpu.memref_slice %arg9[%dma_wait3A_606, %dma_wait3A_607] : memref<10240x64xf32, #tpu.memory_space<vmem_shared>> -> memref<10240x64xf32, #tpu.memory_space<vmem_shared>>
      tpu.wait_indirect_dma semaphore(%arg11 : memref<!tpu.dma_semaphore, #tpu.memory_space<semaphore_mem>>) src(%dma_wait3A_602 : memref<125x64xf32, #tpu.memory_space<vmem>>) dst(%dma_wait3A_608 : memref<10240x64xf32, #tpu.memory_space<vmem_shared>>)
      %dma_wait3A_609 = arith.constant 0 : i32
      %dma_wait3A_610 = arith.constant 125 : i32
      %dma_wait3A_611 = arith.constant 0 : i32
      %dma_wait3A_612 = tpu.memref_slice %arg8[%dma_wait3A_610, %dma_wait3A_611] : memref<1000x64xf32, #tpu.memory_space<vmem>> -> memref<125x64xf32, #tpu.memory_space<vmem>>
      %dma_wait3A_613 = arith.constant 0 : i32
      %dma_wait3A_614 = tpu.memref_slice %arg7[%dma_wait3A_609, %add3A_456, %dma_wait3A_613] : memref<2x40x125xi32, #tpu.memory_space<vmem>> -> memref<1x1x125xi32, #tpu.memory_space<vmem>>
      %dma_wait3A_615 = tpu.memref_squeeze %dma_wait3A_614 : memref<1x1x125xi32, #tpu.memory_space<vmem>> -> memref<125xi32, #tpu.memory_space<vmem>>
      %dma_wait3A_616 = arith.constant 0 : i32
      %dma_wait3A_617 = arith.constant 0 : i32
      %dma_wait3A_618 = tpu.memref_slice %arg9[%dma_wait3A_616, %dma_wait3A_617] : memref<10240x64xf32, #tpu.memory_space<vmem_shared>> -> memref<10240x64xf32, #tpu.memory_space<vmem_shared>>
      tpu.wait_indirect_dma semaphore(%arg11 : memref<!tpu.dma_semaphore, #tpu.memory_space<semaphore_mem>>) src(%dma_wait3A_612 : memref<125x64xf32, #tpu.memory_space<vmem>>) dst(%dma_wait3A_618 : memref<10240x64xf32, #tpu.memory_space<vmem_shared>>)
      %dma_wait3A_619 = arith.constant 0 : i32
      %dma_wait3A_620 = arith.constant 250 : i32
      %dma_wait3A_621 = arith.constant 0 : i32
      %dma_wait3A_622 = tpu.memref_slice %arg8[%dma_wait3A_620, %dma_wait3A_621] : memref<1000x64xf32, #tpu.memory_space<vmem>> -> memref<125x64xf32, #tpu.memory_space<vmem>>
      %dma_wait3A_623 = arith.constant 0 : i32
      %dma_wait3A_624 = tpu.memref_slice %arg7[%dma_wait3A_619, %add3A_478, %dma_wait3A_623] : memref<2x40x125xi32, #tpu.memory_space<vmem>> -> memref<1x1x125xi32, #tpu.memory_space<vmem>>
      %dma_wait3A_625 = tpu.memref_squeeze %dma_wait3A_624 : memref<1x1x125xi32, #tpu.memory_space<vmem>> -> memref<125xi32, #tpu.memory_space<vmem>>
      %dma_wait3A_626 = arith.constant 0 : i32
      %dma_wait3A_627 = arith.constant 0 : i32
      %dma_wait3A_628 = tpu.memref_slice %arg9[%dma_wait3A_626, %dma_wait3A_627] : memref<10240x64xf32, #tpu.memory_space<vmem_shared>> -> memref<10240x64xf32, #tpu.memory_space<vmem_shared>>
      tpu.wait_indirect_dma semaphore(%arg11 : memref<!tpu.dma_semaphore, #tpu.memory_space<semaphore_mem>>) src(%dma_wait3A_622 : memref<125x64xf32, #tpu.memory_space<vmem>>) dst(%dma_wait3A_628 : memref<10240x64xf32, #tpu.memory_space<vmem_shared>>)
      %dma_wait3A_629 = arith.constant 0 : i32
      %dma_wait3A_630 = arith.constant 375 : i32
      %dma_wait3A_631 = arith.constant 0 : i32
      %dma_wait3A_632 = tpu.memref_slice %arg8[%dma_wait3A_630, %dma_wait3A_631] : memref<1000x64xf32, #tpu.memory_space<vmem>> -> memref<125x64xf32, #tpu.memory_space<vmem>>
      %dma_wait3A_633 = arith.constant 0 : i32
      %dma_wait3A_634 = tpu.memref_slice %arg7[%dma_wait3A_629, %add3A_500, %dma_wait3A_633] : memref<2x40x125xi32, #tpu.memory_space<vmem>> -> memref<1x1x125xi32, #tpu.memory_space<vmem>>
      %dma_wait3A_635 = tpu.memref_squeeze %dma_wait3A_634 : memref<1x1x125xi32, #tpu.memory_space<vmem>> -> memref<125xi32, #tpu.memory_space<vmem>>
      %dma_wait3A_636 = arith.constant 0 : i32
      %dma_wait3A_637 = arith.constant 0 : i32
      %dma_wait3A_638 = tpu.memref_slice %arg9[%dma_wait3A_636, %dma_wait3A_637] : memref<10240x64xf32, #tpu.memory_space<vmem_shared>> -> memref<10240x64xf32, #tpu.memory_space<vmem_shared>>
      tpu.wait_indirect_dma semaphore(%arg11 : memref<!tpu.dma_semaphore, #tpu.memory_space<semaphore_mem>>) src(%dma_wait3A_632 : memref<125x64xf32, #tpu.memory_space<vmem>>) dst(%dma_wait3A_638 : memref<10240x64xf32, #tpu.memory_space<vmem_shared>>)
      %dma_wait3A_639 = arith.constant 0 : i32
      %dma_wait3A_640 = arith.constant 500 : i32
      %dma_wait3A_641 = arith.constant 0 : i32
      %dma_wait3A_642 = tpu.memref_slice %arg8[%dma_wait3A_640, %dma_wait3A_641] : memref<1000x64xf32, #tpu.memory_space<vmem>> -> memref<125x64xf32, #tpu.memory_space<vmem>>
      %dma_wait3A_643 = arith.constant 0 : i32
      %dma_wait3A_644 = tpu.memref_slice %arg7[%dma_wait3A_639, %add3A_522, %dma_wait3A_643] : memref<2x40x125xi32, #tpu.memory_space<vmem>> -> memref<1x1x125xi32, #tpu.memory_space<vmem>>
      %dma_wait3A_645 = tpu.memref_squeeze %dma_wait3A_644 : memref<1x1x125xi32, #tpu.memory_space<vmem>> -> memref<125xi32, #tpu.memory_space<vmem>>
      %dma_wait3A_646 = arith.constant 0 : i32
      %dma_wait3A_647 = arith.constant 0 : i32
      %dma_wait3A_648 = tpu.memref_slice %arg9[%dma_wait3A_646, %dma_wait3A_647] : memref<10240x64xf32, #tpu.memory_space<vmem_shared>> -> memref<10240x64xf32, #tpu.memory_space<vmem_shared>>
      tpu.wait_indirect_dma semaphore(%arg11 : memref<!tpu.dma_semaphore, #tpu.memory_space<semaphore_mem>>) src(%dma_wait3A_642 : memref<125x64xf32, #tpu.memory_space<vmem>>) dst(%dma_wait3A_648 : memref<10240x64xf32, #tpu.memory_space<vmem_shared>>)
      %dma_wait3A_649 = arith.constant 0 : i32
      %dma_wait3A_650 = arith.constant 625 : i32
      %dma_wait3A_651 = arith.constant 0 : i32
      %dma_wait3A_652 = tpu.memref_slice %arg8[%dma_wait3A_650, %dma_wait3A_651] : memref<1000x64xf32, #tpu.memory_space<vmem>> -> memref<125x64xf32, #tpu.memory_space<vmem>>
      %dma_wait3A_653 = arith.constant 0 : i32
      %dma_wait3A_654 = tpu.memref_slice %arg7[%dma_wait3A_649, %add3A_544, %dma_wait3A_653] : memref<2x40x125xi32, #tpu.memory_space<vmem>> -> memref<1x1x125xi32, #tpu.memory_space<vmem>>
      %dma_wait3A_655 = tpu.memref_squeeze %dma_wait3A_654 : memref<1x1x125xi32, #tpu.memory_space<vmem>> -> memref<125xi32, #tpu.memory_space<vmem>>
      %dma_wait3A_656 = arith.constant 0 : i32
      %dma_wait3A_657 = arith.constant 0 : i32
      %dma_wait3A_658 = tpu.memref_slice %arg9[%dma_wait3A_656, %dma_wait3A_657] : memref<10240x64xf32, #tpu.memory_space<vmem_shared>> -> memref<10240x64xf32, #tpu.memory_space<vmem_shared>>
      tpu.wait_indirect_dma semaphore(%arg11 : memref<!tpu.dma_semaphore, #tpu.memory_space<semaphore_mem>>) src(%dma_wait3A_652 : memref<125x64xf32, #tpu.memory_space<vmem>>) dst(%dma_wait3A_658 : memref<10240x64xf32, #tpu.memory_space<vmem_shared>>)
      %dma_wait3A_659 = arith.constant 0 : i32
      %dma_wait3A_660 = arith.constant 750 : i32
      %dma_wait3A_661 = arith.constant 0 : i32
      %dma_wait3A_662 = tpu.memref_slice %arg8[%dma_wait3A_660, %dma_wait3A_661] : memref<1000x64xf32, #tpu.memory_space<vmem>> -> memref<125x64xf32, #tpu.memory_space<vmem>>
      %dma_wait3A_663 = arith.constant 0 : i32
      %dma_wait3A_664 = tpu.memref_slice %arg7[%dma_wait3A_659, %add3A_566, %dma_wait3A_663] : memref<2x40x125xi32, #tpu.memory_space<vmem>> -> memref<1x1x125xi32, #tpu.memory_space<vmem>>
      %dma_wait3A_665 = tpu.memref_squeeze %dma_wait3A_664 : memref<1x1x125xi32, #tpu.memory_space<vmem>> -> memref<125xi32, #tpu.memory_space<vmem>>
      %dma_wait3A_666 = arith.constant 0 : i32
      %dma_wait3A_667 = arith.constant 0 : i32
      %dma_wait3A_668 = tpu.memref_slice %arg9[%dma_wait3A_666, %dma_wait3A_667] : memref<10240x64xf32, #tpu.memory_space<vmem_shared>> -> memref<10240x64xf32, #tpu.memory_space<vmem_shared>>
      tpu.wait_indirect_dma semaphore(%arg11 : memref<!tpu.dma_semaphore, #tpu.memory_space<semaphore_mem>>) src(%dma_wait3A_662 : memref<125x64xf32, #tpu.memory_space<vmem>>) dst(%dma_wait3A_668 : memref<10240x64xf32, #tpu.memory_space<vmem_shared>>)
      %dma_wait3A_669 = arith.constant 0 : i32
      %dma_wait3A_670 = arith.constant 875 : i32
      %dma_wait3A_671 = arith.constant 0 : i32
      %dma_wait3A_672 = tpu.memref_slice %arg8[%dma_wait3A_670, %dma_wait3A_671] : memref<1000x64xf32, #tpu.memory_space<vmem>> -> memref<125x64xf32, #tpu.memory_space<vmem>>
      %dma_wait3A_673 = arith.constant 0 : i32
      %dma_wait3A_674 = tpu.memref_slice %arg7[%dma_wait3A_669, %add3A_588, %dma_wait3A_673] : memref<2x40x125xi32, #tpu.memory_space<vmem>> -> memref<1x1x125xi32, #tpu.memory_space<vmem>>
      %dma_wait3A_675 = tpu.memref_squeeze %dma_wait3A_674 : memref<1x1x125xi32, #tpu.memory_space<vmem>> -> memref<125xi32, #tpu.memory_space<vmem>>
      %dma_wait3A_676 = arith.constant 0 : i32
      %dma_wait3A_677 = arith.constant 0 : i32
      %dma_wait3A_678 = tpu.memref_slice %arg9[%dma_wait3A_676, %dma_wait3A_677] : memref<10240x64xf32, #tpu.memory_space<vmem_shared>> -> memref<10240x64xf32, #tpu.memory_space<vmem_shared>>
      tpu.wait_indirect_dma semaphore(%arg11 : memref<!tpu.dma_semaphore, #tpu.memory_space<semaphore_mem>>) src(%dma_wait3A_672 : memref<125x64xf32, #tpu.memory_space<vmem>>) dst(%dma_wait3A_678 : memref<10240x64xf32, #tpu.memory_space<vmem_shared>>)
    }
    %scan3A_279 = arith.constant 5 : i32
    %dma_wait3A_280 = arith.constant 3 : i32
    %dma_wait3A_281 = arith.constant 1 : i32
    %dma_wait3A_282 = arith.constant 0 : i32
    %dma_wait3A_283 = arith.constant 0 : i32
    %dma_wait3A_284 = tpu.memref_slice %arg6[%dma_wait3A_281, %dma_wait3A_282, %dma_wait3A_283] : memref<2x40x125xi32, #tpu.memory_space<vmem>> -> memref<1x40x125xi32, #tpu.memory_space<vmem>>
    %dma_wait3A_285 = tpu.memref_squeeze %dma_wait3A_284 : memref<1x40x125xi32, #tpu.memory_space<vmem>> -> memref<40x125xi32, #tpu.memory_space<vmem>>
    %dma_wait3A_286 = arith.constant 0 : i32
    %dma_wait3A_287 = arith.constant 0 : i32
    %dma_wait3A_288 = tpu.memref_slice %arg3[%arg0, %arg1, %dma_wait3A_280, %dma_wait3A_286, %dma_wait3A_287] : memref<2x16x4x40x125xi32, #tpu.memory_space<hbm>> -> memref<1x1x1x40x125xi32, #tpu.memory_space<hbm>>
    %dma_wait3A_289 = tpu.memref_squeeze %dma_wait3A_288 : memref<1x1x1x40x125xi32, #tpu.memory_space<hbm>> -> memref<40x125xi32, #tpu.memory_space<hbm>>
    %dma_wait3A_290 = arith.constant 0 : i32
    %dma_wait3A_291 = arith.constant 0 : i32
    %dma_wait3A_292 = tpu.memref_slice %arg6[%dma_wait3A_281, %dma_wait3A_290, %dma_wait3A_291] : memref<2x40x125xi32, #tpu.memory_space<vmem>> -> memref<1x40x125xi32, #tpu.memory_space<vmem>>
    %dma_wait3A_293 = tpu.memref_squeeze %dma_wait3A_292 : memref<1x40x125xi32, #tpu.memory_space<vmem>> -> memref<40x125xi32, #tpu.memory_space<vmem>>
    %dma_wait3A_294 = arith.constant 0 : i32
    %dma_wait3A_295 = arith.constant 0 : i32
    %dma_wait3A_296 = tpu.memref_slice %arg3[%arg0, %arg1, %dma_wait3A_280, %dma_wait3A_294, %dma_wait3A_295] : memref<2x16x4x40x125xi32, #tpu.memory_space<hbm>> -> memref<1x1x1x40x125xi32, #tpu.memory_space<hbm>>
    %dma_wait3A_297 = tpu.memref_squeeze %dma_wait3A_296 : memref<1x1x1x40x125xi32, #tpu.memory_space<hbm>> -> memref<40x125xi32, #tpu.memory_space<hbm>>
    tpu.wait_dma2 semaphore(%arg12 : memref<!tpu.dma_semaphore, #tpu.memory_space<semaphore_mem>>) src(%dma_wait3A_297 : memref<40x125xi32, #tpu.memory_space<hbm>>) dst(%dma_wait3A_293 : memref<40x125xi32, #tpu.memory_space<vmem>>)
    %dma_wait3A_298 = arith.constant 3 : i32
    %dma_wait3A_299 = arith.constant 1 : i32
    %dma_wait3A_300 = arith.constant 0 : i32
    %dma_wait3A_301 = arith.constant 0 : i32
    %dma_wait3A_302 = tpu.memref_slice %arg7[%dma_wait3A_299, %dma_wait3A_300, %dma_wait3A_301] : memref<2x40x125xi32, #tpu.memory_space<vmem>> -> memref<1x40x125xi32, #tpu.memory_space<vmem>>
    %dma_wait3A_303 = tpu.memref_squeeze %dma_wait3A_302 : memref<1x40x125xi32, #tpu.memory_space<vmem>> -> memref<40x125xi32, #tpu.memory_space<vmem>>
    %dma_wait3A_304 = arith.constant 0 : i32
    %dma_wait3A_305 = arith.constant 0 : i32
    %dma_wait3A_306 = tpu.memref_slice %arg4[%arg1, %dma_wait3A_298, %dma_wait3A_304, %dma_wait3A_305] : memref<16x4x40x125xi32, #tpu.memory_space<hbm>> -> memref<1x1x40x125xi32, #tpu.memory_space<hbm>>
    %dma_wait3A_307 = tpu.memref_squeeze %dma_wait3A_306 : memref<1x1x40x125xi32, #tpu.memory_space<hbm>> -> memref<40x125xi32, #tpu.memory_space<hbm>>
    %dma_wait3A_308 = arith.constant 0 : i32
    %dma_wait3A_309 = arith.constant 0 : i32
    %dma_wait3A_310 = tpu.memref_slice %arg7[%dma_wait3A_299, %dma_wait3A_308, %dma_wait3A_309] : memref<2x40x125xi32, #tpu.memory_space<vmem>> -> memref<1x40x125xi32, #tpu.memory_space<vmem>>
    %dma_wait3A_311 = tpu.memref_squeeze %dma_wait3A_310 : memref<1x40x125xi32, #tpu.memory_space<vmem>> -> memref<40x125xi32, #tpu.memory_space<vmem>>
    %dma_wait3A_312 = arith.constant 0 : i32
    %dma_wait3A_313 = arith.constant 0 : i32
    %dma_wait3A_314 = tpu.memref_slice %arg4[%arg1, %dma_wait3A_298, %dma_wait3A_312, %dma_wait3A_313] : memref<16x4x40x125xi32, #tpu.memory_space<hbm>> -> memref<1x1x40x125xi32, #tpu.memory_space<hbm>>
    %dma_wait3A_315 = tpu.memref_squeeze %dma_wait3A_314 : memref<1x1x40x125xi32, #tpu.memory_space<hbm>> -> memref<40x125xi32, #tpu.memory_space<hbm>>
    tpu.wait_dma2 semaphore(%arg12 : memref<!tpu.dma_semaphore, #tpu.memory_space<semaphore_mem>>) src(%dma_wait3A_315 : memref<40x125xi32, #tpu.memory_space<hbm>>) dst(%dma_wait3A_311 : memref<40x125xi32, #tpu.memory_space<vmem>>)
    %scan3A_316 = arith.constant 0 : i32
    %scan3A_317 = arith.constant 0 : i32
    %scan3A_318 = arith.constant 5 : i32
    %scan3A_319 = arith.addi %scan3A_317, %scan3A_318 : i32
    %scan3A_320 = arith.constant 1 : i32
    scf.for %scan3A_325 = %scan3A_317 to %scan3A_319 step %scan3A_320  : i32 {
      %mul3A_326 = arith.constant 8 : i32
      %mul3A_327 = arith.muli %scan3A_325, %mul3A_326 : i32
      %add3A = arith.constant 0 : i32
      %add3A_328 = arith.addi %mul3A_327, %add3A : i32
      %dma_start3A_329 = arith.constant 1 : i32
      %dma_start3A_330 = arith.constant 0 : i32
      %dma_start3A_331 = arith.constant 0 : i32
      %dma_start3A_332 = tpu.memref_slice %arg8[%dma_start3A_330, %dma_start3A_331] : memref<1000x64xf32, #tpu.memory_space<vmem>> -> memref<125x64xf32, #tpu.memory_space<vmem>>
      %dma_start3A_333 = arith.constant 0 : i32
      %dma_start3A_334 = tpu.memref_slice %arg6[%dma_start3A_329, %add3A_328, %dma_start3A_333] : memref<2x40x125xi32, #tpu.memory_space<vmem>> -> memref<1x1x125xi32, #tpu.memory_space<vmem>>
      %dma_start3A_335 = tpu.memref_squeeze %dma_start3A_334 : memref<1x1x125xi32, #tpu.memory_space<vmem>> -> memref<125xi32, #tpu.memory_space<vmem>>
      %dma_start3A_336 = arith.constant 0 : i32
      %dma_start3A_337 = arith.constant 0 : i32
      %dma_start3A_338 = tpu.memref_slice %arg2[%dma_start3A_336, %dma_start3A_337] : memref<20000x64xf32, #tpu.memory_space<hbm>> -> memref<20000x64xf32, #tpu.memory_space<hbm>>
      tpu.enqueue_indirect_dma source(%dma_start3A_338 : memref<20000x64xf32, #tpu.memory_space<hbm>>) target(%dma_start3A_332 : memref<125x64xf32, #tpu.memory_space<vmem>>) offsets(%dma_start3A_335 : memref<125xi32, #tpu.memory_space<vmem>>) semaphore(%arg10 : memref<!tpu.dma_semaphore, #tpu.memory_space<semaphore_mem>>)
      %add3A_339 = arith.constant 1 : i32
      %add3A_340 = arith.addi %mul3A_327, %add3A_339 : i32
      %dma_start3A_341 = arith.constant 1 : i32
      %dma_start3A_342 = arith.constant 125 : i32
      %dma_start3A_343 = arith.constant 0 : i32
      %dma_start3A_344 = tpu.memref_slice %arg8[%dma_start3A_342, %dma_start3A_343] : memref<1000x64xf32, #tpu.memory_space<vmem>> -> memref<125x64xf32, #tpu.memory_space<vmem>>
      %dma_start3A_345 = arith.constant 0 : i32
      %dma_start3A_346 = tpu.memref_slice %arg6[%dma_start3A_341, %add3A_340, %dma_start3A_345] : memref<2x40x125xi32, #tpu.memory_space<vmem>> -> memref<1x1x125xi32, #tpu.memory_space<vmem>>
      %dma_start3A_347 = tpu.memref_squeeze %dma_start3A_346 : memref<1x1x125xi32, #tpu.memory_space<vmem>> -> memref<125xi32, #tpu.memory_space<vmem>>
      %dma_start3A_348 = arith.constant 0 : i32
      %dma_start3A_349 = arith.constant 0 : i32
      %dma_start3A_350 = tpu.memref_slice %arg2[%dma_start3A_348, %dma_start3A_349] : memref<20000x64xf32, #tpu.memory_space<hbm>> -> memref<20000x64xf32, #tpu.memory_space<hbm>>
      tpu.enqueue_indirect_dma source(%dma_start3A_350 : memref<20000x64xf32, #tpu.memory_space<hbm>>) target(%dma_start3A_344 : memref<125x64xf32, #tpu.memory_space<vmem>>) offsets(%dma_start3A_347 : memref<125xi32, #tpu.memory_space<vmem>>) semaphore(%arg10 : memref<!tpu.dma_semaphore, #tpu.memory_space<semaphore_mem>>)
      %add3A_351 = arith.constant 2 : i32
      %add3A_352 = arith.addi %mul3A_327, %add3A_351 : i32
      %dma_start3A_353 = arith.constant 1 : i32
      %dma_start3A_354 = arith.constant 250 : i32
      %dma_start3A_355 = arith.constant 0 : i32
      %dma_start3A_356 = tpu.memref_slice %arg8[%dma_start3A_354, %dma_start3A_355] : memref<1000x64xf32, #tpu.memory_space<vmem>> -> memref<125x64xf32, #tpu.memory_space<vmem>>
      %dma_start3A_357 = arith.constant 0 : i32
      %dma_start3A_358 = tpu.memref_slice %arg6[%dma_start3A_353, %add3A_352, %dma_start3A_357] : memref<2x40x125xi32, #tpu.memory_space<vmem>> -> memref<1x1x125xi32, #tpu.memory_space<vmem>>
      %dma_start3A_359 = tpu.memref_squeeze %dma_start3A_358 : memref<1x1x125xi32, #tpu.memory_space<vmem>> -> memref<125xi32, #tpu.memory_space<vmem>>
      %dma_start3A_360 = arith.constant 0 : i32
      %dma_start3A_361 = arith.constant 0 : i32
      %dma_start3A_362 = tpu.memref_slice %arg2[%dma_start3A_360, %dma_start3A_361] : memref<20000x64xf32, #tpu.memory_space<hbm>> -> memref<20000x64xf32, #tpu.memory_space<hbm>>
      tpu.enqueue_indirect_dma source(%dma_start3A_362 : memref<20000x64xf32, #tpu.memory_space<hbm>>) target(%dma_start3A_356 : memref<125x64xf32, #tpu.memory_space<vmem>>) offsets(%dma_start3A_359 : memref<125xi32, #tpu.memory_space<vmem>>) semaphore(%arg10 : memref<!tpu.dma_semaphore, #tpu.memory_space<semaphore_mem>>)
      %add3A_363 = arith.constant 3 : i32
      %add3A_364 = arith.addi %mul3A_327, %add3A_363 : i32
      %dma_start3A_365 = arith.constant 1 : i32
      %dma_start3A_366 = arith.constant 375 : i32
      %dma_start3A_367 = arith.constant 0 : i32
      %dma_start3A_368 = tpu.memref_slice %arg8[%dma_start3A_366, %dma_start3A_367] : memref<1000x64xf32, #tpu.memory_space<vmem>> -> memref<125x64xf32, #tpu.memory_space<vmem>>
      %dma_start3A_369 = arith.constant 0 : i32
      %dma_start3A_370 = tpu.memref_slice %arg6[%dma_start3A_365, %add3A_364, %dma_start3A_369] : memref<2x40x125xi32, #tpu.memory_space<vmem>> -> memref<1x1x125xi32, #tpu.memory_space<vmem>>
      %dma_start3A_371 = tpu.memref_squeeze %dma_start3A_370 : memref<1x1x125xi32, #tpu.memory_space<vmem>> -> memref<125xi32, #tpu.memory_space<vmem>>
      %dma_start3A_372 = arith.constant 0 : i32
      %dma_start3A_373 = arith.constant 0 : i32
      %dma_start3A_374 = tpu.memref_slice %arg2[%dma_start3A_372, %dma_start3A_373] : memref<20000x64xf32, #tpu.memory_space<hbm>> -> memref<20000x64xf32, #tpu.memory_space<hbm>>
      tpu.enqueue_indirect_dma source(%dma_start3A_374 : memref<20000x64xf32, #tpu.memory_space<hbm>>) target(%dma_start3A_368 : memref<125x64xf32, #tpu.memory_space<vmem>>) offsets(%dma_start3A_371 : memref<125xi32, #tpu.memory_space<vmem>>) semaphore(%arg10 : memref<!tpu.dma_semaphore, #tpu.memory_space<semaphore_mem>>)
      %add3A_375 = arith.constant 4 : i32
      %add3A_376 = arith.addi %mul3A_327, %add3A_375 : i32
      %dma_start3A_377 = arith.constant 1 : i32
      %dma_start3A_378 = arith.constant 500 : i32
      %dma_start3A_379 = arith.constant 0 : i32
      %dma_start3A_380 = tpu.memref_slice %arg8[%dma_start3A_378, %dma_start3A_379] : memref<1000x64xf32, #tpu.memory_space<vmem>> -> memref<125x64xf32, #tpu.memory_space<vmem>>
      %dma_start3A_381 = arith.constant 0 : i32
      %dma_start3A_382 = tpu.memref_slice %arg6[%dma_start3A_377, %add3A_376, %dma_start3A_381] : memref<2x40x125xi32, #tpu.memory_space<vmem>> -> memref<1x1x125xi32, #tpu.memory_space<vmem>>
      %dma_start3A_383 = tpu.memref_squeeze %dma_start3A_382 : memref<1x1x125xi32, #tpu.memory_space<vmem>> -> memref<125xi32, #tpu.memory_space<vmem>>
      %dma_start3A_384 = arith.constant 0 : i32
      %dma_start3A_385 = arith.constant 0 : i32
      %dma_start3A_386 = tpu.memref_slice %arg2[%dma_start3A_384, %dma_start3A_385] : memref<20000x64xf32, #tpu.memory_space<hbm>> -> memref<20000x64xf32, #tpu.memory_space<hbm>>
      tpu.enqueue_indirect_dma source(%dma_start3A_386 : memref<20000x64xf32, #tpu.memory_space<hbm>>) target(%dma_start3A_380 : memref<125x64xf32, #tpu.memory_space<vmem>>) offsets(%dma_start3A_383 : memref<125xi32, #tpu.memory_space<vmem>>) semaphore(%arg10 : memref<!tpu.dma_semaphore, #tpu.memory_space<semaphore_mem>>)
      %add3A_387 = arith.constant 5 : i32
      %add3A_388 = arith.addi %mul3A_327, %add3A_387 : i32
      %dma_start3A_389 = arith.constant 1 : i32
      %dma_start3A_390 = arith.constant 625 : i32
      %dma_start3A_391 = arith.constant 0 : i32
      %dma_start3A_392 = tpu.memref_slice %arg8[%dma_start3A_390, %dma_start3A_391] : memref<1000x64xf32, #tpu.memory_space<vmem>> -> memref<125x64xf32, #tpu.memory_space<vmem>>
      %dma_start3A_393 = arith.constant 0 : i32
      %dma_start3A_394 = tpu.memref_slice %arg6[%dma_start3A_389, %add3A_388, %dma_start3A_393] : memref<2x40x125xi32, #tpu.memory_space<vmem>> -> memref<1x1x125xi32, #tpu.memory_space<vmem>>
      %dma_start3A_395 = tpu.memref_squeeze %dma_start3A_394 : memref<1x1x125xi32, #tpu.memory_space<vmem>> -> memref<125xi32, #tpu.memory_space<vmem>>
      %dma_start3A_396 = arith.constant 0 : i32
      %dma_start3A_397 = arith.constant 0 : i32
      %dma_start3A_398 = tpu.memref_slice %arg2[%dma_start3A_396, %dma_start3A_397] : memref<20000x64xf32, #tpu.memory_space<hbm>> -> memref<20000x64xf32, #tpu.memory_space<hbm>>
      tpu.enqueue_indirect_dma source(%dma_start3A_398 : memref<20000x64xf32, #tpu.memory_space<hbm>>) target(%dma_start3A_392 : memref<125x64xf32, #tpu.memory_space<vmem>>) offsets(%dma_start3A_395 : memref<125xi32, #tpu.memory_space<vmem>>) semaphore(%arg10 : memref<!tpu.dma_semaphore, #tpu.memory_space<semaphore_mem>>)
      %add3A_399 = arith.constant 6 : i32
      %add3A_400 = arith.addi %mul3A_327, %add3A_399 : i32
      %dma_start3A_401 = arith.constant 1 : i32
      %dma_start3A_402 = arith.constant 750 : i32
      %dma_start3A_403 = arith.constant 0 : i32
      %dma_start3A_404 = tpu.memref_slice %arg8[%dma_start3A_402, %dma_start3A_403] : memref<1000x64xf32, #tpu.memory_space<vmem>> -> memref<125x64xf32, #tpu.memory_space<vmem>>
      %dma_start3A_405 = arith.constant 0 : i32
      %dma_start3A_406 = tpu.memref_slice %arg6[%dma_start3A_401, %add3A_400, %dma_start3A_405] : memref<2x40x125xi32, #tpu.memory_space<vmem>> -> memref<1x1x125xi32, #tpu.memory_space<vmem>>
      %dma_start3A_407 = tpu.memref_squeeze %dma_start3A_406 : memref<1x1x125xi32, #tpu.memory_space<vmem>> -> memref<125xi32, #tpu.memory_space<vmem>>
      %dma_start3A_408 = arith.constant 0 : i32
      %dma_start3A_409 = arith.constant 0 : i32
      %dma_start3A_410 = tpu.memref_slice %arg2[%dma_start3A_408, %dma_start3A_409] : memref<20000x64xf32, #tpu.memory_space<hbm>> -> memref<20000x64xf32, #tpu.memory_space<hbm>>
      tpu.enqueue_indirect_dma source(%dma_start3A_410 : memref<20000x64xf32, #tpu.memory_space<hbm>>) target(%dma_start3A_404 : memref<125x64xf32, #tpu.memory_space<vmem>>) offsets(%dma_start3A_407 : memref<125xi32, #tpu.memory_space<vmem>>) semaphore(%arg10 : memref<!tpu.dma_semaphore, #tpu.memory_space<semaphore_mem>>)
      %add3A_411 = arith.constant 7 : i32
      %add3A_412 = arith.addi %mul3A_327, %add3A_411 : i32
      %dma_start3A_413 = arith.constant 1 : i32
      %dma_start3A_414 = arith.constant 875 : i32
      %dma_start3A_415 = arith.constant 0 : i32
      %dma_start3A_416 = tpu.memref_slice %arg8[%dma_start3A_414, %dma_start3A_415] : memref<1000x64xf32, #tpu.memory_space<vmem>> -> memref<125x64xf32, #tpu.memory_space<vmem>>
      %dma_start3A_417 = arith.constant 0 : i32
      %dma_start3A_418 = tpu.memref_slice %arg6[%dma_start3A_413, %add3A_412, %dma_start3A_417] : memref<2x40x125xi32, #tpu.memory_space<vmem>> -> memref<1x1x125xi32, #tpu.memory_space<vmem>>
      %dma_start3A_419 = tpu.memref_squeeze %dma_start3A_418 : memref<1x1x125xi32, #tpu.memory_space<vmem>> -> memref<125xi32, #tpu.memory_space<vmem>>
      %dma_start3A_420 = arith.constant 0 : i32
      %dma_start3A_421 = arith.constant 0 : i32
      %dma_start3A_422 = tpu.memref_slice %arg2[%dma_start3A_420, %dma_start3A_421] : memref<20000x64xf32, #tpu.memory_space<hbm>> -> memref<20000x64xf32, #tpu.memory_space<hbm>>
      tpu.enqueue_indirect_dma source(%dma_start3A_422 : memref<20000x64xf32, #tpu.memory_space<hbm>>) target(%dma_start3A_416 : memref<125x64xf32, #tpu.memory_space<vmem>>) offsets(%dma_start3A_419 : memref<125xi32, #tpu.memory_space<vmem>>) semaphore(%arg10 : memref<!tpu.dma_semaphore, #tpu.memory_space<semaphore_mem>>)
      %dma_wait3A_423 = arith.constant 1 : i32
      %dma_wait3A_424 = arith.constant 0 : i32
      %dma_wait3A_425 = arith.constant 0 : i32
      %dma_wait3A_426 = tpu.memref_slice %arg8[%dma_wait3A_424, %dma_wait3A_425] : memref<1000x64xf32, #tpu.memory_space<vmem>> -> memref<125x64xf32, #tpu.memory_space<vmem>>
      %dma_wait3A_427 = arith.constant 0 : i32
      %dma_wait3A_428 = tpu.memref_slice %arg6[%dma_wait3A_423, %add3A_328, %dma_wait3A_427] : memref<2x40x125xi32, #tpu.memory_space<vmem>> -> memref<1x1x125xi32, #tpu.memory_space<vmem>>
      %dma_wait3A_429 = tpu.memref_squeeze %dma_wait3A_428 : memref<1x1x125xi32, #tpu.memory_space<vmem>> -> memref<125xi32, #tpu.memory_space<vmem>>
      %dma_wait3A_430 = arith.constant 0 : i32
      %dma_wait3A_431 = arith.constant 0 : i32
      %dma_wait3A_432 = tpu.memref_slice %arg2[%dma_wait3A_430, %dma_wait3A_431] : memref<20000x64xf32, #tpu.memory_space<hbm>> -> memref<20000x64xf32, #tpu.memory_space<hbm>>
      tpu.wait_indirect_dma semaphore(%arg10 : memref<!tpu.dma_semaphore, #tpu.memory_space<semaphore_mem>>) src(%dma_wait3A_432 : memref<20000x64xf32, #tpu.memory_space<hbm>>) dst(%dma_wait3A_426 : memref<125x64xf32, #tpu.memory_space<vmem>>)
      %add3A_433 = arith.constant 0 : i32
      %add3A_434 = arith.addi %mul3A_327, %add3A_433 : i32
      %dma_start3A_435 = arith.constant 1 : i32
      %dma_start3A_436 = arith.constant 0 : i32
      %dma_start3A_437 = arith.constant 0 : i32
      %dma_start3A_438 = tpu.memref_slice %arg8[%dma_start3A_436, %dma_start3A_437] : memref<1000x64xf32, #tpu.memory_space<vmem>> -> memref<125x64xf32, #tpu.memory_space<vmem>>
      %dma_start3A_439 = arith.constant 0 : i32
      %dma_start3A_440 = tpu.memref_slice %arg7[%dma_start3A_435, %add3A_434, %dma_start3A_439] : memref<2x40x125xi32, #tpu.memory_space<vmem>> -> memref<1x1x125xi32, #tpu.memory_space<vmem>>
      %dma_start3A_441 = tpu.memref_squeeze %dma_start3A_440 : memref<1x1x125xi32, #tpu.memory_space<vmem>> -> memref<125xi32, #tpu.memory_space<vmem>>
      %dma_start3A_442 = arith.constant 0 : i32
      %dma_start3A_443 = arith.constant 0 : i32
      %dma_start3A_444 = tpu.memref_slice %arg9[%dma_start3A_442, %dma_start3A_443] : memref<10240x64xf32, #tpu.memory_space<vmem_shared>> -> memref<10240x64xf32, #tpu.memory_space<vmem_shared>>
      tpu.enqueue_indirect_dma source(%dma_start3A_438 : memref<125x64xf32, #tpu.memory_space<vmem>>) target(%dma_start3A_444 : memref<10240x64xf32, #tpu.memory_space<vmem_shared>>) offsets(%dma_start3A_441 : memref<125xi32, #tpu.memory_space<vmem>>) semaphore(%arg11 : memref<!tpu.dma_semaphore, #tpu.memory_space<semaphore_mem>>) {add = true}
      %dma_wait3A_445 = arith.constant 1 : i32
      %dma_wait3A_446 = arith.constant 125 : i32
      %dma_wait3A_447 = arith.constant 0 : i32
      %dma_wait3A_448 = tpu.memref_slice %arg8[%dma_wait3A_446, %dma_wait3A_447] : memref<1000x64xf32, #tpu.memory_space<vmem>> -> memref<125x64xf32, #tpu.memory_space<vmem>>
      %dma_wait3A_449 = arith.constant 0 : i32
      %dma_wait3A_450 = tpu.memref_slice %arg6[%dma_wait3A_445, %add3A_340, %dma_wait3A_449] : memref<2x40x125xi32, #tpu.memory_space<vmem>> -> memref<1x1x125xi32, #tpu.memory_space<vmem>>
      %dma_wait3A_451 = tpu.memref_squeeze %dma_wait3A_450 : memref<1x1x125xi32, #tpu.memory_space<vmem>> -> memref<125xi32, #tpu.memory_space<vmem>>
      %dma_wait3A_452 = arith.constant 0 : i32
      %dma_wait3A_453 = arith.constant 0 : i32
      %dma_wait3A_454 = tpu.memref_slice %arg2[%dma_wait3A_452, %dma_wait3A_453] : memref<20000x64xf32, #tpu.memory_space<hbm>> -> memref<20000x64xf32, #tpu.memory_space<hbm>>
      tpu.wait_indirect_dma semaphore(%arg10 : memref<!tpu.dma_semaphore, #tpu.memory_space<semaphore_mem>>) src(%dma_wait3A_454 : memref<20000x64xf32, #tpu.memory_space<hbm>>) dst(%dma_wait3A_448 : memref<125x64xf32, #tpu.memory_space<vmem>>)
      %add3A_455 = arith.constant 1 : i32
      %add3A_456 = arith.addi %mul3A_327, %add3A_455 : i32
      %dma_start3A_457 = arith.constant 1 : i32
      %dma_start3A_458 = arith.constant 125 : i32
      %dma_start3A_459 = arith.constant 0 : i32
      %dma_start3A_460 = tpu.memref_slice %arg8[%dma_start3A_458, %dma_start3A_459] : memref<1000x64xf32, #tpu.memory_space<vmem>> -> memref<125x64xf32, #tpu.memory_space<vmem>>
      %dma_start3A_461 = arith.constant 0 : i32
      %dma_start3A_462 = tpu.memref_slice %arg7[%dma_start3A_457, %add3A_456, %dma_start3A_461] : memref<2x40x125xi32, #tpu.memory_space<vmem>> -> memref<1x1x125xi32, #tpu.memory_space<vmem>>
      %dma_start3A_463 = tpu.memref_squeeze %dma_start3A_462 : memref<1x1x125xi32, #tpu.memory_space<vmem>> -> memref<125xi32, #tpu.memory_space<vmem>>
      %dma_start3A_464 = arith.constant 0 : i32
      %dma_start3A_465 = arith.constant 0 : i32
      %dma_start3A_466 = tpu.memref_slice %arg9[%dma_start3A_464, %dma_start3A_465] : memref<10240x64xf32, #tpu.memory_space<vmem_shared>> -> memref<10240x64xf32, #tpu.memory_space<vmem_shared>>
      tpu.enqueue_indirect_dma source(%dma_start3A_460 : memref<125x64xf32, #tpu.memory_space<vmem>>) target(%dma_start3A_466 : memref<10240x64xf32, #tpu.memory_space<vmem_shared>>) offsets(%dma_start3A_463 : memref<125xi32, #tpu.memory_space<vmem>>) semaphore(%arg11 : memref<!tpu.dma_semaphore, #tpu.memory_space<semaphore_mem>>) {add = true}
      %dma_wait3A_467 = arith.constant 1 : i32
      %dma_wait3A_468 = arith.constant 250 : i32
      %dma_wait3A_469 = arith.constant 0 : i32
      %dma_wait3A_470 = tpu.memref_slice %arg8[%dma_wait3A_468, %dma_wait3A_469] : memref<1000x64xf32, #tpu.memory_space<vmem>> -> memref<125x64xf32, #tpu.memory_space<vmem>>
      %dma_wait3A_471 = arith.constant 0 : i32
      %dma_wait3A_472 = tpu.memref_slice %arg6[%dma_wait3A_467, %add3A_352, %dma_wait3A_471] : memref<2x40x125xi32, #tpu.memory_space<vmem>> -> memref<1x1x125xi32, #tpu.memory_space<vmem>>
      %dma_wait3A_473 = tpu.memref_squeeze %dma_wait3A_472 : memref<1x1x125xi32, #tpu.memory_space<vmem>> -> memref<125xi32, #tpu.memory_space<vmem>>
      %dma_wait3A_474 = arith.constant 0 : i32
      %dma_wait3A_475 = arith.constant 0 : i32
      %dma_wait3A_476 = tpu.memref_slice %arg2[%dma_wait3A_474, %dma_wait3A_475] : memref<20000x64xf32, #tpu.memory_space<hbm>> -> memref<20000x64xf32, #tpu.memory_space<hbm>>
      tpu.wait_indirect_dma semaphore(%arg10 : memref<!tpu.dma_semaphore, #tpu.memory_space<semaphore_mem>>) src(%dma_wait3A_476 : memref<20000x64xf32, #tpu.memory_space<hbm>>) dst(%dma_wait3A_470 : memref<125x64xf32, #tpu.memory_space<vmem>>)
      %add3A_477 = arith.constant 2 : i32
      %add3A_478 = arith.addi %mul3A_327, %add3A_477 : i32
      %dma_start3A_479 = arith.constant 1 : i32
      %dma_start3A_480 = arith.constant 250 : i32
      %dma_start3A_481 = arith.constant 0 : i32
      %dma_start3A_482 = tpu.memref_slice %arg8[%dma_start3A_480, %dma_start3A_481] : memref<1000x64xf32, #tpu.memory_space<vmem>> -> memref<125x64xf32, #tpu.memory_space<vmem>>
      %dma_start3A_483 = arith.constant 0 : i32
      %dma_start3A_484 = tpu.memref_slice %arg7[%dma_start3A_479, %add3A_478, %dma_start3A_483] : memref<2x40x125xi32, #tpu.memory_space<vmem>> -> memref<1x1x125xi32, #tpu.memory_space<vmem>>
      %dma_start3A_485 = tpu.memref_squeeze %dma_start3A_484 : memref<1x1x125xi32, #tpu.memory_space<vmem>> -> memref<125xi32, #tpu.memory_space<vmem>>
      %dma_start3A_486 = arith.constant 0 : i32
      %dma_start3A_487 = arith.constant 0 : i32
      %dma_start3A_488 = tpu.memref_slice %arg9[%dma_start3A_486, %dma_start3A_487] : memref<10240x64xf32, #tpu.memory_space<vmem_shared>> -> memref<10240x64xf32, #tpu.memory_space<vmem_shared>>
      tpu.enqueue_indirect_dma source(%dma_start3A_482 : memref<125x64xf32, #tpu.memory_space<vmem>>) target(%dma_start3A_488 : memref<10240x64xf32, #tpu.memory_space<vmem_shared>>) offsets(%dma_start3A_485 : memref<125xi32, #tpu.memory_space<vmem>>) semaphore(%arg11 : memref<!tpu.dma_semaphore, #tpu.memory_space<semaphore_mem>>) {add = true}
      %dma_wait3A_489 = arith.constant 1 : i32
      %dma_wait3A_490 = arith.constant 375 : i32
      %dma_wait3A_491 = arith.constant 0 : i32
      %dma_wait3A_492 = tpu.memref_slice %arg8[%dma_wait3A_490, %dma_wait3A_491] : memref<1000x64xf32, #tpu.memory_space<vmem>> -> memref<125x64xf32, #tpu.memory_space<vmem>>
      %dma_wait3A_493 = arith.constant 0 : i32
      %dma_wait3A_494 = tpu.memref_slice %arg6[%dma_wait3A_489, %add3A_364, %dma_wait3A_493] : memref<2x40x125xi32, #tpu.memory_space<vmem>> -> memref<1x1x125xi32, #tpu.memory_space<vmem>>
      %dma_wait3A_495 = tpu.memref_squeeze %dma_wait3A_494 : memref<1x1x125xi32, #tpu.memory_space<vmem>> -> memref<125xi32, #tpu.memory_space<vmem>>
      %dma_wait3A_496 = arith.constant 0 : i32
      %dma_wait3A_497 = arith.constant 0 : i32
      %dma_wait3A_498 = tpu.memref_slice %arg2[%dma_wait3A_496, %dma_wait3A_497] : memref<20000x64xf32, #tpu.memory_space<hbm>> -> memref<20000x64xf32, #tpu.memory_space<hbm>>
      tpu.wait_indirect_dma semaphore(%arg10 : memref<!tpu.dma_semaphore, #tpu.memory_space<semaphore_mem>>) src(%dma_wait3A_498 : memref<20000x64xf32, #tpu.memory_space<hbm>>) dst(%dma_wait3A_492 : memref<125x64xf32, #tpu.memory_space<vmem>>)
      %add3A_499 = arith.constant 3 : i32
      %add3A_500 = arith.addi %mul3A_327, %add3A_499 : i32
      %dma_start3A_501 = arith.constant 1 : i32
      %dma_start3A_502 = arith.constant 375 : i32
      %dma_start3A_503 = arith.constant 0 : i32
      %dma_start3A_504 = tpu.memref_slice %arg8[%dma_start3A_502, %dma_start3A_503] : memref<1000x64xf32, #tpu.memory_space<vmem>> -> memref<125x64xf32, #tpu.memory_space<vmem>>
      %dma_start3A_505 = arith.constant 0 : i32
      %dma_start3A_506 = tpu.memref_slice %arg7[%dma_start3A_501, %add3A_500, %dma_start3A_505] : memref<2x40x125xi32, #tpu.memory_space<vmem>> -> memref<1x1x125xi32, #tpu.memory_space<vmem>>
      %dma_start3A_507 = tpu.memref_squeeze %dma_start3A_506 : memref<1x1x125xi32, #tpu.memory_space<vmem>> -> memref<125xi32, #tpu.memory_space<vmem>>
      %dma_start3A_508 = arith.constant 0 : i32
      %dma_start3A_509 = arith.constant 0 : i32
      %dma_start3A_510 = tpu.memref_slice %arg9[%dma_start3A_508, %dma_start3A_509] : memref<10240x64xf32, #tpu.memory_space<vmem_shared>> -> memref<10240x64xf32, #tpu.memory_space<vmem_shared>>
      tpu.enqueue_indirect_dma source(%dma_start3A_504 : memref<125x64xf32, #tpu.memory_space<vmem>>) target(%dma_start3A_510 : memref<10240x64xf32, #tpu.memory_space<vmem_shared>>) offsets(%dma_start3A_507 : memref<125xi32, #tpu.memory_space<vmem>>) semaphore(%arg11 : memref<!tpu.dma_semaphore, #tpu.memory_space<semaphore_mem>>) {add = true}
      %dma_wait3A_511 = arith.constant 1 : i32
      %dma_wait3A_512 = arith.constant 500 : i32
      %dma_wait3A_513 = arith.constant 0 : i32
      %dma_wait3A_514 = tpu.memref_slice %arg8[%dma_wait3A_512, %dma_wait3A_513] : memref<1000x64xf32, #tpu.memory_space<vmem>> -> memref<125x64xf32, #tpu.memory_space<vmem>>
      %dma_wait3A_515 = arith.constant 0 : i32
      %dma_wait3A_516 = tpu.memref_slice %arg6[%dma_wait3A_511, %add3A_376, %dma_wait3A_515] : memref<2x40x125xi32, #tpu.memory_space<vmem>> -> memref<1x1x125xi32, #tpu.memory_space<vmem>>
      %dma_wait3A_517 = tpu.memref_squeeze %dma_wait3A_516 : memref<1x1x125xi32, #tpu.memory_space<vmem>> -> memref<125xi32, #tpu.memory_space<vmem>>
      %dma_wait3A_518 = arith.constant 0 : i32
      %dma_wait3A_519 = arith.constant 0 : i32
      %dma_wait3A_520 = tpu.memref_slice %arg2[%dma_wait3A_518, %dma_wait3A_519] : memref<20000x64xf32, #tpu.memory_space<hbm>> -> memref<20000x64xf32, #tpu.memory_space<hbm>>
      tpu.wait_indirect_dma semaphore(%arg10 : memref<!tpu.dma_semaphore, #tpu.memory_space<semaphore_mem>>) src(%dma_wait3A_520 : memref<20000x64xf32, #tpu.memory_space<hbm>>) dst(%dma_wait3A_514 : memref<125x64xf32, #tpu.memory_space<vmem>>)
      %add3A_521 = arith.constant 4 : i32
      %add3A_522 = arith.addi %mul3A_327, %add3A_521 : i32
      %dma_start3A_523 = arith.constant 1 : i32
      %dma_start3A_524 = arith.constant 500 : i32
      %dma_start3A_525 = arith.constant 0 : i32
      %dma_start3A_526 = tpu.memref_slice %arg8[%dma_start3A_524, %dma_start3A_525] : memref<1000x64xf32, #tpu.memory_space<vmem>> -> memref<125x64xf32, #tpu.memory_space<vmem>>
      %dma_start3A_527 = arith.constant 0 : i32
      %dma_start3A_528 = tpu.memref_slice %arg7[%dma_start3A_523, %add3A_522, %dma_start3A_527] : memref<2x40x125xi32, #tpu.memory_space<vmem>> -> memref<1x1x125xi32, #tpu.memory_space<vmem>>
      %dma_start3A_529 = tpu.memref_squeeze %dma_start3A_528 : memref<1x1x125xi32, #tpu.memory_space<vmem>> -> memref<125xi32, #tpu.memory_space<vmem>>
      %dma_start3A_530 = arith.constant 0 : i32
      %dma_start3A_531 = arith.constant 0 : i32
      %dma_start3A_532 = tpu.memref_slice %arg9[%dma_start3A_530, %dma_start3A_531] : memref<10240x64xf32, #tpu.memory_space<vmem_shared>> -> memref<10240x64xf32, #tpu.memory_space<vmem_shared>>
      tpu.enqueue_indirect_dma source(%dma_start3A_526 : memref<125x64xf32, #tpu.memory_space<vmem>>) target(%dma_start3A_532 : memref<10240x64xf32, #tpu.memory_space<vmem_shared>>) offsets(%dma_start3A_529 : memref<125xi32, #tpu.memory_space<vmem>>) semaphore(%arg11 : memref<!tpu.dma_semaphore, #tpu.memory_space<semaphore_mem>>) {add = true}
      %dma_wait3A_533 = arith.constant 1 : i32
      %dma_wait3A_534 = arith.constant 625 : i32
      %dma_wait3A_535 = arith.constant 0 : i32
      %dma_wait3A_536 = tpu.memref_slice %arg8[%dma_wait3A_534, %dma_wait3A_535] : memref<1000x64xf32, #tpu.memory_space<vmem>> -> memref<125x64xf32, #tpu.memory_space<vmem>>
      %dma_wait3A_537 = arith.constant 0 : i32
      %dma_wait3A_538 = tpu.memref_slice %arg6[%dma_wait3A_533, %add3A_388, %dma_wait3A_537] : memref<2x40x125xi32, #tpu.memory_space<vmem>> -> memref<1x1x125xi32, #tpu.memory_space<vmem>>
      %dma_wait3A_539 = tpu.memref_squeeze %dma_wait3A_538 : memref<1x1x125xi32, #tpu.memory_space<vmem>> -> memref<125xi32, #tpu.memory_space<vmem>>
      %dma_wait3A_540 = arith.constant 0 : i32
      %dma_wait3A_541 = arith.constant 0 : i32
      %dma_wait3A_542 = tpu.memref_slice %arg2[%dma_wait3A_540, %dma_wait3A_541] : memref<20000x64xf32, #tpu.memory_space<hbm>> -> memref<20000x64xf32, #tpu.memory_space<hbm>>
      tpu.wait_indirect_dma semaphore(%arg10 : memref<!tpu.dma_semaphore, #tpu.memory_space<semaphore_mem>>) src(%dma_wait3A_542 : memref<20000x64xf32, #tpu.memory_space<hbm>>) dst(%dma_wait3A_536 : memref<125x64xf32, #tpu.memory_space<vmem>>)
      %add3A_543 = arith.constant 5 : i32
      %add3A_544 = arith.addi %mul3A_327, %add3A_543 : i32
      %dma_start3A_545 = arith.constant 1 : i32
      %dma_start3A_546 = arith.constant 625 : i32
      %dma_start3A_547 = arith.constant 0 : i32
      %dma_start3A_548 = tpu.memref_slice %arg8[%dma_start3A_546, %dma_start3A_547] : memref<1000x64xf32, #tpu.memory_space<vmem>> -> memref<125x64xf32, #tpu.memory_space<vmem>>
      %dma_start3A_549 = arith.constant 0 : i32
      %dma_start3A_550 = tpu.memref_slice %arg7[%dma_start3A_545, %add3A_544, %dma_start3A_549] : memref<2x40x125xi32, #tpu.memory_space<vmem>> -> memref<1x1x125xi32, #tpu.memory_space<vmem>>
      %dma_start3A_551 = tpu.memref_squeeze %dma_start3A_550 : memref<1x1x125xi32, #tpu.memory_space<vmem>> -> memref<125xi32, #tpu.memory_space<vmem>>
      %dma_start3A_552 = arith.constant 0 : i32
      %dma_start3A_553 = arith.constant 0 : i32
      %dma_start3A_554 = tpu.memref_slice %arg9[%dma_start3A_552, %dma_start3A_553] : memref<10240x64xf32, #tpu.memory_space<vmem_shared>> -> memref<10240x64xf32, #tpu.memory_space<vmem_shared>>
      tpu.enqueue_indirect_dma source(%dma_start3A_548 : memref<125x64xf32, #tpu.memory_space<vmem>>) target(%dma_start3A_554 : memref<10240x64xf32, #tpu.memory_space<vmem_shared>>) offsets(%dma_start3A_551 : memref<125xi32, #tpu.memory_space<vmem>>) semaphore(%arg11 : memref<!tpu.dma_semaphore, #tpu.memory_space<semaphore_mem>>) {add = true}
      %dma_wait3A_555 = arith.constant 1 : i32
      %dma_wait3A_556 = arith.constant 750 : i32
      %dma_wait3A_557 = arith.constant 0 : i32
      %dma_wait3A_558 = tpu.memref_slice %arg8[%dma_wait3A_556, %dma_wait3A_557] : memref<1000x64xf32, #tpu.memory_space<vmem>> -> memref<125x64xf32, #tpu.memory_space<vmem>>
      %dma_wait3A_559 = arith.constant 0 : i32
      %dma_wait3A_560 = tpu.memref_slice %arg6[%dma_wait3A_555, %add3A_400, %dma_wait3A_559] : memref<2x40x125xi32, #tpu.memory_space<vmem>> -> memref<1x1x125xi32, #tpu.memory_space<vmem>>
      %dma_wait3A_561 = tpu.memref_squeeze %dma_wait3A_560 : memref<1x1x125xi32, #tpu.memory_space<vmem>> -> memref<125xi32, #tpu.memory_space<vmem>>
      %dma_wait3A_562 = arith.constant 0 : i32
      %dma_wait3A_563 = arith.constant 0 : i32
      %dma_wait3A_564 = tpu.memref_slice %arg2[%dma_wait3A_562, %dma_wait3A_563] : memref<20000x64xf32, #tpu.memory_space<hbm>> -> memref<20000x64xf32, #tpu.memory_space<hbm>>
      tpu.wait_indirect_dma semaphore(%arg10 : memref<!tpu.dma_semaphore, #tpu.memory_space<semaphore_mem>>) src(%dma_wait3A_564 : memref<20000x64xf32, #tpu.memory_space<hbm>>) dst(%dma_wait3A_558 : memref<125x64xf32, #tpu.memory_space<vmem>>)
      %add3A_565 = arith.constant 6 : i32
      %add3A_566 = arith.addi %mul3A_327, %add3A_565 : i32
      %dma_start3A_567 = arith.constant 1 : i32
      %dma_start3A_568 = arith.constant 750 : i32
      %dma_start3A_569 = arith.constant 0 : i32
      %dma_start3A_570 = tpu.memref_slice %arg8[%dma_start3A_568, %dma_start3A_569] : memref<1000x64xf32, #tpu.memory_space<vmem>> -> memref<125x64xf32, #tpu.memory_space<vmem>>
      %dma_start3A_571 = arith.constant 0 : i32
      %dma_start3A_572 = tpu.memref_slice %arg7[%dma_start3A_567, %add3A_566, %dma_start3A_571] : memref<2x40x125xi32, #tpu.memory_space<vmem>> -> memref<1x1x125xi32, #tpu.memory_space<vmem>>
      %dma_start3A_573 = tpu.memref_squeeze %dma_start3A_572 : memref<1x1x125xi32, #tpu.memory_space<vmem>> -> memref<125xi32, #tpu.memory_space<vmem>>
      %dma_start3A_574 = arith.constant 0 : i32
      %dma_start3A_575 = arith.constant 0 : i32
      %dma_start3A_576 = tpu.memref_slice %arg9[%dma_start3A_574, %dma_start3A_575] : memref<10240x64xf32, #tpu.memory_space<vmem_shared>> -> memref<10240x64xf32, #tpu.memory_space<vmem_shared>>
      tpu.enqueue_indirect_dma source(%dma_start3A_570 : memref<125x64xf32, #tpu.memory_space<vmem>>) target(%dma_start3A_576 : memref<10240x64xf32, #tpu.memory_space<vmem_shared>>) offsets(%dma_start3A_573 : memref<125xi32, #tpu.memory_space<vmem>>) semaphore(%arg11 : memref<!tpu.dma_semaphore, #tpu.memory_space<semaphore_mem>>) {add = true}
      %dma_wait3A_577 = arith.constant 1 : i32
      %dma_wait3A_578 = arith.constant 875 : i32
      %dma_wait3A_579 = arith.constant 0 : i32
      %dma_wait3A_580 = tpu.memref_slice %arg8[%dma_wait3A_578, %dma_wait3A_579] : memref<1000x64xf32, #tpu.memory_space<vmem>> -> memref<125x64xf32, #tpu.memory_space<vmem>>
      %dma_wait3A_581 = arith.constant 0 : i32
      %dma_wait3A_582 = tpu.memref_slice %arg6[%dma_wait3A_577, %add3A_412, %dma_wait3A_581] : memref<2x40x125xi32, #tpu.memory_space<vmem>> -> memref<1x1x125xi32, #tpu.memory_space<vmem>>
      %dma_wait3A_583 = tpu.memref_squeeze %dma_wait3A_582 : memref<1x1x125xi32, #tpu.memory_space<vmem>> -> memref<125xi32, #tpu.memory_space<vmem>>
      %dma_wait3A_584 = arith.constant 0 : i32
      %dma_wait3A_585 = arith.constant 0 : i32
      %dma_wait3A_586 = tpu.memref_slice %arg2[%dma_wait3A_584, %dma_wait3A_585] : memref<20000x64xf32, #tpu.memory_space<hbm>> -> memref<20000x64xf32, #tpu.memory_space<hbm>>
      tpu.wait_indirect_dma semaphore(%arg10 : memref<!tpu.dma_semaphore, #tpu.memory_space<semaphore_mem>>) src(%dma_wait3A_586 : memref<20000x64xf32, #tpu.memory_space<hbm>>) dst(%dma_wait3A_580 : memref<125x64xf32, #tpu.memory_space<vmem>>)
      %add3A_587 = arith.constant 7 : i32
      %add3A_588 = arith.addi %mul3A_327, %add3A_587 : i32
      %dma_start3A_589 = arith.constant 1 : i32
      %dma_start3A_590 = arith.constant 875 : i32
      %dma_start3A_591 = arith.constant 0 : i32
      %dma_start3A_592 = tpu.memref_slice %arg8[%dma_start3A_590, %dma_start3A_591] : memref<1000x64xf32, #tpu.memory_space<vmem>> -> memref<125x64xf32, #tpu.memory_space<vmem>>
      %dma_start3A_593 = arith.constant 0 : i32
      %dma_start3A_594 = tpu.memref_slice %arg7[%dma_start3A_589, %add3A_588, %dma_start3A_593] : memref<2x40x125xi32, #tpu.memory_space<vmem>> -> memref<1x1x125xi32, #tpu.memory_space<vmem>>
      %dma_start3A_595 = tpu.memref_squeeze %dma_start3A_594 : memref<1x1x125xi32, #tpu.memory_space<vmem>> -> memref<125xi32, #tpu.memory_space<vmem>>
      %dma_start3A_596 = arith.constant 0 : i32
      %dma_start3A_597 = arith.constant 0 : i32
      %dma_start3A_598 = tpu.memref_slice %arg9[%dma_start3A_596, %dma_start3A_597] : memref<10240x64xf32, #tpu.memory_space<vmem_shared>> -> memref<10240x64xf32, #tpu.memory_space<vmem_shared>>
      tpu.enqueue_indirect_dma source(%dma_start3A_592 : memref<125x64xf32, #tpu.memory_space<vmem>>) target(%dma_start3A_598 : memref<10240x64xf32, #tpu.memory_space<vmem_shared>>) offsets(%dma_start3A_595 : memref<125xi32, #tpu.memory_space<vmem>>) semaphore(%arg11 : memref<!tpu.dma_semaphore, #tpu.memory_space<semaphore_mem>>) {add = true}
      %dma_wait3A_599 = arith.constant 1 : i32
      %dma_wait3A_600 = arith.constant 0 : i32
      %dma_wait3A_601 = arith.constant 0 : i32
      %dma_wait3A_602 = tpu.memref_slice %arg8[%dma_wait3A_600, %dma_wait3A_601] : memref<1000x64xf32, #tpu.memory_space<vmem>> -> memref<125x64xf32, #tpu.memory_space<vmem>>
      %dma_wait3A_603 = arith.constant 0 : i32
      %dma_wait3A_604 = tpu.memref_slice %arg7[%dma_wait3A_599, %add3A_434, %dma_wait3A_603] : memref<2x40x125xi32, #tpu.memory_space<vmem>> -> memref<1x1x125xi32, #tpu.memory_space<vmem>>
      %dma_wait3A_605 = tpu.memref_squeeze %dma_wait3A_604 : memref<1x1x125xi32, #tpu.memory_space<vmem>> -> memref<125xi32, #tpu.memory_space<vmem>>
      %dma_wait3A_606 = arith.constant 0 : i32
      %dma_wait3A_607 = arith.constant 0 : i32
      %dma_wait3A_608 = tpu.memref_slice %arg9[%dma_wait3A_606, %dma_wait3A_607] : memref<10240x64xf32, #tpu.memory_space<vmem_shared>> -> memref<10240x64xf32, #tpu.memory_space<vmem_shared>>
      tpu.wait_indirect_dma semaphore(%arg11 : memref<!tpu.dma_semaphore, #tpu.memory_space<semaphore_mem>>) src(%dma_wait3A_602 : memref<125x64xf32, #tpu.memory_space<vmem>>) dst(%dma_wait3A_608 : memref<10240x64xf32, #tpu.memory_space<vmem_shared>>)
      %dma_wait3A_609 = arith.constant 1 : i32
      %dma_wait3A_610 = arith.constant 125 : i32
      %dma_wait3A_611 = arith.constant 0 : i32
      %dma_wait3A_612 = tpu.memref_slice %arg8[%dma_wait3A_610, %dma_wait3A_611] : memref<1000x64xf32, #tpu.memory_space<vmem>> -> memref<125x64xf32, #tpu.memory_space<vmem>>
      %dma_wait3A_613 = arith.constant 0 : i32
      %dma_wait3A_614 = tpu.memref_slice %arg7[%dma_wait3A_609, %add3A_456, %dma_wait3A_613] : memref<2x40x125xi32, #tpu.memory_space<vmem>> -> memref<1x1x125xi32, #tpu.memory_space<vmem>>
      %dma_wait3A_615 = tpu.memref_squeeze %dma_wait3A_614 : memref<1x1x125xi32, #tpu.memory_space<vmem>> -> memref<125xi32, #tpu.memory_space<vmem>>
      %dma_wait3A_616 = arith.constant 0 : i32
      %dma_wait3A_617 = arith.constant 0 : i32
      %dma_wait3A_618 = tpu.memref_slice %arg9[%dma_wait3A_616, %dma_wait3A_617] : memref<10240x64xf32, #tpu.memory_space<vmem_shared>> -> memref<10240x64xf32, #tpu.memory_space<vmem_shared>>
      tpu.wait_indirect_dma semaphore(%arg11 : memref<!tpu.dma_semaphore, #tpu.memory_space<semaphore_mem>>) src(%dma_wait3A_612 : memref<125x64xf32, #tpu.memory_space<vmem>>) dst(%dma_wait3A_618 : memref<10240x64xf32, #tpu.memory_space<vmem_shared>>)
      %dma_wait3A_619 = arith.constant 1 : i32
      %dma_wait3A_620 = arith.constant 250 : i32
      %dma_wait3A_621 = arith.constant 0 : i32
      %dma_wait3A_622 = tpu.memref_slice %arg8[%dma_wait3A_620, %dma_wait3A_621] : memref<1000x64xf32, #tpu.memory_space<vmem>> -> memref<125x64xf32, #tpu.memory_space<vmem>>
      %dma_wait3A_623 = arith.constant 0 : i32
      %dma_wait3A_624 = tpu.memref_slice %arg7[%dma_wait3A_619, %add3A_478, %dma_wait3A_623] : memref<2x40x125xi32, #tpu.memory_space<vmem>> -> memref<1x1x125xi32, #tpu.memory_space<vmem>>
      %dma_wait3A_625 = tpu.memref_squeeze %dma_wait3A_624 : memref<1x1x125xi32, #tpu.memory_space<vmem>> -> memref<125xi32, #tpu.memory_space<vmem>>
      %dma_wait3A_626 = arith.constant 0 : i32
      %dma_wait3A_627 = arith.constant 0 : i32
      %dma_wait3A_628 = tpu.memref_slice %arg9[%dma_wait3A_626, %dma_wait3A_627] : memref<10240x64xf32, #tpu.memory_space<vmem_shared>> -> memref<10240x64xf32, #tpu.memory_space<vmem_shared>>
      tpu.wait_indirect_dma semaphore(%arg11 : memref<!tpu.dma_semaphore, #tpu.memory_space<semaphore_mem>>) src(%dma_wait3A_622 : memref<125x64xf32, #tpu.memory_space<vmem>>) dst(%dma_wait3A_628 : memref<10240x64xf32, #tpu.memory_space<vmem_shared>>)
      %dma_wait3A_629 = arith.constant 1 : i32
      %dma_wait3A_630 = arith.constant 375 : i32
      %dma_wait3A_631 = arith.constant 0 : i32
      %dma_wait3A_632 = tpu.memref_slice %arg8[%dma_wait3A_630, %dma_wait3A_631] : memref<1000x64xf32, #tpu.memory_space<vmem>> -> memref<125x64xf32, #tpu.memory_space<vmem>>
      %dma_wait3A_633 = arith.constant 0 : i32
      %dma_wait3A_634 = tpu.memref_slice %arg7[%dma_wait3A_629, %add3A_500, %dma_wait3A_633] : memref<2x40x125xi32, #tpu.memory_space<vmem>> -> memref<1x1x125xi32, #tpu.memory_space<vmem>>
      %dma_wait3A_635 = tpu.memref_squeeze %dma_wait3A_634 : memref<1x1x125xi32, #tpu.memory_space<vmem>> -> memref<125xi32, #tpu.memory_space<vmem>>
      %dma_wait3A_636 = arith.constant 0 : i32
      %dma_wait3A_637 = arith.constant 0 : i32
      %dma_wait3A_638 = tpu.memref_slice %arg9[%dma_wait3A_636, %dma_wait3A_637] : memref<10240x64xf32, #tpu.memory_space<vmem_shared>> -> memref<10240x64xf32, #tpu.memory_space<vmem_shared>>
      tpu.wait_indirect_dma semaphore(%arg11 : memref<!tpu.dma_semaphore, #tpu.memory_space<semaphore_mem>>) src(%dma_wait3A_632 : memref<125x64xf32, #tpu.memory_space<vmem>>) dst(%dma_wait3A_638 : memref<10240x64xf32, #tpu.memory_space<vmem_shared>>)
      %dma_wait3A_639 = arith.constant 1 : i32
      %dma_wait3A_640 = arith.constant 500 : i32
      %dma_wait3A_641 = arith.constant 0 : i32
      %dma_wait3A_642 = tpu.memref_slice %arg8[%dma_wait3A_640, %dma_wait3A_641] : memref<1000x64xf32, #tpu.memory_space<vmem>> -> memref<125x64xf32, #tpu.memory_space<vmem>>
      %dma_wait3A_643 = arith.constant 0 : i32
      %dma_wait3A_644 = tpu.memref_slice %arg7[%dma_wait3A_639, %add3A_522, %dma_wait3A_643] : memref<2x40x125xi32, #tpu.memory_space<vmem>> -> memref<1x1x125xi32, #tpu.memory_space<vmem>>
      %dma_wait3A_645 = tpu.memref_squeeze %dma_wait3A_644 : memref<1x1x125xi32, #tpu.memory_space<vmem>> -> memref<125xi32, #tpu.memory_space<vmem>>
      %dma_wait3A_646 = arith.constant 0 : i32
      %dma_wait3A_647 = arith.constant 0 : i32
      %dma_wait3A_648 = tpu.memref_slice %arg9[%dma_wait3A_646, %dma_wait3A_647] : memref<10240x64xf32, #tpu.memory_space<vmem_shared>> -> memref<10240x64xf32, #tpu.memory_space<vmem_shared>>
      tpu.wait_indirect_dma semaphore(%arg11 : memref<!tpu.dma_semaphore, #tpu.memory_space<semaphore_mem>>) src(%dma_wait3A_642 : memref<125x64xf32, #tpu.memory_space<vmem>>) dst(%dma_wait3A_648 : memref<10240x64xf32, #tpu.memory_space<vmem_shared>>)
      %dma_wait3A_649 = arith.constant 1 : i32
      %dma_wait3A_650 = arith.constant 625 : i32
      %dma_wait3A_651 = arith.constant 0 : i32
      %dma_wait3A_652 = tpu.memref_slice %arg8[%dma_wait3A_650, %dma_wait3A_651] : memref<1000x64xf32, #tpu.memory_space<vmem>> -> memref<125x64xf32, #tpu.memory_space<vmem>>
      %dma_wait3A_653 = arith.constant 0 : i32
      %dma_wait3A_654 = tpu.memref_slice %arg7[%dma_wait3A_649, %add3A_544, %dma_wait3A_653] : memref<2x40x125xi32, #tpu.memory_space<vmem>> -> memref<1x1x125xi32, #tpu.memory_space<vmem>>
      %dma_wait3A_655 = tpu.memref_squeeze %dma_wait3A_654 : memref<1x1x125xi32, #tpu.memory_space<vmem>> -> memref<125xi32, #tpu.memory_space<vmem>>
      %dma_wait3A_656 = arith.constant 0 : i32
      %dma_wait3A_657 = arith.constant 0 : i32
      %dma_wait3A_658 = tpu.memref_slice %arg9[%dma_wait3A_656, %dma_wait3A_657] : memref<10240x64xf32, #tpu.memory_space<vmem_shared>> -> memref<10240x64xf32, #tpu.memory_space<vmem_shared>>
      tpu.wait_indirect_dma semaphore(%arg11 : memref<!tpu.dma_semaphore, #tpu.memory_space<semaphore_mem>>) src(%dma_wait3A_652 : memref<125x64xf32, #tpu.memory_space<vmem>>) dst(%dma_wait3A_658 : memref<10240x64xf32, #tpu.memory_space<vmem_shared>>)
      %dma_wait3A_659 = arith.constant 1 : i32
      %dma_wait3A_660 = arith.constant 750 : i32
      %dma_wait3A_661 = arith.constant 0 : i32
      %dma_wait3A_662 = tpu.memref_slice %arg8[%dma_wait3A_660, %dma_wait3A_661] : memref<1000x64xf32, #tpu.memory_space<vmem>> -> memref<125x64xf32, #tpu.memory_space<vmem>>
      %dma_wait3A_663 = arith.constant 0 : i32
      %dma_wait3A_664 = tpu.memref_slice %arg7[%dma_wait3A_659, %add3A_566, %dma_wait3A_663] : memref<2x40x125xi32, #tpu.memory_space<vmem>> -> memref<1x1x125xi32, #tpu.memory_space<vmem>>
      %dma_wait3A_665 = tpu.memref_squeeze %dma_wait3A_664 : memref<1x1x125xi32, #tpu.memory_space<vmem>> -> memref<125xi32, #tpu.memory_space<vmem>>
      %dma_wait3A_666 = arith.constant 0 : i32
      %dma_wait3A_667 = arith.constant 0 : i32
      %dma_wait3A_668 = tpu.memref_slice %arg9[%dma_wait3A_666, %dma_wait3A_667] : memref<10240x64xf32, #tpu.memory_space<vmem_shared>> -> memref<10240x64xf32, #tpu.memory_space<vmem_shared>>
      tpu.wait_indirect_dma semaphore(%arg11 : memref<!tpu.dma_semaphore, #tpu.memory_space<semaphore_mem>>) src(%dma_wait3A_662 : memref<125x64xf32, #tpu.memory_space<vmem>>) dst(%dma_wait3A_668 : memref<10240x64xf32, #tpu.memory_space<vmem_shared>>)
      %dma_wait3A_669 = arith.constant 1 : i32
      %dma_wait3A_670 = arith.constant 875 : i32
      %dma_wait3A_671 = arith.constant 0 : i32
      %dma_wait3A_672 = tpu.memref_slice %arg8[%dma_wait3A_670, %dma_wait3A_671] : memref<1000x64xf32, #tpu.memory_space<vmem>> -> memref<125x64xf32, #tpu.memory_space<vmem>>
      %dma_wait3A_673 = arith.constant 0 : i32
      %dma_wait3A_674 = tpu.memref_slice %arg7[%dma_wait3A_669, %add3A_588, %dma_wait3A_673] : memref<2x40x125xi32, #tpu.memory_space<vmem>> -> memref<1x1x125xi32, #tpu.memory_space<vmem>>
      %dma_wait3A_675 = tpu.memref_squeeze %dma_wait3A_674 : memref<1x1x125xi32, #tpu.memory_space<vmem>> -> memref<125xi32, #tpu.memory_space<vmem>>
      %dma_wait3A_676 = arith.constant 0 : i32
      %dma_wait3A_677 = arith.constant 0 : i32
      %dma_wait3A_678 = tpu.memref_slice %arg9[%dma_wait3A_676, %dma_wait3A_677] : memref<10240x64xf32, #tpu.memory_space<vmem_shared>> -> memref<10240x64xf32, #tpu.memory_space<vmem_shared>>
      tpu.wait_indirect_dma semaphore(%arg11 : memref<!tpu.dma_semaphore, #tpu.memory_space<semaphore_mem>>) src(%dma_wait3A_672 : memref<125x64xf32, #tpu.memory_space<vmem>>) dst(%dma_wait3A_678 : memref<10240x64xf32, #tpu.memory_space<vmem_shared>>)
    }
    %scan3A_321 = arith.constant 5 : i32
    %barrier3A_322 = arith.constant 0 : index
    tpu.barrier barrier_id(%barrier3A_322)
    %mul3A_323 = arith.constant 64 : i32
    %mul3A_324 = arith.muli %arg0, %mul3A_323 : i32
    "tpu.region"() ({
      %run_scoped3A = tpu.sem_alloc : memref<!tpu.dma_semaphore, #tpu.memory_space<semaphore_mem>>
      %dma_start3A_325 = tpu.memref_slice %arg5[%mul3A_0, %mul3A_324] : memref<10240x128xf32, #tpu.memory_space<hbm>> -> memref<640x64xf32, #tpu.memory_space<hbm>>
      %dma_start3A_326 = arith.constant 0 : i32
      %dma_start3A_327 = tpu.memref_slice %arg9[%mul3A_0, %dma_start3A_326] : memref<10240x64xf32, #tpu.memory_space<vmem_shared>> -> memref<640x64xf32, #tpu.memory_space<vmem_shared>>
      tpu.enqueue_dma source(%dma_start3A_327 : memref<640x64xf32, #tpu.memory_space<vmem_shared>>) target(%dma_start3A_325 : memref<640x64xf32, #tpu.memory_space<hbm>>) target_semaphore(%run_scoped3A : memref<!tpu.dma_semaphore, #tpu.memory_space<semaphore_mem>>)
      %dma_wait3A_328 = tpu.memref_slice %arg5[%mul3A_0, %mul3A_324] : memref<10240x128xf32, #tpu.memory_space<hbm>> -> memref<640x64xf32, #tpu.memory_space<hbm>>
      %dma_wait3A_329 = arith.constant 0 : i32
      %dma_wait3A_330 = tpu.memref_slice %arg9[%mul3A_0, %dma_wait3A_329] : memref<10240x64xf32, #tpu.memory_space<vmem_shared>> -> memref<640x64xf32, #tpu.memory_space<vmem_shared>>
      tpu.wait_dma2 semaphore(%run_scoped3A : memref<!tpu.dma_semaphore, #tpu.memory_space<semaphore_mem>>) src(%dma_wait3A_330 : memref<640x64xf32, #tpu.memory_space<vmem_shared>>) dst(%dma_wait3A_328 : memref<640x64xf32, #tpu.memory_space<hbm>>)
      tpu.yield
    }) : () -> ()
    return
  }
}

#map = affine_map<(d0, d1) -> (0, 0)>
#map1 = affine_map<(d0, d1) -> (0, 0, 0)>
module attributes {stable_mosaic.version = 14 : i64} {
  func.func @_agg16(%arg0: i32, %arg1: i32, %arg2: memref<10000x16xf32, #tpu.memory_space<hbm>>, %arg3: memref<32x80x125xi32, #tpu.memory_space<hbm>>, %arg4: memref<32x80x125xi32, #tpu.memory_space<hbm>>, %arg5: memref<2x10240x16xf32, #tpu.memory_space<hbm>>, %arg6: memref<80x125xi32, #tpu.memory_space<vmem>>, %arg7: memref<80x125xi32, #tpu.memory_space<vmem>>, %arg8: memref<1250x16xf32, #tpu.memory_space<vmem>>, %arg9: memref<10240x16xf32, #tpu.memory_space<vmem_shared>>, %arg10: memref<!tpu.dma_semaphore, #tpu.memory_space<semaphore_mem>>, %arg11: memref<!tpu.dma_semaphore, #tpu.memory_space<semaphore_mem>>) attributes {dimension_semantics = [#tpu.dimension_semantics<core_parallel>, #tpu.dimension_semantics<subcore_parallel>], iteration_bounds = array<i64: 2, 16>, scalar_prefetch = 0 : i64, scratch_operands = 6 : i64, tpu.core_type = #tpu.core_type<sc_vector_subcore>, window_params = [{transform_indices = #map}, {transform_indices = #map1}, {transform_indices = #map1}, {transform_indices = #map1}]} {
    %mul3A = arith.constant 2 : i32
    %mul3A_0 = arith.muli %arg1, %mul3A : i32
    %add3A = arith.addi %mul3A_0, %arg0 : i32
    %mul3A_1 = arith.constant 640 : i32
    %mul3A_2 = arith.muli %arg1, %mul3A_1 : i32
    %dma_start3A = arith.constant 0 : i32
    %dma_start3A_3 = arith.constant 0 : i32
    %dma_start3A_4 = tpu.memref_slice %arg3[%add3A, %dma_start3A, %dma_start3A_3] : memref<32x80x125xi32, #tpu.memory_space<hbm>> -> memref<1x80x125xi32, #tpu.memory_space<hbm>>
    %dma_start3A_5 = tpu.memref_squeeze %dma_start3A_4 : memref<1x80x125xi32, #tpu.memory_space<hbm>> -> memref<80x125xi32, #tpu.memory_space<hbm>>
    %dma_start3A_6 = arith.constant 0 : i32
    %dma_start3A_7 = arith.constant 0 : i32
    %dma_start3A_8 = tpu.memref_slice %arg3[%add3A, %dma_start3A_6, %dma_start3A_7] : memref<32x80x125xi32, #tpu.memory_space<hbm>> -> memref<1x80x125xi32, #tpu.memory_space<hbm>>
    %dma_start3A_9 = tpu.memref_squeeze %dma_start3A_8 : memref<1x80x125xi32, #tpu.memory_space<hbm>> -> memref<80x125xi32, #tpu.memory_space<hbm>>
    tpu.enqueue_dma source(%dma_start3A_9 : memref<80x125xi32, #tpu.memory_space<hbm>>) target(%arg6 : memref<80x125xi32, #tpu.memory_space<vmem>>) target_semaphore(%arg10 : memref<!tpu.dma_semaphore, #tpu.memory_space<semaphore_mem>>)
    %dma_start3A_10 = arith.constant 0 : i32
    %dma_start3A_11 = arith.constant 0 : i32
    %dma_start3A_12 = tpu.memref_slice %arg4[%add3A, %dma_start3A_10, %dma_start3A_11] : memref<32x80x125xi32, #tpu.memory_space<hbm>> -> memref<1x80x125xi32, #tpu.memory_space<hbm>>
    %dma_start3A_13 = tpu.memref_squeeze %dma_start3A_12 : memref<1x80x125xi32, #tpu.memory_space<hbm>> -> memref<80x125xi32, #tpu.memory_space<hbm>>
    %dma_start3A_14 = arith.constant 0 : i32
    %dma_start3A_15 = arith.constant 0 : i32
    %dma_start3A_16 = tpu.memref_slice %arg4[%add3A, %dma_start3A_14, %dma_start3A_15] : memref<32x80x125xi32, #tpu.memory_space<hbm>> -> memref<1x80x125xi32, #tpu.memory_space<hbm>>
    %dma_start3A_17 = tpu.memref_squeeze %dma_start3A_16 : memref<1x80x125xi32, #tpu.memory_space<hbm>> -> memref<80x125xi32, #tpu.memory_space<hbm>>
    tpu.enqueue_dma source(%dma_start3A_17 : memref<80x125xi32, #tpu.memory_space<hbm>>) target(%arg7 : memref<80x125xi32, #tpu.memory_space<vmem>>) target_semaphore(%arg11 : memref<!tpu.dma_semaphore, #tpu.memory_space<semaphore_mem>>)
    %scan3A = arith.constant 0 : i32
    %scan3A_18 = arith.constant 0 : i32
    %scan3A_19 = arith.constant 128 : i32
    %scan3A_20 = arith.addi %scan3A_18, %scan3A_19 : i32
    %scan3A_21 = arith.constant 1 : i32
    scf.for %scan3A_51 = %scan3A_18 to %scan3A_20 step %scan3A_21  : i32 {
      %broadcast_in_dim3A = arith.constant 0.000000e+00 : f32
      %broadcast_in_dim3A_52 = vector.broadcast %broadcast_in_dim3A : f32 to vector<16xf32>
      %swap3A = arith.index_cast %scan3A_51 : i32 to index
      %swap3A_53 = arith.constant 0 : index
      %swap3A_54 = tpu.vector_load %arg8[%swap3A, %swap3A_53] {strides = array<i32>} : memref<1250x16xf32, #tpu.memory_space<vmem>>, vector<1x16xf32>,
      %swap3A_55 = vector.shape_cast %swap3A_54 : vector<1x16xf32> to vector<16xf32>
      %swap3A_56 = vector.shape_cast %broadcast_in_dim3A_52 : vector<16xf32> to vector<1x16xf32>
      tpu.vector_store %arg8[%swap3A, %swap3A_53], %swap3A_56 {strides = array<i32>} : memref<1250x16xf32, #tpu.memory_space<vmem>>, vector<1x16xf32>,
    }
    %scan3A_22 = arith.constant 128 : i32
    %scan3A_23 = arith.constant 0 : i32
    %scan3A_24 = arith.constant 0 : i32
    %scan3A_25 = arith.constant 5 : i32
    %scan3A_26 = arith.addi %scan3A_24, %scan3A_25 : i32
    %scan3A_27 = arith.constant 1 : i32
    scf.for %scan3A_51 = %scan3A_24 to %scan3A_26 step %scan3A_27  : i32 {
      %mul3A_52 = arith.constant 128 : i32
      %mul3A_53 = arith.muli %scan3A_51, %mul3A_52 : i32
      %add3A_54 = arith.addi %mul3A_2, %mul3A_53 : i32
      "tpu.region"() ({
        %run_scoped3A = tpu.sem_alloc : memref<!tpu.dma_semaphore, #tpu.memory_space<semaphore_mem>>
        %dma_start3A_55 = arith.constant 0 : i32
        %dma_start3A_56 = arith.constant 0 : i32
        %dma_start3A_57 = tpu.memref_slice %arg8[%dma_start3A_55, %dma_start3A_56] : memref<1250x16xf32, #tpu.memory_space<vmem>> -> memref<128x16xf32, #tpu.memory_space<vmem>>
        %dma_start3A_58 = arith.constant 0 : i32
        %dma_start3A_59 = tpu.memref_slice %arg9[%add3A_54, %dma_start3A_58] : memref<10240x16xf32, #tpu.memory_space<vmem_shared>> -> memref<128x16xf32, #tpu.memory_space<vmem_shared>>
        %dma_start3A_60 = arith.constant 0 : i32
        %dma_start3A_61 = tpu.memref_slice %arg9[%add3A_54, %dma_start3A_60] : memref<10240x16xf32, #tpu.memory_space<vmem_shared>> -> memref<128x16xf32, #tpu.memory_space<vmem_shared>>
        %dma_start3A_62 = arith.constant 0 : i32
        %dma_start3A_63 = arith.constant 0 : i32
        %dma_start3A_64 = tpu.memref_slice %arg8[%dma_start3A_62, %dma_start3A_63] : memref<1250x16xf32, #tpu.memory_space<vmem>> -> memref<128x16xf32, #tpu.memory_space<vmem>>
        tpu.enqueue_dma source(%dma_start3A_64 : memref<128x16xf32, #tpu.memory_space<vmem>>) target(%dma_start3A_61 : memref<128x16xf32, #tpu.memory_space<vmem_shared>>) target_semaphore(%run_scoped3A : memref<!tpu.dma_semaphore, #tpu.memory_space<semaphore_mem>>)
        %dma_wait3A_65 = arith.constant 0 : i32
        %dma_wait3A_66 = arith.constant 0 : i32
        %dma_wait3A_67 = tpu.memref_slice %arg8[%dma_wait3A_65, %dma_wait3A_66] : memref<1250x16xf32, #tpu.memory_space<vmem>> -> memref<128x16xf32, #tpu.memory_space<vmem>>
        %dma_wait3A_68 = arith.constant 0 : i32
        %dma_wait3A_69 = tpu.memref_slice %arg9[%add3A_54, %dma_wait3A_68] : memref<10240x16xf32, #tpu.memory_space<vmem_shared>> -> memref<128x16xf32, #tpu.memory_space<vmem_shared>>
        %dma_wait3A_70 = arith.constant 0 : i32
        %dma_wait3A_71 = tpu.memref_slice %arg9[%add3A_54, %dma_wait3A_70] : memref<10240x16xf32, #tpu.memory_space<vmem_shared>> -> memref<128x16xf32, #tpu.memory_space<vmem_shared>>
        %dma_wait3A_72 = arith.constant 0 : i32
        %dma_wait3A_73 = arith.constant 0 : i32
        %dma_wait3A_74 = tpu.memref_slice %arg8[%dma_wait3A_72, %dma_wait3A_73] : memref<1250x16xf32, #tpu.memory_space<vmem>> -> memref<128x16xf32, #tpu.memory_space<vmem>>
        tpu.wait_dma2 semaphore(%run_scoped3A : memref<!tpu.dma_semaphore, #tpu.memory_space<semaphore_mem>>) src(%dma_wait3A_74 : memref<128x16xf32, #tpu.memory_space<vmem>>) dst(%dma_wait3A_71 : memref<128x16xf32, #tpu.memory_space<vmem_shared>>)
        tpu.yield
      }) : () -> ()
    }
    %scan3A_28 = arith.constant 5 : i32
    %dma_wait3A = arith.constant 0 : i32
    %dma_wait3A_29 = arith.constant 0 : i32
    %dma_wait3A_30 = tpu.memref_slice %arg3[%add3A, %dma_wait3A, %dma_wait3A_29] : memref<32x80x125xi32, #tpu.memory_space<hbm>> -> memref<1x80x125xi32, #tpu.memory_space<hbm>>
    %dma_wait3A_31 = tpu.memref_squeeze %dma_wait3A_30 : memref<1x80x125xi32, #tpu.memory_space<hbm>> -> memref<80x125xi32, #tpu.memory_space<hbm>>
    %dma_wait3A_32 = arith.constant 0 : i32
    %dma_wait3A_33 = arith.constant 0 : i32
    %dma_wait3A_34 = tpu.memref_slice %arg3[%add3A, %dma_wait3A_32, %dma_wait3A_33] : memref<32x80x125xi32, #tpu.memory_space<hbm>> -> memref<1x80x125xi32, #tpu.memory_space<hbm>>
    %dma_wait3A_35 = tpu.memref_squeeze %dma_wait3A_34 : memref<1x80x125xi32, #tpu.memory_space<hbm>> -> memref<80x125xi32, #tpu.memory_space<hbm>>
    tpu.wait_dma2 semaphore(%arg10 : memref<!tpu.dma_semaphore, #tpu.memory_space<semaphore_mem>>) src(%dma_wait3A_35 : memref<80x125xi32, #tpu.memory_space<hbm>>) dst(%arg6 : memref<80x125xi32, #tpu.memory_space<vmem>>)
    %dma_wait3A_36 = arith.constant 0 : i32
    %dma_wait3A_37 = arith.constant 0 : i32
    %dma_wait3A_38 = tpu.memref_slice %arg4[%add3A, %dma_wait3A_36, %dma_wait3A_37] : memref<32x80x125xi32, #tpu.memory_space<hbm>> -> memref<1x80x125xi32, #tpu.memory_space<hbm>>
    %dma_wait3A_39 = tpu.memref_squeeze %dma_wait3A_38 : memref<1x80x125xi32, #tpu.memory_space<hbm>> -> memref<80x125xi32, #tpu.memory_space<hbm>>
    %dma_wait3A_40 = arith.constant 0 : i32
    %dma_wait3A_41 = arith.constant 0 : i32
    %dma_wait3A_42 = tpu.memref_slice %arg4[%add3A, %dma_wait3A_40, %dma_wait3A_41] : memref<32x80x125xi32, #tpu.memory_space<hbm>> -> memref<1x80x125xi32, #tpu.memory_space<hbm>>
    %dma_wait3A_43 = tpu.memref_squeeze %dma_wait3A_42 : memref<1x80x125xi32, #tpu.memory_space<hbm>> -> memref<80x125xi32, #tpu.memory_space<hbm>>
    tpu.wait_dma2 semaphore(%arg11 : memref<!tpu.dma_semaphore, #tpu.memory_space<semaphore_mem>>) src(%dma_wait3A_43 : memref<80x125xi32, #tpu.memory_space<hbm>>) dst(%arg7 : memref<80x125xi32, #tpu.memory_space<vmem>>)
    %barrier3A = arith.constant 0 : index
    tpu.barrier barrier_id(%barrier3A)
    %scan3A_44 = arith.constant 0 : i32
    %scan3A_45 = arith.constant 0 : i32
    %scan3A_46 = arith.constant 8 : i32
    %scan3A_47 = arith.addi %scan3A_45, %scan3A_46 : i32
    %scan3A_48 = arith.constant 1 : i32
    scf.for %scan3A_51 = %scan3A_45 to %scan3A_47 step %scan3A_48  : i32 {
      %mul3A_52 = arith.constant 10 : i32
      %mul3A_53 = arith.muli %scan3A_51, %mul3A_52 : i32
      %add3A_54 = arith.constant 0 : i32
      %add3A_55 = arith.addi %mul3A_53, %add3A_54 : i32
      %dma_start3A_56 = arith.constant 0 : i32
      %dma_start3A_57 = arith.constant 0 : i32
      %dma_start3A_58 = tpu.memref_slice %arg8[%dma_start3A_56, %dma_start3A_57] : memref<1250x16xf32, #tpu.memory_space<vmem>> -> memref<125x16xf32, #tpu.memory_space<vmem>>
      %dma_start3A_59 = arith.constant 0 : i32
      %dma_start3A_60 = tpu.memref_slice %arg6[%add3A_55, %dma_start3A_59] : memref<80x125xi32, #tpu.memory_space<vmem>> -> memref<1x125xi32, #tpu.memory_space<vmem>>
      %dma_start3A_61 = tpu.memref_squeeze %dma_start3A_60 : memref<1x125xi32, #tpu.memory_space<vmem>> -> memref<125xi32, #tpu.memory_space<vmem>>
      %dma_start3A_62 = arith.constant 0 : i32
      %dma_start3A_63 = arith.constant 0 : i32
      %dma_start3A_64 = tpu.memref_slice %arg2[%dma_start3A_62, %dma_start3A_63] : memref<10000x16xf32, #tpu.memory_space<hbm>> -> memref<10000x16xf32, #tpu.memory_space<hbm>>
      tpu.enqueue_indirect_dma source(%dma_start3A_64 : memref<10000x16xf32, #tpu.memory_space<hbm>>) target(%dma_start3A_58 : memref<125x16xf32, #tpu.memory_space<vmem>>) offsets(%dma_start3A_61 : memref<125xi32, #tpu.memory_space<vmem>>) semaphore(%arg10 : memref<!tpu.dma_semaphore, #tpu.memory_space<semaphore_mem>>)
      %add3A_65 = arith.constant 1 : i32
      %add3A_66 = arith.addi %mul3A_53, %add3A_65 : i32
      %dma_start3A_67 = arith.constant 125 : i32
      %dma_start3A_68 = arith.constant 0 : i32
      %dma_start3A_69 = tpu.memref_slice %arg8[%dma_start3A_67, %dma_start3A_68] : memref<1250x16xf32, #tpu.memory_space<vmem>> -> memref<125x16xf32, #tpu.memory_space<vmem>>
      %dma_start3A_70 = arith.constant 0 : i32
      %dma_start3A_71 = tpu.memref_slice %arg6[%add3A_66, %dma_start3A_70] : memref<80x125xi32, #tpu.memory_space<vmem>> -> memref<1x125xi32, #tpu.memory_space<vmem>>
      %dma_start3A_72 = tpu.memref_squeeze %dma_start3A_71 : memref<1x125xi32, #tpu.memory_space<vmem>> -> memref<125xi32, #tpu.memory_space<vmem>>
      %dma_start3A_73 = arith.constant 0 : i32
      %dma_start3A_74 = arith.constant 0 : i32
      %dma_start3A_75 = tpu.memref_slice %arg2[%dma_start3A_73, %dma_start3A_74] : memref<10000x16xf32, #tpu.memory_space<hbm>> -> memref<10000x16xf32, #tpu.memory_space<hbm>>
      tpu.enqueue_indirect_dma source(%dma_start3A_75 : memref<10000x16xf32, #tpu.memory_space<hbm>>) target(%dma_start3A_69 : memref<125x16xf32, #tpu.memory_space<vmem>>) offsets(%dma_start3A_72 : memref<125xi32, #tpu.memory_space<vmem>>) semaphore(%arg10 : memref<!tpu.dma_semaphore, #tpu.memory_space<semaphore_mem>>)
      %add3A_76 = arith.constant 2 : i32
      %add3A_77 = arith.addi %mul3A_53, %add3A_76 : i32
      %dma_start3A_78 = arith.constant 250 : i32
      %dma_start3A_79 = arith.constant 0 : i32
      %dma_start3A_80 = tpu.memref_slice %arg8[%dma_start3A_78, %dma_start3A_79] : memref<1250x16xf32, #tpu.memory_space<vmem>> -> memref<125x16xf32, #tpu.memory_space<vmem>>
      %dma_start3A_81 = arith.constant 0 : i32
      %dma_start3A_82 = tpu.memref_slice %arg6[%add3A_77, %dma_start3A_81] : memref<80x125xi32, #tpu.memory_space<vmem>> -> memref<1x125xi32, #tpu.memory_space<vmem>>
      %dma_start3A_83 = tpu.memref_squeeze %dma_start3A_82 : memref<1x125xi32, #tpu.memory_space<vmem>> -> memref<125xi32, #tpu.memory_space<vmem>>
      %dma_start3A_84 = arith.constant 0 : i32
      %dma_start3A_85 = arith.constant 0 : i32
      %dma_start3A_86 = tpu.memref_slice %arg2[%dma_start3A_84, %dma_start3A_85] : memref<10000x16xf32, #tpu.memory_space<hbm>> -> memref<10000x16xf32, #tpu.memory_space<hbm>>
      tpu.enqueue_indirect_dma source(%dma_start3A_86 : memref<10000x16xf32, #tpu.memory_space<hbm>>) target(%dma_start3A_80 : memref<125x16xf32, #tpu.memory_space<vmem>>) offsets(%dma_start3A_83 : memref<125xi32, #tpu.memory_space<vmem>>) semaphore(%arg10 : memref<!tpu.dma_semaphore, #tpu.memory_space<semaphore_mem>>)
      %add3A_87 = arith.constant 3 : i32
      %add3A_88 = arith.addi %mul3A_53, %add3A_87 : i32
      %dma_start3A_89 = arith.constant 375 : i32
      %dma_start3A_90 = arith.constant 0 : i32
      %dma_start3A_91 = tpu.memref_slice %arg8[%dma_start3A_89, %dma_start3A_90] : memref<1250x16xf32, #tpu.memory_space<vmem>> -> memref<125x16xf32, #tpu.memory_space<vmem>>
      %dma_start3A_92 = arith.constant 0 : i32
      %dma_start3A_93 = tpu.memref_slice %arg6[%add3A_88, %dma_start3A_92] : memref<80x125xi32, #tpu.memory_space<vmem>> -> memref<1x125xi32, #tpu.memory_space<vmem>>
      %dma_start3A_94 = tpu.memref_squeeze %dma_start3A_93 : memref<1x125xi32, #tpu.memory_space<vmem>> -> memref<125xi32, #tpu.memory_space<vmem>>
      %dma_start3A_95 = arith.constant 0 : i32
      %dma_start3A_96 = arith.constant 0 : i32
      %dma_start3A_97 = tpu.memref_slice %arg2[%dma_start3A_95, %dma_start3A_96] : memref<10000x16xf32, #tpu.memory_space<hbm>> -> memref<10000x16xf32, #tpu.memory_space<hbm>>
      tpu.enqueue_indirect_dma source(%dma_start3A_97 : memref<10000x16xf32, #tpu.memory_space<hbm>>) target(%dma_start3A_91 : memref<125x16xf32, #tpu.memory_space<vmem>>) offsets(%dma_start3A_94 : memref<125xi32, #tpu.memory_space<vmem>>) semaphore(%arg10 : memref<!tpu.dma_semaphore, #tpu.memory_space<semaphore_mem>>)
      %add3A_98 = arith.constant 4 : i32
      %add3A_99 = arith.addi %mul3A_53, %add3A_98 : i32
      %dma_start3A_100 = arith.constant 500 : i32
      %dma_start3A_101 = arith.constant 0 : i32
      %dma_start3A_102 = tpu.memref_slice %arg8[%dma_start3A_100, %dma_start3A_101] : memref<1250x16xf32, #tpu.memory_space<vmem>> -> memref<125x16xf32, #tpu.memory_space<vmem>>
      %dma_start3A_103 = arith.constant 0 : i32
      %dma_start3A_104 = tpu.memref_slice %arg6[%add3A_99, %dma_start3A_103] : memref<80x125xi32, #tpu.memory_space<vmem>> -> memref<1x125xi32, #tpu.memory_space<vmem>>
      %dma_start3A_105 = tpu.memref_squeeze %dma_start3A_104 : memref<1x125xi32, #tpu.memory_space<vmem>> -> memref<125xi32, #tpu.memory_space<vmem>>
      %dma_start3A_106 = arith.constant 0 : i32
      %dma_start3A_107 = arith.constant 0 : i32
      %dma_start3A_108 = tpu.memref_slice %arg2[%dma_start3A_106, %dma_start3A_107] : memref<10000x16xf32, #tpu.memory_space<hbm>> -> memref<10000x16xf32, #tpu.memory_space<hbm>>
      tpu.enqueue_indirect_dma source(%dma_start3A_108 : memref<10000x16xf32, #tpu.memory_space<hbm>>) target(%dma_start3A_102 : memref<125x16xf32, #tpu.memory_space<vmem>>) offsets(%dma_start3A_105 : memref<125xi32, #tpu.memory_space<vmem>>) semaphore(%arg10 : memref<!tpu.dma_semaphore, #tpu.memory_space<semaphore_mem>>)
      %add3A_109 = arith.constant 5 : i32
      %add3A_110 = arith.addi %mul3A_53, %add3A_109 : i32
      %dma_start3A_111 = arith.constant 625 : i32
      %dma_start3A_112 = arith.constant 0 : i32
      %dma_start3A_113 = tpu.memref_slice %arg8[%dma_start3A_111, %dma_start3A_112] : memref<1250x16xf32, #tpu.memory_space<vmem>> -> memref<125x16xf32, #tpu.memory_space<vmem>>
      %dma_start3A_114 = arith.constant 0 : i32
      %dma_start3A_115 = tpu.memref_slice %arg6[%add3A_110, %dma_start3A_114] : memref<80x125xi32, #tpu.memory_space<vmem>> -> memref<1x125xi32, #tpu.memory_space<vmem>>
      %dma_start3A_116 = tpu.memref_squeeze %dma_start3A_115 : memref<1x125xi32, #tpu.memory_space<vmem>> -> memref<125xi32, #tpu.memory_space<vmem>>
      %dma_start3A_117 = arith.constant 0 : i32
      %dma_start3A_118 = arith.constant 0 : i32
      %dma_start3A_119 = tpu.memref_slice %arg2[%dma_start3A_117, %dma_start3A_118] : memref<10000x16xf32, #tpu.memory_space<hbm>> -> memref<10000x16xf32, #tpu.memory_space<hbm>>
      tpu.enqueue_indirect_dma source(%dma_start3A_119 : memref<10000x16xf32, #tpu.memory_space<hbm>>) target(%dma_start3A_113 : memref<125x16xf32, #tpu.memory_space<vmem>>) offsets(%dma_start3A_116 : memref<125xi32, #tpu.memory_space<vmem>>) semaphore(%arg10 : memref<!tpu.dma_semaphore, #tpu.memory_space<semaphore_mem>>)
      %add3A_120 = arith.constant 6 : i32
      %add3A_121 = arith.addi %mul3A_53, %add3A_120 : i32
      %dma_start3A_122 = arith.constant 750 : i32
      %dma_start3A_123 = arith.constant 0 : i32
      %dma_start3A_124 = tpu.memref_slice %arg8[%dma_start3A_122, %dma_start3A_123] : memref<1250x16xf32, #tpu.memory_space<vmem>> -> memref<125x16xf32, #tpu.memory_space<vmem>>
      %dma_start3A_125 = arith.constant 0 : i32
      %dma_start3A_126 = tpu.memref_slice %arg6[%add3A_121, %dma_start3A_125] : memref<80x125xi32, #tpu.memory_space<vmem>> -> memref<1x125xi32, #tpu.memory_space<vmem>>
      %dma_start3A_127 = tpu.memref_squeeze %dma_start3A_126 : memref<1x125xi32, #tpu.memory_space<vmem>> -> memref<125xi32, #tpu.memory_space<vmem>>
      %dma_start3A_128 = arith.constant 0 : i32
      %dma_start3A_129 = arith.constant 0 : i32
      %dma_start3A_130 = tpu.memref_slice %arg2[%dma_start3A_128, %dma_start3A_129] : memref<10000x16xf32, #tpu.memory_space<hbm>> -> memref<10000x16xf32, #tpu.memory_space<hbm>>
      tpu.enqueue_indirect_dma source(%dma_start3A_130 : memref<10000x16xf32, #tpu.memory_space<hbm>>) target(%dma_start3A_124 : memref<125x16xf32, #tpu.memory_space<vmem>>) offsets(%dma_start3A_127 : memref<125xi32, #tpu.memory_space<vmem>>) semaphore(%arg10 : memref<!tpu.dma_semaphore, #tpu.memory_space<semaphore_mem>>)
      %add3A_131 = arith.constant 7 : i32
      %add3A_132 = arith.addi %mul3A_53, %add3A_131 : i32
      %dma_start3A_133 = arith.constant 875 : i32
      %dma_start3A_134 = arith.constant 0 : i32
      %dma_start3A_135 = tpu.memref_slice %arg8[%dma_start3A_133, %dma_start3A_134] : memref<1250x16xf32, #tpu.memory_space<vmem>> -> memref<125x16xf32, #tpu.memory_space<vmem>>
      %dma_start3A_136 = arith.constant 0 : i32
      %dma_start3A_137 = tpu.memref_slice %arg6[%add3A_132, %dma_start3A_136] : memref<80x125xi32, #tpu.memory_space<vmem>> -> memref<1x125xi32, #tpu.memory_space<vmem>>
      %dma_start3A_138 = tpu.memref_squeeze %dma_start3A_137 : memref<1x125xi32, #tpu.memory_space<vmem>> -> memref<125xi32, #tpu.memory_space<vmem>>
      %dma_start3A_139 = arith.constant 0 : i32
      %dma_start3A_140 = arith.constant 0 : i32
      %dma_start3A_141 = tpu.memref_slice %arg2[%dma_start3A_139, %dma_start3A_140] : memref<10000x16xf32, #tpu.memory_space<hbm>> -> memref<10000x16xf32, #tpu.memory_space<hbm>>
      tpu.enqueue_indirect_dma source(%dma_start3A_141 : memref<10000x16xf32, #tpu.memory_space<hbm>>) target(%dma_start3A_135 : memref<125x16xf32, #tpu.memory_space<vmem>>) offsets(%dma_start3A_138 : memref<125xi32, #tpu.memory_space<vmem>>) semaphore(%arg10 : memref<!tpu.dma_semaphore, #tpu.memory_space<semaphore_mem>>)
      %add3A_142 = arith.constant 8 : i32
      %add3A_143 = arith.addi %mul3A_53, %add3A_142 : i32
      %dma_start3A_144 = arith.constant 1000 : i32
      %dma_start3A_145 = arith.constant 0 : i32
      %dma_start3A_146 = tpu.memref_slice %arg8[%dma_start3A_144, %dma_start3A_145] : memref<1250x16xf32, #tpu.memory_space<vmem>> -> memref<125x16xf32, #tpu.memory_space<vmem>>
      %dma_start3A_147 = arith.constant 0 : i32
      %dma_start3A_148 = tpu.memref_slice %arg6[%add3A_143, %dma_start3A_147] : memref<80x125xi32, #tpu.memory_space<vmem>> -> memref<1x125xi32, #tpu.memory_space<vmem>>
      %dma_start3A_149 = tpu.memref_squeeze %dma_start3A_148 : memref<1x125xi32, #tpu.memory_space<vmem>> -> memref<125xi32, #tpu.memory_space<vmem>>
      %dma_start3A_150 = arith.constant 0 : i32
      %dma_start3A_151 = arith.constant 0 : i32
      %dma_start3A_152 = tpu.memref_slice %arg2[%dma_start3A_150, %dma_start3A_151] : memref<10000x16xf32, #tpu.memory_space<hbm>> -> memref<10000x16xf32, #tpu.memory_space<hbm>>
      tpu.enqueue_indirect_dma source(%dma_start3A_152 : memref<10000x16xf32, #tpu.memory_space<hbm>>) target(%dma_start3A_146 : memref<125x16xf32, #tpu.memory_space<vmem>>) offsets(%dma_start3A_149 : memref<125xi32, #tpu.memory_space<vmem>>) semaphore(%arg10 : memref<!tpu.dma_semaphore, #tpu.memory_space<semaphore_mem>>)
      %add3A_153 = arith.constant 9 : i32
      %add3A_154 = arith.addi %mul3A_53, %add3A_153 : i32
      %dma_start3A_155 = arith.constant 1125 : i32
      %dma_start3A_156 = arith.constant 0 : i32
      %dma_start3A_157 = tpu.memref_slice %arg8[%dma_start3A_155, %dma_start3A_156] : memref<1250x16xf32, #tpu.memory_space<vmem>> -> memref<125x16xf32, #tpu.memory_space<vmem>>
      %dma_start3A_158 = arith.constant 0 : i32
      %dma_start3A_159 = tpu.memref_slice %arg6[%add3A_154, %dma_start3A_158] : memref<80x125xi32, #tpu.memory_space<vmem>> -> memref<1x125xi32, #tpu.memory_space<vmem>>
      %dma_start3A_160 = tpu.memref_squeeze %dma_start3A_159 : memref<1x125xi32, #tpu.memory_space<vmem>> -> memref<125xi32, #tpu.memory_space<vmem>>
      %dma_start3A_161 = arith.constant 0 : i32
      %dma_start3A_162 = arith.constant 0 : i32
      %dma_start3A_163 = tpu.memref_slice %arg2[%dma_start3A_161, %dma_start3A_162] : memref<10000x16xf32, #tpu.memory_space<hbm>> -> memref<10000x16xf32, #tpu.memory_space<hbm>>
      tpu.enqueue_indirect_dma source(%dma_start3A_163 : memref<10000x16xf32, #tpu.memory_space<hbm>>) target(%dma_start3A_157 : memref<125x16xf32, #tpu.memory_space<vmem>>) offsets(%dma_start3A_160 : memref<125xi32, #tpu.memory_space<vmem>>) semaphore(%arg10 : memref<!tpu.dma_semaphore, #tpu.memory_space<semaphore_mem>>)
      %dma_wait3A_164 = arith.constant 0 : i32
      %dma_wait3A_165 = arith.constant 0 : i32
      %dma_wait3A_166 = tpu.memref_slice %arg8[%dma_wait3A_164, %dma_wait3A_165] : memref<1250x16xf32, #tpu.memory_space<vmem>> -> memref<125x16xf32, #tpu.memory_space<vmem>>
      %dma_wait3A_167 = arith.constant 0 : i32
      %dma_wait3A_168 = tpu.memref_slice %arg6[%add3A_55, %dma_wait3A_167] : memref<80x125xi32, #tpu.memory_space<vmem>> -> memref<1x125xi32, #tpu.memory_space<vmem>>
      %dma_wait3A_169 = tpu.memref_squeeze %dma_wait3A_168 : memref<1x125xi32, #tpu.memory_space<vmem>> -> memref<125xi32, #tpu.memory_space<vmem>>
      %dma_wait3A_170 = arith.constant 0 : i32
      %dma_wait3A_171 = arith.constant 0 : i32
      %dma_wait3A_172 = tpu.memref_slice %arg2[%dma_wait3A_170, %dma_wait3A_171] : memref<10000x16xf32, #tpu.memory_space<hbm>> -> memref<10000x16xf32, #tpu.memory_space<hbm>>
      tpu.wait_indirect_dma semaphore(%arg10 : memref<!tpu.dma_semaphore, #tpu.memory_space<semaphore_mem>>) src(%dma_wait3A_172 : memref<10000x16xf32, #tpu.memory_space<hbm>>) dst(%dma_wait3A_166 : memref<125x16xf32, #tpu.memory_space<vmem>>)
      %add3A_173 = arith.constant 0 : i32
      %add3A_174 = arith.addi %mul3A_53, %add3A_173 : i32
      %dma_start3A_175 = arith.constant 0 : i32
      %dma_start3A_176 = arith.constant 0 : i32
      %dma_start3A_177 = tpu.memref_slice %arg8[%dma_start3A_175, %dma_start3A_176] : memref<1250x16xf32, #tpu.memory_space<vmem>> -> memref<125x16xf32, #tpu.memory_space<vmem>>
      %dma_start3A_178 = arith.constant 0 : i32
      %dma_start3A_179 = tpu.memref_slice %arg7[%add3A_174, %dma_start3A_178] : memref<80x125xi32, #tpu.memory_space<vmem>> -> memref<1x125xi32, #tpu.memory_space<vmem>>
      %dma_start3A_180 = tpu.memref_squeeze %dma_start3A_179 : memref<1x125xi32, #tpu.memory_space<vmem>> -> memref<125xi32, #tpu.memory_space<vmem>>
      %dma_start3A_181 = arith.constant 0 : i32
      %dma_start3A_182 = arith.constant 0 : i32
      %dma_start3A_183 = tpu.memref_slice %arg9[%dma_start3A_181, %dma_start3A_182] : memref<10240x16xf32, #tpu.memory_space<vmem_shared>> -> memref<10240x16xf32, #tpu.memory_space<vmem_shared>>
      tpu.enqueue_indirect_dma source(%dma_start3A_177 : memref<125x16xf32, #tpu.memory_space<vmem>>) target(%dma_start3A_183 : memref<10240x16xf32, #tpu.memory_space<vmem_shared>>) offsets(%dma_start3A_180 : memref<125xi32, #tpu.memory_space<vmem>>) semaphore(%arg11 : memref<!tpu.dma_semaphore, #tpu.memory_space<semaphore_mem>>) {add = true}
      %dma_wait3A_184 = arith.constant 125 : i32
      %dma_wait3A_185 = arith.constant 0 : i32
      %dma_wait3A_186 = tpu.memref_slice %arg8[%dma_wait3A_184, %dma_wait3A_185] : memref<1250x16xf32, #tpu.memory_space<vmem>> -> memref<125x16xf32, #tpu.memory_space<vmem>>
      %dma_wait3A_187 = arith.constant 0 : i32
      %dma_wait3A_188 = tpu.memref_slice %arg6[%add3A_66, %dma_wait3A_187] : memref<80x125xi32, #tpu.memory_space<vmem>> -> memref<1x125xi32, #tpu.memory_space<vmem>>
      %dma_wait3A_189 = tpu.memref_squeeze %dma_wait3A_188 : memref<1x125xi32, #tpu.memory_space<vmem>> -> memref<125xi32, #tpu.memory_space<vmem>>
      %dma_wait3A_190 = arith.constant 0 : i32
      %dma_wait3A_191 = arith.constant 0 : i32
      %dma_wait3A_192 = tpu.memref_slice %arg2[%dma_wait3A_190, %dma_wait3A_191] : memref<10000x16xf32, #tpu.memory_space<hbm>> -> memref<10000x16xf32, #tpu.memory_space<hbm>>
      tpu.wait_indirect_dma semaphore(%arg10 : memref<!tpu.dma_semaphore, #tpu.memory_space<semaphore_mem>>) src(%dma_wait3A_192 : memref<10000x16xf32, #tpu.memory_space<hbm>>) dst(%dma_wait3A_186 : memref<125x16xf32, #tpu.memory_space<vmem>>)
      %add3A_193 = arith.constant 1 : i32
      %add3A_194 = arith.addi %mul3A_53, %add3A_193 : i32
      %dma_start3A_195 = arith.constant 125 : i32
      %dma_start3A_196 = arith.constant 0 : i32
      %dma_start3A_197 = tpu.memref_slice %arg8[%dma_start3A_195, %dma_start3A_196] : memref<1250x16xf32, #tpu.memory_space<vmem>> -> memref<125x16xf32, #tpu.memory_space<vmem>>
      %dma_start3A_198 = arith.constant 0 : i32
      %dma_start3A_199 = tpu.memref_slice %arg7[%add3A_194, %dma_start3A_198] : memref<80x125xi32, #tpu.memory_space<vmem>> -> memref<1x125xi32, #tpu.memory_space<vmem>>
      %dma_start3A_200 = tpu.memref_squeeze %dma_start3A_199 : memref<1x125xi32, #tpu.memory_space<vmem>> -> memref<125xi32, #tpu.memory_space<vmem>>
      %dma_start3A_201 = arith.constant 0 : i32
      %dma_start3A_202 = arith.constant 0 : i32
      %dma_start3A_203 = tpu.memref_slice %arg9[%dma_start3A_201, %dma_start3A_202] : memref<10240x16xf32, #tpu.memory_space<vmem_shared>> -> memref<10240x16xf32, #tpu.memory_space<vmem_shared>>
      tpu.enqueue_indirect_dma source(%dma_start3A_197 : memref<125x16xf32, #tpu.memory_space<vmem>>) target(%dma_start3A_203 : memref<10240x16xf32, #tpu.memory_space<vmem_shared>>) offsets(%dma_start3A_200 : memref<125xi32, #tpu.memory_space<vmem>>) semaphore(%arg11 : memref<!tpu.dma_semaphore, #tpu.memory_space<semaphore_mem>>) {add = true}
      %dma_wait3A_204 = arith.constant 250 : i32
      %dma_wait3A_205 = arith.constant 0 : i32
      %dma_wait3A_206 = tpu.memref_slice %arg8[%dma_wait3A_204, %dma_wait3A_205] : memref<1250x16xf32, #tpu.memory_space<vmem>> -> memref<125x16xf32, #tpu.memory_space<vmem>>
      %dma_wait3A_207 = arith.constant 0 : i32
      %dma_wait3A_208 = tpu.memref_slice %arg6[%add3A_77, %dma_wait3A_207] : memref<80x125xi32, #tpu.memory_space<vmem>> -> memref<1x125xi32, #tpu.memory_space<vmem>>
      %dma_wait3A_209 = tpu.memref_squeeze %dma_wait3A_208 : memref<1x125xi32, #tpu.memory_space<vmem>> -> memref<125xi32, #tpu.memory_space<vmem>>
      %dma_wait3A_210 = arith.constant 0 : i32
      %dma_wait3A_211 = arith.constant 0 : i32
      %dma_wait3A_212 = tpu.memref_slice %arg2[%dma_wait3A_210, %dma_wait3A_211] : memref<10000x16xf32, #tpu.memory_space<hbm>> -> memref<10000x16xf32, #tpu.memory_space<hbm>>
      tpu.wait_indirect_dma semaphore(%arg10 : memref<!tpu.dma_semaphore, #tpu.memory_space<semaphore_mem>>) src(%dma_wait3A_212 : memref<10000x16xf32, #tpu.memory_space<hbm>>) dst(%dma_wait3A_206 : memref<125x16xf32, #tpu.memory_space<vmem>>)
      %add3A_213 = arith.constant 2 : i32
      %add3A_214 = arith.addi %mul3A_53, %add3A_213 : i32
      %dma_start3A_215 = arith.constant 250 : i32
      %dma_start3A_216 = arith.constant 0 : i32
      %dma_start3A_217 = tpu.memref_slice %arg8[%dma_start3A_215, %dma_start3A_216] : memref<1250x16xf32, #tpu.memory_space<vmem>> -> memref<125x16xf32, #tpu.memory_space<vmem>>
      %dma_start3A_218 = arith.constant 0 : i32
      %dma_start3A_219 = tpu.memref_slice %arg7[%add3A_214, %dma_start3A_218] : memref<80x125xi32, #tpu.memory_space<vmem>> -> memref<1x125xi32, #tpu.memory_space<vmem>>
      %dma_start3A_220 = tpu.memref_squeeze %dma_start3A_219 : memref<1x125xi32, #tpu.memory_space<vmem>> -> memref<125xi32, #tpu.memory_space<vmem>>
      %dma_start3A_221 = arith.constant 0 : i32
      %dma_start3A_222 = arith.constant 0 : i32
      %dma_start3A_223 = tpu.memref_slice %arg9[%dma_start3A_221, %dma_start3A_222] : memref<10240x16xf32, #tpu.memory_space<vmem_shared>> -> memref<10240x16xf32, #tpu.memory_space<vmem_shared>>
      tpu.enqueue_indirect_dma source(%dma_start3A_217 : memref<125x16xf32, #tpu.memory_space<vmem>>) target(%dma_start3A_223 : memref<10240x16xf32, #tpu.memory_space<vmem_shared>>) offsets(%dma_start3A_220 : memref<125xi32, #tpu.memory_space<vmem>>) semaphore(%arg11 : memref<!tpu.dma_semaphore, #tpu.memory_space<semaphore_mem>>) {add = true}
      %dma_wait3A_224 = arith.constant 375 : i32
      %dma_wait3A_225 = arith.constant 0 : i32
      %dma_wait3A_226 = tpu.memref_slice %arg8[%dma_wait3A_224, %dma_wait3A_225] : memref<1250x16xf32, #tpu.memory_space<vmem>> -> memref<125x16xf32, #tpu.memory_space<vmem>>
      %dma_wait3A_227 = arith.constant 0 : i32
      %dma_wait3A_228 = tpu.memref_slice %arg6[%add3A_88, %dma_wait3A_227] : memref<80x125xi32, #tpu.memory_space<vmem>> -> memref<1x125xi32, #tpu.memory_space<vmem>>
      %dma_wait3A_229 = tpu.memref_squeeze %dma_wait3A_228 : memref<1x125xi32, #tpu.memory_space<vmem>> -> memref<125xi32, #tpu.memory_space<vmem>>
      %dma_wait3A_230 = arith.constant 0 : i32
      %dma_wait3A_231 = arith.constant 0 : i32
      %dma_wait3A_232 = tpu.memref_slice %arg2[%dma_wait3A_230, %dma_wait3A_231] : memref<10000x16xf32, #tpu.memory_space<hbm>> -> memref<10000x16xf32, #tpu.memory_space<hbm>>
      tpu.wait_indirect_dma semaphore(%arg10 : memref<!tpu.dma_semaphore, #tpu.memory_space<semaphore_mem>>) src(%dma_wait3A_232 : memref<10000x16xf32, #tpu.memory_space<hbm>>) dst(%dma_wait3A_226 : memref<125x16xf32, #tpu.memory_space<vmem>>)
      %add3A_233 = arith.constant 3 : i32
      %add3A_234 = arith.addi %mul3A_53, %add3A_233 : i32
      %dma_start3A_235 = arith.constant 375 : i32
      %dma_start3A_236 = arith.constant 0 : i32
      %dma_start3A_237 = tpu.memref_slice %arg8[%dma_start3A_235, %dma_start3A_236] : memref<1250x16xf32, #tpu.memory_space<vmem>> -> memref<125x16xf32, #tpu.memory_space<vmem>>
      %dma_start3A_238 = arith.constant 0 : i32
      %dma_start3A_239 = tpu.memref_slice %arg7[%add3A_234, %dma_start3A_238] : memref<80x125xi32, #tpu.memory_space<vmem>> -> memref<1x125xi32, #tpu.memory_space<vmem>>
      %dma_start3A_240 = tpu.memref_squeeze %dma_start3A_239 : memref<1x125xi32, #tpu.memory_space<vmem>> -> memref<125xi32, #tpu.memory_space<vmem>>
      %dma_start3A_241 = arith.constant 0 : i32
      %dma_start3A_242 = arith.constant 0 : i32
      %dma_start3A_243 = tpu.memref_slice %arg9[%dma_start3A_241, %dma_start3A_242] : memref<10240x16xf32, #tpu.memory_space<vmem_shared>> -> memref<10240x16xf32, #tpu.memory_space<vmem_shared>>
      tpu.enqueue_indirect_dma source(%dma_start3A_237 : memref<125x16xf32, #tpu.memory_space<vmem>>) target(%dma_start3A_243 : memref<10240x16xf32, #tpu.memory_space<vmem_shared>>) offsets(%dma_start3A_240 : memref<125xi32, #tpu.memory_space<vmem>>) semaphore(%arg11 : memref<!tpu.dma_semaphore, #tpu.memory_space<semaphore_mem>>) {add = true}
      %dma_wait3A_244 = arith.constant 500 : i32
      %dma_wait3A_245 = arith.constant 0 : i32
      %dma_wait3A_246 = tpu.memref_slice %arg8[%dma_wait3A_244, %dma_wait3A_245] : memref<1250x16xf32, #tpu.memory_space<vmem>> -> memref<125x16xf32, #tpu.memory_space<vmem>>
      %dma_wait3A_247 = arith.constant 0 : i32
      %dma_wait3A_248 = tpu.memref_slice %arg6[%add3A_99, %dma_wait3A_247] : memref<80x125xi32, #tpu.memory_space<vmem>> -> memref<1x125xi32, #tpu.memory_space<vmem>>
      %dma_wait3A_249 = tpu.memref_squeeze %dma_wait3A_248 : memref<1x125xi32, #tpu.memory_space<vmem>> -> memref<125xi32, #tpu.memory_space<vmem>>
      %dma_wait3A_250 = arith.constant 0 : i32
      %dma_wait3A_251 = arith.constant 0 : i32
      %dma_wait3A_252 = tpu.memref_slice %arg2[%dma_wait3A_250, %dma_wait3A_251] : memref<10000x16xf32, #tpu.memory_space<hbm>> -> memref<10000x16xf32, #tpu.memory_space<hbm>>
      tpu.wait_indirect_dma semaphore(%arg10 : memref<!tpu.dma_semaphore, #tpu.memory_space<semaphore_mem>>) src(%dma_wait3A_252 : memref<10000x16xf32, #tpu.memory_space<hbm>>) dst(%dma_wait3A_246 : memref<125x16xf32, #tpu.memory_space<vmem>>)
      %add3A_253 = arith.constant 4 : i32
      %add3A_254 = arith.addi %mul3A_53, %add3A_253 : i32
      %dma_start3A_255 = arith.constant 500 : i32
      %dma_start3A_256 = arith.constant 0 : i32
      %dma_start3A_257 = tpu.memref_slice %arg8[%dma_start3A_255, %dma_start3A_256] : memref<1250x16xf32, #tpu.memory_space<vmem>> -> memref<125x16xf32, #tpu.memory_space<vmem>>
      %dma_start3A_258 = arith.constant 0 : i32
      %dma_start3A_259 = tpu.memref_slice %arg7[%add3A_254, %dma_start3A_258] : memref<80x125xi32, #tpu.memory_space<vmem>> -> memref<1x125xi32, #tpu.memory_space<vmem>>
      %dma_start3A_260 = tpu.memref_squeeze %dma_start3A_259 : memref<1x125xi32, #tpu.memory_space<vmem>> -> memref<125xi32, #tpu.memory_space<vmem>>
      %dma_start3A_261 = arith.constant 0 : i32
      %dma_start3A_262 = arith.constant 0 : i32
      %dma_start3A_263 = tpu.memref_slice %arg9[%dma_start3A_261, %dma_start3A_262] : memref<10240x16xf32, #tpu.memory_space<vmem_shared>> -> memref<10240x16xf32, #tpu.memory_space<vmem_shared>>
      tpu.enqueue_indirect_dma source(%dma_start3A_257 : memref<125x16xf32, #tpu.memory_space<vmem>>) target(%dma_start3A_263 : memref<10240x16xf32, #tpu.memory_space<vmem_shared>>) offsets(%dma_start3A_260 : memref<125xi32, #tpu.memory_space<vmem>>) semaphore(%arg11 : memref<!tpu.dma_semaphore, #tpu.memory_space<semaphore_mem>>) {add = true}
      %dma_wait3A_264 = arith.constant 625 : i32
      %dma_wait3A_265 = arith.constant 0 : i32
      %dma_wait3A_266 = tpu.memref_slice %arg8[%dma_wait3A_264, %dma_wait3A_265] : memref<1250x16xf32, #tpu.memory_space<vmem>> -> memref<125x16xf32, #tpu.memory_space<vmem>>
      %dma_wait3A_267 = arith.constant 0 : i32
      %dma_wait3A_268 = tpu.memref_slice %arg6[%add3A_110, %dma_wait3A_267] : memref<80x125xi32, #tpu.memory_space<vmem>> -> memref<1x125xi32, #tpu.memory_space<vmem>>
      %dma_wait3A_269 = tpu.memref_squeeze %dma_wait3A_268 : memref<1x125xi32, #tpu.memory_space<vmem>> -> memref<125xi32, #tpu.memory_space<vmem>>
      %dma_wait3A_270 = arith.constant 0 : i32
      %dma_wait3A_271 = arith.constant 0 : i32
      %dma_wait3A_272 = tpu.memref_slice %arg2[%dma_wait3A_270, %dma_wait3A_271] : memref<10000x16xf32, #tpu.memory_space<hbm>> -> memref<10000x16xf32, #tpu.memory_space<hbm>>
      tpu.wait_indirect_dma semaphore(%arg10 : memref<!tpu.dma_semaphore, #tpu.memory_space<semaphore_mem>>) src(%dma_wait3A_272 : memref<10000x16xf32, #tpu.memory_space<hbm>>) dst(%dma_wait3A_266 : memref<125x16xf32, #tpu.memory_space<vmem>>)
      %add3A_273 = arith.constant 5 : i32
      %add3A_274 = arith.addi %mul3A_53, %add3A_273 : i32
      %dma_start3A_275 = arith.constant 625 : i32
      %dma_start3A_276 = arith.constant 0 : i32
      %dma_start3A_277 = tpu.memref_slice %arg8[%dma_start3A_275, %dma_start3A_276] : memref<1250x16xf32, #tpu.memory_space<vmem>> -> memref<125x16xf32, #tpu.memory_space<vmem>>
      %dma_start3A_278 = arith.constant 0 : i32
      %dma_start3A_279 = tpu.memref_slice %arg7[%add3A_274, %dma_start3A_278] : memref<80x125xi32, #tpu.memory_space<vmem>> -> memref<1x125xi32, #tpu.memory_space<vmem>>
      %dma_start3A_280 = tpu.memref_squeeze %dma_start3A_279 : memref<1x125xi32, #tpu.memory_space<vmem>> -> memref<125xi32, #tpu.memory_space<vmem>>
      %dma_start3A_281 = arith.constant 0 : i32
      %dma_start3A_282 = arith.constant 0 : i32
      %dma_start3A_283 = tpu.memref_slice %arg9[%dma_start3A_281, %dma_start3A_282] : memref<10240x16xf32, #tpu.memory_space<vmem_shared>> -> memref<10240x16xf32, #tpu.memory_space<vmem_shared>>
      tpu.enqueue_indirect_dma source(%dma_start3A_277 : memref<125x16xf32, #tpu.memory_space<vmem>>) target(%dma_start3A_283 : memref<10240x16xf32, #tpu.memory_space<vmem_shared>>) offsets(%dma_start3A_280 : memref<125xi32, #tpu.memory_space<vmem>>) semaphore(%arg11 : memref<!tpu.dma_semaphore, #tpu.memory_space<semaphore_mem>>) {add = true}
      %dma_wait3A_284 = arith.constant 750 : i32
      %dma_wait3A_285 = arith.constant 0 : i32
      %dma_wait3A_286 = tpu.memref_slice %arg8[%dma_wait3A_284, %dma_wait3A_285] : memref<1250x16xf32, #tpu.memory_space<vmem>> -> memref<125x16xf32, #tpu.memory_space<vmem>>
      %dma_wait3A_287 = arith.constant 0 : i32
      %dma_wait3A_288 = tpu.memref_slice %arg6[%add3A_121, %dma_wait3A_287] : memref<80x125xi32, #tpu.memory_space<vmem>> -> memref<1x125xi32, #tpu.memory_space<vmem>>
      %dma_wait3A_289 = tpu.memref_squeeze %dma_wait3A_288 : memref<1x125xi32, #tpu.memory_space<vmem>> -> memref<125xi32, #tpu.memory_space<vmem>>
      %dma_wait3A_290 = arith.constant 0 : i32
      %dma_wait3A_291 = arith.constant 0 : i32
      %dma_wait3A_292 = tpu.memref_slice %arg2[%dma_wait3A_290, %dma_wait3A_291] : memref<10000x16xf32, #tpu.memory_space<hbm>> -> memref<10000x16xf32, #tpu.memory_space<hbm>>
      tpu.wait_indirect_dma semaphore(%arg10 : memref<!tpu.dma_semaphore, #tpu.memory_space<semaphore_mem>>) src(%dma_wait3A_292 : memref<10000x16xf32, #tpu.memory_space<hbm>>) dst(%dma_wait3A_286 : memref<125x16xf32, #tpu.memory_space<vmem>>)
      %add3A_293 = arith.constant 6 : i32
      %add3A_294 = arith.addi %mul3A_53, %add3A_293 : i32
      %dma_start3A_295 = arith.constant 750 : i32
      %dma_start3A_296 = arith.constant 0 : i32
      %dma_start3A_297 = tpu.memref_slice %arg8[%dma_start3A_295, %dma_start3A_296] : memref<1250x16xf32, #tpu.memory_space<vmem>> -> memref<125x16xf32, #tpu.memory_space<vmem>>
      %dma_start3A_298 = arith.constant 0 : i32
      %dma_start3A_299 = tpu.memref_slice %arg7[%add3A_294, %dma_start3A_298] : memref<80x125xi32, #tpu.memory_space<vmem>> -> memref<1x125xi32, #tpu.memory_space<vmem>>
      %dma_start3A_300 = tpu.memref_squeeze %dma_start3A_299 : memref<1x125xi32, #tpu.memory_space<vmem>> -> memref<125xi32, #tpu.memory_space<vmem>>
      %dma_start3A_301 = arith.constant 0 : i32
      %dma_start3A_302 = arith.constant 0 : i32
      %dma_start3A_303 = tpu.memref_slice %arg9[%dma_start3A_301, %dma_start3A_302] : memref<10240x16xf32, #tpu.memory_space<vmem_shared>> -> memref<10240x16xf32, #tpu.memory_space<vmem_shared>>
      tpu.enqueue_indirect_dma source(%dma_start3A_297 : memref<125x16xf32, #tpu.memory_space<vmem>>) target(%dma_start3A_303 : memref<10240x16xf32, #tpu.memory_space<vmem_shared>>) offsets(%dma_start3A_300 : memref<125xi32, #tpu.memory_space<vmem>>) semaphore(%arg11 : memref<!tpu.dma_semaphore, #tpu.memory_space<semaphore_mem>>) {add = true}
      %dma_wait3A_304 = arith.constant 875 : i32
      %dma_wait3A_305 = arith.constant 0 : i32
      %dma_wait3A_306 = tpu.memref_slice %arg8[%dma_wait3A_304, %dma_wait3A_305] : memref<1250x16xf32, #tpu.memory_space<vmem>> -> memref<125x16xf32, #tpu.memory_space<vmem>>
      %dma_wait3A_307 = arith.constant 0 : i32
      %dma_wait3A_308 = tpu.memref_slice %arg6[%add3A_132, %dma_wait3A_307] : memref<80x125xi32, #tpu.memory_space<vmem>> -> memref<1x125xi32, #tpu.memory_space<vmem>>
      %dma_wait3A_309 = tpu.memref_squeeze %dma_wait3A_308 : memref<1x125xi32, #tpu.memory_space<vmem>> -> memref<125xi32, #tpu.memory_space<vmem>>
      %dma_wait3A_310 = arith.constant 0 : i32
      %dma_wait3A_311 = arith.constant 0 : i32
      %dma_wait3A_312 = tpu.memref_slice %arg2[%dma_wait3A_310, %dma_wait3A_311] : memref<10000x16xf32, #tpu.memory_space<hbm>> -> memref<10000x16xf32, #tpu.memory_space<hbm>>
      tpu.wait_indirect_dma semaphore(%arg10 : memref<!tpu.dma_semaphore, #tpu.memory_space<semaphore_mem>>) src(%dma_wait3A_312 : memref<10000x16xf32, #tpu.memory_space<hbm>>) dst(%dma_wait3A_306 : memref<125x16xf32, #tpu.memory_space<vmem>>)
      %add3A_313 = arith.constant 7 : i32
      %add3A_314 = arith.addi %mul3A_53, %add3A_313 : i32
      %dma_start3A_315 = arith.constant 875 : i32
      %dma_start3A_316 = arith.constant 0 : i32
      %dma_start3A_317 = tpu.memref_slice %arg8[%dma_start3A_315, %dma_start3A_316] : memref<1250x16xf32, #tpu.memory_space<vmem>> -> memref<125x16xf32, #tpu.memory_space<vmem>>
      %dma_start3A_318 = arith.constant 0 : i32
      %dma_start3A_319 = tpu.memref_slice %arg7[%add3A_314, %dma_start3A_318] : memref<80x125xi32, #tpu.memory_space<vmem>> -> memref<1x125xi32, #tpu.memory_space<vmem>>
      %dma_start3A_320 = tpu.memref_squeeze %dma_start3A_319 : memref<1x125xi32, #tpu.memory_space<vmem>> -> memref<125xi32, #tpu.memory_space<vmem>>
      %dma_start3A_321 = arith.constant 0 : i32
      %dma_start3A_322 = arith.constant 0 : i32
      %dma_start3A_323 = tpu.memref_slice %arg9[%dma_start3A_321, %dma_start3A_322] : memref<10240x16xf32, #tpu.memory_space<vmem_shared>> -> memref<10240x16xf32, #tpu.memory_space<vmem_shared>>
      tpu.enqueue_indirect_dma source(%dma_start3A_317 : memref<125x16xf32, #tpu.memory_space<vmem>>) target(%dma_start3A_323 : memref<10240x16xf32, #tpu.memory_space<vmem_shared>>) offsets(%dma_start3A_320 : memref<125xi32, #tpu.memory_space<vmem>>) semaphore(%arg11 : memref<!tpu.dma_semaphore, #tpu.memory_space<semaphore_mem>>) {add = true}
      %dma_wait3A_324 = arith.constant 1000 : i32
      %dma_wait3A_325 = arith.constant 0 : i32
      %dma_wait3A_326 = tpu.memref_slice %arg8[%dma_wait3A_324, %dma_wait3A_325] : memref<1250x16xf32, #tpu.memory_space<vmem>> -> memref<125x16xf32, #tpu.memory_space<vmem>>
      %dma_wait3A_327 = arith.constant 0 : i32
      %dma_wait3A_328 = tpu.memref_slice %arg6[%add3A_143, %dma_wait3A_327] : memref<80x125xi32, #tpu.memory_space<vmem>> -> memref<1x125xi32, #tpu.memory_space<vmem>>
      %dma_wait3A_329 = tpu.memref_squeeze %dma_wait3A_328 : memref<1x125xi32, #tpu.memory_space<vmem>> -> memref<125xi32, #tpu.memory_space<vmem>>
      %dma_wait3A_330 = arith.constant 0 : i32
      %dma_wait3A_331 = arith.constant 0 : i32
      %dma_wait3A_332 = tpu.memref_slice %arg2[%dma_wait3A_330, %dma_wait3A_331] : memref<10000x16xf32, #tpu.memory_space<hbm>> -> memref<10000x16xf32, #tpu.memory_space<hbm>>
      tpu.wait_indirect_dma semaphore(%arg10 : memref<!tpu.dma_semaphore, #tpu.memory_space<semaphore_mem>>) src(%dma_wait3A_332 : memref<10000x16xf32, #tpu.memory_space<hbm>>) dst(%dma_wait3A_326 : memref<125x16xf32, #tpu.memory_space<vmem>>)
      %add3A_333 = arith.constant 8 : i32
      %add3A_334 = arith.addi %mul3A_53, %add3A_333 : i32
      %dma_start3A_335 = arith.constant 1000 : i32
      %dma_start3A_336 = arith.constant 0 : i32
      %dma_start3A_337 = tpu.memref_slice %arg8[%dma_start3A_335, %dma_start3A_336] : memref<1250x16xf32, #tpu.memory_space<vmem>> -> memref<125x16xf32, #tpu.memory_space<vmem>>
      %dma_start3A_338 = arith.constant 0 : i32
      %dma_start3A_339 = tpu.memref_slice %arg7[%add3A_334, %dma_start3A_338] : memref<80x125xi32, #tpu.memory_space<vmem>> -> memref<1x125xi32, #tpu.memory_space<vmem>>
      %dma_start3A_340 = tpu.memref_squeeze %dma_start3A_339 : memref<1x125xi32, #tpu.memory_space<vmem>> -> memref<125xi32, #tpu.memory_space<vmem>>
      %dma_start3A_341 = arith.constant 0 : i32
      %dma_start3A_342 = arith.constant 0 : i32
      %dma_start3A_343 = tpu.memref_slice %arg9[%dma_start3A_341, %dma_start3A_342] : memref<10240x16xf32, #tpu.memory_space<vmem_shared>> -> memref<10240x16xf32, #tpu.memory_space<vmem_shared>>
      tpu.enqueue_indirect_dma source(%dma_start3A_337 : memref<125x16xf32, #tpu.memory_space<vmem>>) target(%dma_start3A_343 : memref<10240x16xf32, #tpu.memory_space<vmem_shared>>) offsets(%dma_start3A_340 : memref<125xi32, #tpu.memory_space<vmem>>) semaphore(%arg11 : memref<!tpu.dma_semaphore, #tpu.memory_space<semaphore_mem>>) {add = true}
      %dma_wait3A_344 = arith.constant 1125 : i32
      %dma_wait3A_345 = arith.constant 0 : i32
      %dma_wait3A_346 = tpu.memref_slice %arg8[%dma_wait3A_344, %dma_wait3A_345] : memref<1250x16xf32, #tpu.memory_space<vmem>> -> memref<125x16xf32, #tpu.memory_space<vmem>>
      %dma_wait3A_347 = arith.constant 0 : i32
      %dma_wait3A_348 = tpu.memref_slice %arg6[%add3A_154, %dma_wait3A_347] : memref<80x125xi32, #tpu.memory_space<vmem>> -> memref<1x125xi32, #tpu.memory_space<vmem>>
      %dma_wait3A_349 = tpu.memref_squeeze %dma_wait3A_348 : memref<1x125xi32, #tpu.memory_space<vmem>> -> memref<125xi32, #tpu.memory_space<vmem>>
      %dma_wait3A_350 = arith.constant 0 : i32
      %dma_wait3A_351 = arith.constant 0 : i32
      %dma_wait3A_352 = tpu.memref_slice %arg2[%dma_wait3A_350, %dma_wait3A_351] : memref<10000x16xf32, #tpu.memory_space<hbm>> -> memref<10000x16xf32, #tpu.memory_space<hbm>>
      tpu.wait_indirect_dma semaphore(%arg10 : memref<!tpu.dma_semaphore, #tpu.memory_space<semaphore_mem>>) src(%dma_wait3A_352 : memref<10000x16xf32, #tpu.memory_space<hbm>>) dst(%dma_wait3A_346 : memref<125x16xf32, #tpu.memory_space<vmem>>)
      %add3A_353 = arith.constant 9 : i32
      %add3A_354 = arith.addi %mul3A_53, %add3A_353 : i32
      %dma_start3A_355 = arith.constant 1125 : i32
      %dma_start3A_356 = arith.constant 0 : i32
      %dma_start3A_357 = tpu.memref_slice %arg8[%dma_start3A_355, %dma_start3A_356] : memref<1250x16xf32, #tpu.memory_space<vmem>> -> memref<125x16xf32, #tpu.memory_space<vmem>>
      %dma_start3A_358 = arith.constant 0 : i32
      %dma_start3A_359 = tpu.memref_slice %arg7[%add3A_354, %dma_start3A_358] : memref<80x125xi32, #tpu.memory_space<vmem>> -> memref<1x125xi32, #tpu.memory_space<vmem>>
      %dma_start3A_360 = tpu.memref_squeeze %dma_start3A_359 : memref<1x125xi32, #tpu.memory_space<vmem>> -> memref<125xi32, #tpu.memory_space<vmem>>
      %dma_start3A_361 = arith.constant 0 : i32
      %dma_start3A_362 = arith.constant 0 : i32
      %dma_start3A_363 = tpu.memref_slice %arg9[%dma_start3A_361, %dma_start3A_362] : memref<10240x16xf32, #tpu.memory_space<vmem_shared>> -> memref<10240x16xf32, #tpu.memory_space<vmem_shared>>
      tpu.enqueue_indirect_dma source(%dma_start3A_357 : memref<125x16xf32, #tpu.memory_space<vmem>>) target(%dma_start3A_363 : memref<10240x16xf32, #tpu.memory_space<vmem_shared>>) offsets(%dma_start3A_360 : memref<125xi32, #tpu.memory_space<vmem>>) semaphore(%arg11 : memref<!tpu.dma_semaphore, #tpu.memory_space<semaphore_mem>>) {add = true}
      %dma_wait3A_364 = arith.constant 0 : i32
      %dma_wait3A_365 = arith.constant 0 : i32
      %dma_wait3A_366 = tpu.memref_slice %arg8[%dma_wait3A_364, %dma_wait3A_365] : memref<1250x16xf32, #tpu.memory_space<vmem>> -> memref<125x16xf32, #tpu.memory_space<vmem>>
      %dma_wait3A_367 = arith.constant 0 : i32
      %dma_wait3A_368 = tpu.memref_slice %arg7[%add3A_174, %dma_wait3A_367] : memref<80x125xi32, #tpu.memory_space<vmem>> -> memref<1x125xi32, #tpu.memory_space<vmem>>
      %dma_wait3A_369 = tpu.memref_squeeze %dma_wait3A_368 : memref<1x125xi32, #tpu.memory_space<vmem>> -> memref<125xi32, #tpu.memory_space<vmem>>
      %dma_wait3A_370 = arith.constant 0 : i32
      %dma_wait3A_371 = arith.constant 0 : i32
      %dma_wait3A_372 = tpu.memref_slice %arg9[%dma_wait3A_370, %dma_wait3A_371] : memref<10240x16xf32, #tpu.memory_space<vmem_shared>> -> memref<10240x16xf32, #tpu.memory_space<vmem_shared>>
      tpu.wait_indirect_dma semaphore(%arg11 : memref<!tpu.dma_semaphore, #tpu.memory_space<semaphore_mem>>) src(%dma_wait3A_366 : memref<125x16xf32, #tpu.memory_space<vmem>>) dst(%dma_wait3A_372 : memref<10240x16xf32, #tpu.memory_space<vmem_shared>>)
      %dma_wait3A_373 = arith.constant 125 : i32
      %dma_wait3A_374 = arith.constant 0 : i32
      %dma_wait3A_375 = tpu.memref_slice %arg8[%dma_wait3A_373, %dma_wait3A_374] : memref<1250x16xf32, #tpu.memory_space<vmem>> -> memref<125x16xf32, #tpu.memory_space<vmem>>
      %dma_wait3A_376 = arith.constant 0 : i32
      %dma_wait3A_377 = tpu.memref_slice %arg7[%add3A_194, %dma_wait3A_376] : memref<80x125xi32, #tpu.memory_space<vmem>> -> memref<1x125xi32, #tpu.memory_space<vmem>>
      %dma_wait3A_378 = tpu.memref_squeeze %dma_wait3A_377 : memref<1x125xi32, #tpu.memory_space<vmem>> -> memref<125xi32, #tpu.memory_space<vmem>>
      %dma_wait3A_379 = arith.constant 0 : i32
      %dma_wait3A_380 = arith.constant 0 : i32
      %dma_wait3A_381 = tpu.memref_slice %arg9[%dma_wait3A_379, %dma_wait3A_380] : memref<10240x16xf32, #tpu.memory_space<vmem_shared>> -> memref<10240x16xf32, #tpu.memory_space<vmem_shared>>
      tpu.wait_indirect_dma semaphore(%arg11 : memref<!tpu.dma_semaphore, #tpu.memory_space<semaphore_mem>>) src(%dma_wait3A_375 : memref<125x16xf32, #tpu.memory_space<vmem>>) dst(%dma_wait3A_381 : memref<10240x16xf32, #tpu.memory_space<vmem_shared>>)
      %dma_wait3A_382 = arith.constant 250 : i32
      %dma_wait3A_383 = arith.constant 0 : i32
      %dma_wait3A_384 = tpu.memref_slice %arg8[%dma_wait3A_382, %dma_wait3A_383] : memref<1250x16xf32, #tpu.memory_space<vmem>> -> memref<125x16xf32, #tpu.memory_space<vmem>>
      %dma_wait3A_385 = arith.constant 0 : i32
      %dma_wait3A_386 = tpu.memref_slice %arg7[%add3A_214, %dma_wait3A_385] : memref<80x125xi32, #tpu.memory_space<vmem>> -> memref<1x125xi32, #tpu.memory_space<vmem>>
      %dma_wait3A_387 = tpu.memref_squeeze %dma_wait3A_386 : memref<1x125xi32, #tpu.memory_space<vmem>> -> memref<125xi32, #tpu.memory_space<vmem>>
      %dma_wait3A_388 = arith.constant 0 : i32
      %dma_wait3A_389 = arith.constant 0 : i32
      %dma_wait3A_390 = tpu.memref_slice %arg9[%dma_wait3A_388, %dma_wait3A_389] : memref<10240x16xf32, #tpu.memory_space<vmem_shared>> -> memref<10240x16xf32, #tpu.memory_space<vmem_shared>>
      tpu.wait_indirect_dma semaphore(%arg11 : memref<!tpu.dma_semaphore, #tpu.memory_space<semaphore_mem>>) src(%dma_wait3A_384 : memref<125x16xf32, #tpu.memory_space<vmem>>) dst(%dma_wait3A_390 : memref<10240x16xf32, #tpu.memory_space<vmem_shared>>)
      %dma_wait3A_391 = arith.constant 375 : i32
      %dma_wait3A_392 = arith.constant 0 : i32
      %dma_wait3A_393 = tpu.memref_slice %arg8[%dma_wait3A_391, %dma_wait3A_392] : memref<1250x16xf32, #tpu.memory_space<vmem>> -> memref<125x16xf32, #tpu.memory_space<vmem>>
      %dma_wait3A_394 = arith.constant 0 : i32
      %dma_wait3A_395 = tpu.memref_slice %arg7[%add3A_234, %dma_wait3A_394] : memref<80x125xi32, #tpu.memory_space<vmem>> -> memref<1x125xi32, #tpu.memory_space<vmem>>
      %dma_wait3A_396 = tpu.memref_squeeze %dma_wait3A_395 : memref<1x125xi32, #tpu.memory_space<vmem>> -> memref<125xi32, #tpu.memory_space<vmem>>
      %dma_wait3A_397 = arith.constant 0 : i32
      %dma_wait3A_398 = arith.constant 0 : i32
      %dma_wait3A_399 = tpu.memref_slice %arg9[%dma_wait3A_397, %dma_wait3A_398] : memref<10240x16xf32, #tpu.memory_space<vmem_shared>> -> memref<10240x16xf32, #tpu.memory_space<vmem_shared>>
      tpu.wait_indirect_dma semaphore(%arg11 : memref<!tpu.dma_semaphore, #tpu.memory_space<semaphore_mem>>) src(%dma_wait3A_393 : memref<125x16xf32, #tpu.memory_space<vmem>>) dst(%dma_wait3A_399 : memref<10240x16xf32, #tpu.memory_space<vmem_shared>>)
      %dma_wait3A_400 = arith.constant 500 : i32
      %dma_wait3A_401 = arith.constant 0 : i32
      %dma_wait3A_402 = tpu.memref_slice %arg8[%dma_wait3A_400, %dma_wait3A_401] : memref<1250x16xf32, #tpu.memory_space<vmem>> -> memref<125x16xf32, #tpu.memory_space<vmem>>
      %dma_wait3A_403 = arith.constant 0 : i32
      %dma_wait3A_404 = tpu.memref_slice %arg7[%add3A_254, %dma_wait3A_403] : memref<80x125xi32, #tpu.memory_space<vmem>> -> memref<1x125xi32, #tpu.memory_space<vmem>>
      %dma_wait3A_405 = tpu.memref_squeeze %dma_wait3A_404 : memref<1x125xi32, #tpu.memory_space<vmem>> -> memref<125xi32, #tpu.memory_space<vmem>>
      %dma_wait3A_406 = arith.constant 0 : i32
      %dma_wait3A_407 = arith.constant 0 : i32
      %dma_wait3A_408 = tpu.memref_slice %arg9[%dma_wait3A_406, %dma_wait3A_407] : memref<10240x16xf32, #tpu.memory_space<vmem_shared>> -> memref<10240x16xf32, #tpu.memory_space<vmem_shared>>
      tpu.wait_indirect_dma semaphore(%arg11 : memref<!tpu.dma_semaphore, #tpu.memory_space<semaphore_mem>>) src(%dma_wait3A_402 : memref<125x16xf32, #tpu.memory_space<vmem>>) dst(%dma_wait3A_408 : memref<10240x16xf32, #tpu.memory_space<vmem_shared>>)
      %dma_wait3A_409 = arith.constant 625 : i32
      %dma_wait3A_410 = arith.constant 0 : i32
      %dma_wait3A_411 = tpu.memref_slice %arg8[%dma_wait3A_409, %dma_wait3A_410] : memref<1250x16xf32, #tpu.memory_space<vmem>> -> memref<125x16xf32, #tpu.memory_space<vmem>>
      %dma_wait3A_412 = arith.constant 0 : i32
      %dma_wait3A_413 = tpu.memref_slice %arg7[%add3A_274, %dma_wait3A_412] : memref<80x125xi32, #tpu.memory_space<vmem>> -> memref<1x125xi32, #tpu.memory_space<vmem>>
      %dma_wait3A_414 = tpu.memref_squeeze %dma_wait3A_413 : memref<1x125xi32, #tpu.memory_space<vmem>> -> memref<125xi32, #tpu.memory_space<vmem>>
      %dma_wait3A_415 = arith.constant 0 : i32
      %dma_wait3A_416 = arith.constant 0 : i32
      %dma_wait3A_417 = tpu.memref_slice %arg9[%dma_wait3A_415, %dma_wait3A_416] : memref<10240x16xf32, #tpu.memory_space<vmem_shared>> -> memref<10240x16xf32, #tpu.memory_space<vmem_shared>>
      tpu.wait_indirect_dma semaphore(%arg11 : memref<!tpu.dma_semaphore, #tpu.memory_space<semaphore_mem>>) src(%dma_wait3A_411 : memref<125x16xf32, #tpu.memory_space<vmem>>) dst(%dma_wait3A_417 : memref<10240x16xf32, #tpu.memory_space<vmem_shared>>)
      %dma_wait3A_418 = arith.constant 750 : i32
      %dma_wait3A_419 = arith.constant 0 : i32
      %dma_wait3A_420 = tpu.memref_slice %arg8[%dma_wait3A_418, %dma_wait3A_419] : memref<1250x16xf32, #tpu.memory_space<vmem>> -> memref<125x16xf32, #tpu.memory_space<vmem>>
      %dma_wait3A_421 = arith.constant 0 : i32
      %dma_wait3A_422 = tpu.memref_slice %arg7[%add3A_294, %dma_wait3A_421] : memref<80x125xi32, #tpu.memory_space<vmem>> -> memref<1x125xi32, #tpu.memory_space<vmem>>
      %dma_wait3A_423 = tpu.memref_squeeze %dma_wait3A_422 : memref<1x125xi32, #tpu.memory_space<vmem>> -> memref<125xi32, #tpu.memory_space<vmem>>
      %dma_wait3A_424 = arith.constant 0 : i32
      %dma_wait3A_425 = arith.constant 0 : i32
      %dma_wait3A_426 = tpu.memref_slice %arg9[%dma_wait3A_424, %dma_wait3A_425] : memref<10240x16xf32, #tpu.memory_space<vmem_shared>> -> memref<10240x16xf32, #tpu.memory_space<vmem_shared>>
      tpu.wait_indirect_dma semaphore(%arg11 : memref<!tpu.dma_semaphore, #tpu.memory_space<semaphore_mem>>) src(%dma_wait3A_420 : memref<125x16xf32, #tpu.memory_space<vmem>>) dst(%dma_wait3A_426 : memref<10240x16xf32, #tpu.memory_space<vmem_shared>>)
      %dma_wait3A_427 = arith.constant 875 : i32
      %dma_wait3A_428 = arith.constant 0 : i32
      %dma_wait3A_429 = tpu.memref_slice %arg8[%dma_wait3A_427, %dma_wait3A_428] : memref<1250x16xf32, #tpu.memory_space<vmem>> -> memref<125x16xf32, #tpu.memory_space<vmem>>
      %dma_wait3A_430 = arith.constant 0 : i32
      %dma_wait3A_431 = tpu.memref_slice %arg7[%add3A_314, %dma_wait3A_430] : memref<80x125xi32, #tpu.memory_space<vmem>> -> memref<1x125xi32, #tpu.memory_space<vmem>>
      %dma_wait3A_432 = tpu.memref_squeeze %dma_wait3A_431 : memref<1x125xi32, #tpu.memory_space<vmem>> -> memref<125xi32, #tpu.memory_space<vmem>>
      %dma_wait3A_433 = arith.constant 0 : i32
      %dma_wait3A_434 = arith.constant 0 : i32
      %dma_wait3A_435 = tpu.memref_slice %arg9[%dma_wait3A_433, %dma_wait3A_434] : memref<10240x16xf32, #tpu.memory_space<vmem_shared>> -> memref<10240x16xf32, #tpu.memory_space<vmem_shared>>
      tpu.wait_indirect_dma semaphore(%arg11 : memref<!tpu.dma_semaphore, #tpu.memory_space<semaphore_mem>>) src(%dma_wait3A_429 : memref<125x16xf32, #tpu.memory_space<vmem>>) dst(%dma_wait3A_435 : memref<10240x16xf32, #tpu.memory_space<vmem_shared>>)
      %dma_wait3A_436 = arith.constant 1000 : i32
      %dma_wait3A_437 = arith.constant 0 : i32
      %dma_wait3A_438 = tpu.memref_slice %arg8[%dma_wait3A_436, %dma_wait3A_437] : memref<1250x16xf32, #tpu.memory_space<vmem>> -> memref<125x16xf32, #tpu.memory_space<vmem>>
      %dma_wait3A_439 = arith.constant 0 : i32
      %dma_wait3A_440 = tpu.memref_slice %arg7[%add3A_334, %dma_wait3A_439] : memref<80x125xi32, #tpu.memory_space<vmem>> -> memref<1x125xi32, #tpu.memory_space<vmem>>
      %dma_wait3A_441 = tpu.memref_squeeze %dma_wait3A_440 : memref<1x125xi32, #tpu.memory_space<vmem>> -> memref<125xi32, #tpu.memory_space<vmem>>
      %dma_wait3A_442 = arith.constant 0 : i32
      %dma_wait3A_443 = arith.constant 0 : i32
      %dma_wait3A_444 = tpu.memref_slice %arg9[%dma_wait3A_442, %dma_wait3A_443] : memref<10240x16xf32, #tpu.memory_space<vmem_shared>> -> memref<10240x16xf32, #tpu.memory_space<vmem_shared>>
      tpu.wait_indirect_dma semaphore(%arg11 : memref<!tpu.dma_semaphore, #tpu.memory_space<semaphore_mem>>) src(%dma_wait3A_438 : memref<125x16xf32, #tpu.memory_space<vmem>>) dst(%dma_wait3A_444 : memref<10240x16xf32, #tpu.memory_space<vmem_shared>>)
      %dma_wait3A_445 = arith.constant 1125 : i32
      %dma_wait3A_446 = arith.constant 0 : i32
      %dma_wait3A_447 = tpu.memref_slice %arg8[%dma_wait3A_445, %dma_wait3A_446] : memref<1250x16xf32, #tpu.memory_space<vmem>> -> memref<125x16xf32, #tpu.memory_space<vmem>>
      %dma_wait3A_448 = arith.constant 0 : i32
      %dma_wait3A_449 = tpu.memref_slice %arg7[%add3A_354, %dma_wait3A_448] : memref<80x125xi32, #tpu.memory_space<vmem>> -> memref<1x125xi32, #tpu.memory_space<vmem>>
      %dma_wait3A_450 = tpu.memref_squeeze %dma_wait3A_449 : memref<1x125xi32, #tpu.memory_space<vmem>> -> memref<125xi32, #tpu.memory_space<vmem>>
      %dma_wait3A_451 = arith.constant 0 : i32
      %dma_wait3A_452 = arith.constant 0 : i32
      %dma_wait3A_453 = tpu.memref_slice %arg9[%dma_wait3A_451, %dma_wait3A_452] : memref<10240x16xf32, #tpu.memory_space<vmem_shared>> -> memref<10240x16xf32, #tpu.memory_space<vmem_shared>>
      tpu.wait_indirect_dma semaphore(%arg11 : memref<!tpu.dma_semaphore, #tpu.memory_space<semaphore_mem>>) src(%dma_wait3A_447 : memref<125x16xf32, #tpu.memory_space<vmem>>) dst(%dma_wait3A_453 : memref<10240x16xf32, #tpu.memory_space<vmem_shared>>)
    }
    %scan3A_49 = arith.constant 8 : i32
    %barrier3A_50 = arith.constant 0 : index
    tpu.barrier barrier_id(%barrier3A_50)
    "tpu.region"() ({
      %run_scoped3A = tpu.sem_alloc : memref<!tpu.dma_semaphore, #tpu.memory_space<semaphore_mem>>
      %dma_start3A_51 = arith.constant 0 : i32
      %dma_start3A_52 = tpu.memref_slice %arg5[%arg0, %mul3A_2, %dma_start3A_51] : memref<2x10240x16xf32, #tpu.memory_space<hbm>> -> memref<1x640x16xf32, #tpu.memory_space<hbm>>
      %dma_start3A_53 = tpu.memref_squeeze %dma_start3A_52 : memref<1x640x16xf32, #tpu.memory_space<hbm>> -> memref<640x16xf32, #tpu.memory_space<hbm>>
      %dma_start3A_54 = arith.constant 0 : i32
      %dma_start3A_55 = tpu.memref_slice %arg9[%mul3A_2, %dma_start3A_54] : memref<10240x16xf32, #tpu.memory_space<vmem_shared>> -> memref<640x16xf32, #tpu.memory_space<vmem_shared>>
      tpu.enqueue_dma source(%dma_start3A_55 : memref<640x16xf32, #tpu.memory_space<vmem_shared>>) target(%dma_start3A_53 : memref<640x16xf32, #tpu.memory_space<hbm>>) target_semaphore(%run_scoped3A : memref<!tpu.dma_semaphore, #tpu.memory_space<semaphore_mem>>)
      %dma_wait3A_56 = arith.constant 0 : i32
      %dma_wait3A_57 = tpu.memref_slice %arg5[%arg0, %mul3A_2, %dma_wait3A_56] : memref<2x10240x16xf32, #tpu.memory_space<hbm>> -> memref<1x640x16xf32, #tpu.memory_space<hbm>>
      %dma_wait3A_58 = tpu.memref_squeeze %dma_wait3A_57 : memref<1x640x16xf32, #tpu.memory_space<hbm>> -> memref<640x16xf32, #tpu.memory_space<hbm>>
      %dma_wait3A_59 = arith.constant 0 : i32
      %dma_wait3A_60 = tpu.memref_slice %arg9[%mul3A_2, %dma_wait3A_59] : memref<10240x16xf32, #tpu.memory_space<vmem_shared>> -> memref<640x16xf32, #tpu.memory_space<vmem_shared>>
      tpu.wait_dma2 semaphore(%run_scoped3A : memref<!tpu.dma_semaphore, #tpu.memory_space<semaphore_mem>>) src(%dma_wait3A_60 : memref<640x16xf32, #tpu.memory_space<vmem_shared>>) dst(%dma_wait3A_58 : memref<640x16xf32, #tpu.memory_space<hbm>>)
      tpu.yield
    }) : () -> ()
    return
  }
}

module attributes {stable_mosaic.version = 14 : i64} {
  func.func @_dense1_body(%arg0: i32, %arg1: memref<1000x128xf32, #tpu.memory_space<vmem>>, %arg2: memref<128x128xf32, #tpu.memory_space<vmem>>, %arg3: memref<1000x1xf32, #tpu.memory_space<vmem>>, %arg4: memref<1000x128xf32, #tpu.memory_space<vmem>>) attributes {dimension_semantics = [#tpu.dimension_semantics<arbitrary>], iteration_bounds = array<i64: 10>, scalar_prefetch = 0 : i64, scratch_operands = 0 : i64, tpu.core_type = #tpu.core_type<tc>, window_params = [{transform_indices = @transform_0, window_bounds = array<i64: 1000, 128>}, {pipeline_mode = #tpu.pipeline_mode<synchronous>, transform_indices = @transform_1, window_bounds = array<i64: 128, 128>}, {transform_indices = @transform_2, window_bounds = array<i64: 1000, 1>}, {transform_indices = @transform_3, window_bounds = array<i64: 1000, 128>}]} {
    %get3A = arith.constant 0 : index
    %get3A_0 = arith.constant 0 : index
    %get3A_1 = vector.load %arg3[%get3A, %get3A_0] : memref<1000x1xf32, #tpu.memory_space<vmem>>, vector<1000x1xf32>
    %add3A = arith.constant 1.000000e+00 : f32
    %add3A_2 = vector.broadcast %add3A : f32 to vector<1000x1xf32>
    %add3A_3 = arith.addf %get3A_1, %add3A_2 : vector<1000x1xf32>
    %rsqrt3A = math.rsqrt %add3A_3 : vector<1000x1xf32>
    %get3A_4 = arith.constant 0 : index
    %get3A_5 = arith.constant 0 : index
    %get3A_6 = vector.load %arg1[%get3A_4, %get3A_5] : memref<1000x128xf32, #tpu.memory_space<vmem>>, vector<1000x128xf32>
    %get3A_7 = arith.constant 0 : index
    %get3A_8 = arith.constant 0 : index
    %get3A_9 = vector.load %arg2[%get3A_7, %get3A_8] : memref<128x128xf32, #tpu.memory_space<vmem>>, vector<128x128xf32>
    %dot_general3A = arith.constant dense<0.000000e+00> : vector<1000x128xf32>
    %dot_general3A_10 = tpu.matmul %get3A_6, %get3A_9, %dot_general3A {dimension_numbers = #tpu.dot_dimension_numbers<[1], [0], [0], [1], [0, 0, 1, 1], [], []>, transpose_lhs_hint = false} : vector<1000x128xf32>, vector<128x128xf32>, vector<1000x128xf32> -> vector<1000x128xf32>
    %mul3A = vector.broadcast %rsqrt3A : vector<1000x1xf32> to vector<1000x128xf32>
    %mul3A_11 = arith.mulf %dot_general3A_10, %mul3A : vector<1000x128xf32>
    %swap3A = arith.constant 0 : index
    %swap3A_12 = arith.constant 0 : index
    %swap3A_13 = vector.load %arg4[%swap3A, %swap3A_12] : memref<1000x128xf32, #tpu.memory_space<vmem>>, vector<1000x128xf32>
    tpu.vector_store %arg4[%swap3A, %swap3A_12], %mul3A_11 {strides = array<i32>} : memref<1000x128xf32, #tpu.memory_space<vmem>>, vector<1000x128xf32>,
    return
  }
  func.func @transform_0(%arg0: i32) -> (i32, i32) {
    %c0_i32 = arith.constant 0 : i32
    %c0_i32_0 = arith.constant 0 : i32
    return %arg0, %c0_i32 : i32, i32
  }
  func.func @transform_1(%arg0: i32) -> (i32, i32) {
    %c0_i32 = arith.constant 0 : i32
    %c0_i32_0 = arith.constant 0 : i32
    %c0_i32_1 = arith.constant 0 : i32
    return %c0_i32, %c0_i32_0 : i32, i32
  }
  func.func @transform_2(%arg0: i32) -> (i32, i32) {
    %c0_i32 = arith.constant 0 : i32
    %c0_i32_0 = arith.constant 0 : i32
    return %arg0, %c0_i32 : i32, i32
  }
  func.func @transform_3(%arg0: i32) -> (i32, i32) {
    %c0_i32 = arith.constant 0 : i32
    %c0_i32_0 = arith.constant 0 : i32
    return %arg0, %c0_i32 : i32, i32
  }
}

module attributes {stable_mosaic.version = 14 : i64} {
  func.func @_dense2_body(%arg0: i32, %arg1: memref<1000x128xf32, #tpu.memory_space<vmem>>, %arg2: memref<1000x128xf32, #tpu.memory_space<vmem>>, %arg3: memref<1000x1xf32, #tpu.memory_space<vmem>>, %arg4: memref<1x128xf32, #tpu.memory_space<vmem>>, %arg5: memref<128x16xf32, #tpu.memory_space<vmem>>, %arg6: memref<1000x16xf32, #tpu.memory_space<vmem>>) attributes {dimension_semantics = [#tpu.dimension_semantics<arbitrary>], iteration_bounds = array<i64: 10>, scalar_prefetch = 0 : i64, scratch_operands = 0 : i64, tpu.core_type = #tpu.core_type<tc>, window_params = [{transform_indices = @transform_0, window_bounds = array<i64: 1000, 128>}, {transform_indices = @transform_1, window_bounds = array<i64: 1000, 128>}, {transform_indices = @transform_2, window_bounds = array<i64: 1000, 1>}, {pipeline_mode = #tpu.pipeline_mode<synchronous>, transform_indices = @transform_3, window_bounds = array<i64: 1, 128>}, {pipeline_mode = #tpu.pipeline_mode<synchronous>, transform_indices = @transform_4, window_bounds = array<i64: 128, 16>}, {transform_indices = @transform_5, window_bounds = array<i64: 1000, 16>}]} {
    %get3A = arith.constant 0 : index
    %get3A_0 = arith.constant 0 : index
    %get3A_1 = vector.load %arg3[%get3A, %get3A_0] : memref<1000x1xf32, #tpu.memory_space<vmem>>, vector<1000x1xf32>
    %add3A = arith.constant 1.000000e+00 : f32
    %add3A_2 = vector.broadcast %add3A : f32 to vector<1000x1xf32>
    %add3A_3 = arith.addf %get3A_1, %add3A_2 : vector<1000x1xf32>
    %rsqrt3A = math.rsqrt %add3A_3 : vector<1000x1xf32>
    %get3A_4 = arith.constant 0 : index
    %get3A_5 = arith.constant 0 : index
    %get3A_6 = vector.load %arg1[%get3A_4, %get3A_5] : memref<1000x128xf32, #tpu.memory_space<vmem>>, vector<1000x128xf32>
    %get3A_7 = arith.constant 0 : index
    %get3A_8 = arith.constant 0 : index
    %get3A_9 = vector.load %arg2[%get3A_7, %get3A_8] : memref<1000x128xf32, #tpu.memory_space<vmem>>, vector<1000x128xf32>
    %add3A_10 = arith.addf %get3A_6, %get3A_9 : vector<1000x128xf32>
    %mul3A = vector.broadcast %rsqrt3A : vector<1000x1xf32> to vector<1000x128xf32>
    %mul3A_11 = arith.mulf %mul3A, %add3A_10 : vector<1000x128xf32>
    %get3A_12 = arith.constant 0 : index
    %get3A_13 = arith.constant 0 : index
    %get3A_14 = vector.load %arg4[%get3A_12, %get3A_13] : memref<1x128xf32, #tpu.memory_space<vmem>>, vector<1x128xf32>
    %add3A_15 = vector.broadcast %get3A_14 : vector<1x128xf32> to vector<1000x128xf32>
    %add3A_16 = arith.addf %mul3A_11, %add3A_15 : vector<1000x128xf32>
    %max3A = arith.constant 0.000000e+00 : f32
    %max3A_17 = vector.broadcast %max3A : f32 to vector<1000x128xf32>
    %max3A_18 = arith.maximumf %add3A_16, %max3A_17 : vector<1000x128xf32>
    %get3A_19 = arith.constant 0 : index
    %get3A_20 = arith.constant 0 : index
    %get3A_21 = vector.load %arg5[%get3A_19, %get3A_20] : memref<128x16xf32, #tpu.memory_space<vmem>>, vector<128x16xf32>
    %dot_general3A = arith.constant dense<0.000000e+00> : vector<1000x16xf32>
    %dot_general3A_22 = tpu.matmul %max3A_18, %get3A_21, %dot_general3A {dimension_numbers = #tpu.dot_dimension_numbers<[1], [0], [0], [1], [0, 0, 1, 1], [], []>, transpose_lhs_hint = false} : vector<1000x128xf32>, vector<128x16xf32>, vector<1000x16xf32> -> vector<1000x16xf32>
    %mul3A_23 = vector.broadcast %rsqrt3A : vector<1000x1xf32> to vector<1000x16xf32>
    %mul3A_24 = arith.mulf %dot_general3A_22, %mul3A_23 : vector<1000x16xf32>
    %swap3A = arith.constant 0 : index
    %swap3A_25 = arith.constant 0 : index
    %swap3A_26 = vector.load %arg6[%swap3A, %swap3A_25] : memref<1000x16xf32, #tpu.memory_space<vmem>>, vector<1000x16xf32>
    tpu.vector_store %arg6[%swap3A, %swap3A_25], %mul3A_24 {strides = array<i32>} : memref<1000x16xf32, #tpu.memory_space<vmem>>, vector<1000x16xf32>,
    return
  }
  func.func @transform_0(%arg0: i32) -> (i32, i32) {
    %c0_i32 = arith.constant 0 : i32
    %c0_i32_0 = arith.constant 0 : i32
    return %arg0, %c0_i32 : i32, i32
  }
  func.func @transform_1(%arg0: i32) -> (i32, i32) {
    %c0_i32 = arith.constant 0 : i32
    %c0_i32_0 = arith.constant 0 : i32
    return %arg0, %c0_i32 : i32, i32
  }
  func.func @transform_2(%arg0: i32) -> (i32, i32) {
    %c0_i32 = arith.constant 0 : i32
    %c0_i32_0 = arith.constant 0 : i32
    return %arg0, %c0_i32 : i32, i32
  }
  func.func @transform_3(%arg0: i32) -> (i32, i32) {
    %c0_i32 = arith.constant 0 : i32
    %c0_i32_0 = arith.constant 0 : i32
    %c0_i32_1 = arith.constant 0 : i32
    return %c0_i32, %c0_i32_0 : i32, i32
  }
  func.func @transform_4(%arg0: i32) -> (i32, i32) {
    %c0_i32 = arith.constant 0 : i32
    %c0_i32_0 = arith.constant 0 : i32
    %c0_i32_1 = arith.constant 0 : i32
    return %c0_i32, %c0_i32_0 : i32, i32
  }
  func.func @transform_5(%arg0: i32) -> (i32, i32) {
    %c0_i32 = arith.constant 0 : i32
    %c0_i32_0 = arith.constant 0 : i32
    return %arg0, %c0_i32 : i32, i32
  }
}

module attributes {stable_mosaic.version = 14 : i64} {
  func.func @_final_body(%arg0: i32, %arg1: memref<1000x16xf32, #tpu.memory_space<vmem>>, %arg2: memref<1000x16xf32, #tpu.memory_space<vmem>>, %arg3: memref<1000x16xf32, #tpu.memory_space<vmem>>, %arg4: memref<1000x1xf32, #tpu.memory_space<vmem>>, %arg5: memref<1x2xf32, #tpu.memory_space<vmem>>, %arg6: memref<1000x2xf32, #tpu.memory_space<vmem>>) attributes {dimension_semantics = [#tpu.dimension_semantics<arbitrary>], iteration_bounds = array<i64: 10>, scalar_prefetch = 0 : i64, scratch_operands = 0 : i64, tpu.core_type = #tpu.core_type<tc>, window_params = [{transform_indices = @transform_0, window_bounds = array<i64: 1000, 16>}, {transform_indices = @transform_1, window_bounds = array<i64: 1000, 16>}, {transform_indices = @transform_2, window_bounds = array<i64: 1000, 16>}, {transform_indices = @transform_3, window_bounds = array<i64: 1000, 1>}, {pipeline_mode = #tpu.pipeline_mode<synchronous>, transform_indices = @transform_4, window_bounds = array<i64: 1, 2>}, {transform_indices = @transform_5, window_bounds = array<i64: 1000, 2>}]} {
    %get3A = arith.constant 0 : index
    %get3A_0 = arith.constant 0 : index
    %get3A_1 = vector.load %arg4[%get3A, %get3A_0] : memref<1000x1xf32, #tpu.memory_space<vmem>>, vector<1000x1xf32>
    %add3A = arith.constant 1.000000e+00 : f32
    %add3A_2 = vector.broadcast %add3A : f32 to vector<1000x1xf32>
    %add3A_3 = arith.addf %get3A_1, %add3A_2 : vector<1000x1xf32>
    %rsqrt3A = math.rsqrt %add3A_3 : vector<1000x1xf32>
    %get3A_4 = arith.constant 0 : index
    %get3A_5 = arith.constant 0 : index
    %get3A_6 = vector.load %arg1[%get3A_4, %get3A_5] : memref<1000x16xf32, #tpu.memory_space<vmem>>, vector<1000x16xf32>
    %get3A_7 = arith.constant 0 : index
    %get3A_8 = arith.constant 0 : index
    %get3A_9 = vector.load %arg2[%get3A_7, %get3A_8] : memref<1000x16xf32, #tpu.memory_space<vmem>>, vector<1000x16xf32>
    %add3A_10 = arith.addf %get3A_6, %get3A_9 : vector<1000x16xf32>
    %get3A_11 = arith.constant 0 : index
    %get3A_12 = arith.constant 0 : index
    %get3A_13 = vector.load %arg3[%get3A_11, %get3A_12] : memref<1000x16xf32, #tpu.memory_space<vmem>>, vector<1000x16xf32>
    %add3A_14 = arith.addf %add3A_10, %get3A_13 : vector<1000x16xf32>
    %mul3A = vector.broadcast %rsqrt3A : vector<1000x1xf32> to vector<1000x16xf32>
    %mul3A_15 = arith.mulf %mul3A, %add3A_14 : vector<1000x16xf32>
    %get3A_16 = arith.constant 0 : index
    %get3A_17 = arith.constant 0 : index
    %get3A_18 = vector.load %arg5[%get3A_16, %get3A_17] : memref<1x2xf32, #tpu.memory_space<vmem>>, vector<1x2xf32>
    %slice3A = vector.extract_strided_slice %mul3A_15 {offsets = [0, 0], sizes = [1000, 1], strides = [1, 1]} : vector<1000x16xf32> to vector<1000x1xf32>
    %slice3A_19 = vector.extract_strided_slice %get3A_18 {offsets = [0, 0], sizes = [1, 1], strides = [1, 1]} : vector<1x2xf32> to vector<1x1xf32>
    %add3A_20 = vector.broadcast %slice3A_19 : vector<1x1xf32> to vector<1000x1xf32>
    %add3A_21 = arith.addf %slice3A, %add3A_20 : vector<1000x1xf32>
    %slice3A_22 = vector.extract_strided_slice %mul3A_15 {offsets = [0, 1], sizes = [1000, 1], strides = [1, 1]} : vector<1000x16xf32> to vector<1000x1xf32>
    %slice3A_23 = vector.extract_strided_slice %get3A_18 {offsets = [0, 1], sizes = [1, 1], strides = [1, 1]} : vector<1x2xf32> to vector<1x1xf32>
    %add3A_24 = vector.broadcast %slice3A_23 : vector<1x1xf32> to vector<1000x1xf32>
    %add3A_25 = arith.addf %slice3A_22, %add3A_24 : vector<1000x1xf32>
    %max3A = arith.maximumf %add3A_21, %add3A_25 : vector<1000x1xf32>
    %sub3A = arith.subf %add3A_21, %max3A : vector<1000x1xf32>
    %exp3A = math.exp %sub3A : vector<1000x1xf32>
    %sub3A_26 = arith.subf %add3A_25, %max3A : vector<1000x1xf32>
    %exp3A_27 = math.exp %sub3A_26 : vector<1000x1xf32>
    %add3A_28 = arith.addf %exp3A, %exp3A_27 : vector<1000x1xf32>
    %log3A = math.log %add3A_28 : vector<1000x1xf32>
    %add3A_29 = arith.addf %max3A, %log3A : vector<1000x1xf32>
    %sub3A_30 = arith.subf %add3A_21, %add3A_29 : vector<1000x1xf32>
    %sub3A_31 = arith.subf %add3A_25, %add3A_29 : vector<1000x1xf32>
    %concatenate3A = tpu.concatenate %sub3A_30, %sub3A_31 in 1 : vector<1000x1xf32>, vector<1000x1xf32> -> vector<1000x2xf32>
    %swap3A = arith.constant 0 : index
    %swap3A_32 = arith.constant 0 : index
    %swap3A_33 = vector.load %arg6[%swap3A, %swap3A_32] : memref<1000x2xf32, #tpu.memory_space<vmem>>, vector<1000x2xf32>
    tpu.vector_store %arg6[%swap3A, %swap3A_32], %concatenate3A {strides = array<i32>} : memref<1000x2xf32, #tpu.memory_space<vmem>>, vector<1000x2xf32>,
    return
  }
  func.func @transform_0(%arg0: i32) -> (i32, i32) {
    %c0_i32 = arith.constant 0 : i32
    %c0_i32_0 = arith.constant 0 : i32
    return %arg0, %c0_i32 : i32, i32
  }
  func.func @transform_1(%arg0: i32) -> (i32, i32) {
    %c0_i32 = arith.constant 0 : i32
    %c0_i32_0 = arith.constant 0 : i32
    return %arg0, %c0_i32 : i32, i32
  }
  func.func @transform_2(%arg0: i32) -> (i32, i32) {
    %c0_i32 = arith.constant 0 : i32
    %c0_i32_0 = arith.constant 0 : i32
    return %arg0, %c0_i32 : i32, i32
  }
  func.func @transform_3(%arg0: i32) -> (i32, i32) {
    %c0_i32 = arith.constant 0 : i32
    %c0_i32_0 = arith.constant 0 : i32
    return %arg0, %c0_i32 : i32, i32
  }
  func.func @transform_4(%arg0: i32) -> (i32, i32) {
    %c0_i32 = arith.constant 0 : i32
    %c0_i32_0 = arith.constant 0 : i32
    %c0_i32_1 = arith.constant 0 : i32
    return %c0_i32, %c0_i32_0 : i32, i32
  }
  func.func @transform_5(%arg0: i32) -> (i32, i32) {
    %c0_i32 = arith.constant 0 : i32
    %c0_i32_0 = arith.constant 0 : i32
    return %arg0, %c0_i32 : i32, i32
  }
}

</mosaic_0001>

<sc_bundles>
// kernel: kernel.11.cloned.1.call-start
scs
__scs_entry_jumppad:
0x0: {  	(pc) =	sbr.rel $0x88, $3  }
0x1: {  	(tag) =	ssettag $0x0;
	lr =	simm.s32 $0x1  }
0x2: {  	[smem:$0x3F9B] =	sst lr;
	_ =	strace $0xD0000000  }
0x3: {  	_ = 	snop  }
0x4: {  	_ = 	snop  }
0x5: {  	_ = 	snop  }
0x6: {  	_ = 	snop  }
0x7: {  	_ = 	snop  }
__scs_overlays_trampoline_lowered:
0x8: {  	[smem:$0x3FAA] =	sst s0  }
0x9: {  	[smem:$0x3FAB] =	sst s1  }
0xa: {  	[smem:$0x3FAC] =	sst s2  }
0xb: {  	[smem:$0x3FAD] =	sst s3  }
0xc: {  	[smem:$0x3FAE] =	sst s4  }
0xd: {  	[smem:$0x3FAF] =	sst s5  }
0xe: {  	[smem:$0x3FB0] =	sst s6  }
0xf: {  	[smem:$0x3FB1] =	sst s7  }
0x10: {  	[smem:$0x3FB2] =	sst s8  }
0x11: {  	[smem:$0x3FB3] =	sst s9;
	s0 =	simm.s32 @!p0 $0x0  }
0x12: {  	s1 =	sld [smem:$0x3F99];
	s0 =	simm.s32 @p0 $0x1  }
0x13: {  	[smem:$0x3FB4] =	sst s0;
	s0 =	simm.s32 @!p1 $0x0  }
0x14: {  	s2 =	sld [smem:$0x3F98];
	s0 =	simm.s32 @p1 $0x1  }
0x15: {  	[smem:$0x3FB5] =	sst s0;
	s0 =	simm.s32 @!p2 $0x0  }
0x16: {  	s3 =	sld [smem:$0x3FDB];
	s0 =	simm.s32 @p2 $0x1  }
0x17: {  	s4 =	simm.s32 $0x1BF5;
	[smem:$0x3FB7] =	sst s0  }
0x18: {  	s0 =	sld [smem:$0x3F9A];
	_ =	swait.ge [sflag:s4], $0x0  }
0x19: {  	s7 =	sld [smem:$0x3F9B]  }
0x1a: {  	s8 =	sadd.s32 $0xFFFFE003, lr  }
0x1b: {  	s9 =	sadd.s32 $0xFFFFFEF7, lr;
	s5 =	simm.s32 $0xFFFFFFFF;
	p2 =	slt.u32 s8, $0xFFFFF086  }
0x1c: {  	p1 =	slt.u32 s9, $0xF7A;
	s5 =	simm.s32 @!p2 $0x0  }
0x1d: {  	s5 =	simm.s32 @p1 $0x1;
	p0 =	seq.s32 s7, s2  }
0x1e: {  	s7 =	smul.u32 @!p0 $0xF7A, s2;
	p2 =	seq.s32 @!p0 s5, $0x0  }
0x1f: {  	s9 =	smul.u32 $0xF7A, s1;
	s8 =	simm.s32 @!p0 $0x1BF5;
	p2 =	por !p2, p0  }
0x20: {  	[sflag:s8] =	ssyncset.s32 @!p0 $0xFFFFF086;
	s6 =	sadd.s32 @!p0 s3, s7;
	s7 =	simm.s32 @!p0 $0x108  }
0x21: {  	s3 =	sadd.s32 s3, s9;
	s6 =	sadd.s32 @!p0 $0x88, s6;
	s7 =	simm.s32 @p2 $0x1082  }
0x22: {  	[simem:s7], [sflag:s8] =	dma.local @!p0 [hbm:s6], $0xF7A  }
0x23: {  	s9 =	sor.u32 $0xD0000000, s2;
	s6 =	simm.s32 $0x108;
	_ =	swait.ge @!p0 [sflag:s8], $0x0  }
0x24: {  	s3 =	sadd.s32 $0x88, s3;
	s6 =	simm.s32 @!p1 $0x1082;
	[sflag:s4] =	ssyncset.s32 $0xFFFFF086  }
0x25: {  	[simem:s6], [sflag:s4] =	dma.local [hbm:s3], $0xF7A  }
0x26: {  	[smem:$0x3F9B] =	sst s1;
	(tag) =	ssettag s2;
	_ =	strace s9  }
0x27: {  	s1 =	sld [smem:$0x3FAB]  }
0x28: {  	s2 =	sld [smem:$0x3FAC]  }
0x29: {  	s4 =	sld [smem:$0x3FAE]  }
0x2a: {  	p0 =	seq.s32 s5, $0x0;
	s5 =	sld [smem:$0x3FAF]  }
0x2b: {  	s6 =	sld [smem:$0x3FB0]  }
0x2c: {  	s7 =	sld [smem:$0x3FB1]  }
0x2d: {  	s3 =	simm.s32 $0x108;
	s8 =	sld [smem:$0x3FB2]  }
0x2e: {  	s3 =	simm.s32 @!p0 $0x1082;
	s9 =	sld [smem:$0x3FB3]  }
0x2f: {  	lr =	sadd.s32 s0, s3;
	s0 =	sld [smem:$0x3FAA]  }
0x30: {  	s3 =	sld [smem:$0x3FAD]  }
0x31: {  	[smem:$0x3FB6] =	sst s10  }
0x32: {  	s10 =	sld [smem:$0x3FB4];
	_ =	sdelay $0x3  }
0x33: {  	p0 =	seq.s32 s10, $0x1;
	s10 =	sld [smem:$0x3FB6];
	_ =	sdelay $0x3  }
0x34: {  	[smem:$0x3FB6] =	sst s10  }
0x35: {  	s10 =	sld [smem:$0x3FB5];
	_ =	sdelay $0x3  }
0x36: {  	p1 =	seq.s32 s10, $0x1;
	s10 =	sld [smem:$0x3FB6];
	_ =	sdelay $0x3  }
0x37: {  	[smem:$0x3FB6] =	sst s10  }
0x38: {  	s10 =	sld [smem:$0x3FB7]  }
0x39: {  	_ = 	snop;
	(pc) =	sbr.ind lr, $3  }
0x3a: {  	_ = 	snop  }
0x3b: {  	_ = 	snop  }
0x3c: {  	p2 =	seq.s32 s10, $0x1;
	s10 =	sld [smem:$0x3FB6]  }
0x3d: {  	_ =	shalt  }
0x3e: {  	_ =	shalt  }
0x3f: {  	_ =	shalt  }
0x40: {  	_ =	shalt  }
0x41: {  	_ =	shalt  }
0x42: {  	_ =	shalt  }
0x43: {  	_ =	shalt  }
0x44: {  	_ =	shalt  }
0x45: {  	_ =	shalt  }
0x46: {  	_ =	shalt  }
0x47: {  	_ =	shalt  }
0x48: {  	_ =	shalt  }
0x49: {  	_ =	shalt  }
0x4a: {  	_ =	shalt  }
0x4b: {  	_ =	shalt  }
0x4c: {  	_ =	shalt  }
0x4d: {  	_ =	shalt  }
0x4e: {  	_ =	shalt  }
0x4f: {  	_ =	shalt  }
0x50: {  	_ =	shalt  }
0x51: {  	_ =	shalt  }
0x52: {  	_ =	shalt  }
0x53: {  	_ =	shalt  }
0x54: {  	_ =	shalt  }
0x55: {  	_ =	shalt  }
0x56: {  	_ =	shalt  }
0x57: {  	_ =	shalt  }
0x58: {  	_ =	shalt  }
0x59: {  	_ =	shalt  }
0x5a: {  	_ =	shalt  }
0x5b: {  	_ =	shalt  }
0x5c: {  	_ =	shalt  }
0x5d: {  	_ =	shalt  }
0x5e: {  	_ =	shalt  }
0x5f: {  	_ =	shalt  }
0x60: {  	_ =	shalt  }
0x61: {  	_ =	shalt  }
0x62: {  	_ =	shalt  }
0x63: {  	_ =	shalt  }
0x64: {  	_ =	shalt  }
0x65: {  	_ =	shalt  }
0x66: {  	_ =	shalt  }
0x67: {  	_ =	shalt  }
0x68: {  	_ =	shalt  }
0x69: {  	_ =	shalt  }
0x6a: {  	_ =	shalt  }
0x6b: {  	_ =	shalt  }
0x6c: {  	_ =	shalt  }
0x6d: {  	_ =	shalt  }
0x6e: {  	_ =	shalt  }
0x6f: {  	_ =	shalt  }
0x70: {  	_ =	shalt  }
0x71: {  	_ =	shalt  }
0x72: {  	_ =	shalt  }
0x73: {  	_ =	shalt  }
0x74: {  	_ =	shalt  }
0x75: {  	_ =	shalt  }
0x76: {  	_ =	shalt  }
0x77: {  	_ =	shalt  }
0x78: {  	_ =	shalt  }
0x79: {  	_ =	shalt  }
0x7a: {  	_ =	shalt  }
0x7b: {  	_ =	shalt  }
0x7c: {  	_ =	shalt  }
0x7d: {  	_ =	shalt  }
0x7e: {  	_ =	shalt  }
0x7f: {  	_ =	shalt  }
0x80: {  	_ =	shalt  }
0x81: {  	_ =	shalt  }
0x82: {  	_ =	shalt  }
0x83: {  	_ =	shalt  }
0x84: {  	_ =	shalt  }
0x85: {  	_ =	shalt  }
0x86: {  	_ =	shalt  }
0x87: {  	_ =	shalt  }
.Lfunc_end0:
.L_simem_size_0:
called_computation.1_lowered:
.L_overlay_start_0:
0x88: {  	s2 =	sld [smem:$0x3FD9]  }
0x89: {  	s3 =	sld [smem:$0x3FFE];
	_ =	sdelay $0x1  }
0x8a: {  	s1 =	srdreg.scid  }
0x8b: {  	s0 =	sand.u32 $0x1, s1  }
0x8c: {  	s16 =	sshll.u32 s0, $0xA;
	s2 =	sadd.s32 s3, s2  }
0x8d: {  	s2 =	sadd.s32 s2, s16  }
0x8e: {  	[smem:$0x3FC2] =	sst s2  }
0x8f: {  	_ = 	snop  }
0x90: {  	(tm) =	ssettm $0x1  }
0x91: {  	s17 =	sld [smem:$0x3FFB];
	_ =	sdelay $0x3  }
0x92: {  	_ =	strace s17  }
0x93: {  	s2 =	sld [smem:$0x3FFC];
	_ =	sdelay $0x3  }
0x94: {  	_ =	strace s2  }
0x95: {  	s2 =	sld [smem:$0x3FFD];
	_ =	sdelay $0x3  }
0x96: {  	_ =	strace s2  }
0x97: {  	_ =	strace $0x8FFFFFFF  }
0x98: {  	s18 =	sld [smem:$0x3FDB];
	_ =	sdelay $0x1  }
0x99: {  	s19 =	simm.s32 $_scs_section_size  }
0x9a: {  	s4 =	simm.s32 $_size__tile_overlayer_lowered;
	s5 =	simm.s32 $_tile_overlayer_lowered  }
0x9b: {  	s22 =	simm.s32 $0x1BFF;
	s21 =	sshll.u32 s5, $0x1;
	s2 =	sadd.s32 s19, s18  }
0x9c: {  	s6 =	simm.s32 $0x0;
	s20 =	sshll.u32 s4, $0x1;
	s4 =	sadd.s32 s21, s2  }
0x9d: {  	[timem:s6], [sflag:s22] =	dma.local [hbm:s4], s20  }
0x9e: {  	_ =	swait.ge [sflag:s22], s20  }
0x9f: {  	s3 =	ssub.s32 $0x0, s20;
	[sflag:s22] =	ssyncset.done $0x0  }
0xa0: {  	[sflag:s22] =	ssyncadd.s32 s3;
	_ =	sdelay $0x1  }
0xa1: {  	s23 =	simm.s32 $0x1B8B  }
0xa2: {  	_ =	swait.ge [sflag:s23], $0x1  }
0xa3: {  	[sflag:s23] =	ssyncset.done $0x0  }
0xa4: {  	s25 =	simm.s32 $0x1B8E;
	s24 =	sld [smem:$0x3FFE];
	[sflag:s23] =	ssyncadd.s32 $0xFFFFFFFF  }
0xa5: {  	s26 =	simm.s32 $execute0_lowered;
	[smem:$0x3FD2] =	sst s25  }
0xa6: {  	s4 =	sshll.u32 s26, $0x1;
	_ =	strace $0x80000049;
	[dreg:$0x1] =	wrdreg $0xFFFFFFFF  }
0xa7: {  	s28 =	simm.s32 $_size_execute0_lowered;
	s2 =	sadd.s32 s2, s4;
	[dreg:$0x0] =	wrdreg $0x0  }
0xa8: {  	s4 =	sshll.u32 s28, $0x1;
	[dreg:$0x2] =	wrdreg s2  }
0xa9: {  	[dreg:$0x3] =	wrdreg s4  }
0xaa: {  	[dreg:$0x4] =	wrdreg $0xC0  }
0xab: {  	_ =	task [dreg:s6], $0x5FFFF  }
0xac: {  	[dreg:$0x1] =	wrdreg $0xFFFFFFFF  }
0xad: {  	[dreg:$0x0] =	wrdreg $0x60  }
0xae: {  	[dreg:$0x2] =	wrdreg s24  }
0xaf: {  	[dreg:$0x3] =	wrdreg $0x14A000  }
0xb0: {  	[dreg:$0x4] =	wrdreg $0x9  }
0xb1: {  	_ =	task.clear_ibuf [dreg:s6], $0x5FFFF;
	_ =	strace $0x90000049  }
0xb2: {  	s29 =	simm.s32 $0x9;
	_ =	strace $0x8000004B  }
0xb3: {  	_ =	swait.ge [sflag:s29], $0x1  }
0xb4: {  	[sflag:s29] =	ssyncadd.s32 $0xFFFFFFFF  }
0xb5: {  	_ =	strace $0x9000004B  }
0xb6: {  	_ =	sfence  }
0xb7: {  	s30 =	sld [smem:$0x0];
	_ =	sdelay $0x2  }
0xb8: {  	s31 =	sshll.u32 s1, $0xD;
	s1 =	sshrl.u32 s1, $0x2  }
0xb9: {  	s3 =	sand.u32 $0x4000, s31;
	s1 =	sadd.s32 s1, s30  }
0xba: {  	s0 =	sor.u32 s3, s0;
	s1 =	sshll.u32 s1, $0x11  }
0xbb: {  	s0 =	sor.u32 s1, s0  }
0xbc: {  	s0 =	sadd.s32 $0x8F2B, s0  }
0xbd: {  	[sflag:s0] =	ssyncadd.remote.s32 $0x1  }
0xbe: {  	_ =	sfence.sel $0xFFFF  }
0xbf: {  	[dreg:$0x0] =	wrdreg $0xFFFFFFFF;
	(pc) =	sbr.abs _section_cstart, $3  }
0xc0: {  	[dreg:$0x1] =	wrdreg $0xFFFFFFFF  }
0xc1: {  	_ =	task.clear_ibuf [dreg:s6], $0x2FFFF;
	_ =	strace $0x9FFFFFFF  }
0xc2: {  	(tm) =	ssettm $0x7FFFFFFF  }
0xc3: {  	_ =	shalt  }
tec
execute0_lowered:
.L_overlay_start_1:
0x0: {  	(tag) =	ssettag $0x1  }
0x1: {  	s0 =	rddreg [dreg:$0x0];
	s1 =	srdreg.scid  }
0x2: {  	s2 =	rddreg [dreg:$0x1];
	s8 =	stileid.u32  }
0x3: {  	s4 =	simm.s32 $0x0;
	s10 =	simm.s32 $0x2800;
	s28 =	simm.s32 $0x6F40  }
0x4: {  	s29 =	simm.s32 $0x8E80;
	s30 =	simm.s32 $0xADC0;
	s5 =	smul.u32 $0x5000, s8  }
0x5: {  	s31 =	simm.s32 $0xCD00;
	s1 =	sand.u32 $0x1, s1;
	s6 =	smul.u32 $0x14000, s8  }
0x6: {  	[smem:$0x7FF] =	sst s4;
	s4 =	sadd.s32 $0x51000, s0;
	s19 =	smul.u32 $0x28000, s8  }
0x7: {  	s3 =	smul.u32 $0x50000, s1;
	s7 =	sshll.u32 s1, $0x6;
	s1 =	ssub.s32 $0x2, s1  }
0x8: {  	_ =	strace $0x8000004A;
	s6 =	sor.u32 s7, s6;
	s20 =	sshrl.u32 s1, $0x1  }
0x9: {  	s22 =	sshrl.u32 s19, $0x2;
	s3 =	sadd.s32 s5, s3;
	s5 =	sshrl.u32 s5, $0x3  }
0xa: {  	s6 =	sshrl.u32 s6, $0x3;
	s1 =	ssub.s32 s1, s20;
	s7 =	sadd.s32 s22, s2  }
0xb: {  	s22 =	simm.s32 $0x4;
	s20 =	simm.s32 $0x1;
	s3 =	sshrl.u32 s3, $0x3  }
0xc: {  	s5 =	sadd.s32 s5, s0;
	s15 =	smax.u32 s1, $0x1;
	s16 =	sadd.s32 $0x2000, s7  }
0xd: {  	s17 =	sadd.s32 $0x4000, s7;
	s18 =	sadd.s32 $0x6000, s7;
	s19 =	sadd.s32 $0x8000, s7  }
0xe: {  	s1 =	simm.s32 $0x10B80;
	s3 =	sadd.s32 s3, s0;
	s0 =	sadd.s32 s6, s0  }
0xf: {  	s23 =	sadd.s32 $0x1F000, s5;
	s25 =	sadd.s32 $0x1F280, s5;
	s11 =	sadd.s32 $0x1F500, s5  }
0x10: {  	s13 =	sadd.s32 $0x1F780, s5;
	s21 =	sadd.s32 $0xB000, s3;
	[dreg:$0x4] =	wrdreg s23  }
0x11: {  	s24 =	sadd.s32 $0xB280, s3;
	[dreg:$0x6] =	wrdreg s25;
	s26 =	sadd.s32 $0xB500, s3  }
0x12: {  	s12 =	sadd.s32 $0xB780, s3;
	s14 =	sadd.s32 $0x78200, s0;
	[dreg:$0x3] =	wrdreg s21  }
0x13: {  	s23 =	simm.s32 $0x3;
	s0 =	simm.s32 $0xEC40;
	[dreg:$0x5] =	wrdreg s24  }
0x14: {  	s3 =	simm.s32 $0x12AC0;
	s25 =	simm.s32 $0x0;
	[dreg:$0x7] =	wrdreg s26  }
0x15: {  	v0 =	vimm.f32 $0.0e+00;
	s21 =	simm.s32 $0x5000;
	s26 =	simm.s32 $0x7D;
	s24 =	simm.s32 $0x2  }
.LBB2_1:
0x16: {  	s5 =	simm.s32 $0x0;
	s6 =	rddreg [dreg:$0x3]  }
0x17: {  	[tilespmem:s5], [sflag:$0x3] =	stream.linear.gather [hbm4b:s6+s5], $0x1400, $0x38;
	[tilespmem:$0x1EA00] =	vst v63  }
0x18: {  	s9 =	rddreg [dreg:$0x4]  }
0x19: {  	[tilespmem:s10], [sflag:$0x3] =	stream.linear.gather [hbm4b:s9+s5], $0x1400, $0x38;
	[tilespmem:$0x1EA00] =	vst v63  }
0x1a: {  	s6 =	simm.s32 $0x100;
	s5 =	simm.s32 $0x0  }
.LBB2_2:
0x1b: {  	p0 =	sne.s32 s6, $0x7F00;
	[tilespmem:s5+$0x5030] =	vst v0;
	s8 =	smov.u32 s6;
	s6 =	sadd.s32 $0x100, s6  }
.Ltmp0:
0x1c: {  	[tilespmem:s5+$0x5020] =	vst v0;
	(pc) =	sbr.rel @p0 .LBB2_2-.Ltmp0, $3  }
0x1d: {  	[tilespmem:s5+$0x5000] =	vst v0  }
0x1e: {  	[tilespmem:s5+$0x5010] =	vst v0;
	_ =	sdelay $0x1  }
0x1f: {  	s5 =	sshra.s32 s8, $0x2  }
0x20: {  	[tilespmem:s5+$0x5030] =	vst v0  }
0x21: {  	[tilespmem:s5+$0x5020] =	vst v0  }
0x22: {  	[tilespmem:s5+$0x5000] =	vst v0  }
0x23: {  	[tilespmem:s5+$0x5010] =	vst v0  }
0x24: {  	[spmem:s7] =	stream.linear.scatter [tilespmem:s21], [sflag:$0x4], $0x2000, $0x38;
	[tilespmem:$0x1EA00] =	vst v63  }
0x25: {  	_ =	swait.ge [sflag:s22], $0x2000  }
0x26: {  	[sflag:s22] =	ssyncset.done $0x0  }
0x27: {  	[sflag:s22] =	ssyncadd.s32 $0xFFFFE000  }
0x28: {  	[spmem:s16] =	stream.linear.scatter [tilespmem:s21], [sflag:$0x4], $0x2000, $0x38;
	[tilespmem:$0x1EA00] =	vst v63  }
0x29: {  	_ =	swait.ge [sflag:s22], $0x2000  }
0x2a: {  	[sflag:s22] =	ssyncset.done $0x0  }
0x2b: {  	[sflag:s22] =	ssyncadd.s32 $0xFFFFE000  }
0x2c: {  	[spmem:s17] =	stream.linear.scatter [tilespmem:s21], [sflag:$0x4], $0x2000, $0x38;
	[tilespmem:$0x1EA00] =	vst v63  }
0x2d: {  	_ =	swait.ge [sflag:s22], $0x2000  }
0x2e: {  	[sflag:s22] =	ssyncset.done $0x0  }
0x2f: {  	[sflag:s22] =	ssyncadd.s32 $0xFFFFE000  }
0x30: {  	[spmem:s18] =	stream.linear.scatter [tilespmem:s21], [sflag:$0x4], $0x2000, $0x38;
	[tilespmem:$0x1EA00] =	vst v63  }
0x31: {  	_ =	swait.ge [sflag:s22], $0x2000  }
0x32: {  	[sflag:s22] =	ssyncset.done $0x0  }
0x33: {  	[sflag:s22] =	ssyncadd.s32 $0xFFFFE000  }
0x34: {  	[spmem:s19] =	stream.linear.scatter [tilespmem:s21], [sflag:$0x4], $0x2000, $0x38;
	[tilespmem:$0x1EA00] =	vst v63  }
0x35: {  	_ =	swait.ge [sflag:s22], $0x2000  }
0x36: {  	[sflag:s22] =	ssyncset.done $0x0  }
0x37: {  	[sflag:s22] =	ssyncadd.s32 $0xFFFFE000  }
0x38: {  	[bflag:$0x0] =	sbarrier.arrive $0xFFFF  }
0x39: {  	_ =	swait.ge [sflag:s23], $0x1400  }
0x3a: {  	[sflag:s23] =	ssyncset.done $0x0  }
0x3b: {  	[sflag:s23] =	ssyncadd.s32 $0xFFFFEC00  }
0x3c: {  	_ =	swait.ge [sflag:s23], $0x1400  }
0x3d: {  	s5 =	simm.s32 $0x0;
	[sflag:s23] =	ssyncset.done $0x0  }
0x3e: {  	s8 =	simm.s32 $0x1400;
	s6 =	rddreg [dreg:$0x5];
	[sflag:s23] =	ssyncadd.s32 $0xFFFFEC00  }
0x3f: {  	[tilespmem:s8], [sflag:$0x3] =	stream.linear.gather [hbm4b:s6+s5], $0x1400, $0x38;
	[tilespmem:$0x1EA00] =	vst v63  }
0x40: {  	s9 =	simm.s32 $0x3C00;
	s8 =	rddreg [dreg:$0x6]  }
0x41: {  	[tilespmem:s9], [sflag:$0x3] =	stream.linear.gather [hbm4b:s8+s5], $0x1400, $0x38;
	[tilespmem:$0x1EA00] =	vst v63  }
0x42: {  	s9 =	simm.s32 $0x0  }
0x43: {  	[tilespmem:s21], [sflag:$0x1] =	stream.indirect.gather [hbm4b:s4+s26], $0x40, s9, s26, $0xb8;
	[tilespmem:$0x1EA00] =	vst v63  }
0x44: {  	s6 =	simm.s32 $0x80  }
0x45: {  	[tilespmem:s28], [sflag:$0x1] =	stream.indirect.gather [hbm4b:s4+s26], $0x40, s6, s26, $0xb8;
	[tilespmem:$0x1EA00] =	vst v63  }
0x46: {  	s8 =	simm.s32 $0x100  }
0x47: {  	[tilespmem:s29], [sflag:$0x1] =	stream.indirect.gather [hbm4b:s4+s26], $0x40, s8, s26, $0xb8;
	[tilespmem:$0x1EA00] =	vst v63  }
0x48: {  	s9 =	simm.s32 $0x180  }
0x49: {  	[tilespmem:s30], [sflag:$0x1] =	stream.indirect.gather [hbm4b:s4+s26], $0x40, s9, s26, $0xb8;
	[tilespmem:$0x1EA00] =	vst v63  }
0x4a: {  	s6 =	simm.s32 $0x200  }
0x4b: {  	[tilespmem:s31], [sflag:$0x1] =	stream.indirect.gather [hbm4b:s4+s26], $0x40, s6, s26, $0xb8;
	[tilespmem:$0x1EA00] =	vst v63  }
0x4c: {  	s8 =	simm.s32 $0x280  }
0x4d: {  	[tilespmem:s0], [sflag:$0x1] =	stream.indirect.gather [hbm4b:s4+s26], $0x40, s8, s26, $0xb8;
	[tilespmem:$0x1EA00] =	vst v63  }
0x4e: {  	s9 =	simm.s32 $0x300  }
0x4f: {  	[tilespmem:s1], [sflag:$0x1] =	stream.indirect.gather [hbm4b:s4+s26], $0x40, s9, s26, $0xb8;
	[tilespmem:$0x1EA00] =	vst v63  }
0x50: {  	s6 =	simm.s32 $0x380  }
0x51: {  	[tilespmem:s3], [sflag:$0x1] =	stream.indirect.gather [hbm4b:s4+s26], $0x40, s6, s26, $0xb8;
	[tilespmem:$0x1EA00] =	vst v63  }
0x52: {  	_ =	swait.ge [sflag:s20], $0x1F40  }
0x53: {  	[sflag:s20] =	ssyncset.done $0x0  }
0x54: {  	s8 =	simm.s32 $0x2800;
	[sflag:s20] =	ssyncadd.s32 $0xFFFFE0C0  }
0x55: {  	[spmem:s2] =	stream.indirect.scatter.add.f32 [tilespmem:s21], [sflag:$0x2], $0x40, s8, s26, $0xb8;
	[tilespmem:$0x1EA00] =	vst v63  }
0x56: {  	_ =	swait.ge [sflag:s20], $0x1F40  }
0x57: {  	[sflag:s20] =	ssyncset.done $0x0  }
0x58: {  	s9 =	simm.s32 $0x2880;
	[sflag:s20] =	ssyncadd.s32 $0xFFFFE0C0  }
0x59: {  	[spmem:s2] =	stream.indirect.scatter.add.f32 [tilespmem:s28], [sflag:$0x2], $0x40, s9, s26, $0xb8;
	[tilespmem:$0x1EA00] =	vst v63  }
0x5a: {  	_ =	swait.ge [sflag:s20], $0x1F40  }
0x5b: {  	[sflag:s20] =	ssyncset.done $0x0  }
0x5c: {  	s6 =	simm.s32 $0x2900;
	[sflag:s20] =	ssyncadd.s32 $0xFFFFE0C0  }
0x5d: {  	[spmem:s2] =	stream.indirect.scatter.add.f32 [tilespmem:s29], [sflag:$0x2], $0x40, s6, s26, $0xb8;
	[tilespmem:$0x1EA00] =	vst v63  }
0x5e: {  	_ =	swait.ge [sflag:s20], $0x1F40  }
0x5f: {  	[sflag:s20] =	ssyncset.done $0x0  }
0x60: {  	s8 =	simm.s32 $0x2980;
	[sflag:s20] =	ssyncadd.s32 $0xFFFFE0C0  }
0x61: {  	[spmem:s2] =	stream.indirect.scatter.add.f32 [tilespmem:s30], [sflag:$0x2], $0x40, s8, s26, $0xb8;
	[tilespmem:$0x1EA00] =	vst v63  }
0x62: {  	_ =	swait.ge [sflag:s20], $0x1F40  }
0x63: {  	[sflag:s20] =	ssyncset.done $0x0  }
0x64: {  	s9 =	simm.s32 $0x2A00;
	[sflag:s20] =	ssyncadd.s32 $0xFFFFE0C0  }
0x65: {  	[spmem:s2] =	stream.indirect.scatter.add.f32 [tilespmem:s31], [sflag:$0x2], $0x40, s9, s26, $0xb8;
	[tilespmem:$0x1EA00] =	vst v63  }
0x66: {  	_ =	swait.ge [sflag:s20], $0x1F40  }
0x67: {  	[sflag:s20] =	ssyncset.done $0x0  }
0x68: {  	s6 =	simm.s32 $0x2A80;
	[sflag:s20] =	ssyncadd.s32 $0xFFFFE0C0  }
0x69: {  	[spmem:s2] =	stream.indirect.scatter.add.f32 [tilespmem:s0], [sflag:$0x2], $0x40, s6, s26, $0xb8;
	[tilespmem:$0x1EA00] =	vst v63  }
0x6a: {  	_ =	swait.ge [sflag:s20], $0x1F40  }
0x6b: {  	[sflag:s20] =	ssyncset.done $0x0  }
0x6c: {  	s8 =	simm.s32 $0x2B00;
	[sflag:s20] =	ssyncadd.s32 $0xFFFFE0C0  }
0x6d: {  	[spmem:s2] =	stream.indirect.scatter.add.f32 [tilespmem:s1], [sflag:$0x2], $0x40, s8, s26, $0xb8;
	[tilespmem:$0x1EA00] =	vst v63  }
0x6e: {  	_ =	swait.ge [sflag:s20], $0x1F40  }
0x6f: {  	[sflag:s20] =	ssyncset.done $0x0  }
0x70: {  	s9 =	simm.s32 $0x2B80;
	[sflag:s20] =	ssyncadd.s32 $0xFFFFE0C0  }
0x71: {  	[spmem:s2] =	stream.indirect.scatter.add.f32 [tilespmem:s3], [sflag:$0x2], $0x40, s9, s26, $0xb8;
	[tilespmem:$0x1EA00] =	vst v63  }
0x72: {  	_ =	swait.ge [sflag:s24], $0x1F40  }
0x73: {  	[sflag:s24] =	ssyncset.done $0x0  }
0x74: {  	[sflag:s24] =	ssyncadd.s32 $0xFFFFE0C0  }
0x75: {  	_ =	swait.ge [sflag:s24], $0x1F40  }
0x76: {  	[sflag:s24] =	ssyncset.done $0x0  }
0x77: {  	[sflag:s24] =	ssyncadd.s32 $0xFFFFE0C0  }
0x78: {  	_ =	swait.ge [sflag:s24], $0x1F40  }
0x79: {  	[sflag:s24] =	ssyncset.done $0x0  }
0x7a: {  	[sflag:s24] =	ssyncadd.s32 $0xFFFFE0C0  }
0x7b: {  	_ =	swait.ge [sflag:s24], $0x1F40  }
0x7c: {  	[sflag:s24] =	ssyncset.done $0x0  }
0x7d: {  	[sflag:s24] =	ssyncadd.s32 $0xFFFFE0C0  }
0x7e: {  	_ =	swait.ge [sflag:s24], $0x1F40  }
0x7f: {  	[sflag:s24] =	ssyncset.done $0x0  }
0x80: {  	[sflag:s24] =	ssyncadd.s32 $0xFFFFE0C0  }
0x81: {  	_ =	swait.ge [sflag:s24], $0x1F40  }
0x82: {  	[sflag:s24] =	ssyncset.done $0x0  }
0x83: {  	[sflag:s24] =	ssyncadd.s32 $0xFFFFE0C0  }
0x84: {  	_ =	swait.ge [sflag:s24], $0x1F40  }
0x85: {  	[sflag:s24] =	ssyncset.done $0x0  }
0x86: {  	[sflag:s24] =	ssyncadd.s32 $0xFFFFE0C0  }
0x87: {  	_ =	swait.ge [sflag:s24], $0x1F40  }
0x88: {  	s5 =	simm.s32 $0x1000;
	s9 =	simm.s32 $0x2000;
	[sflag:s24] =	ssyncset.done $0x0  }
.LBB2_4:
0x89: {  	s8 =	sshra.s32 s5, $0x2  }
0x8a: {  	[sflag:s24] =	ssyncadd.s32 $0xFFFFE0C0;
	s5 =	smov.u32 s9;
	s6 =	sadd.s32 $0x1000, s9  }
0x8b: {  	[tilespmem:s21], [sflag:$0x1] =	stream.indirect.gather [hbm4b:s4+s26], $0x40, s8, s26, $0xb8;
	[tilespmem:$0x1EA00] =	vst v63  }
0x8c: {  	p0 =	sne.s32 s9, $0x4000;
	s9 =	sadd.s32 $0x80, s8  }
0x8d: {  	[tilespmem:s28], [sflag:$0x1] =	stream.indirect.gather [hbm4b:s4+s26], $0x40, s9, s26, $0xb8;
	[tilespmem:$0x1EA00] =	vst v63  }
0x8e: {  	s9 =	sadd.s32 $0x100, s8  }
0x8f: {  	[tilespmem:s29], [sflag:$0x1] =	stream.indirect.gather [hbm4b:s4+s26], $0x40, s9, s26, $0xb8;
	[tilespmem:$0x1EA00] =	vst v63  }
0x90: {  	s9 =	sadd.s32 $0x180, s8  }
0x91: {  	[tilespmem:s30], [sflag:$0x1] =	stream.indirect.gather [hbm4b:s4+s26], $0x40, s9, s26, $0xb8;
	[tilespmem:$0x1EA00] =	vst v63  }
0x92: {  	s9 =	sadd.s32 $0x200, s8  }
0x93: {  	[tilespmem:s31], [sflag:$0x1] =	stream.indirect.gather [hbm4b:s4+s26], $0x40, s9, s26, $0xb8;
	[tilespmem:$0x1EA00] =	vst v63  }
0x94: {  	s9 =	sadd.s32 $0x280, s8  }
0x95: {  	[tilespmem:s0], [sflag:$0x1] =	stream.indirect.gather [hbm4b:s4+s26], $0x40, s9, s26, $0xb8;
	[tilespmem:$0x1EA00] =	vst v63  }
0x96: {  	s9 =	sadd.s32 $0x300, s8  }
0x97: {  	[tilespmem:s1], [sflag:$0x1] =	stream.indirect.gather [hbm4b:s4+s26], $0x40, s9, s26, $0xb8;
	[tilespmem:$0x1EA00] =	vst v63  }
0x98: {  	s9 =	sadd.s32 $0x380, s8  }
0x99: {  	[tilespmem:s3], [sflag:$0x1] =	stream.indirect.gather [hbm4b:s4+s26], $0x40, s9, s26, $0xb8;
	[tilespmem:$0x1EA00] =	vst v63  }
0x9a: {  	_ =	swait.ge [sflag:s20], $0x1F40  }
0x9b: {  	[sflag:s20] =	ssyncset.done $0x0  }
0x9c: {  	s9 =	sadd.s32 $0x2800, s8;
	[sflag:s20] =	ssyncadd.s32 $0xFFFFE0C0  }
0x9d: {  	[spmem:s2] =	stream.indirect.scatter.add.f32 [tilespmem:s21], [sflag:$0x2], $0x40, s9, s26, $0xb8;
	[tilespmem:$0x1EA00] =	vst v63  }
0x9e: {  	_ =	swait.ge [sflag:s20], $0x1F40  }
0x9f: {  	[sflag:s20] =	ssyncset.done $0x0  }
0xa0: {  	s9 =	sadd.s32 $0x2880, s8;
	[sflag:s20] =	ssyncadd.s32 $0xFFFFE0C0  }
0xa1: {  	[spmem:s2] =	stream.indirect.scatter.add.f32 [tilespmem:s28], [sflag:$0x2], $0x40, s9, s26, $0xb8;
	[tilespmem:$0x1EA00] =	vst v63  }
0xa2: {  	_ =	swait.ge [sflag:s20], $0x1F40  }
0xa3: {  	[sflag:s20] =	ssyncset.done $0x0  }
0xa4: {  	s9 =	sadd.s32 $0x2900, s8;
	[sflag:s20] =	ssyncadd.s32 $0xFFFFE0C0  }
0xa5: {  	[spmem:s2] =	stream.indirect.scatter.add.f32 [tilespmem:s29], [sflag:$0x2], $0x40, s9, s26, $0xb8;
	[tilespmem:$0x1EA00] =	vst v63  }
0xa6: {  	_ =	swait.ge [sflag:s20], $0x1F40  }
0xa7: {  	[sflag:s20] =	ssyncset.done $0x0  }
0xa8: {  	s9 =	sadd.s32 $0x2980, s8;
	[sflag:s20] =	ssyncadd.s32 $0xFFFFE0C0  }
0xa9: {  	[spmem:s2] =	stream.indirect.scatter.add.f32 [tilespmem:s30], [sflag:$0x2], $0x40, s9, s26, $0xb8;
	[tilespmem:$0x1EA00] =	vst v63  }
0xaa: {  	_ =	swait.ge [sflag:s20], $0x1F40  }
0xab: {  	[sflag:s20] =	ssyncset.done $0x0  }
0xac: {  	s9 =	sadd.s32 $0x2A00, s8;
	[sflag:s20] =	ssyncadd.s32 $0xFFFFE0C0  }
0xad: {  	[spmem:s2] =	stream.indirect.scatter.add.f32 [tilespmem:s31], [sflag:$0x2], $0x40, s9, s26, $0xb8;
	[tilespmem:$0x1EA00] =	vst v63  }
0xae: {  	_ =	swait.ge [sflag:s20], $0x1F40  }
0xaf: {  	[sflag:s20] =	ssyncset.done $0x0  }
0xb0: {  	s9 =	sadd.s32 $0x2A80, s8;
	[sflag:s20] =	ssyncadd.s32 $0xFFFFE0C0  }
0xb1: {  	[spmem:s2] =	stream.indirect.scatter.add.f32 [tilespmem:s0], [sflag:$0x2], $0x40, s9, s26, $0xb8;
	[tilespmem:$0x1EA00] =	vst v63  }
0xb2: {  	_ =	swait.ge [sflag:s20], $0x1F40  }
0xb3: {  	[sflag:s20] =	ssyncset.done $0x0  }
0xb4: {  	s9 =	sadd.s32 $0x2B00, s8;
	[sflag:s20] =	ssyncadd.s32 $0xFFFFE0C0  }
0xb5: {  	[spmem:s2] =	stream.indirect.scatter.add.f32 [tilespmem:s1], [sflag:$0x2], $0x40, s9, s26, $0xb8;
	[tilespmem:$0x1EA00] =	vst v63  }
0xb6: {  	_ =	swait.ge [sflag:s20], $0x1F40  }
0xb7: {  	[sflag:s20] =	ssyncset.done $0x0  }
0xb8: {  	s8 =	sadd.s32 $0x2B80, s8;
	[sflag:s20] =	ssyncadd.s32 $0xFFFFE0C0  }
0xb9: {  	[spmem:s2] =	stream.indirect.scatter.add.f32 [tilespmem:s3], [sflag:$0x2], $0x40, s8, s26, $0xb8;
	[tilespmem:$0x1EA00] =	vst v63  }
0xba: {  	_ =	swait.ge [sflag:s24], $0x1F40  }
0xbb: {  	[sflag:s24] =	ssyncset.done $0x0  }
0xbc: {  	[sflag:s24] =	ssyncadd.s32 $0xFFFFE0C0  }
0xbd: {  	_ =	swait.ge [sflag:s24], $0x1F40  }
0xbe: {  	[sflag:s24] =	ssyncset.done $0x0  }
0xbf: {  	[sflag:s24] =	ssyncadd.s32 $0xFFFFE0C0  }
0xc0: {  	_ =	swait.ge [sflag:s24], $0x1F40  }
0xc1: {  	[sflag:s24] =	ssyncset.done $0x0  }
0xc2: {  	[sflag:s24] =	ssyncadd.s32 $0xFFFFE0C0  }
0xc3: {  	_ =	swait.ge [sflag:s24], $0x1F40  }
0xc4: {  	[sflag:s24] =	ssyncset.done $0x0  }
0xc5: {  	[sflag:s24] =	ssyncadd.s32 $0xFFFFE0C0  }
0xc6: {  	_ =	swait.ge [sflag:s24], $0x1F40  }
0xc7: {  	[sflag:s24] =	ssyncset.done $0x0  }
0xc8: {  	[sflag:s24] =	ssyncadd.s32 $0xFFFFE0C0  }
0xc9: {  	_ =	swait.ge [sflag:s24], $0x1F40  }
0xca: {  	[sflag:s24] =	ssyncset.done $0x0  }
0xcb: {  	[sflag:s24] =	ssyncadd.s32 $0xFFFFE0C0  }
.Ltmp1:
0xcc: {  	_ =	swait.ge [sflag:s24], $0x1F40;
	(pc) =	sbr.rel @p0 .LBB2_4-.Ltmp1, $4  }
0xcd: {  	[sflag:s24] =	ssyncset.done $0x0  }
0xce: {  	[sflag:s24] =	ssyncadd.s32 $0xFFFFE0C0  }
0xcf: {  	_ =	swait.ge [sflag:s24], $0x1F40  }
0xd0: {  	s9 =	smov.u32 s6;
	[sflag:s24] =	ssyncset.done $0x0  }
0xd1: {  	s5 =	sshra.s32 s5, $0x2;
	[sflag:s24] =	ssyncadd.s32 $0xFFFFE0C0  }
0xd2: {  	[tilespmem:s21], [sflag:$0x1] =	stream.indirect.gather [hbm4b:s4+s26], $0x40, s5, s26, $0xb8;
	[tilespmem:$0x1EA00] =	vst v63  }
0xd3: {  	s6 =	sadd.s32 $0x80, s5  }
0xd4: {  	[tilespmem:s28], [sflag:$0x1] =	stream.indirect.gather [hbm4b:s4+s26], $0x40, s6, s26, $0xb8;
	[tilespmem:$0x1EA00] =	vst v63  }
0xd5: {  	s9 =	sadd.s32 $0x100, s5  }
0xd6: {  	[tilespmem:s29], [sflag:$0x1] =	stream.indirect.gather [hbm4b:s4+s26], $0x40, s9, s26, $0xb8;
	[tilespmem:$0x1EA00] =	vst v63  }
0xd7: {  	s8 =	sadd.s32 $0x180, s5  }
0xd8: {  	[tilespmem:s30], [sflag:$0x1] =	stream.indirect.gather [hbm4b:s4+s26], $0x40, s8, s26, $0xb8;
	[tilespmem:$0x1EA00] =	vst v63  }
0xd9: {  	s9 =	sadd.s32 $0x200, s5  }
0xda: {  	[tilespmem:s31], [sflag:$0x1] =	stream.indirect.gather [hbm4b:s4+s26], $0x40, s9, s26, $0xb8;
	[tilespmem:$0x1EA00] =	vst v63  }
0xdb: {  	s8 =	sadd.s32 $0x280, s5  }
0xdc: {  	[tilespmem:s0], [sflag:$0x1] =	stream.indirect.gather [hbm4b:s4+s26], $0x40, s8, s26, $0xb8;
	[tilespmem:$0x1EA00] =	vst v63  }
0xdd: {  	s9 =	sadd.s32 $0x300, s5  }
0xde: {  	[tilespmem:s1], [sflag:$0x1] =	stream.indirect.gather [hbm4b:s4+s26], $0x40, s9, s26, $0xb8;
	[tilespmem:$0x1EA00] =	vst v63  }
0xdf: {  	s8 =	sadd.s32 $0x380, s5  }
0xe0: {  	[tilespmem:s3], [sflag:$0x1] =	stream.indirect.gather [hbm4b:s4+s26], $0x40, s8, s26, $0xb8;
	[tilespmem:$0x1EA00] =	vst v63  }
0xe1: {  	_ =	swait.ge [sflag:s20], $0x1F40  }
0xe2: {  	[sflag:s20] =	ssyncset.done $0x0  }
0xe3: {  	s9 =	sadd.s32 $0x2800, s5;
	[sflag:s20] =	ssyncadd.s32 $0xFFFFE0C0  }
0xe4: {  	[spmem:s2] =	stream.indirect.scatter.add.f32 [tilespmem:s21], [sflag:$0x2], $0x40, s9, s26, $0xb8;
	[tilespmem:$0x1EA00] =	vst v63  }
0xe5: {  	_ =	swait.ge [sflag:s20], $0x1F40  }
0xe6: {  	[sflag:s20] =	ssyncset.done $0x0  }
0xe7: {  	s8 =	sadd.s32 $0x2880, s5;
	[sflag:s20] =	ssyncadd.s32 $0xFFFFE0C0  }
0xe8: {  	[spmem:s2] =	stream.indirect.scatter.add.f32 [tilespmem:s28], [sflag:$0x2], $0x40, s8, s26, $0xb8;
	[tilespmem:$0x1EA00] =	vst v63  }
0xe9: {  	_ =	swait.ge [sflag:s20], $0x1F40  }
0xea: {  	[sflag:s20] =	ssyncset.done $0x0  }
0xeb: {  	s9 =	sadd.s32 $0x2900, s5;
	[sflag:s20] =	ssyncadd.s32 $0xFFFFE0C0  }
0xec: {  	[spmem:s2] =	stream.indirect.scatter.add.f32 [tilespmem:s29], [sflag:$0x2], $0x40, s9, s26, $0xb8;
	[tilespmem:$0x1EA00] =	vst v63  }
0xed: {  	_ =	swait.ge [sflag:s20], $0x1F40  }
0xee: {  	[sflag:s20] =	ssyncset.done $0x0  }
0xef: {  	s8 =	sadd.s32 $0x2980, s5;
	[sflag:s20] =	ssyncadd.s32 $0xFFFFE0C0  }
0xf0: {  	[spmem:s2] =	stream.indirect.scatter.add.f32 [tilespmem:s30], [sflag:$0x2], $0x40, s8, s26, $0xb8;
	[tilespmem:$0x1EA00] =	vst v63  }
0xf1: {  	_ =	swait.ge [sflag:s20], $0x1F40  }
0xf2: {  	[sflag:s20] =	ssyncset.done $0x0  }
0xf3: {  	s9 =	sadd.s32 $0x2A00, s5;
	[sflag:s20] =	ssyncadd.s32 $0xFFFFE0C0  }
0xf4: {  	[spmem:s2] =	stream.indirect.scatter.add.f32 [tilespmem:s31], [sflag:$0x2], $0x40, s9, s26, $0xb8;
	[tilespmem:$0x1EA00] =	vst v63  }
0xf5: {  	_ =	swait.ge [sflag:s20], $0x1F40  }
0xf6: {  	[sflag:s20] =	ssyncset.done $0x0  }
0xf7: {  	s8 =	sadd.s32 $0x2A80, s5;
	[sflag:s20] =	ssyncadd.s32 $0xFFFFE0C0  }
0xf8: {  	[spmem:s2] =	stream.indirect.scatter.add.f32 [tilespmem:s0], [sflag:$0x2], $0x40, s8, s26, $0xb8;
	[tilespmem:$0x1EA00] =	vst v63  }
0xf9: {  	_ =	swait.ge [sflag:s20], $0x1F40  }
0xfa: {  	[sflag:s20] =	ssyncset.done $0x0  }
0xfb: {  	s9 =	sadd.s32 $0x2B00, s5;
	[sflag:s20] =	ssyncadd.s32 $0xFFFFE0C0  }
0xfc: {  	[spmem:s2] =	stream.indirect.scatter.add.f32 [tilespmem:s1], [sflag:$0x2], $0x40, s9, s26, $0xb8;
	[tilespmem:$0x1EA00] =	vst v63  }
0xfd: {  	_ =	swait.ge [sflag:s20], $0x1F40  }
0xfe: {  	[sflag:s20] =	ssyncset.done $0x0  }
0xff: {  	s5 =	sadd.s32 $0x2B80, s5;
	[sflag:s20] =	ssyncadd.s32 $0xFFFFE0C0  }
0x100: {  	[spmem:s2] =	stream.indirect.scatter.add.f32 [tilespmem:s3], [sflag:$0x2], $0x40, s5, s26, $0xb8;
	[tilespmem:$0x1EA00] =	vst v63  }
0x101: {  	_ =	swait.ge [sflag:s24], $0x1F40  }
0x102: {  	[sflag:s24] =	ssyncset.done $0x0  }
0x103: {  	[sflag:s24] =	ssyncadd.s32 $0xFFFFE0C0  }
0x104: {  	_ =	swait.ge [sflag:s24], $0x1F40  }
0x105: {  	[sflag:s24] =	ssyncset.done $0x0  }
0x106: {  	[sflag:s24] =	ssyncadd.s32 $0xFFFFE0C0  }
0x107: {  	_ =	swait.ge [sflag:s24], $0x1F40  }
0x108: {  	[sflag:s24] =	ssyncset.done $0x0  }
0x109: {  	[sflag:s24] =	ssyncadd.s32 $0xFFFFE0C0  }
0x10a: {  	_ =	swait.ge [sflag:s24], $0x1F40  }
0x10b: {  	[sflag:s24] =	ssyncset.done $0x0  }
0x10c: {  	[sflag:s24] =	ssyncadd.s32 $0xFFFFE0C0  }
0x10d: {  	_ =	swait.ge [sflag:s24], $0x1F40  }
0x10e: {  	[sflag:s24] =	ssyncset.done $0x0  }
0x10f: {  	[sflag:s24] =	ssyncadd.s32 $0xFFFFE0C0  }
0x110: {  	_ =	swait.ge [sflag:s24], $0x1F40  }
0x111: {  	[sflag:s24] =	ssyncset.done $0x0  }
0x112: {  	[sflag:s24] =	ssyncadd.s32 $0xFFFFE0C0  }
0x113: {  	_ =	swait.ge [sflag:s24], $0x1F40  }
0x114: {  	[sflag:s24] =	ssyncset.done $0x0  }
0x115: {  	[sflag:s24] =	ssyncadd.s32 $0xFFFFE0C0  }
0x116: {  	_ =	swait.ge [sflag:s24], $0x1F40  }
0x117: {  	[sflag:s24] =	ssyncset.done $0x0  }
0x118: {  	[sflag:s24] =	ssyncadd.s32 $0xFFFFE0C0  }
0x119: {  	_ =	swait.ge [sflag:s23], $0x1400  }
0x11a: {  	[sflag:s23] =	ssyncset.done $0x0  }
0x11b: {  	[sflag:s23] =	ssyncadd.s32 $0xFFFFEC00  }
0x11c: {  	_ =	swait.ge [sflag:s23], $0x1400  }
0x11d: {  	[sflag:s23] =	ssyncset.done $0x0  }
0x11e: {  	s8 =	simm.s32 $0x0;
	s9 =	rddreg [dreg:$0x7];
	[sflag:s23] =	ssyncadd.s32 $0xFFFFEC00  }
0x11f: {  	[tilespmem:s8], [sflag:$0x3] =	stream.linear.gather [hbm4b:s9+s8], $0x1400, $0x38;
	[tilespmem:$0x1EA00] =	vst v63  }
0x120: {  	_ = 	snop  }
0x121: {  	[tilespmem:s10], [sflag:$0x3] =	stream.linear.gather [hbm4b:s11+s8], $0x1400, $0x38;
	[tilespmem:$0x1EA00] =	vst v63  }
0x122: {  	s6 =	simm.s32 $0x1400  }
0x123: {  	[tilespmem:s21], [sflag:$0x1] =	stream.indirect.gather [hbm4b:s4+s26], $0x40, s6, s26, $0xb8;
	[tilespmem:$0x1EA00] =	vst v63  }
0x124: {  	s8 =	simm.s32 $0x1480  }
0x125: {  	[tilespmem:s28], [sflag:$0x1] =	stream.indirect.gather [hbm4b:s4+s26], $0x40, s8, s26, $0xb8;
	[tilespmem:$0x1EA00] =	vst v63  }
0x126: {  	s9 =	simm.s32 $0x1500  }
0x127: {  	[tilespmem:s29], [sflag:$0x1] =	stream.indirect.gather [hbm4b:s4+s26], $0x40, s9, s26, $0xb8;
	[tilespmem:$0x1EA00] =	vst v63  }
0x128: {  	s10 =	simm.s32 $0x1580  }
0x129: {  	[tilespmem:s30], [sflag:$0x1] =	stream.indirect.gather [hbm4b:s4+s26], $0x40, s10, s26, $0xb8;
	[tilespmem:$0x1EA00] =	vst v63  }
0x12a: {  	s6 =	simm.s32 $0x1600  }
0x12b: {  	[tilespmem:s31], [sflag:$0x1] =	stream.indirect.gather [hbm4b:s4+s26], $0x40, s6, s26, $0xb8;
	[tilespmem:$0x1EA00] =	vst v63  }
0x12c: {  	s8 =	simm.s32 $0x1680  }
0x12d: {  	[tilespmem:s0], [sflag:$0x1] =	stream.indirect.gather [hbm4b:s4+s26], $0x40, s8, s26, $0xb8;
	[tilespmem:$0x1EA00] =	vst v63  }
0x12e: {  	s9 =	simm.s32 $0x1700  }
0x12f: {  	[tilespmem:s1], [sflag:$0x1] =	stream.indirect.gather [hbm4b:s4+s26], $0x40, s9, s26, $0xb8;
	[tilespmem:$0x1EA00] =	vst v63  }
0x130: {  	s10 =	simm.s32 $0x1780  }
0x131: {  	[tilespmem:s3], [sflag:$0x1] =	stream.indirect.gather [hbm4b:s4+s26], $0x40, s10, s26, $0xb8;
	[tilespmem:$0x1EA00] =	vst v63  }
0x132: {  	_ =	swait.ge [sflag:s20], $0x1F40  }
0x133: {  	[sflag:s20] =	ssyncset.done $0x0  }
0x134: {  	s6 =	simm.s32 $0x3C00;
	[sflag:s20] =	ssyncadd.s32 $0xFFFFE0C0  }
0x135: {  	[spmem:s2] =	stream.indirect.scatter.add.f32 [tilespmem:s21], [sflag:$0x2], $0x40, s6, s26, $0xb8;
	[tilespmem:$0x1EA00] =	vst v63  }
0x136: {  	_ =	swait.ge [sflag:s20], $0x1F40  }
0x137: {  	[sflag:s20] =	ssyncset.done $0x0  }
0x138: {  	s8 =	simm.s32 $0x3C80;
	[sflag:s20] =	ssyncadd.s32 $0xFFFFE0C0  }
0x139: {  	[spmem:s2] =	stream.indirect.scatter.add.f32 [tilespmem:s28], [sflag:$0x2], $0x40, s8, s26, $0xb8;
	[tilespmem:$0x1EA00] =	vst v63  }
0x13a: {  	_ =	swait.ge [sflag:s20], $0x1F40  }
0x13b: {  	[sflag:s20] =	ssyncset.done $0x0  }
0x13c: {  	s9 =	simm.s32 $0x3D00;
	[sflag:s20] =	ssyncadd.s32 $0xFFFFE0C0  }
0x13d: {  	[spmem:s2] =	stream.indirect.scatter.add.f32 [tilespmem:s29], [sflag:$0x2], $0x40, s9, s26, $0xb8;
	[tilespmem:$0x1EA00] =	vst v63  }
0x13e: {  	_ =	swait.ge [sflag:s20], $0x1F40  }
0x13f: {  	[sflag:s20] =	ssyncset.done $0x0  }
0x140: {  	s10 =	simm.s32 $0x3D80;
	[sflag:s20] =	ssyncadd.s32 $0xFFFFE0C0  }
0x141: {  	[spmem:s2] =	stream.indirect.scatter.add.f32 [tilespmem:s30], [sflag:$0x2], $0x40, s10, s26, $0xb8;
	[tilespmem:$0x1EA00] =	vst v63  }
0x142: {  	_ =	swait.ge [sflag:s20], $0x1F40  }
0x143: {  	[sflag:s20] =	ssyncset.done $0x0  }
0x144: {  	s6 =	simm.s32 $0x3E00;
	[sflag:s20] =	ssyncadd.s32 $0xFFFFE0C0  }
0x145: {  	[spmem:s2] =	stream.indirect.scatter.add.f32 [tilespmem:s31], [sflag:$0x2], $0x40, s6, s26, $0xb8;
	[tilespmem:$0x1EA00] =	vst v63  }
0x146: {  	_ =	swait.ge [sflag:s20], $0x1F40  }
0x147: {  	[sflag:s20] =	ssyncset.done $0x0  }
0x148: {  	s8 =	simm.s32 $0x3E80;
	[sflag:s20] =	ssyncadd.s32 $0xFFFFE0C0  }
0x149: {  	[spmem:s2] =	stream.indirect.scatter.add.f32 [tilespmem:s0], [sflag:$0x2], $0x40, s8, s26, $0xb8;
	[tilespmem:$0x1EA00] =	vst v63  }
0x14a: {  	_ =	swait.ge [sflag:s20], $0x1F40  }
0x14b: {  	[sflag:s20] =	ssyncset.done $0x0  }
0x14c: {  	s9 =	simm.s32 $0x3F00;
	[sflag:s20] =	ssyncadd.s32 $0xFFFFE0C0  }
0x14d: {  	[spmem:s2] =	stream.indirect.scatter.add.f32 [tilespmem:s1], [sflag:$0x2], $0x40, s9, s26, $0xb8;
	[tilespmem:$0x1EA00] =	vst v63  }
0x14e: {  	_ =	swait.ge [sflag:s20], $0x1F40  }
0x14f: {  	[sflag:s20] =	ssyncset.done $0x0  }
0x150: {  	s10 =	simm.s32 $0x3F80;
	[sflag:s20] =	ssyncadd.s32 $0xFFFFE0C0  }
0x151: {  	[spmem:s2] =	stream.indirect.scatter.add.f32 [tilespmem:s3], [sflag:$0x2], $0x40, s10, s26, $0xb8;
	[tilespmem:$0x1EA00] =	vst v63  }
0x152: {  	_ =	swait.ge [sflag:s24], $0x1F40  }
0x153: {  	[sflag:s24] =	ssyncset.done $0x0  }
0x154: {  	[sflag:s24] =	ssyncadd.s32 $0xFFFFE0C0  }
0x155: {  	_ =	swait.ge [sflag:s24], $0x1F40  }
0x156: {  	[sflag:s24] =	ssyncset.done $0x0  }
0x157: {  	[sflag:s24] =	ssyncadd.s32 $0xFFFFE0C0  }
0x158: {  	_ =	swait.ge [sflag:s24], $0x1F40  }
0x159: {  	[sflag:s24] =	ssyncset.done $0x0  }
0x15a: {  	[sflag:s24] =	ssyncadd.s32 $0xFFFFE0C0  }
0x15b: {  	_ =	swait.ge [sflag:s24], $0x1F40  }
0x15c: {  	[sflag:s24] =	ssyncset.done $0x0  }
0x15d: {  	[sflag:s24] =	ssyncadd.s32 $0xFFFFE0C0  }
0x15e: {  	_ =	swait.ge [sflag:s24], $0x1F40  }
0x15f: {  	[sflag:s24] =	ssyncset.done $0x0  }
0x160: {  	[sflag:s24] =	ssyncadd.s32 $0xFFFFE0C0  }
0x161: {  	_ =	swait.ge [sflag:s24], $0x1F40  }
0x162: {  	[sflag:s24] =	ssyncset.done $0x0  }
0x163: {  	[sflag:s24] =	ssyncadd.s32 $0xFFFFE0C0  }
0x164: {  	_ =	swait.ge [sflag:s24], $0x1F40  }
0x165: {  	[sflag:s24] =	ssyncset.done $0x0  }
0x166: {  	[sflag:s24] =	ssyncadd.s32 $0xFFFFE0C0  }
0x167: {  	_ =	swait.ge [sflag:s24], $0x1F40  }
0x168: {  	s5 =	simm.s32 $0x400;
	s6 =	simm.s32 $0x2000;
	[sflag:s24] =	ssyncset.done $0x0  }
.LBB2_6:
0x169: {  	s10 =	sadd.s32 $0x1400, s5  }
0x16a: {  	[sflag:s24] =	ssyncadd.s32 $0xFFFFE0C0;
	s8 =	smov.u32 s6;
	s9 =	sadd.s32 $0x1000, s6  }
0x16b: {  	[tilespmem:s21], [sflag:$0x1] =	stream.indirect.gather [hbm4b:s4+s26], $0x40, s10, s26, $0xb8;
	[tilespmem:$0x1EA00] =	vst v63  }
0x16c: {  	p0 =	sne.s32 s6, $0x4000;
	s6 =	sadd.s32 $0x1480, s5  }
0x16d: {  	[tilespmem:s28], [sflag:$0x1] =	stream.indirect.gather [hbm4b:s4+s26], $0x40, s6, s26, $0xb8;
	[tilespmem:$0x1EA00] =	vst v63  }
0x16e: {  	s6 =	sadd.s32 $0x1500, s5  }
0x16f: {  	[tilespmem:s29], [sflag:$0x1] =	stream.indirect.gather [hbm4b:s4+s26], $0x40, s6, s26, $0xb8;
	[tilespmem:$0x1EA00] =	vst v63  }
0x170: {  	s6 =	sadd.s32 $0x1580, s5  }
0x171: {  	[tilespmem:s30], [sflag:$0x1] =	stream.indirect.gather [hbm4b:s4+s26], $0x40, s6, s26, $0xb8;
	[tilespmem:$0x1EA00] =	vst v63  }
0x172: {  	s6 =	sadd.s32 $0x1600, s5  }
0x173: {  	[tilespmem:s31], [sflag:$0x1] =	stream.indirect.gather [hbm4b:s4+s26], $0x40, s6, s26, $0xb8;
	[tilespmem:$0x1EA00] =	vst v63  }
0x174: {  	s6 =	sadd.s32 $0x1680, s5  }
0x175: {  	[tilespmem:s0], [sflag:$0x1] =	stream.indirect.gather [hbm4b:s4+s26], $0x40, s6, s26, $0xb8;
	[tilespmem:$0x1EA00] =	vst v63  }
0x176: {  	s6 =	sadd.s32 $0x1700, s5  }
0x177: {  	[tilespmem:s1], [sflag:$0x1] =	stream.indirect.gather [hbm4b:s4+s26], $0x40, s6, s26, $0xb8;
	[tilespmem:$0x1EA00] =	vst v63  }
0x178: {  	s6 =	sadd.s32 $0x1780, s5  }
0x179: {  	[tilespmem:s3], [sflag:$0x1] =	stream.indirect.gather [hbm4b:s4+s26], $0x40, s6, s26, $0xb8;
	[tilespmem:$0x1EA00] =	vst v63  }
0x17a: {  	_ =	swait.ge [sflag:s20], $0x1F40  }
0x17b: {  	[sflag:s20] =	ssyncset.done $0x0  }
0x17c: {  	s6 =	sadd.s32 $0x3C00, s5;
	[sflag:s20] =	ssyncadd.s32 $0xFFFFE0C0  }
0x17d: {  	[spmem:s2] =	stream.indirect.scatter.add.f32 [tilespmem:s21], [sflag:$0x2], $0x40, s6, s26, $0xb8;
	[tilespmem:$0x1EA00] =	vst v63  }
0x17e: {  	_ =	swait.ge [sflag:s20], $0x1F40  }
0x17f: {  	[sflag:s20] =	ssyncset.done $0x0  }
0x180: {  	s6 =	sadd.s32 $0x3C80, s5;
	[sflag:s20] =	ssyncadd.s32 $0xFFFFE0C0  }
0x181: {  	[spmem:s2] =	stream.indirect.scatter.add.f32 [tilespmem:s28], [sflag:$0x2], $0x40, s6, s26, $0xb8;
	[tilespmem:$0x1EA00] =	vst v63  }
0x182: {  	_ =	swait.ge [sflag:s20], $0x1F40  }
0x183: {  	[sflag:s20] =	ssyncset.done $0x0  }
0x184: {  	s6 =	sadd.s32 $0x3D00, s5;
	[sflag:s20] =	ssyncadd.s32 $0xFFFFE0C0  }
0x185: {  	[spmem:s2] =	stream.indirect.scatter.add.f32 [tilespmem:s29], [sflag:$0x2], $0x40, s6, s26, $0xb8;
	[tilespmem:$0x1EA00] =	vst v63  }
0x186: {  	_ =	swait.ge [sflag:s20], $0x1F40  }
0x187: {  	[sflag:s20] =	ssyncset.done $0x0  }
0x188: {  	s6 =	sadd.s32 $0x3D80, s5;
	[sflag:s20] =	ssyncadd.s32 $0xFFFFE0C0  }
0x189: {  	[spmem:s2] =	stream.indirect.scatter.add.f32 [tilespmem:s30], [sflag:$0x2], $0x40, s6, s26, $0xb8;
	[tilespmem:$0x1EA00] =	vst v63  }
0x18a: {  	_ =	swait.ge [sflag:s20], $0x1F40  }
0x18b: {  	[sflag:s20] =	ssyncset.done $0x0  }
0x18c: {  	s6 =	sadd.s32 $0x3E00, s5;
	[sflag:s20] =	ssyncadd.s32 $0xFFFFE0C0  }
0x18d: {  	[spmem:s2] =	stream.indirect.scatter.add.f32 [tilespmem:s31], [sflag:$0x2], $0x40, s6, s26, $0xb8;
	[tilespmem:$0x1EA00] =	vst v63  }
0x18e: {  	_ =	swait.ge [sflag:s20], $0x1F40  }
0x18f: {  	[sflag:s20] =	ssyncset.done $0x0  }
0x190: {  	s6 =	sadd.s32 $0x3E80, s5;
	[sflag:s20] =	ssyncadd.s32 $0xFFFFE0C0  }
0x191: {  	[spmem:s2] =	stream.indirect.scatter.add.f32 [tilespmem:s0], [sflag:$0x2], $0x40, s6, s26, $0xb8;
	[tilespmem:$0x1EA00] =	vst v63  }
0x192: {  	_ =	swait.ge [sflag:s20], $0x1F40  }
0x193: {  	[sflag:s20] =	ssyncset.done $0x0  }
0x194: {  	s6 =	sadd.s32 $0x3F00, s5;
	[sflag:s20] =	ssyncadd.s32 $0xFFFFE0C0  }
0x195: {  	[spmem:s2] =	stream.indirect.scatter.add.f32 [tilespmem:s1], [sflag:$0x2], $0x40, s6, s26, $0xb8;
	[tilespmem:$0x1EA00] =	vst v63  }
0x196: {  	_ =	swait.ge [sflag:s20], $0x1F40  }
0x197: {  	[sflag:s20] =	ssyncset.done $0x0  }
0x198: {  	s5 =	sadd.s32 $0x3F80, s5;
	[sflag:s20] =	ssyncadd.s32 $0xFFFFE0C0  }
0x199: {  	[spmem:s2] =	stream.indirect.scatter.add.f32 [tilespmem:s3], [sflag:$0x2], $0x40, s5, s26, $0xb8;
	[tilespmem:$0x1EA00] =	vst v63  }
0x19a: {  	_ =	swait.ge [sflag:s24], $0x1F40  }
0x19b: {  	[sflag:s24] =	ssyncset.done $0x0  }
0x19c: {  	[sflag:s24] =	ssyncadd.s32 $0xFFFFE0C0  }
0x19d: {  	_ =	swait.ge [sflag:s24], $0x1F40  }
0x19e: {  	[sflag:s24] =	ssyncset.done $0x0  }
0x19f: {  	[sflag:s24] =	ssyncadd.s32 $0xFFFFE0C0  }
0x1a0: {  	_ =	swait.ge [sflag:s24], $0x1F40  }
0x1a1: {  	[sflag:s24] =	ssyncset.done $0x0  }
0x1a2: {  	[sflag:s24] =	ssyncadd.s32 $0xFFFFE0C0  }
0x1a3: {  	_ =	swait.ge [sflag:s24], $0x1F40  }
0x1a4: {  	[sflag:s24] =	ssyncset.done $0x0  }
0x1a5: {  	[sflag:s24] =	ssyncadd.s32 $0xFFFFE0C0  }
0x1a6: {  	_ =	swait.ge [sflag:s24], $0x1F40  }
0x1a7: {  	[sflag:s24] =	ssyncset.done $0x0  }
0x1a8: {  	[sflag:s24] =	ssyncadd.s32 $0xFFFFE0C0  }
0x1a9: {  	_ =	swait.ge [sflag:s24], $0x1F40  }
0x1aa: {  	[sflag:s24] =	ssyncset.done $0x0  }
0x1ab: {  	[sflag:s24] =	ssyncadd.s32 $0xFFFFE0C0  }
.Ltmp2:
0x1ac: {  	_ =	swait.ge [sflag:s24], $0x1F40;
	(pc) =	sbr.rel @p0 .LBB2_6-.Ltmp2, $4  }
0x1ad: {  	[sflag:s24] =	ssyncset.done $0x0  }
0x1ae: {  	[sflag:s24] =	ssyncadd.s32 $0xFFFFE0C0  }
0x1af: {  	_ =	swait.ge [sflag:s24], $0x1F40  }
0x1b0: {  	s6 =	smov.u32 s9;
	s5 =	sshra.s32 s8, $0x2;
	[sflag:s24] =	ssyncset.done $0x0  }
0x1b1: {  	s6 =	sadd.s32 $0x1400, s5;
	[sflag:s24] =	ssyncadd.s32 $0xFFFFE0C0  }
0x1b2: {  	[tilespmem:s21], [sflag:$0x1] =	stream.indirect.gather [hbm4b:s4+s26], $0x40, s6, s26, $0xb8;
	[tilespmem:$0x1EA00] =	vst v63  }
0x1b3: {  	s9 =	sadd.s32 $0x1480, s5  }
0x1b4: {  	[tilespmem:s28], [sflag:$0x1] =	stream.indirect.gather [hbm4b:s4+s26], $0x40, s9, s26, $0xb8;
	[tilespmem:$0x1EA00] =	vst v63  }
0x1b5: {  	s10 =	sadd.s32 $0x1500, s5  }
0x1b6: {  	[tilespmem:s29], [sflag:$0x1] =	stream.indirect.gather [hbm4b:s4+s26], $0x40, s10, s26, $0xb8;
	[tilespmem:$0x1EA00] =	vst v63  }
0x1b7: {  	s8 =	sadd.s32 $0x1580, s5  }
0x1b8: {  	[tilespmem:s30], [sflag:$0x1] =	stream.indirect.gather [hbm4b:s4+s26], $0x40, s8, s26, $0xb8;
	[tilespmem:$0x1EA00] =	vst v63  }
0x1b9: {  	s9 =	sadd.s32 $0x1600, s5  }
0x1ba: {  	[tilespmem:s31], [sflag:$0x1] =	stream.indirect.gather [hbm4b:s4+s26], $0x40, s9, s26, $0xb8;
	[tilespmem:$0x1EA00] =	vst v63  }
0x1bb: {  	s10 =	sadd.s32 $0x1680, s5  }
0x1bc: {  	[tilespmem:s0], [sflag:$0x1] =	stream.indirect.gather [hbm4b:s4+s26], $0x40, s10, s26, $0xb8;
	[tilespmem:$0x1EA00] =	vst v63  }
0x1bd: {  	s8 =	sadd.s32 $0x1700, s5  }
0x1be: {  	[tilespmem:s1], [sflag:$0x1] =	stream.indirect.gather [hbm4b:s4+s26], $0x40, s8, s26, $0xb8;
	[tilespmem:$0x1EA00] =	vst v63  }
0x1bf: {  	s9 =	sadd.s32 $0x1780, s5  }
0x1c0: {  	[tilespmem:s3], [sflag:$0x1] =	stream.indirect.gather [hbm4b:s4+s26], $0x40, s9, s26, $0xb8;
	[tilespmem:$0x1EA00] =	vst v63  }
0x1c1: {  	_ =	swait.ge [sflag:s20], $0x1F40  }
0x1c2: {  	[sflag:s20] =	ssyncset.done $0x0  }
0x1c3: {  	s10 =	sadd.s32 $0x3C00, s5;
	[sflag:s20] =	ssyncadd.s32 $0xFFFFE0C0  }
0x1c4: {  	[spmem:s2] =	stream.indirect.scatter.add.f32 [tilespmem:s21], [sflag:$0x2], $0x40, s10, s26, $0xb8;
	[tilespmem:$0x1EA00] =	vst v63  }
0x1c5: {  	_ =	swait.ge [sflag:s20], $0x1F40  }
0x1c6: {  	[sflag:s20] =	ssyncset.done $0x0  }
0x1c7: {  	s8 =	sadd.s32 $0x3C80, s5;
	[sflag:s20] =	ssyncadd.s32 $0xFFFFE0C0  }
0x1c8: {  	[spmem:s2] =	stream.indirect.scatter.add.f32 [tilespmem:s28], [sflag:$0x2], $0x40, s8, s26, $0xb8;
	[tilespmem:$0x1EA00] =	vst v63  }
0x1c9: {  	_ =	swait.ge [sflag:s20], $0x1F40  }
0x1ca: {  	[sflag:s20] =	ssyncset.done $0x0  }
0x1cb: {  	s9 =	sadd.s32 $0x3D00, s5;
	[sflag:s20] =	ssyncadd.s32 $0xFFFFE0C0  }
0x1cc: {  	[spmem:s2] =	stream.indirect.scatter.add.f32 [tilespmem:s29], [sflag:$0x2], $0x40, s9, s26, $0xb8;
	[tilespmem:$0x1EA00] =	vst v63  }
0x1cd: {  	_ =	swait.ge [sflag:s20], $0x1F40  }
0x1ce: {  	[sflag:s20] =	ssyncset.done $0x0  }
0x1cf: {  	s10 =	sadd.s32 $0x3D80, s5;
	[sflag:s20] =	ssyncadd.s32 $0xFFFFE0C0  }
0x1d0: {  	[spmem:s2] =	stream.indirect.scatter.add.f32 [tilespmem:s30], [sflag:$0x2], $0x40, s10, s26, $0xb8;
	[tilespmem:$0x1EA00] =	vst v63  }
0x1d1: {  	_ =	swait.ge [sflag:s20], $0x1F40  }
0x1d2: {  	[sflag:s20] =	ssyncset.done $0x0  }
0x1d3: {  	s8 =	sadd.s32 $0x3E00, s5;
	[sflag:s20] =	ssyncadd.s32 $0xFFFFE0C0  }
0x1d4: {  	[spmem:s2] =	stream.indirect.scatter.add.f32 [tilespmem:s31], [sflag:$0x2], $0x40, s8, s26, $0xb8;
	[tilespmem:$0x1EA00] =	vst v63  }
0x1d5: {  	_ =	swait.ge [sflag:s20], $0x1F40  }
0x1d6: {  	[sflag:s20] =	ssyncset.done $0x0  }
0x1d7: {  	s9 =	sadd.s32 $0x3E80, s5;
	[sflag:s20] =	ssyncadd.s32 $0xFFFFE0C0  }
0x1d8: {  	[spmem:s2] =	stream.indirect.scatter.add.f32 [tilespmem:s0], [sflag:$0x2], $0x40, s9, s26, $0xb8;
	[tilespmem:$0x1EA00] =	vst v63  }
0x1d9: {  	_ =	swait.ge [sflag:s20], $0x1F40  }
0x1da: {  	[sflag:s20] =	ssyncset.done $0x0  }
0x1db: {  	s10 =	sadd.s32 $0x3F00, s5;
	[sflag:s20] =	ssyncadd.s32 $0xFFFFE0C0  }
0x1dc: {  	[spmem:s2] =	stream.indirect.scatter.add.f32 [tilespmem:s1], [sflag:$0x2], $0x40, s10, s26, $0xb8;
	[tilespmem:$0x1EA00] =	vst v63  }
0x1dd: {  	_ =	swait.ge [sflag:s20], $0x1F40  }
0x1de: {  	[sflag:s20] =	ssyncset.done $0x0  }
0x1df: {  	s6 =	sadd.s32 $0x3F80, s5;
	[sflag:s20] =	ssyncadd.s32 $0xFFFFE0C0  }
0x1e0: {  	[spmem:s2] =	stream.indirect.scatter.add.f32 [tilespmem:s3], [sflag:$0x2], $0x40, s6, s26, $0xb8;
	[tilespmem:$0x1EA00] =	vst v63  }
0x1e1: {  	_ =	swait.ge [sflag:s24], $0x1F40  }
0x1e2: {  	[sflag:s24] =	ssyncset.done $0x0  }
0x1e3: {  	[sflag:s24] =	ssyncadd.s32 $0xFFFFE0C0  }
0x1e4: {  	_ =	swait.ge [sflag:s24], $0x1F40  }
0x1e5: {  	[sflag:s24] =	ssyncset.done $0x0  }
0x1e6: {  	[sflag:s24] =	ssyncadd.s32 $0xFFFFE0C0  }
0x1e7: {  	_ =	swait.ge [sflag:s24], $0x1F40  }
0x1e8: {  	[sflag:s24] =	ssyncset.done $0x0  }
0x1e9: {  	[sflag:s24] =	ssyncadd.s32 $0xFFFFE0C0  }
0x1ea: {  	_ =	swait.ge [sflag:s24], $0x1F40  }
0x1eb: {  	[sflag:s24] =	ssyncset.done $0x0  }
0x1ec: {  	[sflag:s24] =	ssyncadd.s32 $0xFFFFE0C0  }
0x1ed: {  	_ =	swait.ge [sflag:s24], $0x1F40  }
0x1ee: {  	[sflag:s24] =	ssyncset.done $0x0  }
0x1ef: {  	[sflag:s24] =	ssyncadd.s32 $0xFFFFE0C0  }
0x1f0: {  	_ =	swait.ge [sflag:s24], $0x1F40  }
0x1f1: {  	[sflag:s24] =	ssyncset.done $0x0  }
0x1f2: {  	[sflag:s24] =	ssyncadd.s32 $0xFFFFE0C0  }
0x1f3: {  	_ =	swait.ge [sflag:s24], $0x1F40  }
0x1f4: {  	[sflag:s24] =	ssyncset.done $0x0  }
0x1f5: {  	[sflag:s24] =	ssyncadd.s32 $0xFFFFE0C0  }
0x1f6: {  	_ =	swait.ge [sflag:s24], $0x1F40  }
0x1f7: {  	[sflag:s24] =	ssyncset.done $0x0  }
0x1f8: {  	[sflag:s24] =	ssyncadd.s32 $0xFFFFE0C0  }
0x1f9: {  	_ =	swait.ge [sflag:s23], $0x1400  }
0x1fa: {  	[sflag:s23] =	ssyncset.done $0x0  }
0x1fb: {  	[sflag:s23] =	ssyncadd.s32 $0xFFFFEC00  }
0x1fc: {  	_ =	swait.ge [sflag:s23], $0x1400  }
0x1fd: {  	[sflag:s23] =	ssyncset.done $0x0  }
0x1fe: {  	s8 =	simm.s32 $0x0;
	s9 =	simm.s32 $0x1400;
	[sflag:s23] =	ssyncadd.s32 $0xFFFFEC00  }
0x1ff: {  	[tilespmem:s9], [sflag:$0x3] =	stream.linear.gather [hbm4b:s12+s8], $0x1400, $0x38;
	[tilespmem:$0x1EA00] =	vst v63  }
0x200: {  	s10 =	simm.s32 $0x3C00  }
0x201: {  	[tilespmem:s10], [sflag:$0x3] =	stream.linear.gather [hbm4b:s13+s8], $0x1400, $0x38;
	[tilespmem:$0x1EA00] =	vst v63  }
0x202: {  	s6 =	simm.s32 $0x0  }
0x203: {  	[tilespmem:s21], [sflag:$0x1] =	stream.indirect.gather [hbm4b:s4+s26], $0x40, s6, s26, $0xb8;
	[tilespmem:$0x1EA00] =	vst v63  }
0x204: {  	s8 =	simm.s32 $0x80  }
0x205: {  	[tilespmem:s28], [sflag:$0x1] =	stream.indirect.gather [hbm4b:s4+s26], $0x40, s8, s26, $0xb8;
	[tilespmem:$0x1EA00] =	vst v63  }
0x206: {  	s9 =	simm.s32 $0x100  }
0x207: {  	[tilespmem:s29], [sflag:$0x1] =	stream.indirect.gather [hbm4b:s4+s26], $0x40, s9, s26, $0xb8;
	[tilespmem:$0x1EA00] =	vst v63  }
0x208: {  	s10 =	simm.s32 $0x180  }
0x209: {  	[tilespmem:s30], [sflag:$0x1] =	stream.indirect.gather [hbm4b:s4+s26], $0x40, s10, s26, $0xb8;
	[tilespmem:$0x1EA00] =	vst v63  }
0x20a: {  	s6 =	simm.s32 $0x200  }
0x20b: {  	[tilespmem:s31], [sflag:$0x1] =	stream.indirect.gather [hbm4b:s4+s26], $0x40, s6, s26, $0xb8;
	[tilespmem:$0x1EA00] =	vst v63  }
0x20c: {  	s8 =	simm.s32 $0x280  }
0x20d: {  	[tilespmem:s0], [sflag:$0x1] =	stream.indirect.gather [hbm4b:s4+s26], $0x40, s8, s26, $0xb8;
	[tilespmem:$0x1EA00] =	vst v63  }
0x20e: {  	s9 =	simm.s32 $0x300  }
0x20f: {  	[tilespmem:s1], [sflag:$0x1] =	stream.indirect.gather [hbm4b:s4+s26], $0x40, s9, s26, $0xb8;
	[tilespmem:$0x1EA00] =	vst v63  }
0x210: {  	s10 =	simm.s32 $0x380  }
0x211: {  	[tilespmem:s3], [sflag:$0x1] =	stream.indirect.gather [hbm4b:s4+s26], $0x40, s10, s26, $0xb8;
	[tilespmem:$0x1EA00] =	vst v63  }
0x212: {  	_ =	swait.ge [sflag:s20], $0x1F40  }
0x213: {  	[sflag:s20] =	ssyncset.done $0x0  }
0x214: {  	s6 =	simm.s32 $0x2800;
	[sflag:s20] =	ssyncadd.s32 $0xFFFFE0C0  }
0x215: {  	[spmem:s2] =	stream.indirect.scatter.add.f32 [tilespmem:s21], [sflag:$0x2], $0x40, s6, s26, $0xb8;
	[tilespmem:$0x1EA00] =	vst v63  }
0x216: {  	_ =	swait.ge [sflag:s20], $0x1F40  }
0x217: {  	[sflag:s20] =	ssyncset.done $0x0  }
0x218: {  	s8 =	simm.s32 $0x2880;
	[sflag:s20] =	ssyncadd.s32 $0xFFFFE0C0  }
0x219: {  	[spmem:s2] =	stream.indirect.scatter.add.f32 [tilespmem:s28], [sflag:$0x2], $0x40, s8, s26, $0xb8;
	[tilespmem:$0x1EA00] =	vst v63  }
0x21a: {  	_ =	swait.ge [sflag:s20], $0x1F40  }
0x21b: {  	[sflag:s20] =	ssyncset.done $0x0  }
0x21c: {  	s9 =	simm.s32 $0x2900;
	[sflag:s20] =	ssyncadd.s32 $0xFFFFE0C0  }
0x21d: {  	[spmem:s2] =	stream.indirect.scatter.add.f32 [tilespmem:s29], [sflag:$0x2], $0x40, s9, s26, $0xb8;
	[tilespmem:$0x1EA00] =	vst v63  }
0x21e: {  	_ =	swait.ge [sflag:s20], $0x1F40  }
0x21f: {  	[sflag:s20] =	ssyncset.done $0x0  }
0x220: {  	s10 =	simm.s32 $0x2980;
	[sflag:s20] =	ssyncadd.s32 $0xFFFFE0C0  }
0x221: {  	[spmem:s2] =	stream.indirect.scatter.add.f32 [tilespmem:s30], [sflag:$0x2], $0x40, s10, s26, $0xb8;
	[tilespmem:$0x1EA00] =	vst v63  }
0x222: {  	_ =	swait.ge [sflag:s20], $0x1F40  }
0x223: {  	[sflag:s20] =	ssyncset.done $0x0  }
0x224: {  	s6 =	simm.s32 $0x2A00;
	[sflag:s20] =	ssyncadd.s32 $0xFFFFE0C0  }
0x225: {  	[spmem:s2] =	stream.indirect.scatter.add.f32 [tilespmem:s31], [sflag:$0x2], $0x40, s6, s26, $0xb8;
	[tilespmem:$0x1EA00] =	vst v63  }
0x226: {  	_ =	swait.ge [sflag:s20], $0x1F40  }
0x227: {  	[sflag:s20] =	ssyncset.done $0x0  }
0x228: {  	s8 =	simm.s32 $0x2A80;
	[sflag:s20] =	ssyncadd.s32 $0xFFFFE0C0  }
0x229: {  	[spmem:s2] =	stream.indirect.scatter.add.f32 [tilespmem:s0], [sflag:$0x2], $0x40, s8, s26, $0xb8;
	[tilespmem:$0x1EA00] =	vst v63  }
0x22a: {  	_ =	swait.ge [sflag:s20], $0x1F40  }
0x22b: {  	[sflag:s20] =	ssyncset.done $0x0  }
0x22c: {  	s9 =	simm.s32 $0x2B00;
	[sflag:s20] =	ssyncadd.s32 $0xFFFFE0C0  }
0x22d: {  	[spmem:s2] =	stream.indirect.scatter.add.f32 [tilespmem:s1], [sflag:$0x2], $0x40, s9, s26, $0xb8;
	[tilespmem:$0x1EA00] =	vst v63  }
0x22e: {  	_ =	swait.ge [sflag:s20], $0x1F40  }
0x22f: {  	[sflag:s20] =	ssyncset.done $0x0  }
0x230: {  	s10 =	simm.s32 $0x2B80;
	[sflag:s20] =	ssyncadd.s32 $0xFFFFE0C0  }
0x231: {  	[spmem:s2] =	stream.indirect.scatter.add.f32 [tilespmem:s3], [sflag:$0x2], $0x40, s10, s26, $0xb8;
	[tilespmem:$0x1EA00] =	vst v63  }
0x232: {  	_ =	swait.ge [sflag:s24], $0x1F40  }
0x233: {  	[sflag:s24] =	ssyncset.done $0x0  }
0x234: {  	[sflag:s24] =	ssyncadd.s32 $0xFFFFE0C0  }
0x235: {  	_ =	swait.ge [sflag:s24], $0x1F40  }
0x236: {  	[sflag:s24] =	ssyncset.done $0x0  }
0x237: {  	[sflag:s24] =	ssyncadd.s32 $0xFFFFE0C0  }
0x238: {  	_ =	swait.ge [sflag:s24], $0x1F40  }
0x239: {  	[sflag:s24] =	ssyncset.done $0x0  }
0x23a: {  	[sflag:s24] =	ssyncadd.s32 $0xFFFFE0C0  }
0x23b: {  	_ =	swait.ge [sflag:s24], $0x1F40  }
0x23c: {  	[sflag:s24] =	ssyncset.done $0x0  }
0x23d: {  	[sflag:s24] =	ssyncadd.s32 $0xFFFFE0C0  }
0x23e: {  	_ =	swait.ge [sflag:s24], $0x1F40  }
0x23f: {  	[sflag:s24] =	ssyncset.done $0x0  }
0x240: {  	[sflag:s24] =	ssyncadd.s32 $0xFFFFE0C0  }
0x241: {  	_ =	swait.ge [sflag:s24], $0x1F40  }
0x242: {  	[sflag:s24] =	ssyncset.done $0x0  }
0x243: {  	[sflag:s24] =	ssyncadd.s32 $0xFFFFE0C0  }
0x244: {  	_ =	swait.ge [sflag:s24], $0x1F40  }
0x245: {  	[sflag:s24] =	ssyncset.done $0x0  }
0x246: {  	[sflag:s24] =	ssyncadd.s32 $0xFFFFE0C0  }
0x247: {  	_ =	swait.ge [sflag:s24], $0x1F40  }
0x248: {  	s5 =	simm.s32 $0x1000;
	s9 =	simm.s32 $0x2000;
	[sflag:s24] =	ssyncset.done $0x0  }
.LBB2_8:
0x249: {  	s8 =	sshra.s32 s5, $0x2  }
0x24a: {  	[sflag:s24] =	ssyncadd.s32 $0xFFFFE0C0;
	s5 =	smov.u32 s9;
	s6 =	sadd.s32 $0x1000, s9  }
0x24b: {  	[tilespmem:s21], [sflag:$0x1] =	stream.indirect.gather [hbm4b:s4+s26], $0x40, s8, s26, $0xb8;
	[tilespmem:$0x1EA00] =	vst v63  }
0x24c: {  	p0 =	sne.s32 s9, $0x4000;
	s9 =	sadd.s32 $0x80, s8  }
0x24d: {  	[tilespmem:s28], [sflag:$0x1] =	stream.indirect.gather [hbm4b:s4+s26], $0x40, s9, s26, $0xb8;
	[tilespmem:$0x1EA00] =	vst v63  }
0x24e: {  	s9 =	sadd.s32 $0x100, s8  }
0x24f: {  	[tilespmem:s29], [sflag:$0x1] =	stream.indirect.gather [hbm4b:s4+s26], $0x40, s9, s26, $0xb8;
	[tilespmem:$0x1EA00] =	vst v63  }
0x250: {  	s9 =	sadd.s32 $0x180, s8  }
0x251: {  	[tilespmem:s30], [sflag:$0x1] =	stream.indirect.gather [hbm4b:s4+s26], $0x40, s9, s26, $0xb8;
	[tilespmem:$0x1EA00] =	vst v63  }
0x252: {  	s9 =	sadd.s32 $0x200, s8  }
0x253: {  	[tilespmem:s31], [sflag:$0x1] =	stream.indirect.gather [hbm4b:s4+s26], $0x40, s9, s26, $0xb8;
	[tilespmem:$0x1EA00] =	vst v63  }
0x254: {  	s9 =	sadd.s32 $0x280, s8  }
0x255: {  	[tilespmem:s0], [sflag:$0x1] =	stream.indirect.gather [hbm4b:s4+s26], $0x40, s9, s26, $0xb8;
	[tilespmem:$0x1EA00] =	vst v63  }
0x256: {  	s9 =	sadd.s32 $0x300, s8  }
0x257: {  	[tilespmem:s1], [sflag:$0x1] =	stream.indirect.gather [hbm4b:s4+s26], $0x40, s9, s26, $0xb8;
	[tilespmem:$0x1EA00] =	vst v63  }
0x258: {  	s9 =	sadd.s32 $0x380, s8  }
0x259: {  	[tilespmem:s3], [sflag:$0x1] =	stream.indirect.gather [hbm4b:s4+s26], $0x40, s9, s26, $0xb8;
	[tilespmem:$0x1EA00] =	vst v63  }
0x25a: {  	_ =	swait.ge [sflag:s20], $0x1F40  }
0x25b: {  	[sflag:s20] =	ssyncset.done $0x0  }
0x25c: {  	s9 =	sadd.s32 $0x2800, s8;
	[sflag:s20] =	ssyncadd.s32 $0xFFFFE0C0  }
0x25d: {  	[spmem:s2] =	stream.indirect.scatter.add.f32 [tilespmem:s21], [sflag:$0x2], $0x40, s9, s26, $0xb8;
	[tilespmem:$0x1EA00] =	vst v63  }
0x25e: {  	_ =	swait.ge [sflag:s20], $0x1F40  }
0x25f: {  	[sflag:s20] =	ssyncset.done $0x0  }
0x260: {  	s9 =	sadd.s32 $0x2880, s8;
	[sflag:s20] =	ssyncadd.s32 $0xFFFFE0C0  }
0x261: {  	[spmem:s2] =	stream.indirect.scatter.add.f32 [tilespmem:s28], [sflag:$0x2], $0x40, s9, s26, $0xb8;
	[tilespmem:$0x1EA00] =	vst v63  }
0x262: {  	_ =	swait.ge [sflag:s20], $0x1F40  }
0x263: {  	[sflag:s20] =	ssyncset.done $0x0  }
0x264: {  	s9 =	sadd.s32 $0x2900, s8;
	[sflag:s20] =	ssyncadd.s32 $0xFFFFE0C0  }
0x265: {  	[spmem:s2] =	stream.indirect.scatter.add.f32 [tilespmem:s29], [sflag:$0x2], $0x40, s9, s26, $0xb8;
	[tilespmem:$0x1EA00] =	vst v63  }
0x266: {  	_ =	swait.ge [sflag:s20], $0x1F40  }
0x267: {  	[sflag:s20] =	ssyncset.done $0x0  }
0x268: {  	s9 =	sadd.s32 $0x2980, s8;
	[sflag:s20] =	ssyncadd.s32 $0xFFFFE0C0  }
0x269: {  	[spmem:s2] =	stream.indirect.scatter.add.f32 [tilespmem:s30], [sflag:$0x2], $0x40, s9, s26, $0xb8;
	[tilespmem:$0x1EA00] =	vst v63  }
0x26a: {  	_ =	swait.ge [sflag:s20], $0x1F40  }
0x26b: {  	[sflag:s20] =	ssyncset.done $0x0  }
0x26c: {  	s9 =	sadd.s32 $0x2A00, s8;
	[sflag:s20] =	ssyncadd.s32 $0xFFFFE0C0  }
0x26d: {  	[spmem:s2] =	stream.indirect.scatter.add.f32 [tilespmem:s31], [sflag:$0x2], $0x40, s9, s26, $0xb8;
	[tilespmem:$0x1EA00] =	vst v63  }
0x26e: {  	_ =	swait.ge [sflag:s20], $0x1F40  }
0x26f: {  	[sflag:s20] =	ssyncset.done $0x0  }
0x270: {  	s9 =	sadd.s32 $0x2A80, s8;
	[sflag:s20] =	ssyncadd.s32 $0xFFFFE0C0  }
0x271: {  	[spmem:s2] =	stream.indirect.scatter.add.f32 [tilespmem:s0], [sflag:$0x2], $0x40, s9, s26, $0xb8;
	[tilespmem:$0x1EA00] =	vst v63  }
0x272: {  	_ =	swait.ge [sflag:s20], $0x1F40  }
0x273: {  	[sflag:s20] =	ssyncset.done $0x0  }
0x274: {  	s9 =	sadd.s32 $0x2B00, s8;
	[sflag:s20] =	ssyncadd.s32 $0xFFFFE0C0  }
0x275: {  	[spmem:s2] =	stream.indirect.scatter.add.f32 [tilespmem:s1], [sflag:$0x2], $0x40, s9, s26, $0xb8;
	[tilespmem:$0x1EA00] =	vst v63  }
0x276: {  	_ =	swait.ge [sflag:s20], $0x1F40  }
0x277: {  	[sflag:s20] =	ssyncset.done $0x0  }
0x278: {  	s8 =	sadd.s32 $0x2B80, s8;
	[sflag:s20] =	ssyncadd.s32 $0xFFFFE0C0  }
0x279: {  	[spmem:s2] =	stream.indirect.scatter.add.f32 [tilespmem:s3], [sflag:$0x2], $0x40, s8, s26, $0xb8;
	[tilespmem:$0x1EA00] =	vst v63  }
0x27a: {  	_ =	swait.ge [sflag:s24], $0x1F40  }
0x27b: {  	[sflag:s24] =	ssyncset.done $0x0  }
0x27c: {  	[sflag:s24] =	ssyncadd.s32 $0xFFFFE0C0  }
0x27d: {  	_ =	swait.ge [sflag:s24], $0x1F40  }
0x27e: {  	[sflag:s24] =	ssyncset.done $0x0  }
0x27f: {  	[sflag:s24] =	ssyncadd.s32 $0xFFFFE0C0  }
0x280: {  	_ =	swait.ge [sflag:s24], $0x1F40  }
0x281: {  	[sflag:s24] =	ssyncset.done $0x0  }
0x282: {  	[sflag:s24] =	ssyncadd.s32 $0xFFFFE0C0  }
0x283: {  	_ =	swait.ge [sflag:s24], $0x1F40  }
0x284: {  	[sflag:s24] =	ssyncset.done $0x0  }
0x285: {  	[sflag:s24] =	ssyncadd.s32 $0xFFFFE0C0  }
0x286: {  	_ =	swait.ge [sflag:s24], $0x1F40  }
0x287: {  	[sflag:s24] =	ssyncset.done $0x0  }
0x288: {  	[sflag:s24] =	ssyncadd.s32 $0xFFFFE0C0  }
0x289: {  	_ =	swait.ge [sflag:s24], $0x1F40  }
0x28a: {  	[sflag:s24] =	ssyncset.done $0x0  }
0x28b: {  	[sflag:s24] =	ssyncadd.s32 $0xFFFFE0C0  }
.Ltmp3:
0x28c: {  	_ =	swait.ge [sflag:s24], $0x1F40;
	(pc) =	sbr.rel @p0 .LBB2_8-.Ltmp3, $4  }
0x28d: {  	[sflag:s24] =	ssyncset.done $0x0  }
0x28e: {  	[sflag:s24] =	ssyncadd.s32 $0xFFFFE0C0  }
0x28f: {  	_ =	swait.ge [sflag:s24], $0x1F40  }
0x290: {  	s9 =	smov.u32 s6;
	[sflag:s24] =	ssyncset.done $0x0  }
0x291: {  	s5 =	sshra.s32 s5, $0x2;
	[sflag:s24] =	ssyncadd.s32 $0xFFFFE0C0  }
0x292: {  	[tilespmem:s21], [sflag:$0x1] =	stream.indirect.gather [hbm4b:s4+s26], $0x40, s5, s26, $0xb8;
	[tilespmem:$0x1EA00] =	vst v63  }
0x293: {  	s6 =	sadd.s32 $0x80, s5  }
0x294: {  	[tilespmem:s28], [sflag:$0x1] =	stream.indirect.gather [hbm4b:s4+s26], $0x40, s6, s26, $0xb8;
	[tilespmem:$0x1EA00] =	vst v63  }
0x295: {  	s10 =	sadd.s32 $0x100, s5  }
0x296: {  	[tilespmem:s29], [sflag:$0x1] =	stream.indirect.gather [hbm4b:s4+s26], $0x40, s10, s26, $0xb8;
	[tilespmem:$0x1EA00] =	vst v63  }
0x297: {  	s8 =	sadd.s32 $0x180, s5  }
0x298: {  	[tilespmem:s30], [sflag:$0x1] =	stream.indirect.gather [hbm4b:s4+s26], $0x40, s8, s26, $0xb8;
	[tilespmem:$0x1EA00] =	vst v63  }
0x299: {  	s9 =	sadd.s32 $0x200, s5  }
0x29a: {  	[tilespmem:s31], [sflag:$0x1] =	stream.indirect.gather [hbm4b:s4+s26], $0x40, s9, s26, $0xb8;
	[tilespmem:$0x1EA00] =	vst v63  }
0x29b: {  	s10 =	sadd.s32 $0x280, s5  }
0x29c: {  	[tilespmem:s0], [sflag:$0x1] =	stream.indirect.gather [hbm4b:s4+s26], $0x40, s10, s26, $0xb8;
	[tilespmem:$0x1EA00] =	vst v63  }
0x29d: {  	s8 =	sadd.s32 $0x300, s5  }
0x29e: {  	[tilespmem:s1], [sflag:$0x1] =	stream.indirect.gather [hbm4b:s4+s26], $0x40, s8, s26, $0xb8;
	[tilespmem:$0x1EA00] =	vst v63  }
0x29f: {  	s9 =	sadd.s32 $0x380, s5  }
0x2a0: {  	[tilespmem:s3], [sflag:$0x1] =	stream.indirect.gather [hbm4b:s4+s26], $0x40, s9, s26, $0xb8;
	[tilespmem:$0x1EA00] =	vst v63  }
0x2a1: {  	_ =	swait.ge [sflag:s20], $0x1F40  }
0x2a2: {  	[sflag:s20] =	ssyncset.done $0x0  }
0x2a3: {  	s10 =	sadd.s32 $0x2800, s5;
	[sflag:s20] =	ssyncadd.s32 $0xFFFFE0C0  }
0x2a4: {  	[spmem:s2] =	stream.indirect.scatter.add.f32 [tilespmem:s21], [sflag:$0x2], $0x40, s10, s26, $0xb8;
	[tilespmem:$0x1EA00] =	vst v63  }
0x2a5: {  	_ =	swait.ge [sflag:s20], $0x1F40  }
0x2a6: {  	[sflag:s20] =	ssyncset.done $0x0  }
0x2a7: {  	s8 =	sadd.s32 $0x2880, s5;
	[sflag:s20] =	ssyncadd.s32 $0xFFFFE0C0  }
0x2a8: {  	[spmem:s2] =	stream.indirect.scatter.add.f32 [tilespmem:s28], [sflag:$0x2], $0x40, s8, s26, $0xb8;
	[tilespmem:$0x1EA00] =	vst v63  }
0x2a9: {  	_ =	swait.ge [sflag:s20], $0x1F40  }
0x2aa: {  	[sflag:s20] =	ssyncset.done $0x0  }
0x2ab: {  	s9 =	sadd.s32 $0x2900, s5;
	[sflag:s20] =	ssyncadd.s32 $0xFFFFE0C0  }
0x2ac: {  	[spmem:s2] =	stream.indirect.scatter.add.f32 [tilespmem:s29], [sflag:$0x2], $0x40, s9, s26, $0xb8;
	[tilespmem:$0x1EA00] =	vst v63  }
0x2ad: {  	_ =	swait.ge [sflag:s20], $0x1F40  }
0x2ae: {  	[sflag:s20] =	ssyncset.done $0x0  }
0x2af: {  	s10 =	sadd.s32 $0x2980, s5;
	[sflag:s20] =	ssyncadd.s32 $0xFFFFE0C0  }
0x2b0: {  	[spmem:s2] =	stream.indirect.scatter.add.f32 [tilespmem:s30], [sflag:$0x2], $0x40, s10, s26, $0xb8;
	[tilespmem:$0x1EA00] =	vst v63  }
0x2b1: {  	_ =	swait.ge [sflag:s20], $0x1F40  }
0x2b2: {  	[sflag:s20] =	ssyncset.done $0x0  }
0x2b3: {  	s8 =	sadd.s32 $0x2A00, s5;
	[sflag:s20] =	ssyncadd.s32 $0xFFFFE0C0  }
0x2b4: {  	[spmem:s2] =	stream.indirect.scatter.add.f32 [tilespmem:s31], [sflag:$0x2], $0x40, s8, s26, $0xb8;
	[tilespmem:$0x1EA00] =	vst v63  }
0x2b5: {  	_ =	swait.ge [sflag:s20], $0x1F40  }
0x2b6: {  	[sflag:s20] =	ssyncset.done $0x0  }
0x2b7: {  	s9 =	sadd.s32 $0x2A80, s5;
	[sflag:s20] =	ssyncadd.s32 $0xFFFFE0C0  }
0x2b8: {  	[spmem:s2] =	stream.indirect.scatter.add.f32 [tilespmem:s0], [sflag:$0x2], $0x40, s9, s26, $0xb8;
	[tilespmem:$0x1EA00] =	vst v63  }
0x2b9: {  	_ =	swait.ge [sflag:s20], $0x1F40  }
0x2ba: {  	[sflag:s20] =	ssyncset.done $0x0  }
0x2bb: {  	s10 =	sadd.s32 $0x2B00, s5;
	[sflag:s20] =	ssyncadd.s32 $0xFFFFE0C0  }
0x2bc: {  	[spmem:s2] =	stream.indirect.scatter.add.f32 [tilespmem:s1], [sflag:$0x2], $0x40, s10, s26, $0xb8;
	[tilespmem:$0x1EA00] =	vst v63  }
0x2bd: {  	_ =	swait.ge [sflag:s20], $0x1F40  }
0x2be: {  	[sflag:s20] =	ssyncset.done $0x0  }
0x2bf: {  	s5 =	sadd.s32 $0x2B80, s5;
	[sflag:s20] =	ssyncadd.s32 $0xFFFFE0C0  }
0x2c0: {  	[spmem:s2] =	stream.indirect.scatter.add.f32 [tilespmem:s3], [sflag:$0x2], $0x40, s5, s26, $0xb8;
	[tilespmem:$0x1EA00] =	vst v63  }
0x2c1: {  	_ =	swait.ge [sflag:s24], $0x1F40  }
0x2c2: {  	[sflag:s24] =	ssyncset.done $0x0  }
0x2c3: {  	[sflag:s24] =	ssyncadd.s32 $0xFFFFE0C0  }
0x2c4: {  	_ =	swait.ge [sflag:s24], $0x1F40  }
0x2c5: {  	[sflag:s24] =	ssyncset.done $0x0  }
0x2c6: {  	[sflag:s24] =	ssyncadd.s32 $0xFFFFE0C0  }
0x2c7: {  	_ =	swait.ge [sflag:s24], $0x1F40  }
0x2c8: {  	[sflag:s24] =	ssyncset.done $0x0  }
0x2c9: {  	[sflag:s24] =	ssyncadd.s32 $0xFFFFE0C0  }
0x2ca: {  	_ =	swait.ge [sflag:s24], $0x1F40  }
0x2cb: {  	[sflag:s24] =	ssyncset.done $0x0  }
0x2cc: {  	[sflag:s24] =	ssyncadd.s32 $0xFFFFE0C0  }
0x2cd: {  	_ =	swait.ge [sflag:s24], $0x1F40  }
0x2ce: {  	[sflag:s24] =	ssyncset.done $0x0  }
0x2cf: {  	[sflag:s24] =	ssyncadd.s32 $0xFFFFE0C0  }
0x2d0: {  	_ =	swait.ge [sflag:s24], $0x1F40  }
0x2d1: {  	[sflag:s24] =	ssyncset.done $0x0  }
0x2d2: {  	[sflag:s24] =	ssyncadd.s32 $0xFFFFE0C0  }
0x2d3: {  	_ =	swait.ge [sflag:s24], $0x1F40  }
0x2d4: {  	[sflag:s24] =	ssyncset.done $0x0  }
0x2d5: {  	[sflag:s24] =	ssyncadd.s32 $0xFFFFE0C0  }
0x2d6: {  	_ =	swait.ge [sflag:s24], $0x1F40  }
0x2d7: {  	[sflag:s24] =	ssyncset.done $0x0  }
0x2d8: {  	[sflag:s24] =	ssyncadd.s32 $0xFFFFE0C0  }
0x2d9: {  	_ =	swait.ge [sflag:s23], $0x1400  }
0x2da: {  	[sflag:s23] =	ssyncset.done $0x0  }
0x2db: {  	[sflag:s23] =	ssyncadd.s32 $0xFFFFEC00  }
0x2dc: {  	_ =	swait.ge [sflag:s23], $0x1400  }
0x2dd: {  	[sflag:s23] =	ssyncset.done $0x0  }
0x2de: {  	s6 =	simm.s32 $0x1400;
	[sflag:s23] =	ssyncadd.s32 $0xFFFFEC00  }
0x2df: {  	[tilespmem:s21], [sflag:$0x1] =	stream.indirect.gather [hbm4b:s4+s26], $0x40, s6, s26, $0xb8;
	[tilespmem:$0x1EA00] =	vst v63  }
0x2e0: {  	s8 =	simm.s32 $0x1480  }
0x2e1: {  	[tilespmem:s28], [sflag:$0x1] =	stream.indirect.gather [hbm4b:s4+s26], $0x40, s8, s26, $0xb8;
	[tilespmem:$0x1EA00] =	vst v63  }
0x2e2: {  	s9 =	simm.s32 $0x1500  }
0x2e3: {  	[tilespmem:s29], [sflag:$0x1] =	stream.indirect.gather [hbm4b:s4+s26], $0x40, s9, s26, $0xb8;
	[tilespmem:$0x1EA00] =	vst v63  }
0x2e4: {  	s10 =	simm.s32 $0x1580  }
0x2e5: {  	[tilespmem:s30], [sflag:$0x1] =	stream.indirect.gather [hbm4b:s4+s26], $0x40, s10, s26, $0xb8;
	[tilespmem:$0x1EA00] =	vst v63  }
0x2e6: {  	s6 =	simm.s32 $0x1600  }
0x2e7: {  	[tilespmem:s31], [sflag:$0x1] =	stream.indirect.gather [hbm4b:s4+s26], $0x40, s6, s26, $0xb8;
	[tilespmem:$0x1EA00] =	vst v63  }
0x2e8: {  	s8 =	simm.s32 $0x1680  }
0x2e9: {  	[tilespmem:s0], [sflag:$0x1] =	stream.indirect.gather [hbm4b:s4+s26], $0x40, s8, s26, $0xb8;
	[tilespmem:$0x1EA00] =	vst v63  }
0x2ea: {  	s9 =	simm.s32 $0x1700  }
0x2eb: {  	[tilespmem:s1], [sflag:$0x1] =	stream.indirect.gather [hbm4b:s4+s26], $0x40, s9, s26, $0xb8;
	[tilespmem:$0x1EA00] =	vst v63  }
0x2ec: {  	s10 =	simm.s32 $0x1780  }
0x2ed: {  	[tilespmem:s3], [sflag:$0x1] =	stream.indirect.gather [hbm4b:s4+s26], $0x40, s10, s26, $0xb8;
	[tilespmem:$0x1EA00] =	vst v63  }
0x2ee: {  	_ =	swait.ge [sflag:s20], $0x1F40  }
0x2ef: {  	[sflag:s20] =	ssyncset.done $0x0  }
0x2f0: {  	s6 =	simm.s32 $0x3C00;
	[sflag:s20] =	ssyncadd.s32 $0xFFFFE0C0  }
0x2f1: {  	[spmem:s2] =	stream.indirect.scatter.add.f32 [tilespmem:s21], [sflag:$0x2], $0x40, s6, s26, $0xb8;
	[tilespmem:$0x1EA00] =	vst v63  }
0x2f2: {  	_ =	swait.ge [sflag:s20], $0x1F40  }
0x2f3: {  	[sflag:s20] =	ssyncset.done $0x0  }
0x2f4: {  	s8 =	simm.s32 $0x3C80;
	[sflag:s20] =	ssyncadd.s32 $0xFFFFE0C0  }
0x2f5: {  	[spmem:s2] =	stream.indirect.scatter.add.f32 [tilespmem:s28], [sflag:$0x2], $0x40, s8, s26, $0xb8;
	[tilespmem:$0x1EA00] =	vst v63  }
0x2f6: {  	_ =	swait.ge [sflag:s20], $0x1F40  }
0x2f7: {  	[sflag:s20] =	ssyncset.done $0x0  }
0x2f8: {  	s9 =	simm.s32 $0x3D00;
	[sflag:s20] =	ssyncadd.s32 $0xFFFFE0C0  }
0x2f9: {  	[spmem:s2] =	stream.indirect.scatter.add.f32 [tilespmem:s29], [sflag:$0x2], $0x40, s9, s26, $0xb8;
	[tilespmem:$0x1EA00] =	vst v63  }
0x2fa: {  	_ =	swait.ge [sflag:s20], $0x1F40  }
0x2fb: {  	[sflag:s20] =	ssyncset.done $0x0  }
0x2fc: {  	s10 =	simm.s32 $0x3D80;
	[sflag:s20] =	ssyncadd.s32 $0xFFFFE0C0  }
0x2fd: {  	[spmem:s2] =	stream.indirect.scatter.add.f32 [tilespmem:s30], [sflag:$0x2], $0x40, s10, s26, $0xb8;
	[tilespmem:$0x1EA00] =	vst v63  }
0x2fe: {  	_ =	swait.ge [sflag:s20], $0x1F40  }
0x2ff: {  	[sflag:s20] =	ssyncset.done $0x0  }
0x300: {  	s6 =	simm.s32 $0x3E00;
	[sflag:s20] =	ssyncadd.s32 $0xFFFFE0C0  }
0x301: {  	[spmem:s2] =	stream.indirect.scatter.add.f32 [tilespmem:s31], [sflag:$0x2], $0x40, s6, s26, $0xb8;
	[tilespmem:$0x1EA00] =	vst v63  }
0x302: {  	_ =	swait.ge [sflag:s20], $0x1F40  }
0x303: {  	[sflag:s20] =	ssyncset.done $0x0  }
0x304: {  	s8 =	simm.s32 $0x3E80;
	[sflag:s20] =	ssyncadd.s32 $0xFFFFE0C0  }
0x305: {  	[spmem:s2] =	stream.indirect.scatter.add.f32 [tilespmem:s0], [sflag:$0x2], $0x40, s8, s26, $0xb8;
	[tilespmem:$0x1EA00] =	vst v63  }
0x306: {  	_ =	swait.ge [sflag:s20], $0x1F40  }
0x307: {  	[sflag:s20] =	ssyncset.done $0x0  }
0x308: {  	s9 =	simm.s32 $0x3F00;
	[sflag:s20] =	ssyncadd.s32 $0xFFFFE0C0  }
0x309: {  	[spmem:s2] =	stream.indirect.scatter.add.f32 [tilespmem:s1], [sflag:$0x2], $0x40, s9, s26, $0xb8;
	[tilespmem:$0x1EA00] =	vst v63  }
0x30a: {  	_ =	swait.ge [sflag:s20], $0x1F40  }
0x30b: {  	[sflag:s20] =	ssyncset.done $0x0  }
0x30c: {  	s10 =	simm.s32 $0x3F80;
	[sflag:s20] =	ssyncadd.s32 $0xFFFFE0C0  }
0x30d: {  	[spmem:s2] =	stream.indirect.scatter.add.f32 [tilespmem:s3], [sflag:$0x2], $0x40, s10, s26, $0xb8;
	[tilespmem:$0x1EA00] =	vst v63  }
0x30e: {  	_ =	swait.ge [sflag:s24], $0x1F40  }
0x30f: {  	[sflag:s24] =	ssyncset.done $0x0  }
0x310: {  	[sflag:s24] =	ssyncadd.s32 $0xFFFFE0C0  }
0x311: {  	_ =	swait.ge [sflag:s24], $0x1F40  }
0x312: {  	[sflag:s24] =	ssyncset.done $0x0  }
0x313: {  	[sflag:s24] =	ssyncadd.s32 $0xFFFFE0C0  }
0x314: {  	_ =	swait.ge [sflag:s24], $0x1F40  }
0x315: {  	[sflag:s24] =	ssyncset.done $0x0  }
0x316: {  	[sflag:s24] =	ssyncadd.s32 $0xFFFFE0C0  }
0x317: {  	_ =	swait.ge [sflag:s24], $0x1F40  }
0x318: {  	[sflag:s24] =	ssyncset.done $0x0  }
0x319: {  	[sflag:s24] =	ssyncadd.s32 $0xFFFFE0C0  }
0x31a: {  	_ =	swait.ge [sflag:s24], $0x1F40  }
0x31b: {  	[sflag:s24] =	ssyncset.done $0x0  }
0x31c: {  	[sflag:s24] =	ssyncadd.s32 $0xFFFFE0C0  }
0x31d: {  	_ =	swait.ge [sflag:s24], $0x1F40  }
0x31e: {  	[sflag:s24] =	ssyncset.done $0x0  }
0x31f: {  	[sflag:s24] =	ssyncadd.s32 $0xFFFFE0C0  }
0x320: {  	_ =	swait.ge [sflag:s24], $0x1F40  }
0x321: {  	[sflag:s24] =	ssyncset.done $0x0  }
0x322: {  	[sflag:s24] =	ssyncadd.s32 $0xFFFFE0C0  }
0x323: {  	_ =	swait.ge [sflag:s24], $0x1F40  }
0x324: {  	s5 =	simm.s32 $0x400;
	s9 =	simm.s32 $0x2000;
	[sflag:s24] =	ssyncset.done $0x0  }
.LBB2_10:
0x325: {  	s10 =	sadd.s32 $0x1400, s5  }
0x326: {  	[sflag:s24] =	ssyncadd.s32 $0xFFFFE0C0;
	s8 =	smov.u32 s9;
	s6 =	sadd.s32 $0x1000, s9  }
0x327: {  	[tilespmem:s21], [sflag:$0x1] =	stream.indirect.gather [hbm4b:s4+s26], $0x40, s10, s26, $0xb8;
	[tilespmem:$0x1EA00] =	vst v63  }
0x328: {  	p0 =	sne.s32 s9, $0x4000;
	s9 =	sadd.s32 $0x1480, s5  }
0x329: {  	[tilespmem:s28], [sflag:$0x1] =	stream.indirect.gather [hbm4b:s4+s26], $0x40, s9, s26, $0xb8;
	[tilespmem:$0x1EA00] =	vst v63  }
0x32a: {  	s9 =	sadd.s32 $0x1500, s5  }
0x32b: {  	[tilespmem:s29], [sflag:$0x1] =	stream.indirect.gather [hbm4b:s4+s26], $0x40, s9, s26, $0xb8;
	[tilespmem:$0x1EA00] =	vst v63  }
0x32c: {  	s9 =	sadd.s32 $0x1580, s5  }
0x32d: {  	[tilespmem:s30], [sflag:$0x1] =	stream.indirect.gather [hbm4b:s4+s26], $0x40, s9, s26, $0xb8;
	[tilespmem:$0x1EA00] =	vst v63  }
0x32e: {  	s9 =	sadd.s32 $0x1600, s5  }
0x32f: {  	[tilespmem:s31], [sflag:$0x1] =	stream.indirect.gather [hbm4b:s4+s26], $0x40, s9, s26, $0xb8;
	[tilespmem:$0x1EA00] =	vst v63  }
0x330: {  	s9 =	sadd.s32 $0x1680, s5  }
0x331: {  	[tilespmem:s0], [sflag:$0x1] =	stream.indirect.gather [hbm4b:s4+s26], $0x40, s9, s26, $0xb8;
	[tilespmem:$0x1EA00] =	vst v63  }
0x332: {  	s9 =	sadd.s32 $0x1700, s5  }
0x333: {  	[tilespmem:s1], [sflag:$0x1] =	stream.indirect.gather [hbm4b:s4+s26], $0x40, s9, s26, $0xb8;
	[tilespmem:$0x1EA00] =	vst v63  }
0x334: {  	s9 =	sadd.s32 $0x1780, s5  }
0x335: {  	[tilespmem:s3], [sflag:$0x1] =	stream.indirect.gather [hbm4b:s4+s26], $0x40, s9, s26, $0xb8;
	[tilespmem:$0x1EA00] =	vst v63  }
0x336: {  	_ =	swait.ge [sflag:s20], $0x1F40  }
0x337: {  	[sflag:s20] =	ssyncset.done $0x0  }
0x338: {  	s9 =	sadd.s32 $0x3C00, s5;
	[sflag:s20] =	ssyncadd.s32 $0xFFFFE0C0  }
0x339: {  	[spmem:s2] =	stream.indirect.scatter.add.f32 [tilespmem:s21], [sflag:$0x2], $0x40, s9, s26, $0xb8;
	[tilespmem:$0x1EA00] =	vst v63  }
0x33a: {  	_ =	swait.ge [sflag:s20], $0x1F40  }
0x33b: {  	[sflag:s20] =	ssyncset.done $0x0  }
0x33c: {  	s9 =	sadd.s32 $0x3C80, s5;
	[sflag:s20] =	ssyncadd.s32 $0xFFFFE0C0  }
0x33d: {  	[spmem:s2] =	stream.indirect.scatter.add.f32 [tilespmem:s28], [sflag:$0x2], $0x40, s9, s26, $0xb8;
	[tilespmem:$0x1EA00] =	vst v63  }
0x33e: {  	_ =	swait.ge [sflag:s20], $0x1F40  }
0x33f: {  	[sflag:s20] =	ssyncset.done $0x0  }
0x340: {  	s9 =	sadd.s32 $0x3D00, s5;
	[sflag:s20] =	ssyncadd.s32 $0xFFFFE0C0  }
0x341: {  	[spmem:s2] =	stream.indirect.scatter.add.f32 [tilespmem:s29], [sflag:$0x2], $0x40, s9, s26, $0xb8;
	[tilespmem:$0x1EA00] =	vst v63  }
0x342: {  	_ =	swait.ge [sflag:s20], $0x1F40  }
0x343: {  	[sflag:s20] =	ssyncset.done $0x0  }
0x344: {  	s9 =	sadd.s32 $0x3D80, s5;
	[sflag:s20] =	ssyncadd.s32 $0xFFFFE0C0  }
0x345: {  	[spmem:s2] =	stream.indirect.scatter.add.f32 [tilespmem:s30], [sflag:$0x2], $0x40, s9, s26, $0xb8;
	[tilespmem:$0x1EA00] =	vst v63  }
0x346: {  	_ =	swait.ge [sflag:s20], $0x1F40  }
0x347: {  	[sflag:s20] =	ssyncset.done $0x0  }
0x348: {  	s9 =	sadd.s32 $0x3E00, s5;
	[sflag:s20] =	ssyncadd.s32 $0xFFFFE0C0  }
0x349: {  	[spmem:s2] =	stream.indirect.scatter.add.f32 [tilespmem:s31], [sflag:$0x2], $0x40, s9, s26, $0xb8;
	[tilespmem:$0x1EA00] =	vst v63  }
0x34a: {  	_ =	swait.ge [sflag:s20], $0x1F40  }
0x34b: {  	[sflag:s20] =	ssyncset.done $0x0  }
0x34c: {  	s9 =	sadd.s32 $0x3E80, s5;
	[sflag:s20] =	ssyncadd.s32 $0xFFFFE0C0  }
0x34d: {  	[spmem:s2] =	stream.indirect.scatter.add.f32 [tilespmem:s0], [sflag:$0x2], $0x40, s9, s26, $0xb8;
	[tilespmem:$0x1EA00] =	vst v63  }
0x34e: {  	_ =	swait.ge [sflag:s20], $0x1F40  }
0x34f: {  	[sflag:s20] =	ssyncset.done $0x0  }
0x350: {  	s9 =	sadd.s32 $0x3F00, s5;
	[sflag:s20] =	ssyncadd.s32 $0xFFFFE0C0  }
0x351: {  	[spmem:s2] =	stream.indirect.scatter.add.f32 [tilespmem:s1], [sflag:$0x2], $0x40, s9, s26, $0xb8;
	[tilespmem:$0x1EA00] =	vst v63  }
0x352: {  	_ =	swait.ge [sflag:s20], $0x1F40  }
0x353: {  	[sflag:s20] =	ssyncset.done $0x0  }
0x354: {  	s5 =	sadd.s32 $0x3F80, s5;
	[sflag:s20] =	ssyncadd.s32 $0xFFFFE0C0  }
0x355: {  	[spmem:s2] =	stream.indirect.scatter.add.f32 [tilespmem:s3], [sflag:$0x2], $0x40, s5, s26, $0xb8;
	[tilespmem:$0x1EA00] =	vst v63  }
0x356: {  	_ =	swait.ge [sflag:s24], $0x1F40  }
0x357: {  	[sflag:s24] =	ssyncset.done $0x0  }
0x358: {  	[sflag:s24] =	ssyncadd.s32 $0xFFFFE0C0  }
0x359: {  	_ =	swait.ge [sflag:s24], $0x1F40  }
0x35a: {  	[sflag:s24] =	ssyncset.done $0x0  }
0x35b: {  	[sflag:s24] =	ssyncadd.s32 $0xFFFFE0C0  }
0x35c: {  	_ =	swait.ge [sflag:s24], $0x1F40  }
0x35d: {  	[sflag:s24] =	ssyncset.done $0x0  }
0x35e: {  	[sflag:s24] =	ssyncadd.s32 $0xFFFFE0C0  }
0x35f: {  	_ =	swait.ge [sflag:s24], $0x1F40  }
0x360: {  	[sflag:s24] =	ssyncset.done $0x0  }
0x361: {  	[sflag:s24] =	ssyncadd.s32 $0xFFFFE0C0  }
0x362: {  	_ =	swait.ge [sflag:s24], $0x1F40  }
0x363: {  	[sflag:s24] =	ssyncset.done $0x0  }
0x364: {  	[sflag:s24] =	ssyncadd.s32 $0xFFFFE0C0  }
0x365: {  	_ =	swait.ge [sflag:s24], $0x1F40  }
0x366: {  	[sflag:s24] =	ssyncset.done $0x0  }
0x367: {  	[sflag:s24] =	ssyncadd.s32 $0xFFFFE0C0  }
.Ltmp4:
0x368: {  	_ =	swait.ge [sflag:s24], $0x1F40;
	(pc) =	sbr.rel @p0 .LBB2_10-.Ltmp4, $4  }
0x369: {  	[sflag:s24] =	ssyncset.done $0x0  }
0x36a: {  	[sflag:s24] =	ssyncadd.s32 $0xFFFFE0C0  }
0x36b: {  	_ =	swait.ge [sflag:s24], $0x1F40  }
0x36c: {  	s9 =	smov.u32 s6;
	s5 =	sshra.s32 s8, $0x2;
	[sflag:s24] =	ssyncset.done $0x0  }
0x36d: {  	s6 =	sadd.s32 $0x1400, s5;
	[sflag:s24] =	ssyncadd.s32 $0xFFFFE0C0  }
0x36e: {  	[tilespmem:s21], [sflag:$0x1] =	stream.indirect.gather [hbm4b:s4+s26], $0x40, s6, s26, $0xb8;
	[tilespmem:$0x1EA00] =	vst v63  }
0x36f: {  	s9 =	sadd.s32 $0x1480, s5  }
0x370: {  	[tilespmem:s28], [sflag:$0x1] =	stream.indirect.gather [hbm4b:s4+s26], $0x40, s9, s26, $0xb8;
	[tilespmem:$0x1EA00] =	vst v63  }
0x371: {  	s10 =	sadd.s32 $0x1500, s5  }
0x372: {  	[tilespmem:s29], [sflag:$0x1] =	stream.indirect.gather [hbm4b:s4+s26], $0x40, s10, s26, $0xb8;
	[tilespmem:$0x1EA00] =	vst v63  }
0x373: {  	s8 =	sadd.s32 $0x1580, s5  }
0x374: {  	[tilespmem:s30], [sflag:$0x1] =	stream.indirect.gather [hbm4b:s4+s26], $0x40, s8, s26, $0xb8;
	[tilespmem:$0x1EA00] =	vst v63  }
0x375: {  	s9 =	sadd.s32 $0x1600, s5  }
0x376: {  	[tilespmem:s31], [sflag:$0x1] =	stream.indirect.gather [hbm4b:s4+s26], $0x40, s9, s26, $0xb8;
	[tilespmem:$0x1EA00] =	vst v63  }
0x377: {  	s10 =	sadd.s32 $0x1680, s5  }
0x378: {  	[tilespmem:s0], [sflag:$0x1] =	stream.indirect.gather [hbm4b:s4+s26], $0x40, s10, s26, $0xb8;
	[tilespmem:$0x1EA00] =	vst v63  }
0x379: {  	s8 =	sadd.s32 $0x1700, s5  }
0x37a: {  	[tilespmem:s1], [sflag:$0x1] =	stream.indirect.gather [hbm4b:s4+s26], $0x40, s8, s26, $0xb8;
	[tilespmem:$0x1EA00] =	vst v63  }
0x37b: {  	s9 =	sadd.s32 $0x1780, s5  }
0x37c: {  	[tilespmem:s3], [sflag:$0x1] =	stream.indirect.gather [hbm4b:s4+s26], $0x40, s9, s26, $0xb8;
	[tilespmem:$0x1EA00] =	vst v63  }
0x37d: {  	_ =	swait.ge [sflag:s20], $0x1F40  }
0x37e: {  	[sflag:s20] =	ssyncset.done $0x0  }
0x37f: {  	s10 =	sadd.s32 $0x3C00, s5;
	[sflag:s20] =	ssyncadd.s32 $0xFFFFE0C0  }
0x380: {  	[spmem:s2] =	stream.indirect.scatter.add.f32 [tilespmem:s21], [sflag:$0x2], $0x40, s10, s26, $0xb8;
	[tilespmem:$0x1EA00] =	vst v63  }
0x381: {  	_ =	swait.ge [sflag:s20], $0x1F40  }
0x382: {  	[sflag:s20] =	ssyncset.done $0x0  }
0x383: {  	s8 =	sadd.s32 $0x3C80, s5;
	[sflag:s20] =	ssyncadd.s32 $0xFFFFE0C0  }
0x384: {  	[spmem:s2] =	stream.indirect.scatter.add.f32 [tilespmem:s28], [sflag:$0x2], $0x40, s8, s26, $0xb8;
	[tilespmem:$0x1EA00] =	vst v63  }
0x385: {  	_ =	swait.ge [sflag:s20], $0x1F40  }
0x386: {  	[sflag:s20] =	ssyncset.done $0x0  }
0x387: {  	s9 =	sadd.s32 $0x3D00, s5;
	[sflag:s20] =	ssyncadd.s32 $0xFFFFE0C0  }
0x388: {  	[spmem:s2] =	stream.indirect.scatter.add.f32 [tilespmem:s29], [sflag:$0x2], $0x40, s9, s26, $0xb8;
	[tilespmem:$0x1EA00] =	vst v63  }
0x389: {  	_ =	swait.ge [sflag:s20], $0x1F40  }
0x38a: {  	[sflag:s20] =	ssyncset.done $0x0  }
0x38b: {  	s10 =	sadd.s32 $0x3D80, s5;
	[sflag:s20] =	ssyncadd.s32 $0xFFFFE0C0  }
0x38c: {  	[spmem:s2] =	stream.indirect.scatter.add.f32 [tilespmem:s30], [sflag:$0x2], $0x40, s10, s26, $0xb8;
	[tilespmem:$0x1EA00] =	vst v63  }
0x38d: {  	_ =	swait.ge [sflag:s20], $0x1F40  }
0x38e: {  	[sflag:s20] =	ssyncset.done $0x0  }
0x38f: {  	s8 =	sadd.s32 $0x3E00, s5;
	[sflag:s20] =	ssyncadd.s32 $0xFFFFE0C0  }
0x390: {  	[spmem:s2] =	stream.indirect.scatter.add.f32 [tilespmem:s31], [sflag:$0x2], $0x40, s8, s26, $0xb8;
	[tilespmem:$0x1EA00] =	vst v63  }
0x391: {  	_ =	swait.ge [sflag:s20], $0x1F40  }
0x392: {  	[sflag:s20] =	ssyncset.done $0x0  }
0x393: {  	s9 =	sadd.s32 $0x3E80, s5;
	[sflag:s20] =	ssyncadd.s32 $0xFFFFE0C0  }
0x394: {  	[spmem:s2] =	stream.indirect.scatter.add.f32 [tilespmem:s0], [sflag:$0x2], $0x40, s9, s26, $0xb8;
	[tilespmem:$0x1EA00] =	vst v63  }
0x395: {  	_ =	swait.ge [sflag:s20], $0x1F40  }
0x396: {  	[sflag:s20] =	ssyncset.done $0x0  }
0x397: {  	s10 =	sadd.s32 $0x3F00, s5;
	[sflag:s20] =	ssyncadd.s32 $0xFFFFE0C0  }
0x398: {  	[spmem:s2] =	stream.indirect.scatter.add.f32 [tilespmem:s1], [sflag:$0x2], $0x40, s10, s26, $0xb8;
	[tilespmem:$0x1EA00] =	vst v63  }
0x399: {  	_ =	swait.ge [sflag:s20], $0x1F40  }
0x39a: {  	[sflag:s20] =	ssyncset.done $0x0  }
0x39b: {  	s8 =	sadd.s32 $0x3F80, s5;
	[sflag:s20] =	ssyncadd.s32 $0xFFFFE0C0  }
0x39c: {  	[spmem:s2] =	stream.indirect.scatter.add.f32 [tilespmem:s3], [sflag:$0x2], $0x40, s8, s26, $0xb8;
	[tilespmem:$0x1EA00] =	vst v63  }
0x39d: {  	_ =	swait.ge [sflag:s24], $0x1F40  }
0x39e: {  	[sflag:s24] =	ssyncset.done $0x0  }
0x39f: {  	[sflag:s24] =	ssyncadd.s32 $0xFFFFE0C0  }
0x3a0: {  	_ =	swait.ge [sflag:s24], $0x1F40  }
0x3a1: {  	[sflag:s24] =	ssyncset.done $0x0  }
0x3a2: {  	[sflag:s24] =	ssyncadd.s32 $0xFFFFE0C0  }
0x3a3: {  	_ =	swait.ge [sflag:s24], $0x1F40  }
0x3a4: {  	[sflag:s24] =	ssyncset.done $0x0  }
0x3a5: {  	[sflag:s24] =	ssyncadd.s32 $0xFFFFE0C0  }
0x3a6: {  	_ =	swait.ge [sflag:s24], $0x1F40  }
0x3a7: {  	[sflag:s24] =	ssyncset.done $0x0  }
0x3a8: {  	[sflag:s24] =	ssyncadd.s32 $0xFFFFE0C0  }
0x3a9: {  	_ =	swait.ge [sflag:s24], $0x1F40  }
0x3aa: {  	[sflag:s24] =	ssyncset.done $0x0  }
0x3ab: {  	[sflag:s24] =	ssyncadd.s32 $0xFFFFE0C0  }
0x3ac: {  	_ =	swait.ge [sflag:s24], $0x1F40  }
0x3ad: {  	[sflag:s24] =	ssyncset.done $0x0  }
0x3ae: {  	[sflag:s24] =	ssyncadd.s32 $0xFFFFE0C0  }
0x3af: {  	_ =	swait.ge [sflag:s24], $0x1F40  }
0x3b0: {  	[sflag:s24] =	ssyncset.done $0x0  }
0x3b1: {  	s25 =	sadd.s32 $0x1, s25;
	[sflag:s24] =	ssyncadd.s32 $0xFFFFE0C0  }
0x3b2: {  	p0 =	sne.s32 s25, s15;
	s9 =	stileid.u32;
	_ =	swait.ge [sflag:s24], $0x1F40  }
0x3b3: {  	s5 =	sshll.u32 s9, $0x6;
	s9 =	simm.s32 $0x8;
	[sflag:s24] =	ssyncset.done $0x0  }
0x3b4: {  	s5 =	sor.u32 $0x1C04, s5;
	s10 =	sshrl.u32 s7, $0x3;
	[sflag:s24] =	ssyncadd.s32 $0xFFFFE0C0  }
.Ltmp5:
0x3b5: {  	s8 =	simm.s32 $0x10;
	[bflag:$0x0] =	sbarrier.arrive $0xFFFF;
	(pc) =	sbr.rel @p0 .LBB2_1-.Ltmp5, $4  }
0x3b6: {  	[hbm:s14@s8], [sflag:s5] =	dma.strided [spmem:s10@s9], $0x1400, s20, $0x8   }
0x3b7: {  	_ =	swait.ge [sflag:s22], $0x1400  }
0x3b8: {  	[sflag:s22] =	ssyncset.done $0x0  }
0x3b9: {  	s10 =	simm.s32 $0x2800;
	[sflag:s22] =	ssyncadd.s32 $0xFFFFEC00  }
0x3ba: {  	_ =	sfence.sel $0x180000  }
0x3bb: {  	[bflag:$0x0] =	sbarrier.arrive $0xFFFF  }
0x3bc: {  	_ =	strace $0x9000004A  }
0x3bd: {  	s0 =	stileid.u32;
	[bflag:$0x2] =	sbarrier.arrive $0xFFFF  }
0x3be: {  	p0 =	sne.s32 s0, $0x0;
	s0 =	rddreg [dreg:$0x2]  }
0x3bf: {  	s0 =	sadd.s32 @!p0 $0x100000, s0  }
0x3c0: {  	[sflag:s0] =	ssyncadd.tile.s32 @!p0 $0x1;
	_ =	shalt  }
.Lfunc_end2:
_tile_overlayer_lowered:
.L_overlay_start_2:
0x3c1: {  	(tag) =	ssettag $0x2  }
0x3c2: {  	s0 =	rddreg [dreg:$0x0];
	s2 =	stileid.u32  }
0x3c3: {  	s1 =	rddreg [dreg:$0x1];
	p0 =	sne.s32 s2, $0x0  }
0x3c4: {  	s3 =	rddreg [dreg:$0x2];
	[bflag:$0x3] =	sbarrier.arrive $0xFFFF;
	s2 =	simm.s32 @!p0 $0x1C04  }
0x3c5: {  	[timem:s3], [sflag:s2] =	dma.local @!p0 [hbm:s0], s1  }
0x3c6: {  	s0 =	simm.s32 @!p0 $0x4  }
0x3c7: {  	_ =	swait.ge @!p0 [sflag:s0], s1  }
0x3c8: {  	s1 =	ssub.s32 @!p0 $0x0, s1;
	[sflag:s0] =	ssyncset.done @!p0 $0x0  }
0x3c9: {  	[sflag:s0] =	ssyncadd.s32 @!p0 s1  }
0x3ca: {  	[bflag:$0x3] =	sbarrier.arrive $0xFFFF  }
0x3cb: {  	_ =	shalt  }

// kernel: kernel.14.cloned.1.call-start
scs
__scs_entry_jumppad:
0x0: {  	(pc) =	sbr.rel $0x88, $3  }
0x1: {  	(tag) =	ssettag $0x0;
	lr =	simm.s32 $0x1  }
0x2: {  	[smem:$0x3F9B] =	sst lr;
	_ =	strace $0xD0000000  }
0x3: {  	_ = 	snop  }
0x4: {  	_ = 	snop  }
0x5: {  	_ = 	snop  }
0x6: {  	_ = 	snop  }
0x7: {  	_ = 	snop  }
__scs_overlays_trampoline_lowered:
0x8: {  	[smem:$0x3FAA] =	sst s0  }
0x9: {  	[smem:$0x3FAB] =	sst s1  }
0xa: {  	[smem:$0x3FAC] =	sst s2  }
0xb: {  	[smem:$0x3FAD] =	sst s3  }
0xc: {  	[smem:$0x3FAE] =	sst s4  }
0xd: {  	[smem:$0x3FAF] =	sst s5  }
0xe: {  	[smem:$0x3FB0] =	sst s6  }
0xf: {  	[smem:$0x3FB1] =	sst s7  }
0x10: {  	[smem:$0x3FB2] =	sst s8  }
0x11: {  	[smem:$0x3FB3] =	sst s9;
	s0 =	simm.s32 @!p0 $0x0  }
0x12: {  	s1 =	sld [smem:$0x3F99];
	s0 =	simm.s32 @p0 $0x1  }
0x13: {  	[smem:$0x3FB4] =	sst s0;
	s0 =	simm.s32 @!p1 $0x0  }
0x14: {  	s2 =	sld [smem:$0x3F98];
	s0 =	simm.s32 @p1 $0x1  }
0x15: {  	[smem:$0x3FB5] =	sst s0;
	s0 =	simm.s32 @!p2 $0x0  }
0x16: {  	s3 =	sld [smem:$0x3FDB];
	s0 =	simm.s32 @p2 $0x1  }
0x17: {  	s4 =	simm.s32 $0x1BF5;
	[smem:$0x3FB7] =	sst s0  }
0x18: {  	s0 =	sld [smem:$0x3F9A];
	_ =	swait.ge [sflag:s4], $0x0  }
0x19: {  	s7 =	sld [smem:$0x3F9B]  }
0x1a: {  	s8 =	sadd.s32 $0xFFFFE003, lr  }
0x1b: {  	s9 =	sadd.s32 $0xFFFFFEF7, lr;
	s5 =	simm.s32 $0xFFFFFFFF;
	p2 =	slt.u32 s8, $0xFFFFF086  }
0x1c: {  	p1 =	slt.u32 s9, $0xF7A;
	s5 =	simm.s32 @!p2 $0x0  }
0x1d: {  	s5 =	simm.s32 @p1 $0x1;
	p0 =	seq.s32 s7, s2  }
0x1e: {  	s7 =	smul.u32 @!p0 $0xF7A, s2;
	p2 =	seq.s32 @!p0 s5, $0x0  }
0x1f: {  	s9 =	smul.u32 $0xF7A, s1;
	s8 =	simm.s32 @!p0 $0x1BF5;
	p2 =	por !p2, p0  }
0x20: {  	[sflag:s8] =	ssyncset.s32 @!p0 $0xFFFFF086;
	s6 =	sadd.s32 @!p0 s3, s7;
	s7 =	simm.s32 @!p0 $0x108  }
0x21: {  	s3 =	sadd.s32 s3, s9;
	s6 =	sadd.s32 @!p0 $0x88, s6;
	s7 =	simm.s32 @p2 $0x1082  }
0x22: {  	[simem:s7], [sflag:s8] =	dma.local @!p0 [hbm:s6], $0xF7A  }
0x23: {  	s9 =	sor.u32 $0xD0000000, s2;
	s6 =	simm.s32 $0x108;
	_ =	swait.ge @!p0 [sflag:s8], $0x0  }
0x24: {  	s3 =	sadd.s32 $0x88, s3;
	s6 =	simm.s32 @!p1 $0x1082;
	[sflag:s4] =	ssyncset.s32 $0xFFFFF086  }
0x25: {  	[simem:s6], [sflag:s4] =	dma.local [hbm:s3], $0xF7A  }
0x26: {  	[smem:$0x3F9B] =	sst s1;
	(tag) =	ssettag s2;
	_ =	strace s9  }
0x27: {  	s1 =	sld [smem:$0x3FAB]  }
0x28: {  	s2 =	sld [smem:$0x3FAC]  }
0x29: {  	s4 =	sld [smem:$0x3FAE]  }
0x2a: {  	p0 =	seq.s32 s5, $0x0;
	s5 =	sld [smem:$0x3FAF]  }
0x2b: {  	s6 =	sld [smem:$0x3FB0]  }
0x2c: {  	s7 =	sld [smem:$0x3FB1]  }
0x2d: {  	s3 =	simm.s32 $0x108;
	s8 =	sld [smem:$0x3FB2]  }
0x2e: {  	s3 =	simm.s32 @!p0 $0x1082;
	s9 =	sld [smem:$0x3FB3]  }
0x2f: {  	lr =	sadd.s32 s0, s3;
	s0 =	sld [smem:$0x3FAA]  }
0x30: {  	s3 =	sld [smem:$0x3FAD]  }
0x31: {  	[smem:$0x3FB6] =	sst s10  }
0x32: {  	s10 =	sld [smem:$0x3FB4];
	_ =	sdelay $0x3  }
0x33: {  	p0 =	seq.s32 s10, $0x1;
	s10 =	sld [smem:$0x3FB6];
	_ =	sdelay $0x3  }
0x34: {  	[smem:$0x3FB6] =	sst s10  }
0x35: {  	s10 =	sld [smem:$0x3FB5];
	_ =	sdelay $0x3  }
0x36: {  	p1 =	seq.s32 s10, $0x1;
	s10 =	sld [smem:$0x3FB6];
	_ =	sdelay $0x3  }
0x37: {  	[smem:$0x3FB6] =	sst s10  }
0x38: {  	s10 =	sld [smem:$0x3FB7]  }
0x39: {  	_ = 	snop;
	(pc) =	sbr.ind lr, $3  }
0x3a: {  	_ = 	snop  }
0x3b: {  	_ = 	snop  }
0x3c: {  	p2 =	seq.s32 s10, $0x1;
	s10 =	sld [smem:$0x3FB6]  }
0x3d: {  	_ =	shalt  }
0x3e: {  	_ =	shalt  }
0x3f: {  	_ =	shalt  }
0x40: {  	_ =	shalt  }
0x41: {  	_ =	shalt  }
0x42: {  	_ =	shalt  }
0x43: {  	_ =	shalt  }
0x44: {  	_ =	shalt  }
0x45: {  	_ =	shalt  }
0x46: {  	_ =	shalt  }
0x47: {  	_ =	shalt  }
0x48: {  	_ =	shalt  }
0x49: {  	_ =	shalt  }
0x4a: {  	_ =	shalt  }
0x4b: {  	_ =	shalt  }
0x4c: {  	_ =	shalt  }
0x4d: {  	_ =	shalt  }
0x4e: {  	_ =	shalt  }
0x4f: {  	_ =	shalt  }
0x50: {  	_ =	shalt  }
0x51: {  	_ =	shalt  }
0x52: {  	_ =	shalt  }
0x53: {  	_ =	shalt  }
0x54: {  	_ =	shalt  }
0x55: {  	_ =	shalt  }
0x56: {  	_ =	shalt  }
0x57: {  	_ =	shalt  }
0x58: {  	_ =	shalt  }
0x59: {  	_ =	shalt  }
0x5a: {  	_ =	shalt  }
0x5b: {  	_ =	shalt  }
0x5c: {  	_ =	shalt  }
0x5d: {  	_ =	shalt  }
0x5e: {  	_ =	shalt  }
0x5f: {  	_ =	shalt  }
0x60: {  	_ =	shalt  }
0x61: {  	_ =	shalt  }
0x62: {  	_ =	shalt  }
0x63: {  	_ =	shalt  }
0x64: {  	_ =	shalt  }
0x65: {  	_ =	shalt  }
0x66: {  	_ =	shalt  }
0x67: {  	_ =	shalt  }
0x68: {  	_ =	shalt  }
0x69: {  	_ =	shalt  }
0x6a: {  	_ =	shalt  }
0x6b: {  	_ =	shalt  }
0x6c: {  	_ =	shalt  }
0x6d: {  	_ =	shalt  }
0x6e: {  	_ =	shalt  }
0x6f: {  	_ =	shalt  }
0x70: {  	_ =	shalt  }
0x71: {  	_ =	shalt  }
0x72: {  	_ =	shalt  }
0x73: {  	_ =	shalt  }
0x74: {  	_ =	shalt  }
0x75: {  	_ =	shalt  }
0x76: {  	_ =	shalt  }
0x77: {  	_ =	shalt  }
0x78: {  	_ =	shalt  }
0x79: {  	_ =	shalt  }
0x7a: {  	_ =	shalt  }
0x7b: {  	_ =	shalt  }
0x7c: {  	_ =	shalt  }
0x7d: {  	_ =	shalt  }
0x7e: {  	_ =	shalt  }
0x7f: {  	_ =	shalt  }
0x80: {  	_ =	shalt  }
0x81: {  	_ =	shalt  }
0x82: {  	_ =	shalt  }
0x83: {  	_ =	shalt  }
0x84: {  	_ =	shalt  }
0x85: {  	_ =	shalt  }
0x86: {  	_ =	shalt  }
0x87: {  	_ =	shalt  }
.Lfunc_end0:
.L_simem_size_0:
called_computation.2_lowered:
.L_overlay_start_0:
0x88: {  	s2 =	sld [smem:$0x3FD9]  }
0x89: {  	s3 =	sld [smem:$0x3FFE];
	_ =	sdelay $0x1  }
0x8a: {  	s1 =	srdreg.scid  }
0x8b: {  	s0 =	sand.u32 $0x1, s1  }
0x8c: {  	s16 =	sshll.u32 s0, $0xA;
	s2 =	sadd.s32 s3, s2  }
0x8d: {  	s2 =	sadd.s32 s2, s16  }
0x8e: {  	[smem:$0x3FC2] =	sst s2  }
0x8f: {  	_ = 	snop  }
0x90: {  	(tm) =	ssettm $0x1  }
0x91: {  	s17 =	sld [smem:$0x3FFB];
	_ =	sdelay $0x3  }
0x92: {  	_ =	strace s17  }
0x93: {  	s2 =	sld [smem:$0x3FFC];
	_ =	sdelay $0x3  }
0x94: {  	_ =	strace s2  }
0x95: {  	s2 =	sld [smem:$0x3FFD];
	_ =	sdelay $0x3  }
0x96: {  	_ =	strace s2  }
0x97: {  	_ =	strace $0x8FFFFFFF  }
0x98: {  	s18 =	sld [smem:$0x3FDB];
	_ =	sdelay $0x1  }
0x99: {  	s19 =	simm.s32 $_scs_section_size  }
0x9a: {  	s4 =	simm.s32 $_size__tile_overlayer_lowered;
	s5 =	simm.s32 $_tile_overlayer_lowered  }
0x9b: {  	s22 =	simm.s32 $0x1BFF;
	s21 =	sshll.u32 s5, $0x1;
	s2 =	sadd.s32 s19, s18  }
0x9c: {  	s6 =	simm.s32 $0x0;
	s20 =	sshll.u32 s4, $0x1;
	s4 =	sadd.s32 s21, s2  }
0x9d: {  	[timem:s6], [sflag:s22] =	dma.local [hbm:s4], s20  }
0x9e: {  	_ =	swait.ge [sflag:s22], s20  }
0x9f: {  	s3 =	ssub.s32 $0x0, s20;
	[sflag:s22] =	ssyncset.done $0x0  }
0xa0: {  	[sflag:s22] =	ssyncadd.s32 s3;
	_ =	sdelay $0x1  }
0xa1: {  	s23 =	simm.s32 $0x1B8B  }
0xa2: {  	_ =	swait.ge [sflag:s23], $0x1  }
0xa3: {  	[sflag:s23] =	ssyncset.done $0x0  }
0xa4: {  	s25 =	simm.s32 $0x1B8E;
	s24 =	sld [smem:$0x3FFE];
	[sflag:s23] =	ssyncadd.s32 $0xFFFFFFFF  }
0xa5: {  	s26 =	simm.s32 $execute0_lowered;
	[smem:$0x3FD2] =	sst s25  }
0xa6: {  	s4 =	sshll.u32 s26, $0x1;
	_ =	strace $0x8000004C;
	[dreg:$0x1] =	wrdreg $0xFFFFFFFF  }
0xa7: {  	s28 =	simm.s32 $_size_execute0_lowered;
	s2 =	sadd.s32 s2, s4;
	[dreg:$0x0] =	wrdreg $0x0  }
0xa8: {  	s4 =	sshll.u32 s28, $0x1;
	[dreg:$0x2] =	wrdreg s2  }
0xa9: {  	[dreg:$0x3] =	wrdreg s4  }
0xaa: {  	[dreg:$0x4] =	wrdreg $0xC0  }
0xab: {  	_ =	task [dreg:s6], $0x5FFFF  }
0xac: {  	[dreg:$0x1] =	wrdreg $0xFFFFFFFF  }
0xad: {  	[dreg:$0x0] =	wrdreg $0x60  }
0xae: {  	[dreg:$0x2] =	wrdreg s24  }
0xaf: {  	[dreg:$0x3] =	wrdreg $0x9E200  }
0xb0: {  	[dreg:$0x4] =	wrdreg $0x9  }
0xb1: {  	_ =	task.clear_ibuf [dreg:s6], $0x5FFFF;
	_ =	strace $0x9000004C  }
0xb2: {  	s29 =	simm.s32 $0x9;
	_ =	strace $0x8000004E  }
0xb3: {  	_ =	swait.ge [sflag:s29], $0x1  }
0xb4: {  	[sflag:s29] =	ssyncadd.s32 $0xFFFFFFFF  }
0xb5: {  	_ =	strace $0x9000004E  }
0xb6: {  	_ =	sfence  }
0xb7: {  	s30 =	sld [smem:$0x0];
	_ =	sdelay $0x2  }
0xb8: {  	s31 =	sshll.u32 s1, $0xD;
	s1 =	sshrl.u32 s1, $0x2  }
0xb9: {  	s3 =	sand.u32 $0x4000, s31;
	s1 =	sadd.s32 s1, s30  }
0xba: {  	s0 =	sor.u32 s3, s0;
	s1 =	sshll.u32 s1, $0x11  }
0xbb: {  	s0 =	sor.u32 s1, s0  }
0xbc: {  	s0 =	sadd.s32 $0x8F2B, s0  }
0xbd: {  	[sflag:s0] =	ssyncadd.remote.s32 $0x1  }
0xbe: {  	_ =	sfence.sel $0xFFFF  }
0xbf: {  	[dreg:$0x0] =	wrdreg $0xFFFFFFFF;
	(pc) =	sbr.abs _section_cstart, $3  }
0xc0: {  	[dreg:$0x1] =	wrdreg $0xFFFFFFFF  }
0xc1: {  	_ =	task.clear_ibuf [dreg:s6], $0x2FFFF;
	_ =	strace $0x9FFFFFFF  }
0xc2: {  	(tm) =	ssettm $0x7FFFFFFF  }
0xc3: {  	_ =	shalt  }
tec
execute0_lowered:
.L_overlay_start_1:
0x0: {  	(tag) =	ssettag $0x1  }
0x1: {  	s0 =	rddreg [dreg:$0x0]  }
0x2: {  	s2 =	rddreg [dreg:$0x1]  }
0x3: {  	s1 =	srdreg.scid;
	s6 =	stileid.u32  }
0x4: {  	s4 =	simm.s32 $0x0;
	s15 =	simm.s32 $0x5000;
	s16 =	simm.s32 $0x3  }
0x5: {  	s17 =	simm.s32 $0x1;
	s18 =	simm.s32 $0x2;
	s19 =	simm.s32 $0x7D  }
0x6: {  	s20 =	simm.s32 $0x57D0;
	s21 =	simm.s32 $0x5FA0;
	s22 =	simm.s32 $0x6770  }
0x7: {  	s23 =	simm.s32 $0x6F40;
	s24 =	simm.s32 $0x7710;
	s28 =	simm.s32 $0x86B0  }
0x8: {  	s29 =	simm.s32 $0x8E80;
	s30 =	simm.s32 $0x9650;
	s31 =	simm.s32 $0x0  }
0x9: {  	s1 =	sand.u32 $0x1, s1;
	s3 =	sshll.u32 s6, $0x1;
	s9 =	smul.u32 $0x2800, s6  }
0xa: {  	[smem:$0x7FF] =	sst s4;
	s4 =	sadd.s32 $0xAE00, s0;
	s6 =	smul.u32 $0xA000, s6  }
0xb: {  	s5 =	smul.u32 $0x28000, s1;
	s3 =	sor.u32 s1, s3;
	s1 =	ssub.s32 $0x2, s1  }
0xc: {  	_ =	strace $0x8000004D;
	s3 =	smul.u32 $0x500, s3;
	s7 =	sshrl.u32 s1, $0x1  }
0xd: {  	s25 =	sshrl.u32 s6, $0x2;
	s26 =	sadd.s32 s9, s2;
	s5 =	sadd.s32 s9, s5  }
0xe: {  	s1 =	ssub.s32 s1, s7;
	s7 =	sadd.s32 s25, s2;
	s25 =	sshrl.u32 s26, $0x3  }
0xf: {  	s26 =	simm.s32 $0x7EE0;
	s3 =	sadd.s32 s3, s0;
	s5 =	sshrl.u32 s5, $0x3  }
0x10: {  	s9 =	smax.u32 s1, $0x1;
	s10 =	sadd.s32 $0x800, s7;
	s11 =	sadd.s32 $0x1000, s7  }
0x11: {  	s12 =	sadd.s32 $0x1800, s7;
	s13 =	sadd.s32 $0x2000, s7;
	s0 =	sadd.s32 s5, s0  }
0x12: {  	v0 =	vimm.f32 $0.0e+00;
	s5 =	sadd.s32 $0xE00, s3;
	s6 =	sadd.s32 $0xA0200, s3;
	s8 =	sadd.s32 $0xFE00, s0  }
.LBB2_1:
0x13: {  	s0 =	simm.s32 $0x0  }
0x14: {  	[tilespmem:s0], [sflag:$0x1] =	stream.linear.gather [hbm4b:s5+s0], $0x2800, $0x38;
	[tilespmem:$0xC620] =	vst v63  }
0x15: {  	s1 =	simm.s32 $0x2800  }
0x16: {  	[tilespmem:s1], [sflag:$0x2] =	stream.linear.gather [hbm4b:s6+s0], $0x2800, $0x38;
	[tilespmem:$0xC620] =	vst v63  }
0x17: {  	s0 =	simm.s32 $0x40;
	s1 =	simm.s32 $0x0  }
.LBB2_2:
0x18: {  	p0 =	sne.s32 s0, $0x1FC0;
	[tilespmem:s1+$0x5000] =	vst v0;
	s1 =	smov.u32 s0;
	s0 =	sadd.s32 $0x40, s0  }
.Ltmp0:
0x19: {  	(pc) =	sbr.rel @p0 .LBB2_2-.Ltmp0, $2  }
0x1a: {  	_ =	sdelay $0x2  }
0x1b: {  	s1 =	sshra.s32 s1, $0x2  }
0x1c: {  	[tilespmem:s1+$0x5000] =	vst v0  }
0x1d: {  	[spmem:s7] =	stream.linear.scatter [tilespmem:s15], [sflag:$0x3], $0x800, $0x38;
	[tilespmem:$0xC620] =	vst v63  }
0x1e: {  	_ =	swait.ge [sflag:s16], $0x800  }
0x1f: {  	[sflag:s16] =	ssyncset.done $0x0  }
0x20: {  	[sflag:s16] =	ssyncadd.s32 $0xFFFFF800  }
0x21: {  	[spmem:s10] =	stream.linear.scatter [tilespmem:s15], [sflag:$0x3], $0x800, $0x38;
	[tilespmem:$0xC620] =	vst v63  }
0x22: {  	_ =	swait.ge [sflag:s16], $0x800  }
0x23: {  	[sflag:s16] =	ssyncset.done $0x0  }
0x24: {  	[sflag:s16] =	ssyncadd.s32 $0xFFFFF800  }
0x25: {  	[spmem:s11] =	stream.linear.scatter [tilespmem:s15], [sflag:$0x3], $0x800, $0x38;
	[tilespmem:$0xC620] =	vst v63  }
0x26: {  	_ =	swait.ge [sflag:s16], $0x800  }
0x27: {  	[sflag:s16] =	ssyncset.done $0x0  }
0x28: {  	[sflag:s16] =	ssyncadd.s32 $0xFFFFF800  }
0x29: {  	[spmem:s12] =	stream.linear.scatter [tilespmem:s15], [sflag:$0x3], $0x800, $0x38;
	[tilespmem:$0xC620] =	vst v63  }
0x2a: {  	_ =	swait.ge [sflag:s16], $0x800  }
0x2b: {  	[sflag:s16] =	ssyncset.done $0x0  }
0x2c: {  	[sflag:s16] =	ssyncadd.s32 $0xFFFFF800  }
0x2d: {  	[spmem:s13] =	stream.linear.scatter [tilespmem:s15], [sflag:$0x3], $0x800, $0x38;
	[tilespmem:$0xC620] =	vst v63  }
0x2e: {  	_ =	swait.ge [sflag:s16], $0x800  }
0x2f: {  	[sflag:s16] =	ssyncset.done $0x0  }
0x30: {  	[sflag:s16] =	ssyncadd.s32 $0xFFFFF800  }
0x31: {  	_ =	swait.ge [sflag:s17], $0x2800  }
0x32: {  	[sflag:s17] =	ssyncset.done $0x0  }
0x33: {  	[sflag:s17] =	ssyncadd.s32 $0xFFFFD800  }
0x34: {  	_ =	swait.ge [sflag:s18], $0x2800  }
0x35: {  	[sflag:s18] =	ssyncset.done $0x0  }
0x36: {  	[sflag:s18] =	ssyncadd.s32 $0xFFFFD800  }
0x37: {  	s0 =	simm.s32 $0x0;
	[bflag:$0x0] =	sbarrier.arrive $0xFFFF  }
0x38: {  	[tilespmem:s15], [sflag:$0x1] =	stream.indirect.gather [hbm4b:s4+s19], $0x10, s0, s19, $0xb8;
	[tilespmem:$0xC620] =	vst v63  }
0x39: {  	s14 =	simm.s32 $0x80  }
0x3a: {  	[tilespmem:s20], [sflag:$0x1] =	stream.indirect.gather [hbm4b:s4+s19], $0x10, s14, s19, $0xb8;
	[tilespmem:$0xC620] =	vst v63  }
0x3b: {  	s1 =	simm.s32 $0x100  }
0x3c: {  	[tilespmem:s21], [sflag:$0x1] =	stream.indirect.gather [hbm4b:s4+s19], $0x10, s1, s19, $0xb8;
	[tilespmem:$0xC620] =	vst v63  }
0x3d: {  	s3 =	simm.s32 $0x180  }
0x3e: {  	[tilespmem:s22], [sflag:$0x1] =	stream.indirect.gather [hbm4b:s4+s19], $0x10, s3, s19, $0xb8;
	[tilespmem:$0xC620] =	vst v63  }
0x3f: {  	s14 =	simm.s32 $0x200  }
0x40: {  	[tilespmem:s23], [sflag:$0x1] =	stream.indirect.gather [hbm4b:s4+s19], $0x10, s14, s19, $0xb8;
	[tilespmem:$0xC620] =	vst v63  }
0x41: {  	s1 =	simm.s32 $0x280  }
0x42: {  	[tilespmem:s24], [sflag:$0x1] =	stream.indirect.gather [hbm4b:s4+s19], $0x10, s1, s19, $0xb8;
	[tilespmem:$0xC620] =	vst v63  }
0x43: {  	s3 =	simm.s32 $0x300  }
0x44: {  	[tilespmem:s26], [sflag:$0x1] =	stream.indirect.gather [hbm4b:s4+s19], $0x10, s3, s19, $0xb8;
	[tilespmem:$0xC620] =	vst v63  }
0x45: {  	s14 =	simm.s32 $0x380  }
0x46: {  	[tilespmem:s28], [sflag:$0x1] =	stream.indirect.gather [hbm4b:s4+s19], $0x10, s14, s19, $0xb8;
	[tilespmem:$0xC620] =	vst v63  }
0x47: {  	s1 =	simm.s32 $0x400  }
0x48: {  	[tilespmem:s29], [sflag:$0x1] =	stream.indirect.gather [hbm4b:s4+s19], $0x10, s1, s19, $0xb8;
	[tilespmem:$0xC620] =	vst v63  }
0x49: {  	s3 =	simm.s32 $0x480  }
0x4a: {  	[tilespmem:s30], [sflag:$0x1] =	stream.indirect.gather [hbm4b:s4+s19], $0x10, s3, s19, $0xb8;
	[tilespmem:$0xC620] =	vst v63  }
0x4b: {  	_ =	swait.ge [sflag:s17], $0x7D0  }
0x4c: {  	[sflag:s17] =	ssyncset.done $0x0  }
0x4d: {  	s14 =	simm.s32 $0x2800;
	[sflag:s17] =	ssyncadd.s32 $0xFFFFF830  }
0x4e: {  	[spmem:s2] =	stream.indirect.scatter.add.f32 [tilespmem:s15], [sflag:$0x2], $0x10, s14, s19, $0xb8;
	[tilespmem:$0xC620] =	vst v63  }
0x4f: {  	_ =	swait.ge [sflag:s17], $0x7D0  }
0x50: {  	[sflag:s17] =	ssyncset.done $0x0  }
0x51: {  	s1 =	simm.s32 $0x2880;
	[sflag:s17] =	ssyncadd.s32 $0xFFFFF830  }
0x52: {  	[spmem:s2] =	stream.indirect.scatter.add.f32 [tilespmem:s20], [sflag:$0x2], $0x10, s1, s19, $0xb8;
	[tilespmem:$0xC620] =	vst v63  }
0x53: {  	_ =	swait.ge [sflag:s17], $0x7D0  }
0x54: {  	[sflag:s17] =	ssyncset.done $0x0  }
0x55: {  	s3 =	simm.s32 $0x2900;
	[sflag:s17] =	ssyncadd.s32 $0xFFFFF830  }
0x56: {  	[spmem:s2] =	stream.indirect.scatter.add.f32 [tilespmem:s21], [sflag:$0x2], $0x10, s3, s19, $0xb8;
	[tilespmem:$0xC620] =	vst v63  }
0x57: {  	_ =	swait.ge [sflag:s17], $0x7D0  }
0x58: {  	[sflag:s17] =	ssyncset.done $0x0  }
0x59: {  	s14 =	simm.s32 $0x2980;
	[sflag:s17] =	ssyncadd.s32 $0xFFFFF830  }
0x5a: {  	[spmem:s2] =	stream.indirect.scatter.add.f32 [tilespmem:s22], [sflag:$0x2], $0x10, s14, s19, $0xb8;
	[tilespmem:$0xC620] =	vst v63  }
0x5b: {  	_ =	swait.ge [sflag:s17], $0x7D0  }
0x5c: {  	[sflag:s17] =	ssyncset.done $0x0  }
0x5d: {  	s1 =	simm.s32 $0x2A00;
	[sflag:s17] =	ssyncadd.s32 $0xFFFFF830  }
0x5e: {  	[spmem:s2] =	stream.indirect.scatter.add.f32 [tilespmem:s23], [sflag:$0x2], $0x10, s1, s19, $0xb8;
	[tilespmem:$0xC620] =	vst v63  }
0x5f: {  	_ =	swait.ge [sflag:s17], $0x7D0  }
0x60: {  	[sflag:s17] =	ssyncset.done $0x0  }
0x61: {  	s3 =	simm.s32 $0x2A80;
	[sflag:s17] =	ssyncadd.s32 $0xFFFFF830  }
0x62: {  	[spmem:s2] =	stream.indirect.scatter.add.f32 [tilespmem:s24], [sflag:$0x2], $0x10, s3, s19, $0xb8;
	[tilespmem:$0xC620] =	vst v63  }
0x63: {  	_ =	swait.ge [sflag:s17], $0x7D0  }
0x64: {  	[sflag:s17] =	ssyncset.done $0x0  }
0x65: {  	s14 =	simm.s32 $0x2B00;
	[sflag:s17] =	ssyncadd.s32 $0xFFFFF830  }
0x66: {  	[spmem:s2] =	stream.indirect.scatter.add.f32 [tilespmem:s26], [sflag:$0x2], $0x10, s14, s19, $0xb8;
	[tilespmem:$0xC620] =	vst v63  }
0x67: {  	_ =	swait.ge [sflag:s17], $0x7D0  }
0x68: {  	[sflag:s17] =	ssyncset.done $0x0  }
0x69: {  	s1 =	simm.s32 $0x2B80;
	[sflag:s17] =	ssyncadd.s32 $0xFFFFF830  }
0x6a: {  	[spmem:s2] =	stream.indirect.scatter.add.f32 [tilespmem:s28], [sflag:$0x2], $0x10, s1, s19, $0xb8;
	[tilespmem:$0xC620] =	vst v63  }
0x6b: {  	_ =	swait.ge [sflag:s17], $0x7D0  }
0x6c: {  	[sflag:s17] =	ssyncset.done $0x0  }
0x6d: {  	s3 =	simm.s32 $0x2C00;
	[sflag:s17] =	ssyncadd.s32 $0xFFFFF830  }
0x6e: {  	[spmem:s2] =	stream.indirect.scatter.add.f32 [tilespmem:s29], [sflag:$0x2], $0x10, s3, s19, $0xb8;
	[tilespmem:$0xC620] =	vst v63  }
0x6f: {  	_ =	swait.ge [sflag:s17], $0x7D0  }
0x70: {  	[sflag:s17] =	ssyncset.done $0x0  }
0x71: {  	s14 =	simm.s32 $0x2C80;
	[sflag:s17] =	ssyncadd.s32 $0xFFFFF830  }
0x72: {  	[spmem:s2] =	stream.indirect.scatter.add.f32 [tilespmem:s30], [sflag:$0x2], $0x10, s14, s19, $0xb8;
	[tilespmem:$0xC620] =	vst v63  }
0x73: {  	_ =	swait.ge [sflag:s18], $0x7D0  }
0x74: {  	[sflag:s18] =	ssyncset.done $0x0  }
0x75: {  	[sflag:s18] =	ssyncadd.s32 $0xFFFFF830  }
0x76: {  	_ =	swait.ge [sflag:s18], $0x7D0  }
0x77: {  	[sflag:s18] =	ssyncset.done $0x0  }
0x78: {  	[sflag:s18] =	ssyncadd.s32 $0xFFFFF830  }
0x79: {  	_ =	swait.ge [sflag:s18], $0x7D0  }
0x7a: {  	[sflag:s18] =	ssyncset.done $0x0  }
0x7b: {  	[sflag:s18] =	ssyncadd.s32 $0xFFFFF830  }
0x7c: {  	_ =	swait.ge [sflag:s18], $0x7D0  }
0x7d: {  	[sflag:s18] =	ssyncset.done $0x0  }
0x7e: {  	[sflag:s18] =	ssyncadd.s32 $0xFFFFF830  }
0x7f: {  	_ =	swait.ge [sflag:s18], $0x7D0  }
0x80: {  	[sflag:s18] =	ssyncset.done $0x0  }
0x81: {  	[sflag:s18] =	ssyncadd.s32 $0xFFFFF830  }
0x82: {  	_ =	swait.ge [sflag:s18], $0x7D0  }
0x83: {  	[sflag:s18] =	ssyncset.done $0x0  }
0x84: {  	[sflag:s18] =	ssyncadd.s32 $0xFFFFF830  }
0x85: {  	_ =	swait.ge [sflag:s18], $0x7D0  }
0x86: {  	[sflag:s18] =	ssyncset.done $0x0  }
0x87: {  	[sflag:s18] =	ssyncadd.s32 $0xFFFFF830  }
0x88: {  	_ =	swait.ge [sflag:s18], $0x7D0  }
0x89: {  	[sflag:s18] =	ssyncset.done $0x0  }
0x8a: {  	[sflag:s18] =	ssyncadd.s32 $0xFFFFF830  }
0x8b: {  	_ =	swait.ge [sflag:s18], $0x7D0  }
0x8c: {  	[sflag:s18] =	ssyncset.done $0x0  }
0x8d: {  	[sflag:s18] =	ssyncadd.s32 $0xFFFFF830  }
0x8e: {  	_ =	swait.ge [sflag:s18], $0x7D0  }
0x8f: {  	s0 =	simm.s32 $0x1400;
	s14 =	simm.s32 $0x2800;
	[sflag:s18] =	ssyncset.done $0x0  }
.LBB2_4:
0x90: {  	s1 =	sshra.s32 s0, $0x2  }
0x91: {  	[sflag:s18] =	ssyncadd.s32 $0xFFFFF830;
	s0 =	smov.u32 s14;
	s3 =	sadd.s32 $0x1400, s14  }
0x92: {  	[tilespmem:s15], [sflag:$0x1] =	stream.indirect.gather [hbm4b:s4+s19], $0x10, s1, s19, $0xb8;
	[tilespmem:$0xC620] =	vst v63  }
0x93: {  	p0 =	sne.s32 s14, $0x8C00;
	s14 =	sadd.s32 $0x80, s1  }
0x94: {  	[tilespmem:s20], [sflag:$0x1] =	stream.indirect.gather [hbm4b:s4+s19], $0x10, s14, s19, $0xb8;
	[tilespmem:$0xC620] =	vst v63  }
0x95: {  	s14 =	sadd.s32 $0x100, s1  }
0x96: {  	[tilespmem:s21], [sflag:$0x1] =	stream.indirect.gather [hbm4b:s4+s19], $0x10, s14, s19, $0xb8;
	[tilespmem:$0xC620] =	vst v63  }
0x97: {  	s14 =	sadd.s32 $0x180, s1  }
0x98: {  	[tilespmem:s22], [sflag:$0x1] =	stream.indirect.gather [hbm4b:s4+s19], $0x10, s14, s19, $0xb8;
	[tilespmem:$0xC620] =	vst v63  }
0x99: {  	s14 =	sadd.s32 $0x200, s1  }
0x9a: {  	[tilespmem:s23], [sflag:$0x1] =	stream.indirect.gather [hbm4b:s4+s19], $0x10, s14, s19, $0xb8;
	[tilespmem:$0xC620] =	vst v63  }
0x9b: {  	s14 =	sadd.s32 $0x280, s1  }
0x9c: {  	[tilespmem:s24], [sflag:$0x1] =	stream.indirect.gather [hbm4b:s4+s19], $0x10, s14, s19, $0xb8;
	[tilespmem:$0xC620] =	vst v63  }
0x9d: {  	s14 =	sadd.s32 $0x300, s1  }
0x9e: {  	[tilespmem:s26], [sflag:$0x1] =	stream.indirect.gather [hbm4b:s4+s19], $0x10, s14, s19, $0xb8;
	[tilespmem:$0xC620] =	vst v63  }
0x9f: {  	s14 =	sadd.s32 $0x380, s1  }
0xa0: {  	[tilespmem:s28], [sflag:$0x1] =	stream.indirect.gather [hbm4b:s4+s19], $0x10, s14, s19, $0xb8;
	[tilespmem:$0xC620] =	vst v63  }
0xa1: {  	s14 =	sadd.s32 $0x400, s1  }
0xa2: {  	[tilespmem:s29], [sflag:$0x1] =	stream.indirect.gather [hbm4b:s4+s19], $0x10, s14, s19, $0xb8;
	[tilespmem:$0xC620] =	vst v63  }
0xa3: {  	s14 =	sadd.s32 $0x480, s1  }
0xa4: {  	[tilespmem:s30], [sflag:$0x1] =	stream.indirect.gather [hbm4b:s4+s19], $0x10, s14, s19, $0xb8;
	[tilespmem:$0xC620] =	vst v63  }
0xa5: {  	_ =	swait.ge [sflag:s17], $0x7D0  }
0xa6: {  	[sflag:s17] =	ssyncset.done $0x0  }
0xa7: {  	s14 =	sadd.s32 $0x2800, s1;
	[sflag:s17] =	ssyncadd.s32 $0xFFFFF830  }
0xa8: {  	[spmem:s2] =	stream.indirect.scatter.add.f32 [tilespmem:s15], [sflag:$0x2], $0x10, s14, s19, $0xb8;
	[tilespmem:$0xC620] =	vst v63  }
0xa9: {  	_ =	swait.ge [sflag:s17], $0x7D0  }
0xaa: {  	[sflag:s17] =	ssyncset.done $0x0  }
0xab: {  	s14 =	sadd.s32 $0x2880, s1;
	[sflag:s17] =	ssyncadd.s32 $0xFFFFF830  }
0xac: {  	[spmem:s2] =	stream.indirect.scatter.add.f32 [tilespmem:s20], [sflag:$0x2], $0x10, s14, s19, $0xb8;
	[tilespmem:$0xC620] =	vst v63  }
0xad: {  	_ =	swait.ge [sflag:s17], $0x7D0  }
0xae: {  	[sflag:s17] =	ssyncset.done $0x0  }
0xaf: {  	s14 =	sadd.s32 $0x2900, s1;
	[sflag:s17] =	ssyncadd.s32 $0xFFFFF830  }
0xb0: {  	[spmem:s2] =	stream.indirect.scatter.add.f32 [tilespmem:s21], [sflag:$0x2], $0x10, s14, s19, $0xb8;
	[tilespmem:$0xC620] =	vst v63  }
0xb1: {  	_ =	swait.ge [sflag:s17], $0x7D0  }
0xb2: {  	[sflag:s17] =	ssyncset.done $0x0  }
0xb3: {  	s14 =	sadd.s32 $0x2980, s1;
	[sflag:s17] =	ssyncadd.s32 $0xFFFFF830  }
0xb4: {  	[spmem:s2] =	stream.indirect.scatter.add.f32 [tilespmem:s22], [sflag:$0x2], $0x10, s14, s19, $0xb8;
	[tilespmem:$0xC620] =	vst v63  }
0xb5: {  	_ =	swait.ge [sflag:s17], $0x7D0  }
0xb6: {  	[sflag:s17] =	ssyncset.done $0x0  }
0xb7: {  	s14 =	sadd.s32 $0x2A00, s1;
	[sflag:s17] =	ssyncadd.s32 $0xFFFFF830  }
0xb8: {  	[spmem:s2] =	stream.indirect.scatter.add.f32 [tilespmem:s23], [sflag:$0x2], $0x10, s14, s19, $0xb8;
	[tilespmem:$0xC620] =	vst v63  }
0xb9: {  	_ =	swait.ge [sflag:s17], $0x7D0  }
0xba: {  	[sflag:s17] =	ssyncset.done $0x0  }
0xbb: {  	s14 =	sadd.s32 $0x2A80, s1;
	[sflag:s17] =	ssyncadd.s32 $0xFFFFF830  }
0xbc: {  	[spmem:s2] =	stream.indirect.scatter.add.f32 [tilespmem:s24], [sflag:$0x2], $0x10, s14, s19, $0xb8;
	[tilespmem:$0xC620] =	vst v63  }
0xbd: {  	_ =	swait.ge [sflag:s17], $0x7D0  }
0xbe: {  	[sflag:s17] =	ssyncset.done $0x0  }
0xbf: {  	s14 =	sadd.s32 $0x2B00, s1;
	[sflag:s17] =	ssyncadd.s32 $0xFFFFF830  }
0xc0: {  	[spmem:s2] =	stream.indirect.scatter.add.f32 [tilespmem:s26], [sflag:$0x2], $0x10, s14, s19, $0xb8;
	[tilespmem:$0xC620] =	vst v63  }
0xc1: {  	_ =	swait.ge [sflag:s17], $0x7D0  }
0xc2: {  	[sflag:s17] =	ssyncset.done $0x0  }
0xc3: {  	s14 =	sadd.s32 $0x2B80, s1;
	[sflag:s17] =	ssyncadd.s32 $0xFFFFF830  }
0xc4: {  	[spmem:s2] =	stream.indirect.scatter.add.f32 [tilespmem:s28], [sflag:$0x2], $0x10, s14, s19, $0xb8;
	[tilespmem:$0xC620] =	vst v63  }
0xc5: {  	_ =	swait.ge [sflag:s17], $0x7D0  }
0xc6: {  	[sflag:s17] =	ssyncset.done $0x0  }
0xc7: {  	s14 =	sadd.s32 $0x2C00, s1;
	[sflag:s17] =	ssyncadd.s32 $0xFFFFF830  }
0xc8: {  	[spmem:s2] =	stream.indirect.scatter.add.f32 [tilespmem:s29], [sflag:$0x2], $0x10, s14, s19, $0xb8;
	[tilespmem:$0xC620] =	vst v63  }
0xc9: {  	_ =	swait.ge [sflag:s17], $0x7D0  }
0xca: {  	[sflag:s17] =	ssyncset.done $0x0  }
0xcb: {  	s1 =	sadd.s32 $0x2C80, s1;
	[sflag:s17] =	ssyncadd.s32 $0xFFFFF830  }
0xcc: {  	[spmem:s2] =	stream.indirect.scatter.add.f32 [tilespmem:s30], [sflag:$0x2], $0x10, s1, s19, $0xb8;
	[tilespmem:$0xC620] =	vst v63  }
0xcd: {  	_ =	swait.ge [sflag:s18], $0x7D0  }
0xce: {  	[sflag:s18] =	ssyncset.done $0x0  }
0xcf: {  	[sflag:s18] =	ssyncadd.s32 $0xFFFFF830  }
0xd0: {  	_ =	swait.ge [sflag:s18], $0x7D0  }
0xd1: {  	[sflag:s18] =	ssyncset.done $0x0  }
0xd2: {  	[sflag:s18] =	ssyncadd.s32 $0xFFFFF830  }
0xd3: {  	_ =	swait.ge [sflag:s18], $0x7D0  }
0xd4: {  	[sflag:s18] =	ssyncset.done $0x0  }
0xd5: {  	[sflag:s18] =	ssyncadd.s32 $0xFFFFF830  }
0xd6: {  	_ =	swait.ge [sflag:s18], $0x7D0  }
0xd7: {  	[sflag:s18] =	ssyncset.done $0x0  }
0xd8: {  	[sflag:s18] =	ssyncadd.s32 $0xFFFFF830  }
0xd9: {  	_ =	swait.ge [sflag:s18], $0x7D0  }
0xda: {  	[sflag:s18] =	ssyncset.done $0x0  }
0xdb: {  	[sflag:s18] =	ssyncadd.s32 $0xFFFFF830  }
0xdc: {  	_ =	swait.ge [sflag:s18], $0x7D0  }
0xdd: {  	[sflag:s18] =	ssyncset.done $0x0  }
0xde: {  	[sflag:s18] =	ssyncadd.s32 $0xFFFFF830  }
0xdf: {  	_ =	swait.ge [sflag:s18], $0x7D0  }
0xe0: {  	[sflag:s18] =	ssyncset.done $0x0  }
0xe1: {  	[sflag:s18] =	ssyncadd.s32 $0xFFFFF830  }
0xe2: {  	_ =	swait.ge [sflag:s18], $0x7D0  }
0xe3: {  	[sflag:s18] =	ssyncset.done $0x0  }
0xe4: {  	[sflag:s18] =	ssyncadd.s32 $0xFFFFF830  }
.Ltmp1:
0xe5: {  	_ =	swait.ge [sflag:s18], $0x7D0;
	(pc) =	sbr.rel @p0 .LBB2_4-.Ltmp1, $4  }
0xe6: {  	[sflag:s18] =	ssyncset.done $0x0  }
0xe7: {  	[sflag:s18] =	ssyncadd.s32 $0xFFFFF830  }
0xe8: {  	_ =	swait.ge [sflag:s18], $0x7D0  }
0xe9: {  	s14 =	smov.u32 s3;
	[sflag:s18] =	ssyncset.done $0x0  }
0xea: {  	s0 =	sshra.s32 s0, $0x2;
	[sflag:s18] =	ssyncadd.s32 $0xFFFFF830  }
0xeb: {  	[tilespmem:s15], [sflag:$0x1] =	stream.indirect.gather [hbm4b:s4+s19], $0x10, s0, s19, $0xb8;
	[tilespmem:$0xC620] =	vst v63  }
0xec: {  	s1 =	sadd.s32 $0x80, s0  }
0xed: {  	[tilespmem:s20], [sflag:$0x1] =	stream.indirect.gather [hbm4b:s4+s19], $0x10, s1, s19, $0xb8;
	[tilespmem:$0xC620] =	vst v63  }
0xee: {  	s3 =	sadd.s32 $0x100, s0  }
0xef: {  	[tilespmem:s21], [sflag:$0x1] =	stream.indirect.gather [hbm4b:s4+s19], $0x10, s3, s19, $0xb8;
	[tilespmem:$0xC620] =	vst v63  }
0xf0: {  	s14 =	sadd.s32 $0x180, s0  }
0xf1: {  	[tilespmem:s22], [sflag:$0x1] =	stream.indirect.gather [hbm4b:s4+s19], $0x10, s14, s19, $0xb8;
	[tilespmem:$0xC620] =	vst v63  }
0xf2: {  	s3 =	sadd.s32 $0x200, s0  }
0xf3: {  	[tilespmem:s23], [sflag:$0x1] =	stream.indirect.gather [hbm4b:s4+s19], $0x10, s3, s19, $0xb8;
	[tilespmem:$0xC620] =	vst v63  }
0xf4: {  	s14 =	sadd.s32 $0x280, s0  }
0xf5: {  	[tilespmem:s24], [sflag:$0x1] =	stream.indirect.gather [hbm4b:s4+s19], $0x10, s14, s19, $0xb8;
	[tilespmem:$0xC620] =	vst v63  }
0xf6: {  	s3 =	sadd.s32 $0x300, s0  }
0xf7: {  	[tilespmem:s26], [sflag:$0x1] =	stream.indirect.gather [hbm4b:s4+s19], $0x10, s3, s19, $0xb8;
	[tilespmem:$0xC620] =	vst v63  }
0xf8: {  	s14 =	sadd.s32 $0x380, s0  }
0xf9: {  	[tilespmem:s28], [sflag:$0x1] =	stream.indirect.gather [hbm4b:s4+s19], $0x10, s14, s19, $0xb8;
	[tilespmem:$0xC620] =	vst v63  }
0xfa: {  	s3 =	sadd.s32 $0x400, s0  }
0xfb: {  	[tilespmem:s29], [sflag:$0x1] =	stream.indirect.gather [hbm4b:s4+s19], $0x10, s3, s19, $0xb8;
	[tilespmem:$0xC620] =	vst v63  }
0xfc: {  	s14 =	sadd.s32 $0x480, s0  }
0xfd: {  	[tilespmem:s30], [sflag:$0x1] =	stream.indirect.gather [hbm4b:s4+s19], $0x10, s14, s19, $0xb8;
	[tilespmem:$0xC620] =	vst v63  }
0xfe: {  	_ =	swait.ge [sflag:s17], $0x7D0  }
0xff: {  	[sflag:s17] =	ssyncset.done $0x0  }
0x100: {  	s3 =	sadd.s32 $0x2800, s0;
	[sflag:s17] =	ssyncadd.s32 $0xFFFFF830  }
0x101: {  	[spmem:s2] =	stream.indirect.scatter.add.f32 [tilespmem:s15], [sflag:$0x2], $0x10, s3, s19, $0xb8;
	[tilespmem:$0xC620] =	vst v63  }
0x102: {  	_ =	swait.ge [sflag:s17], $0x7D0  }
0x103: {  	[sflag:s17] =	ssyncset.done $0x0  }
0x104: {  	s14 =	sadd.s32 $0x2880, s0;
	[sflag:s17] =	ssyncadd.s32 $0xFFFFF830  }
0x105: {  	[spmem:s2] =	stream.indirect.scatter.add.f32 [tilespmem:s20], [sflag:$0x2], $0x10, s14, s19, $0xb8;
	[tilespmem:$0xC620] =	vst v63  }
0x106: {  	_ =	swait.ge [sflag:s17], $0x7D0  }
0x107: {  	[sflag:s17] =	ssyncset.done $0x0  }
0x108: {  	s3 =	sadd.s32 $0x2900, s0;
	[sflag:s17] =	ssyncadd.s32 $0xFFFFF830  }
0x109: {  	[spmem:s2] =	stream.indirect.scatter.add.f32 [tilespmem:s21], [sflag:$0x2], $0x10, s3, s19, $0xb8;
	[tilespmem:$0xC620] =	vst v63  }
0x10a: {  	_ =	swait.ge [sflag:s17], $0x7D0  }
0x10b: {  	[sflag:s17] =	ssyncset.done $0x0  }
0x10c: {  	s14 =	sadd.s32 $0x2980, s0;
	[sflag:s17] =	ssyncadd.s32 $0xFFFFF830  }
0x10d: {  	[spmem:s2] =	stream.indirect.scatter.add.f32 [tilespmem:s22], [sflag:$0x2], $0x10, s14, s19, $0xb8;
	[tilespmem:$0xC620] =	vst v63  }
0x10e: {  	_ =	swait.ge [sflag:s17], $0x7D0  }
0x10f: {  	[sflag:s17] =	ssyncset.done $0x0  }
0x110: {  	s3 =	sadd.s32 $0x2A00, s0;
	[sflag:s17] =	ssyncadd.s32 $0xFFFFF830  }
0x111: {  	[spmem:s2] =	stream.indirect.scatter.add.f32 [tilespmem:s23], [sflag:$0x2], $0x10, s3, s19, $0xb8;
	[tilespmem:$0xC620] =	vst v63  }
0x112: {  	_ =	swait.ge [sflag:s17], $0x7D0  }
0x113: {  	[sflag:s17] =	ssyncset.done $0x0  }
0x114: {  	s14 =	sadd.s32 $0x2A80, s0;
	[sflag:s17] =	ssyncadd.s32 $0xFFFFF830  }
0x115: {  	[spmem:s2] =	stream.indirect.scatter.add.f32 [tilespmem:s24], [sflag:$0x2], $0x10, s14, s19, $0xb8;
	[tilespmem:$0xC620] =	vst v63  }
0x116: {  	_ =	swait.ge [sflag:s17], $0x7D0  }
0x117: {  	[sflag:s17] =	ssyncset.done $0x0  }
0x118: {  	s3 =	sadd.s32 $0x2B00, s0;
	[sflag:s17] =	ssyncadd.s32 $0xFFFFF830  }
0x119: {  	[spmem:s2] =	stream.indirect.scatter.add.f32 [tilespmem:s26], [sflag:$0x2], $0x10, s3, s19, $0xb8;
	[tilespmem:$0xC620] =	vst v63  }
0x11a: {  	_ =	swait.ge [sflag:s17], $0x7D0  }
0x11b: {  	[sflag:s17] =	ssyncset.done $0x0  }
0x11c: {  	s14 =	sadd.s32 $0x2B80, s0;
	[sflag:s17] =	ssyncadd.s32 $0xFFFFF830  }
0x11d: {  	[spmem:s2] =	stream.indirect.scatter.add.f32 [tilespmem:s28], [sflag:$0x2], $0x10, s14, s19, $0xb8;
	[tilespmem:$0xC620] =	vst v63  }
0x11e: {  	_ =	swait.ge [sflag:s17], $0x7D0  }
0x11f: {  	[sflag:s17] =	ssyncset.done $0x0  }
0x120: {  	s3 =	sadd.s32 $0x2C00, s0;
	[sflag:s17] =	ssyncadd.s32 $0xFFFFF830  }
0x121: {  	[spmem:s2] =	stream.indirect.scatter.add.f32 [tilespmem:s29], [sflag:$0x2], $0x10, s3, s19, $0xb8;
	[tilespmem:$0xC620] =	vst v63  }
0x122: {  	_ =	swait.ge [sflag:s17], $0x7D0  }
0x123: {  	[sflag:s17] =	ssyncset.done $0x0  }
0x124: {  	s0 =	sadd.s32 $0x2C80, s0;
	[sflag:s17] =	ssyncadd.s32 $0xFFFFF830  }
0x125: {  	[spmem:s2] =	stream.indirect.scatter.add.f32 [tilespmem:s30], [sflag:$0x2], $0x10, s0, s19, $0xb8;
	[tilespmem:$0xC620] =	vst v63  }
0x126: {  	_ =	swait.ge [sflag:s18], $0x7D0  }
0x127: {  	[sflag:s18] =	ssyncset.done $0x0  }
0x128: {  	[sflag:s18] =	ssyncadd.s32 $0xFFFFF830  }
0x129: {  	_ =	swait.ge [sflag:s18], $0x7D0  }
0x12a: {  	[sflag:s18] =	ssyncset.done $0x0  }
0x12b: {  	[sflag:s18] =	ssyncadd.s32 $0xFFFFF830  }
0x12c: {  	_ =	swait.ge [sflag:s18], $0x7D0  }
0x12d: {  	[sflag:s18] =	ssyncset.done $0x0  }
0x12e: {  	[sflag:s18] =	ssyncadd.s32 $0xFFFFF830  }
0x12f: {  	_ =	swait.ge [sflag:s18], $0x7D0  }
0x130: {  	[sflag:s18] =	ssyncset.done $0x0  }
0x131: {  	[sflag:s18] =	ssyncadd.s32 $0xFFFFF830  }
0x132: {  	_ =	swait.ge [sflag:s18], $0x7D0  }
0x133: {  	[sflag:s18] =	ssyncset.done $0x0  }
0x134: {  	[sflag:s18] =	ssyncadd.s32 $0xFFFFF830  }
0x135: {  	_ =	swait.ge [sflag:s18], $0x7D0  }
0x136: {  	[sflag:s18] =	ssyncset.done $0x0  }
0x137: {  	[sflag:s18] =	ssyncadd.s32 $0xFFFFF830  }
0x138: {  	_ =	swait.ge [sflag:s18], $0x7D0  }
0x139: {  	[sflag:s18] =	ssyncset.done $0x0  }
0x13a: {  	[sflag:s18] =	ssyncadd.s32 $0xFFFFF830  }
0x13b: {  	_ =	swait.ge [sflag:s18], $0x7D0  }
0x13c: {  	[sflag:s18] =	ssyncset.done $0x0  }
0x13d: {  	[sflag:s18] =	ssyncadd.s32 $0xFFFFF830  }
0x13e: {  	_ =	swait.ge [sflag:s18], $0x7D0  }
0x13f: {  	[sflag:s18] =	ssyncset.done $0x0  }
0x140: {  	[sflag:s18] =	ssyncadd.s32 $0xFFFFF830  }
0x141: {  	_ =	swait.ge [sflag:s18], $0x7D0  }
0x142: {  	s31 =	sadd.s32 $0x1, s31;
	s14 =	stileid.u32;
	[sflag:s18] =	ssyncset.done $0x0  }
0x143: {  	p0 =	sne.s32 s31, s9;
	s0 =	sshll.u32 s14, $0x6;
	[sflag:s18] =	ssyncadd.s32 $0xFFFFF830  }
.Ltmp2:
0x144: {  	s0 =	sor.u32 $0x1C03, s0;
	[bflag:$0x0] =	sbarrier.arrive $0xFFFF;
	(pc) =	sbr.rel @p0 .LBB2_1-.Ltmp2, $4  }
0x145: {  	[hbm:s8], [sflag:s0] =	dma.local [spmem:s25], $0x500  }
0x146: {  	_ =	swait.ge [sflag:s16], $0x500  }
0x147: {  	[sflag:s16] =	ssyncset.done $0x0  }
0x148: {  	[sflag:s16] =	ssyncadd.s32 $0xFFFFFB00  }
0x149: {  	_ =	sfence.sel $0x180000  }
0x14a: {  	[bflag:$0x0] =	sbarrier.arrive $0xFFFF  }
0x14b: {  	_ =	strace $0x9000004D  }
0x14c: {  	s0 =	stileid.u32;
	[bflag:$0x2] =	sbarrier.arrive $0xFFFF  }
0x14d: {  	p0 =	sne.s32 s0, $0x0;
	s0 =	rddreg [dreg:$0x2]  }
0x14e: {  	s0 =	sadd.s32 @!p0 $0x100000, s0  }
0x14f: {  	[sflag:s0] =	ssyncadd.tile.s32 @!p0 $0x1;
	_ =	shalt  }
.Lfunc_end2:
_tile_overlayer_lowered:
.L_overlay_start_2:
0x150: {  	(tag) =	ssettag $0x2  }
0x151: {  	s0 =	rddreg [dreg:$0x0];
	s2 =	stileid.u32  }
0x152: {  	s1 =	rddreg [dreg:$0x1];
	p0 =	sne.s32 s2, $0x0  }
0x153: {  	s3 =	rddreg [dreg:$0x2];
	[bflag:$0x3] =	sbarrier.arrive $0xFFFF;
	s2 =	simm.s32 @!p0 $0x1C03  }
0x154: {  	[timem:s3], [sflag:s2] =	dma.local @!p0 [hbm:s0], s1  }
0x155: {  	s0 =	simm.s32 @!p0 $0x3  }
0x156: {  	_ =	swait.ge @!p0 [sflag:s0], s1  }
0x157: {  	s1 =	ssub.s32 @!p0 $0x0, s1;
	[sflag:s0] =	ssyncset.done @!p0 $0x0  }
0x158: {  	[sflag:s0] =	ssyncadd.s32 @!p0 s1  }
0x159: {  	[bflag:$0x3] =	sbarrier.arrive $0xFFFF  }
0x15a: {  	_ =	shalt  }

// kernel: kernel.8.cloned.1.call-start
scs
__scs_entry_jumppad:
0x0: {  	(pc) =	sbr.rel $0x88, $3  }
0x1: {  	(tag) =	ssettag $0x0;
	lr =	simm.s32 $0x1  }
0x2: {  	[smem:$0x3F9B] =	sst lr;
	_ =	strace $0xD0000000  }
0x3: {  	_ = 	snop  }
0x4: {  	_ = 	snop  }
0x5: {  	_ = 	snop  }
0x6: {  	_ = 	snop  }
0x7: {  	_ = 	snop  }
__scs_overlays_trampoline_lowered:
0x8: {  	[smem:$0x3FAA] =	sst s0  }
0x9: {  	[smem:$0x3FAB] =	sst s1  }
0xa: {  	[smem:$0x3FAC] =	sst s2  }
0xb: {  	[smem:$0x3FAD] =	sst s3  }
0xc: {  	[smem:$0x3FAE] =	sst s4  }
0xd: {  	[smem:$0x3FAF] =	sst s5  }
0xe: {  	[smem:$0x3FB0] =	sst s6  }
0xf: {  	[smem:$0x3FB1] =	sst s7  }
0x10: {  	[smem:$0x3FB2] =	sst s8  }
0x11: {  	[smem:$0x3FB3] =	sst s9;
	s0 =	simm.s32 @!p0 $0x0  }
0x12: {  	s1 =	sld [smem:$0x3F99];
	s0 =	simm.s32 @p0 $0x1  }
0x13: {  	[smem:$0x3FB4] =	sst s0;
	s0 =	simm.s32 @!p1 $0x0  }
0x14: {  	s2 =	sld [smem:$0x3F98];
	s0 =	simm.s32 @p1 $0x1  }
0x15: {  	[smem:$0x3FB5] =	sst s0;
	s0 =	simm.s32 @!p2 $0x0  }
0x16: {  	s3 =	sld [smem:$0x3FDB];
	s0 =	simm.s32 @p2 $0x1  }
0x17: {  	s4 =	simm.s32 $0x1BF5;
	[smem:$0x3FB7] =	sst s0  }
0x18: {  	s0 =	sld [smem:$0x3F9A];
	_ =	swait.ge [sflag:s4], $0x0  }
0x19: {  	s7 =	sld [smem:$0x3F9B]  }
0x1a: {  	s8 =	sadd.s32 $0xFFFFE003, lr  }
0x1b: {  	s9 =	sadd.s32 $0xFFFFFEF7, lr;
	s5 =	simm.s32 $0xFFFFFFFF;
	p2 =	slt.u32 s8, $0xFFFFF086  }
0x1c: {  	p1 =	slt.u32 s9, $0xF7A;
	s5 =	simm.s32 @!p2 $0x0  }
0x1d: {  	s5 =	simm.s32 @p1 $0x1;
	p0 =	seq.s32 s7, s2  }
0x1e: {  	s7 =	smul.u32 @!p0 $0xF7A, s2;
	p2 =	seq.s32 @!p0 s5, $0x0  }
0x1f: {  	s9 =	smul.u32 $0xF7A, s1;
	s8 =	simm.s32 @!p0 $0x1BF5;
	p2 =	por !p2, p0  }
0x20: {  	[sflag:s8] =	ssyncset.s32 @!p0 $0xFFFFF086;
	s6 =	sadd.s32 @!p0 s3, s7;
	s7 =	simm.s32 @!p0 $0x108  }
0x21: {  	s3 =	sadd.s32 s3, s9;
	s6 =	sadd.s32 @!p0 $0x88, s6;
	s7 =	simm.s32 @p2 $0x1082  }
0x22: {  	[simem:s7], [sflag:s8] =	dma.local @!p0 [hbm:s6], $0xF7A  }
0x23: {  	s9 =	sor.u32 $0xD0000000, s2;
	s6 =	simm.s32 $0x108;
	_ =	swait.ge @!p0 [sflag:s8], $0x0  }
0x24: {  	s3 =	sadd.s32 $0x88, s3;
	s6 =	simm.s32 @!p1 $0x1082;
	[sflag:s4] =	ssyncset.s32 $0xFFFFF086  }
0x25: {  	[simem:s6], [sflag:s4] =	dma.local [hbm:s3], $0xF7A  }
0x26: {  	[smem:$0x3F9B] =	sst s1;
	(tag) =	ssettag s2;
	_ =	strace s9  }
0x27: {  	s1 =	sld [smem:$0x3FAB]  }
0x28: {  	s2 =	sld [smem:$0x3FAC]  }
0x29: {  	s4 =	sld [smem:$0x3FAE]  }
0x2a: {  	p0 =	seq.s32 s5, $0x0;
	s5 =	sld [smem:$0x3FAF]  }
0x2b: {  	s6 =	sld [smem:$0x3FB0]  }
0x2c: {  	s7 =	sld [smem:$0x3FB1]  }
0x2d: {  	s3 =	simm.s32 $0x108;
	s8 =	sld [smem:$0x3FB2]  }
0x2e: {  	s3 =	simm.s32 @!p0 $0x1082;
	s9 =	sld [smem:$0x3FB3]  }
0x2f: {  	lr =	sadd.s32 s0, s3;
	s0 =	sld [smem:$0x3FAA]  }
0x30: {  	s3 =	sld [smem:$0x3FAD]  }
0x31: {  	[smem:$0x3FB6] =	sst s10  }
0x32: {  	s10 =	sld [smem:$0x3FB4];
	_ =	sdelay $0x3  }
0x33: {  	p0 =	seq.s32 s10, $0x1;
	s10 =	sld [smem:$0x3FB6];
	_ =	sdelay $0x3  }
0x34: {  	[smem:$0x3FB6] =	sst s10  }
0x35: {  	s10 =	sld [smem:$0x3FB5];
	_ =	sdelay $0x3  }
0x36: {  	p1 =	seq.s32 s10, $0x1;
	s10 =	sld [smem:$0x3FB6];
	_ =	sdelay $0x3  }
0x37: {  	[smem:$0x3FB6] =	sst s10  }
0x38: {  	s10 =	sld [smem:$0x3FB7]  }
0x39: {  	_ = 	snop;
	(pc) =	sbr.ind lr, $3  }
0x3a: {  	_ = 	snop  }
0x3b: {  	_ = 	snop  }
0x3c: {  	p2 =	seq.s32 s10, $0x1;
	s10 =	sld [smem:$0x3FB6]  }
0x3d: {  	_ =	shalt  }
0x3e: {  	_ =	shalt  }
0x3f: {  	_ =	shalt  }
0x40: {  	_ =	shalt  }
0x41: {  	_ =	shalt  }
0x42: {  	_ =	shalt  }
0x43: {  	_ =	shalt  }
0x44: {  	_ =	shalt  }
0x45: {  	_ =	shalt  }
0x46: {  	_ =	shalt  }
0x47: {  	_ =	shalt  }
0x48: {  	_ =	shalt  }
0x49: {  	_ =	shalt  }
0x4a: {  	_ =	shalt  }
0x4b: {  	_ =	shalt  }
0x4c: {  	_ =	shalt  }
0x4d: {  	_ =	shalt  }
0x4e: {  	_ =	shalt  }
0x4f: {  	_ =	shalt  }
0x50: {  	_ =	shalt  }
0x51: {  	_ =	shalt  }
0x52: {  	_ =	shalt  }
0x53: {  	_ =	shalt  }
0x54: {  	_ =	shalt  }
0x55: {  	_ =	shalt  }
0x56: {  	_ =	shalt  }
0x57: {  	_ =	shalt  }
0x58: {  	_ =	shalt  }
0x59: {  	_ =	shalt  }
0x5a: {  	_ =	shalt  }
0x5b: {  	_ =	shalt  }
0x5c: {  	_ =	shalt  }
0x5d: {  	_ =	shalt  }
0x5e: {  	_ =	shalt  }
0x5f: {  	_ =	shalt  }
0x60: {  	_ =	shalt  }
0x61: {  	_ =	shalt  }
0x62: {  	_ =	shalt  }
0x63: {  	_ =	shalt  }
0x64: {  	_ =	shalt  }
0x65: {  	_ =	shalt  }
0x66: {  	_ =	shalt  }
0x67: {  	_ =	shalt  }
0x68: {  	_ =	shalt  }
0x69: {  	_ =	shalt  }
0x6a: {  	_ =	shalt  }
0x6b: {  	_ =	shalt  }
0x6c: {  	_ =	shalt  }
0x6d: {  	_ =	shalt  }
0x6e: {  	_ =	shalt  }
0x6f: {  	_ =	shalt  }
0x70: {  	_ =	shalt  }
0x71: {  	_ =	shalt  }
0x72: {  	_ =	shalt  }
0x73: {  	_ =	shalt  }
0x74: {  	_ =	shalt  }
0x75: {  	_ =	shalt  }
0x76: {  	_ =	shalt  }
0x77: {  	_ =	shalt  }
0x78: {  	_ =	shalt  }
0x79: {  	_ =	shalt  }
0x7a: {  	_ =	shalt  }
0x7b: {  	_ =	shalt  }
0x7c: {  	_ =	shalt  }
0x7d: {  	_ =	shalt  }
0x7e: {  	_ =	shalt  }
0x7f: {  	_ =	shalt  }
0x80: {  	_ =	shalt  }
0x81: {  	_ =	shalt  }
0x82: {  	_ =	shalt  }
0x83: {  	_ =	shalt  }
0x84: {  	_ =	shalt  }
0x85: {  	_ =	shalt  }
0x86: {  	_ =	shalt  }
0x87: {  	_ =	shalt  }
.Lfunc_end0:
.L_simem_size_0:
called_computation_lowered:
.L_overlay_start_0:
0x88: {  	s2 =	sld [smem:$0x3FD9]  }
0x89: {  	s3 =	sld [smem:$0x3FFE];
	_ =	sdelay $0x1  }
0x8a: {  	s1 =	srdreg.scid  }
0x8b: {  	s0 =	sand.u32 $0x1, s1  }
0x8c: {  	s17 =	sshll.u32 s0, $0xA;
	s2 =	sadd.s32 s3, s2  }
0x8d: {  	s2 =	sadd.s32 s2, s17  }
0x8e: {  	[smem:$0x3FC2] =	sst s2  }
0x8f: {  	_ = 	snop  }
0x90: {  	s2 =	sld [smem:$0x3FD0];
	(tm) =	ssettm $0x1  }
0x91: {  	s18 =	sld [smem:$0x3FFB];
	_ =	sdelay $0x3  }
0x92: {  	_ =	strace s18  }
0x93: {  	s3 =	sld [smem:$0x3FFC];
	_ =	sdelay $0x3  }
0x94: {  	_ =	strace s3  }
0x95: {  	s3 =	sld [smem:$0x3FFD];
	_ =	sdelay $0x3  }
0x96: {  	_ =	strace s3  }
0x97: {  	_ =	strace $0x8FFFFFFF  }
0x98: {  	s19 =	sld [smem:$0x3FDB];
	_ =	sdelay $0x1  }
0x99: {  	s4 =	simm.s32 $_scs_section_size  }
0x9a: {  	s5 =	simm.s32 $_size__tile_overlayer_lowered;
	s6 =	simm.s32 $_tile_overlayer_lowered  }
0x9b: {  	s22 =	simm.s32 $0x1BFF;
	s21 =	sshll.u32 s6, $0x1;
	s3 =	sadd.s32 s4, s19  }
0x9c: {  	s7 =	simm.s32 $0x0;
	s20 =	sshll.u32 s5, $0x1;
	s5 =	sadd.s32 s21, s3  }
0x9d: {  	[timem:s7], [sflag:s22] =	dma.local [hbm:s5], s20  }
0x9e: {  	_ =	swait.ge [sflag:s22], s20  }
0x9f: {  	s4 =	ssub.s32 $0x0, s20;
	[sflag:s22] =	ssyncset.done $0x0  }
0xa0: {  	[sflag:s22] =	ssyncadd.s32 s4;
	_ =	sdelay $0x1  }
0xa1: {  	s23 =	simm.s32 $0x1B8B  }
0xa2: {  	_ =	swait.ge [sflag:s23], $0x1  }
0xa3: {  	[sflag:s23] =	ssyncset.done $0x0  }
0xa4: {  	s25 =	simm.s32 $0x1B8E;
	s24 =	sld [smem:$0x3FFE];
	[sflag:s23] =	ssyncadd.s32 $0xFFFFFFFF  }
0xa5: {  	s26 =	simm.s32 $execute0_lowered;
	[smem:$0x3FD2] =	sst s25  }
0xa6: {  	s5 =	sshll.u32 s26, $0x1;
	_ =	strace $0x80000046;
	[dreg:$0x1] =	wrdreg $0xFFFFFFFF  }
0xa7: {  	s28 =	simm.s32 $_size_execute0_lowered;
	s3 =	sadd.s32 s3, s5;
	[dreg:$0x0] =	wrdreg $0x0  }
0xa8: {  	s5 =	sshll.u32 s28, $0x1;
	[dreg:$0x2] =	wrdreg s3  }
0xa9: {  	[dreg:$0x3] =	wrdreg s5  }
0xaa: {  	[dreg:$0x4] =	wrdreg $0xC0  }
0xab: {  	_ =	task [dreg:s7], $0x5FFFF  }
0xac: {  	[dreg:$0x1] =	wrdreg $0xFFFFFFFF  }
0xad: {  	[dreg:$0x0] =	wrdreg $0x60  }
0xae: {  	[dreg:$0x2] =	wrdreg s24  }
0xaf: {  	[dreg:$0x3] =	wrdreg s2  }
0xb0: {  	[dreg:$0x4] =	wrdreg $0x53000  }
0xb1: {  	[dreg:$0x5] =	wrdreg $0x9  }
0xb2: {  	_ =	task.clear_ibuf [dreg:s7], $0x6FFFF;
	_ =	strace $0x90000046  }
0xb3: {  	s29 =	simm.s32 $0x9;
	_ =	strace $0x80000048  }
0xb4: {  	_ =	swait.ge [sflag:s29], $0x1  }
0xb5: {  	[sflag:s29] =	ssyncadd.s32 $0xFFFFFFFF  }
0xb6: {  	_ =	strace $0x90000048  }
0xb7: {  	_ =	sfence  }
0xb8: {  	s30 =	sld [smem:$0x0];
	_ =	sdelay $0x2  }
0xb9: {  	s31 =	sshll.u32 s1, $0xD;
	s1 =	sshrl.u32 s1, $0x2  }
0xba: {  	s3 =	sand.u32 $0x4000, s31;
	s1 =	sadd.s32 s1, s30  }
0xbb: {  	s0 =	sor.u32 s3, s0;
	s1 =	sshll.u32 s1, $0x11  }
0xbc: {  	s0 =	sor.u32 s1, s0  }
0xbd: {  	s0 =	sadd.s32 $0x8F2B, s0  }
0xbe: {  	[sflag:s0] =	ssyncadd.remote.s32 $0x1  }
0xbf: {  	_ =	sfence.sel $0xFFFF  }
0xc0: {  	[dreg:$0x0] =	wrdreg $0xFFFFFFFF;
	(pc) =	sbr.abs _section_cstart, $3  }
0xc1: {  	[dreg:$0x1] =	wrdreg $0xFFFFFFFF  }
0xc2: {  	_ =	task.clear_ibuf [dreg:s7], $0x2FFFF;
	_ =	strace $0x9FFFFFFF  }
0xc3: {  	(tm) =	ssettm $0x7FFFFFFF  }
tec
execute0_lowered:
.L_overlay_start_1:
0x0: {  	(tag) =	ssettag $0x1  }
0x1: {  	s1 =	srdreg.scid  }
0x2: {  	s1 =	sand.u32 $0x1, s1  }
0x3: {  	p0 =	seq.s32 s1, $0x1  }
.Ltmp0:
0x4: {  	s3 =	rddreg [dreg:$0x0];
	(pc) =	sbr.rel @p0 .LBB2_4-.Ltmp0, $4  }
0x5: {  	s7 =	rddreg [dreg:$0x1]  }
0x6: {  	s2 =	rddreg [dreg:$0x2];
	s4 =	simm.s32 $0x0  }
0x7: {  	[smem:$0x7FF] =	sst s4  }
0x8: {  	s0 =	rddreg [dreg:$0x3];
	_ =	strace $0x80000047;
	s1 =	stileid.u32  }
0x9: {  	s5 =	smul.u32 $0xA00, s1  }
0xa: {  	s6 =	sadd.s32 $0xE00, s3  }
0xb: {  	s5 =	sadd.s32 s6, s5  }
0xc: {  	[tilespmem:s4], [sflag:$0x1] =	stream.linear.gather [hbm4b:s5+s4], $0x5000, $0x38;
	[tilespmem:$0x5580] =	vst v63  }
0xd: {  	s20 =	sadd.s32 $0xAE00, s3;
	s3 =	simm.s32 $0x5000;
	s21 =	simm.s32 $0x3  }
0xe: {  	[tilespmem:s3], [sflag:$0x3] =	stream.linear.gather [hbm4b:s20+s4], $0x80, $0x38;
	[tilespmem:$0x5580] =	vst v63  }
0xf: {  	_ =	swait.ge [sflag:s21], $0x80  }
0x10: {  	[sflag:s21] =	ssyncset.done $0x0  }
0x11: {  	v0 =	vimm.f32 $0.0e+00;
	[sflag:s21] =	ssyncadd.s32 $0xFFFFFF80  }
0x12: {  	[tilespmem:$0x5080] =	vst v0  }
0x13: {  	[tilespmem:$0x5090] =	vst v0  }
0x14: {  	[tilespmem:$0x50A0] =	vst v0  }
0x15: {  	[tilespmem:$0x50B0] =	vst v0  }
0x16: {  	[tilespmem:$0x50C0] =	vst v0  }
0x17: {  	[tilespmem:$0x50D0] =	vst v0  }
0x18: {  	[tilespmem:$0x50E0] =	vst v0  }
0x19: {  	[tilespmem:$0x50F0] =	vst v0  }
0x1a: {  	[tilespmem:$0x5100] =	vst v0  }
0x1b: {  	[tilespmem:$0x5110] =	vst v0  }
0x1c: {  	[tilespmem:$0x5120] =	vst v0  }
0x1d: {  	[tilespmem:$0x5130] =	vst v0  }
0x1e: {  	[tilespmem:$0x5140] =	vst v0  }
0x1f: {  	[tilespmem:$0x5150] =	vst v0  }
0x20: {  	[tilespmem:$0x5160] =	vst v0  }
0x21: {  	[tilespmem:$0x5170] =	vst v0  }
0x22: {  	[tilespmem:$0x5180] =	vst v0  }
0x23: {  	[tilespmem:$0x5190] =	vst v0  }
0x24: {  	[tilespmem:$0x51A0] =	vst v0  }
0x25: {  	[tilespmem:$0x51B0] =	vst v0  }
0x26: {  	[tilespmem:$0x51C0] =	vst v0  }
0x27: {  	[tilespmem:$0x51D0] =	vst v0  }
0x28: {  	[tilespmem:$0x51E0] =	vst v0  }
0x29: {  	[tilespmem:$0x51F0] =	vst v0  }
0x2a: {  	[tilespmem:$0x5200] =	vst v0  }
0x2b: {  	[tilespmem:$0x5210] =	vst v0  }
0x2c: {  	[tilespmem:$0x5220] =	vst v0  }
0x2d: {  	[tilespmem:$0x5230] =	vst v0  }
0x2e: {  	[tilespmem:$0x5240] =	vst v0  }
0x2f: {  	[tilespmem:$0x5250] =	vst v0  }
0x30: {  	[tilespmem:$0x5260] =	vst v0  }
0x31: {  	[tilespmem:$0x5270] =	vst v0  }
0x32: {  	[tilespmem:$0x5280] =	vst v0  }
0x33: {  	[tilespmem:$0x5290] =	vst v0  }
0x34: {  	[tilespmem:$0x52A0] =	vst v0  }
0x35: {  	[tilespmem:$0x52B0] =	vst v0  }
0x36: {  	[tilespmem:$0x52C0] =	vst v0  }
0x37: {  	s8 =	smul.u32 $0x280, s1;
	[tilespmem:$0x52D0] =	vst v0  }
0x38: {  	[tilespmem:$0x52E0] =	vst v0  }
0x39: {  	s22 =	simm.s32 $0x5080;
	s4 =	sadd.s32 s8, s2;
	[tilespmem:$0x52F0] =	vst v0  }
0x3a: {  	[spmem:s4] =	stream.linear.scatter [tilespmem:s22], [sflag:$0x3], $0x280, $0x38;
	[tilespmem:$0x5580] =	vst v63  }
0x3b: {  	_ =	swait.ge [sflag:s21], $0x280  }
0x3c: {  	[sflag:s21] =	ssyncset.done $0x0  }
0x3d: {  	s23 =	simm.s32 $0x1;
	[sflag:s21] =	ssyncadd.s32 $0xFFFFFD80  }
0x3e: {  	_ =	swait.ge [sflag:s23], $0x5000  }
0x3f: {  	[sflag:s23] =	ssyncset.done $0x0  }
0x40: {  	[sflag:s23] =	ssyncadd.s32 $0xFFFFB000  }
0x41: {  	s24 =	simm.s32 $0x0;
	s6 =	simm.s32 $0x7D;
	[bflag:$0x0] =	sbarrier.arrive $0xFFFF  }
0x42: {  	[spmem:s2] =	stream.indirect.scatter.add.f32 [tilespmem:s3], [sflag:$0x2], $0x1, s24, s6, $0xb8;
	[tilespmem:$0x5580] =	vst v63  }
0x43: {  	s25 =	simm.s32 $0x80  }
0x44: {  	[spmem:s2] =	stream.indirect.scatter.add.f32 [tilespmem:s3], [sflag:$0x2], $0x1, s25, s6, $0xb8;
	[tilespmem:$0x5580] =	vst v63  }
0x45: {  	s26 =	simm.s32 $0x100  }
0x46: {  	[spmem:s2] =	stream.indirect.scatter.add.f32 [tilespmem:s3], [sflag:$0x2], $0x1, s26, s6, $0xb8;
	[tilespmem:$0x5580] =	vst v63  }
0x47: {  	s28 =	simm.s32 $0x180  }
0x48: {  	[spmem:s2] =	stream.indirect.scatter.add.f32 [tilespmem:s3], [sflag:$0x2], $0x1, s28, s6, $0xb8;
	[tilespmem:$0x5580] =	vst v63  }
0x49: {  	s29 =	simm.s32 $0x200  }
0x4a: {  	[spmem:s2] =	stream.indirect.scatter.add.f32 [tilespmem:s3], [sflag:$0x2], $0x1, s29, s6, $0xb8;
	[tilespmem:$0x5580] =	vst v63  }
0x4b: {  	s30 =	simm.s32 $0x280  }
0x4c: {  	[spmem:s2] =	stream.indirect.scatter.add.f32 [tilespmem:s3], [sflag:$0x2], $0x1, s30, s6, $0xb8;
	[tilespmem:$0x5580] =	vst v63  }
0x4d: {  	s31 =	simm.s32 $0x300  }
0x4e: {  	[spmem:s2] =	stream.indirect.scatter.add.f32 [tilespmem:s3], [sflag:$0x2], $0x1, s31, s6, $0xb8;
	[tilespmem:$0x5580] =	vst v63  }
0x4f: {  	s9 =	simm.s32 $0x380;
	s5 =	simm.s32 $0x2  }
0x50: {  	[spmem:s2] =	stream.indirect.scatter.add.f32 [tilespmem:s3], [sflag:$0x2], $0x1, s9, s6, $0xb8;
	[tilespmem:$0x5580] =	vst v63  }
0x51: {  	_ =	swait.ge [sflag:s5], $0x7D  }
0x52: {  	[sflag:s5] =	ssyncset.done $0x0  }
0x53: {  	[sflag:s5] =	ssyncadd.s32 $0xFFFFFF83  }
0x54: {  	_ =	swait.ge [sflag:s5], $0x7D  }
0x55: {  	[sflag:s5] =	ssyncset.done $0x0  }
0x56: {  	[sflag:s5] =	ssyncadd.s32 $0xFFFFFF83  }
0x57: {  	_ =	swait.ge [sflag:s5], $0x7D  }
0x58: {  	[sflag:s5] =	ssyncset.done $0x0  }
0x59: {  	[sflag:s5] =	ssyncadd.s32 $0xFFFFFF83  }
0x5a: {  	_ =	swait.ge [sflag:s5], $0x7D  }
0x5b: {  	[sflag:s5] =	ssyncset.done $0x0  }
0x5c: {  	[sflag:s5] =	ssyncadd.s32 $0xFFFFFF83  }
0x5d: {  	_ =	swait.ge [sflag:s5], $0x7D  }
0x5e: {  	[sflag:s5] =	ssyncset.done $0x0  }
0x5f: {  	[sflag:s5] =	ssyncadd.s32 $0xFFFFFF83  }
0x60: {  	_ =	swait.ge [sflag:s5], $0x7D  }
0x61: {  	[sflag:s5] =	ssyncset.done $0x0  }
0x62: {  	[sflag:s5] =	ssyncadd.s32 $0xFFFFFF83  }
0x63: {  	_ =	swait.ge [sflag:s5], $0x7D  }
0x64: {  	[sflag:s5] =	ssyncset.done $0x0  }
0x65: {  	[sflag:s5] =	ssyncadd.s32 $0xFFFFFF83  }
0x66: {  	s10 =	simm.s32 $0x2000;
	s8 =	sshrl.u32 s8, $0x3;
	_ =	swait.ge [sflag:s5], $0x7D  }
0x67: {  	s7 =	sadd.s32 s7, s8;
	s8 =	simm.s32 $0x1000;
	[sflag:s5] =	ssyncset.done $0x0  }
.LBB2_2:
0x68: {  	s11 =	sshra.s32 s8, $0x2  }
0x69: {  	[sflag:s5] =	ssyncadd.s32 $0xFFFFFF83;
	s8 =	smov.u32 s10;
	s9 =	sadd.s32 $0x1000, s10  }
0x6a: {  	[spmem:s2] =	stream.indirect.scatter.add.f32 [tilespmem:s3], [sflag:$0x2], $0x1, s11, s6, $0xb8;
	[tilespmem:$0x5580] =	vst v63  }
0x6b: {  	p0 =	sne.s32 s10, $0x13000;
	s10 =	sadd.s32 $0x80, s11  }
0x6c: {  	[spmem:s2] =	stream.indirect.scatter.add.f32 [tilespmem:s3], [sflag:$0x2], $0x1, s10, s6, $0xb8;
	[tilespmem:$0x5580] =	vst v63  }
0x6d: {  	s10 =	sadd.s32 $0x100, s11  }
0x6e: {  	[spmem:s2] =	stream.indirect.scatter.add.f32 [tilespmem:s3], [sflag:$0x2], $0x1, s10, s6, $0xb8;
	[tilespmem:$0x5580] =	vst v63  }
0x6f: {  	s10 =	sadd.s32 $0x180, s11  }
0x70: {  	[spmem:s2] =	stream.indirect.scatter.add.f32 [tilespmem:s3], [sflag:$0x2], $0x1, s10, s6, $0xb8;
	[tilespmem:$0x5580] =	vst v63  }
0x71: {  	s10 =	sadd.s32 $0x200, s11  }
0x72: {  	[spmem:s2] =	stream.indirect.scatter.add.f32 [tilespmem:s3], [sflag:$0x2], $0x1, s10, s6, $0xb8;
	[tilespmem:$0x5580] =	vst v63  }
0x73: {  	s10 =	sadd.s32 $0x280, s11  }
0x74: {  	[spmem:s2] =	stream.indirect.scatter.add.f32 [tilespmem:s3], [sflag:$0x2], $0x1, s10, s6, $0xb8;
	[tilespmem:$0x5580] =	vst v63  }
0x75: {  	s10 =	sadd.s32 $0x300, s11  }
0x76: {  	[spmem:s2] =	stream.indirect.scatter.add.f32 [tilespmem:s3], [sflag:$0x2], $0x1, s10, s6, $0xb8;
	[tilespmem:$0x5580] =	vst v63  }
0x77: {  	s10 =	sadd.s32 $0x380, s11  }
0x78: {  	[spmem:s2] =	stream.indirect.scatter.add.f32 [tilespmem:s3], [sflag:$0x2], $0x1, s10, s6, $0xb8;
	[tilespmem:$0x5580] =	vst v63  }
0x79: {  	_ =	swait.ge [sflag:s5], $0x7D  }
0x7a: {  	[sflag:s5] =	ssyncset.done $0x0  }
0x7b: {  	[sflag:s5] =	ssyncadd.s32 $0xFFFFFF83  }
0x7c: {  	_ =	swait.ge [sflag:s5], $0x7D  }
0x7d: {  	[sflag:s5] =	ssyncset.done $0x0  }
0x7e: {  	[sflag:s5] =	ssyncadd.s32 $0xFFFFFF83  }
0x7f: {  	_ =	swait.ge [sflag:s5], $0x7D  }
0x80: {  	[sflag:s5] =	ssyncset.done $0x0  }
0x81: {  	[sflag:s5] =	ssyncadd.s32 $0xFFFFFF83  }
0x82: {  	_ =	swait.ge [sflag:s5], $0x7D  }
0x83: {  	[sflag:s5] =	ssyncset.done $0x0  }
0x84: {  	[sflag:s5] =	ssyncadd.s32 $0xFFFFFF83  }
0x85: {  	_ =	swait.ge [sflag:s5], $0x7D  }
0x86: {  	[sflag:s5] =	ssyncset.done $0x0  }
0x87: {  	[sflag:s5] =	ssyncadd.s32 $0xFFFFFF83  }
0x88: {  	_ =	swait.ge [sflag:s5], $0x7D  }
0x89: {  	[sflag:s5] =	ssyncset.done $0x0  }
0x8a: {  	[sflag:s5] =	ssyncadd.s32 $0xFFFFFF83  }
.Ltmp1:
0x8b: {  	_ =	swait.ge [sflag:s5], $0x7D;
	(pc) =	sbr.rel @p0 .LBB2_2-.Ltmp1, $4  }
0x8c: {  	[sflag:s5] =	ssyncset.done $0x0  }
0x8d: {  	[sflag:s5] =	ssyncadd.s32 $0xFFFFFF83  }
0x8e: {  	_ =	swait.ge [sflag:s5], $0x7D  }
0x8f: {  	s10 =	smov.u32 s9;
	[sflag:s5] =	ssyncset.done $0x0  }
0x90: {  	s8 =	sshra.s32 s8, $0x2;
	[sflag:s5] =	ssyncadd.s32 $0xFFFFFF83  }
0x91: {  	[spmem:s2] =	stream.indirect.scatter.add.f32 [tilespmem:s3], [sflag:$0x2], $0x1, s8, s6, $0xb8;
	[tilespmem:$0x5580] =	vst v63  }
0x92: {  	s9 =	sadd.s32 $0x80, s8  }
0x93: {  	[spmem:s2] =	stream.indirect.scatter.add.f32 [tilespmem:s3], [sflag:$0x2], $0x1, s9, s6, $0xb8;
	[tilespmem:$0x5580] =	vst v63  }
0x94: {  	s23 =	sadd.s32 $0x100, s8  }
0x95: {  	[spmem:s2] =	stream.indirect.scatter.add.f32 [tilespmem:s3], [sflag:$0x2], $0x1, s23, s6, $0xb8;
	[tilespmem:$0x5580] =	vst v63  }
0x96: {  	s24 =	sadd.s32 $0x180, s8  }
0x97: {  	[spmem:s2] =	stream.indirect.scatter.add.f32 [tilespmem:s3], [sflag:$0x2], $0x1, s24, s6, $0xb8;
	[tilespmem:$0x5580] =	vst v63  }
0x98: {  	s25 =	sadd.s32 $0x200, s8  }
0x99: {  	[spmem:s2] =	stream.indirect.scatter.add.f32 [tilespmem:s3], [sflag:$0x2], $0x1, s25, s6, $0xb8;
	[tilespmem:$0x5580] =	vst v63  }
0x9a: {  	s26 =	sadd.s32 $0x280, s8  }
0x9b: {  	[spmem:s2] =	stream.indirect.scatter.add.f32 [tilespmem:s3], [sflag:$0x2], $0x1, s26, s6, $0xb8;
	[tilespmem:$0x5580] =	vst v63  }
0x9c: {  	s28 =	sadd.s32 $0x300, s8  }
0x9d: {  	[spmem:s2] =	stream.indirect.scatter.add.f32 [tilespmem:s3], [sflag:$0x2], $0x1, s28, s6, $0xb8;
	[tilespmem:$0x5580] =	vst v63  }
0x9e: {  	s8 =	sadd.s32 $0x380, s8  }
0x9f: {  	[spmem:s2] =	stream.indirect.scatter.add.f32 [tilespmem:s3], [sflag:$0x2], $0x1, s8, s6, $0xb8;
	[tilespmem:$0x5580] =	vst v63  }
0xa0: {  	_ =	swait.ge [sflag:s5], $0x7D  }
0xa1: {  	[sflag:s5] =	ssyncset.done $0x0  }
0xa2: {  	[sflag:s5] =	ssyncadd.s32 $0xFFFFFF83  }
0xa3: {  	_ =	swait.ge [sflag:s5], $0x7D  }
0xa4: {  	[sflag:s5] =	ssyncset.done $0x0  }
0xa5: {  	[sflag:s5] =	ssyncadd.s32 $0xFFFFFF83  }
0xa6: {  	_ =	swait.ge [sflag:s5], $0x7D  }
0xa7: {  	[sflag:s5] =	ssyncset.done $0x0  }
0xa8: {  	[sflag:s5] =	ssyncadd.s32 $0xFFFFFF83  }
0xa9: {  	_ =	swait.ge [sflag:s5], $0x7D  }
0xaa: {  	[sflag:s5] =	ssyncset.done $0x0  }
0xab: {  	[sflag:s5] =	ssyncadd.s32 $0xFFFFFF83  }
0xac: {  	_ =	swait.ge [sflag:s5], $0x7D  }
0xad: {  	[sflag:s5] =	ssyncset.done $0x0  }
0xae: {  	[sflag:s5] =	ssyncadd.s32 $0xFFFFFF83  }
0xaf: {  	_ =	swait.ge [sflag:s5], $0x7D  }
0xb0: {  	[sflag:s5] =	ssyncset.done $0x0  }
0xb1: {  	[sflag:s5] =	ssyncadd.s32 $0xFFFFFF83  }
0xb2: {  	_ =	swait.ge [sflag:s5], $0x7D  }
0xb3: {  	[sflag:s5] =	ssyncset.done $0x0  }
0xb4: {  	[sflag:s5] =	ssyncadd.s32 $0xFFFFFF83  }
0xb5: {  	_ =	swait.ge [sflag:s5], $0x7D  }
0xb6: {  	[sflag:s5] =	ssyncset.done $0x0  }
0xb7: {  	s29 =	sshll.u32 s1, $0x6;
	s30 =	sshrl.u32 s4, $0x3;
	[sflag:s5] =	ssyncadd.s32 $0xFFFFFF83  }
0xb8: {  	s31 =	simm.s32 $0x3;
	s2 =	sor.u32 $0x1C03, s29;
	[bflag:$0x0] =	sbarrier.arrive $0xFFFF  }
0xb9: {  	[hbm:s7], [sflag:s2] =	dma.local [spmem:s30], $0x50  }
0xba: {  	_ =	swait.ge [sflag:s31], $0x50  }
0xbb: {  	[sflag:s31] =	ssyncset.done $0x0  }
0xbc: {  	[sflag:s31] =	ssyncadd.s32 $0xFFFFFFB0  }
.LBB2_4:
0xbd: {  	_ =	sfence.sel $0x180000  }
0xbe: {  	[bflag:$0x0] =	sbarrier.arrive $0xFFFF  }
0xbf: {  	p0 =	sne.s32 s1, $0x0;
	_ =	strace $0x90000047  }
0xc0: {  	s0 =	sadd.s32 @!p0 $0x100000, s0;
	[bflag:$0x2] =	sbarrier.arrive $0xFFFF  }
0xc1: {  	[sflag:s0] =	ssyncadd.tile.s32 @!p0 $0x1;
	_ =	shalt  }
.Lfunc_end2:
_tile_overlayer_lowered:
.L_overlay_start_2:
0xc2: {  	(tag) =	ssettag $0x2  }
0xc3: {  	s0 =	rddreg [dreg:$0x0];
	s2 =	stileid.u32  }
0xc4: {  	s1 =	rddreg [dreg:$0x1];
	p0 =	sne.s32 s2, $0x0  }
0xc5: {  	s3 =	rddreg [dreg:$0x2];
	[bflag:$0x3] =	sbarrier.arrive $0xFFFF;
	s2 =	simm.s32 @!p0 $0x1C03  }
0xc6: {  	[timem:s3], [sflag:s2] =	dma.local @!p0 [hbm:s0], s1  }
0xc7: {  	s0 =	simm.s32 @!p0 $0x3  }
0xc8: {  	_ =	swait.ge @!p0 [sflag:s0], s1  }
0xc9: {  	s1 =	ssub.s32 @!p0 $0x0, s1;
	[sflag:s0] =	ssyncset.done @!p0 $0x0  }
0xca: {  	[sflag:s0] =	ssyncadd.s32 @!p0 s1  }
0xcb: {  	[bflag:$0x3] =	sbarrier.arrive $0xFFFF  }
0xcc: {  	_ =	shalt  }

</sc_bundles>
